<compile_context>
chip_gen: v7x
topology: tpu7x:2x2x1
jax: 0.10.2.dev20260603
libtpu: 0.0.44.dev20260713+nightly
codegen_flags: <defaults>
</compile_context>

<pallas_src>
import functools

import jax
import jax.numpy as jnp
from jax import lax
from jax.experimental import pallas as pl
from jax.experimental.pallas import tpu as pltpu
from jax.experimental.pallas import tpu_sc as plsc

N = 50000
E = 800000
BE = 4000
GE = E // BE
BN = 1000
GN = N // BN
CH = 128
NCHUNK = E // CH
NWORK = 32
CLOOP = -(-NCHUNK // NWORK)
NROW = N // 16
EPS = 1e-5
F32 = jnp.float32


def _mesh():
    return plsc.VectorSubcoreMesh(core_axis_name="c", subcore_axis_name="s")



def _gather_pair(table, idxd, idxs, D):

    @functools.partial(
        pl.kernel,
        mesh=_mesh(),
        compiler_params=pltpu.CompilerParams(use_tc_tiling_on_sc=False),
        out_type=(jax.ShapeDtypeStruct((E, D), F32),
                  jax.ShapeDtypeStruct((E, D), F32)),
        scratch_types=[
            pltpu.VMEM((CH,), jnp.int32),
            pltpu.VMEM((CH,), jnp.int32),
            pltpu.VMEM((CH, D), F32),
            pltpu.VMEM((CH, D), F32),
            pltpu.SemaphoreType.DMA,
            pltpu.SemaphoreType.DMA,
        ],
    )
    def k(tab, ixd, ixs, outi, outj, idv, isv, rdi, rdj, semi, semj):
        w = lax.axis_index("s") * 2 + lax.axis_index("c")

        def body(j, carry):
            c = w + j * NWORK

            @pl.when(c < NCHUNK)
            def _():
                base = c * CH
                pltpu.sync_copy(ixd.at[pl.ds(base, CH)], idv)
                pltpu.sync_copy(ixs.at[pl.ds(base, CH)], isv)
                cpi = pltpu.async_copy(tab.at[idv], rdi, semi)
                cpj = pltpu.async_copy(tab.at[isv], rdj, semj)
                cpi.wait()
                cpj.wait()
                pltpu.sync_copy(rdi, outi.at[pl.ds(base, CH), :])
                pltpu.sync_copy(rdj, outj.at[pl.ds(base, CH), :])

            return carry

        lax.fori_loop(0, CLOOP, body, 0)

    return k(table, idxd, idxs)


def _scatter32(msgs, dst):
    zeros16 = jnp.zeros((N, 16), F32)
    CL2 = -(-NCHUNK // 16)

    @functools.partial(
        pl.kernel,
        mesh=_mesh(),
        compiler_params=pltpu.CompilerParams(use_tc_tiling_on_sc=False),
        out_type=jax.ShapeDtypeStruct((2, N, 16), F32),
        scratch_types=[
            pltpu.VMEM((CH,), jnp.int32),
            pltpu.VMEM((CH, 16), F32),
            pltpu.VMEM((NROW, 16), F32),
            pltpu.VMEM_SHARED((N, 16), F32),
        ],
    )
    def k(msg, ixd, zr16, out, idv, msgv, wout, accum):
        cid = lax.axis_index("c")
        sid = lax.axis_index("s")
        r0 = sid * NROW
        col0 = cid * 16

        pltpu.sync_copy(zr16.at[pl.ds(r0, NROW), :], wout)
        pltpu.sync_copy(wout, accum.at[pl.ds(r0, NROW), :])
        plsc.subcore_barrier()

        def body(j, carry):
            c = sid + j * 16

            @pl.when(c < NCHUNK)
            def _():
                base = c * CH
                pltpu.sync_copy(ixd.at[pl.ds(base, CH)], idv)
                pltpu.sync_copy(msg.at[pl.ds(base, CH), pl.ds(col0, 16)], msgv)
                pltpu.sync_copy(msgv, accum.at[idv], add=True)

            return carry

        lax.fori_loop(0, CL2, body, 0)
        plsc.subcore_barrier()

        pltpu.sync_copy(accum.at[pl.ds(r0, NROW), :], wout)
        pltpu.sync_copy(wout, out.at[cid, pl.ds(r0, NROW), :])

    return k(msgs, dst, zeros16)


def _count(dst):
    ones16 = jnp.ones((CH, 16), F32)
    zeros16 = jnp.zeros((N, 16), F32)
    CL2 = -(-NCHUNK // 16)

    @functools.partial(
        pl.kernel,
        mesh=_mesh(),
        compiler_params=pltpu.CompilerParams(use_tc_tiling_on_sc=False),
        out_type=jax.ShapeDtypeStruct((N, 16), F32),
        scratch_types=[
            pltpu.VMEM((CH,), jnp.int32),
            pltpu.VMEM((CH, 16), F32),
            pltpu.VMEM((NROW, 16), F32),
            pltpu.VMEM_SHARED((N, 16), F32),
        ],
    )
    def k(ixd, on16, zr16, cout, idv, onev, cwout, caccum):
        cid = lax.axis_index("c")
        sid = lax.axis_index("s")
        r0 = sid * NROW

        pltpu.sync_copy(on16, onev)
        pltpu.sync_copy(zr16.at[pl.ds(r0, NROW), :], cwout)
        pltpu.sync_copy(cwout, caccum.at[pl.ds(r0, NROW), :])
        plsc.subcore_barrier()

        def body(j, carry):
            c = sid + j * 16

            @pl.when(c < NCHUNK)
            def _():
                base = c * CH
                pltpu.sync_copy(ixd.at[pl.ds(base, CH)], idv)
                pltpu.sync_copy(onev, caccum.at[idv], add=True)

            return carry

        lax.fori_loop(0, CL2, body, 0)
        plsc.subcore_barrier()

        @pl.when(cid == 0)
        def _():
            pltpu.sync_copy(caccum.at[pl.ds(r0, NROW), :], cwout)
            pltpu.sync_copy(cwout, cout.at[pl.ds(r0, NROW), :])

    return k(dst, ones16, zeros16)[:, :1]



def _stat_rows(a, C):
    s = jnp.sum(a, axis=0)
    sq = jnp.sum(a * a, axis=0)
    return jnp.concatenate([s[None, :], sq[None, :], jnp.zeros((6, C), F32)], 0)


def _acc_spec(C):
    return pl.BlockSpec((8, C), lambda i: (0, 0))


def _erow(Cin):
    return pl.BlockSpec((BE, Cin), lambda i: (i, 0))


def _full(shape):
    return pl.BlockSpec(shape, lambda i: tuple(0 for _ in shape))


def _accumulate(ref, vals):
    @pl.when(pl.program_id(0) == 0)
    def _():
        ref[...] = jnp.zeros_like(ref)

    ref[...] = ref[...] + vals


def _affine(st, gamma, beta):
    mu = st[0] / E
    var = st[1] / E - mu * mu
    s = gamma / jnp.sqrt(var + EPS)
    t = beta - mu * s
    return s, t


def _lin0_relu(Xi, Xj, W0T, b0, k, Din, C):

    def body(xi_ref, xj_ref, w_ref, b_ref, o_ref):
        xi = xi_ref[...][:, :k]
        xj = xj_ref[...][:, :k]
        e = jnp.concatenate([xi, xj - xi], axis=1)
        o_ref[...] = jnp.maximum(
            jnp.dot(e, w_ref[...], preferred_element_type=F32) + b_ref[...],
            0.0)

    return pl.pallas_call(
        body,
        grid=(GE,),
        in_specs=[_erow(Din), _erow(Din), _full((2 * k, C)), _full((1, C))],
        out_specs=_erow(C),
        out_shape=jax.ShapeDtypeStruct((E, C), F32),
    )(Xi, Xj, W0T, b0)


def _lin_relu(H, WT, b, Cin, C):

    def body(h_ref, w_ref, b_ref, o_ref):
        o_ref[...] = jnp.maximum(
            jnp.dot(h_ref[...], w_ref[...], preferred_element_type=F32) +
            b_ref[...], 0.0)

    return pl.pallas_call(
        body,
        grid=(GE,),
        in_specs=[_erow(Cin), _full((Cin, C)), _full((1, C))],
        out_specs=_erow(C),
        out_shape=jax.ShapeDtypeStruct((E, C), F32),
    )(H, WT, b)


def _pairA(Xi, Xj, W0aT, W0bT, b0, C, Din):

    def body(xi_ref, xj_ref, wa_ref, wb_ref, b_ref, st_ref):
        xi = xi_ref[...]
        dj = xj_ref[...] - xi
        a0 = jnp.maximum(
            jnp.dot(xi, wa_ref[...], preferred_element_type=F32) +
            jnp.dot(dj, wb_ref[...], preferred_element_type=F32) +
            b_ref[...], 0.0)
        _accumulate(st_ref, _stat_rows(a0, C))

    return pl.pallas_call(
        body,
        grid=(GE,),
        in_specs=[_erow(Din), _erow(Din), _full((Din, C)), _full((Din, C)),
                  _full((1, C))],
        out_specs=_acc_spec(C),
        out_shape=jax.ShapeDtypeStruct((8, C), F32),
    )(Xi, Xj, W0aT, W0bT, b0)


def _dec1_pA(Zi, Zj, W0aT, W0bT, b0, W1T, b1):

    def body(zi_ref, zj_ref, wa_ref, wb_ref, b_ref, w1_ref, b1_ref, st_ref):
        zi = zi_ref[...]
        dj = zj_ref[...] - zi
        a0 = jnp.maximum(
            jnp.dot(zi, wa_ref[...], preferred_element_type=F32) +
            jnp.dot(dj, wb_ref[...], preferred_element_type=F32) +
            b_ref[...], 0.0)
        a1pre = jnp.dot(a0, w1_ref[...], preferred_element_type=F32) + b1_ref[...]
        _accumulate(st_ref, _stat_rows(a1pre, 32))

    return pl.pallas_call(
        body,
        grid=(GE,),
        in_specs=[_erow(16), _erow(16), _full((16, 32)), _full((16, 32)),
                  _full((1, 32)), _full((32, 32)), _full((1, 32))],
        out_specs=_acc_spec(32),
        out_shape=jax.ShapeDtypeStruct((8, 32), F32),
    )(Zi, Zj, W0aT, W0bT, b0, W1T, b1)


def _dec1_pB(Zi, Zj, W0aT, W0bT, b0, W1T, b1, s0, t0, W2T, b2):
    def body(zi_ref, zj_ref, wa_ref, wb_ref, b_ref, w1_ref, b1_ref, s0_ref,
             t0_ref, w2_ref, b2_ref, ma_ref, mb_ref, st_ref):
        zi = zi_ref[...]
        dj = zj_ref[...] - zi
        a0 = jnp.maximum(
            jnp.dot(zi, wa_ref[...], preferred_element_type=F32) +
            jnp.dot(dj, wb_ref[...], preferred_element_type=F32) +
            b_ref[...], 0.0)
        a1pre = jnp.dot(a0, w1_ref[...], preferred_element_type=F32) + b1_ref[...]
        h = jnp.maximum(a1pre * s0_ref[...] + t0_ref[...], 0.0)
        r = jnp.maximum(
            jnp.dot(h, w2_ref[...], preferred_element_type=F32) + b2_ref[...],
            0.0)
        ma_ref[...] = r[:, :32]
        mb_ref[...] = r[:, 32:]
        _accumulate(st_ref, _stat_rows(r, 64))

    return pl.pallas_call(
        body,
        grid=(GE,),
        in_specs=[_erow(16), _erow(16), _full((16, 32)), _full((16, 32)),
                  _full((1, 32)), _full((32, 32)), _full((1, 32)),
                  _full((1, 32)), _full((1, 32)), _full((32, 64)),
                  _full((1, 64))],
        out_specs=[_erow(32), _erow(32), _acc_spec(64)],
        out_shape=[jax.ShapeDtypeStruct((E, 32), F32),
                   jax.ShapeDtypeStruct((E, 32), F32),
                   jax.ShapeDtypeStruct((8, 64), F32)],
    )(Zi, Zj, W0aT, W0bT, b0, W1T, b1, s0, t0, W2T, b2)


def _dec2_pB(Di, Dj, W0aT, W0bT, b0, s0, t0, W1T, b1):
    def body(di_ref, dj_ref, wa_ref, wb_ref, b_ref, s0_ref, t0_ref, w1_ref,
             b1_ref, ma_ref, mb_ref, st_ref):
        di = di_ref[...]
        dd = dj_ref[...] - di
        a0 = jnp.maximum(
            jnp.dot(di, wa_ref[...], preferred_element_type=F32) +
            jnp.dot(dd, wb_ref[...], preferred_element_type=F32) +
            b_ref[...], 0.0)
        h0 = a0 * s0_ref[...] + t0_ref[...]
        r = jnp.maximum(
            jnp.dot(h0, w1_ref[...], preferred_element_type=F32) + b1_ref[...],
            0.0)
        ma_ref[...] = r[:, :32]
        mb_ref[...] = r[:, 32:]
        _accumulate(st_ref, _stat_rows(r, 64))

    return pl.pallas_call(
        body,
        grid=(GE,),
        in_specs=[_erow(64), _erow(64), _full((64, 64)), _full((64, 64)),
                  _full((1, 64)), _full((1, 64)), _full((1, 64)),
                  _full((64, 64)), _full((1, 64))],
        out_specs=[_erow(32), _erow(32), _acc_spec(64)],
        out_shape=[jax.ShapeDtypeStruct((E, 32), F32),
                   jax.ShapeDtypeStruct((E, 32), F32),
                   jax.ShapeDtypeStruct((8, 64), F32)],
    )(Di, Dj, W0aT, W0bT, b0, s0, t0, W1T, b1)



def _nrow(C):
    return pl.BlockSpec((BN, C), lambda i: (i, 0))


def _npart():
    return pl.BlockSpec((2, BN, 16), lambda i: (0, i, 0))


def _node2(h2, WmuT, bmu, WvarT, bvar, WuT, bu, WwT, bw, WbT, bb):

    def body(h_ref, wmu_ref, bmu_ref, wv_ref, bv_ref, wu_ref, bu_ref, ww_ref,
             bw_ref, wb_ref, bb_ref, mu_ref, lv_ref, u_ref, w_ref, b_ref):
        h2 = h_ref[...]
        mu_ref[...] = jnp.dot(h2, wmu_ref[...],
                              preferred_element_type=F32) + bmu_ref[...]
        lv_ref[...] = jnp.dot(h2, wv_ref[...],
                              preferred_element_type=F32) + bv_ref[...]
        u_ref[...] = jnp.dot(h2, wu_ref[...],
                             preferred_element_type=F32) + bu_ref[...]
        w_ref[...] = jnp.dot(h2, ww_ref[...],
                             preferred_element_type=F32) + bw_ref[...]
        b_ref[...] = jnp.dot(h2, wb_ref[...],
                             preferred_element_type=F32) + bb_ref[...]

    return pl.pallas_call(
        body,
        grid=(GN,),
        in_specs=[_nrow(32),
                  _full((32, 2)), _full((1, 2)), _full((32, 2)), _full((1, 2)),
                  _full((32, 12)), _full((1, 12)), _full((32, 12)),
                  _full((1, 12)), _full((32, 6)), _full((1, 6))],
        out_specs=[_nrow(2), _nrow(2), _nrow(12), _nrow(12), _nrow(6)],
        out_shape=[jax.ShapeDtypeStruct((N, 2), F32),
                   jax.ShapeDtypeStruct((N, 2), F32),
                   jax.ShapeDtypeStruct((N, 12), F32),
                   jax.ShapeDtypeStruct((N, 12), F32),
                   jax.ShapeDtypeStruct((N, 6), F32)],
    )(h2, WmuT, bmu, WvarT, bvar, WuT, bu, WwT, bw, WbT, bb)


def _node3(pa, pb, cpart, s1, t1):

    def body(pa_ref, pb_ref, c_ref, s_ref, t_ref, d_ref):
        ssum = jnp.concatenate([pa_ref[0], pa_ref[1], pb_ref[0], pb_ref[1]],
                               axis=1)
        cnt = jnp.maximum(c_ref[...], 1.0)
        d_ref[...] = (ssum / cnt) * s_ref[...] + t_ref[...]

    return pl.pallas_call(
        body,
        grid=(GN,),
        in_specs=[_npart(), _npart(), _nrow(1), _full((1, 64)),
                  _full((1, 64))],
        out_specs=_nrow(64),
        out_shape=jax.ShapeDtypeStruct((N, 64), F32),
    )(pa, pb, cpart, s1, t1)


def _node4(pa, pb, cpart, s1, t1, W2T, b2):

    def body(pa_ref, pb_ref, c_ref, s_ref, t_ref, w2_ref, b2_ref, o_ref):
        ssum = jnp.concatenate([pa_ref[0], pa_ref[1], pb_ref[0], pb_ref[1]],
                               axis=1)
        cnt = jnp.maximum(c_ref[...], 1.0)
        hm = (ssum / cnt) * s_ref[...] + t_ref[...]
        o_ref[...] = jnp.dot(hm, w2_ref[...],
                             preferred_element_type=F32) + b2_ref[...]

    return pl.pallas_call(
        body,
        grid=(GN,),
        in_specs=[_npart(), _npart(), _nrow(1), _full((1, 64)),
                  _full((1, 64)), _full((64, 4)), _full((1, 4))],
        out_specs=_nrow(4),
        out_shape=jax.ShapeDtypeStruct((N, 4), F32),
    )(pa, pb, cpart, s1, t1, W2T, b2)



def _affine_host(st, gamma, beta):
    mu = st[0] / E
    var = st[1] / E - mu * mu
    s = gamma / jnp.sqrt(var + EPS)
    t = beta - mu * s
    return s, t


def _affine_nodes(st, gamma, beta):
    mu = st[0] / N
    var = st[1] / N - mu * mu
    s = gamma / jnp.sqrt(var + EPS)
    t = beta - mu * s
    return s, t




def kernel(x, edge_index, params):
    src_n = edge_index[0]
    dst = edge_index[1]
    r1 = lambda v: v[None, :]

    def bn_jnp(a, p):
        mean = jnp.mean(a, axis=0)
        var = jnp.mean(a * a, axis=0) - mean * mean
        s = p['gamma'] / jnp.sqrt(var + EPS)
        return (a - mean) * s + p['beta']

    def bn_plain(a, p):
        mean = jnp.mean(a, axis=0)
        var = jnp.var(a, axis=0)
        return p['gamma'] * (a - mean) / jnp.sqrt(var + EPS) + p['beta']

    xn = bn_plain(x, params['bn_in'])
    xn_pad = jnp.pad(xn, ((0, 0), (0, 12)))

    p = params['enc1']
    Xi, Xj = _gather_pair(xn_pad, dst, src_n, 16)
    a0 = _lin0_relu(Xi, Xj, p['lin0']['W'].T, r1(p['lin0']['b']), 4, 16, 64)
    h0 = bn_jnp(a0, p['bn0'])
    a1 = _lin_relu(h0, p['lin1']['W'].T, r1(p['lin1']['b']), 64, 64)
    h1e = bn_jnp(a1, p['bn1'])
    rr = _lin_relu(h1e, p['lin2']['W'].T, r1(p['lin2']['b']), 64, 32)
    m1 = bn_jnp(rr, p['bn2'])
    cpart = _count(dst)
    part1 = _scatter32(m1, dst)
    cnt = jnp.maximum(cpart, 1.0)
    h1 = jnp.concatenate([part1[0], part1[1]], axis=1) / cnt

    p = params['enc2']
    Hi, Hj = _gather_pair(h1, dst, src_n, 32)
    a0 = _lin0_relu(Hi, Hj, p['lin0']['W'].T, r1(p['lin0']['b']), 32, 32, 32)
    h0 = bn_jnp(a0, p['bn0'])
    rr = _lin_relu(h0, p['lin1']['W'].T, r1(p['lin1']['b']), 32, 32)
    m2 = bn_jnp(rr, p['bn1'])
    part2 = _scatter32(m2, dst)
    h2 = jnp.concatenate([part2[0], part2[1]], axis=1) / cnt

    eps = jax.random.normal(jax.random.key(42), (N, 2), dtype=F32)
    mu_z, log_var, U, Wf, Bf = _node2(
        h2,
        params['mu']['W'].T, r1(params['mu']['b']),
        params['var']['W'].T, r1(params['var']['b']),
        params['amor_u']['W'].T, r1(params['amor_u']['b']),
        params['amor_w']['W'].T, r1(params['amor_w']['b']),
        params['amor_b']['W'].T, r1(params['amor_b']['b']))
    u4 = U.reshape(N, 6, 2, 1)
    w4 = Wf.reshape(N, 6, 1, 2)
    b4 = Bf.reshape(N, 6, 1, 1)
    z0 = mu_z + eps * jnp.exp(0.5 * log_var)
    z = z0
    ldj_acc = jnp.zeros((N,), F32)
    for k in range(6):
        u = u4[:, k]
        w = w4[:, k]
        b = b4[:, k]
        uw = jnp.einsum('nij,njk->nik', w, u)
        m_uw = -1.0 + jax.nn.softplus(uw)
        w_norm_sq = jnp.sum(w ** 2, axis=2, keepdims=True)
        u_hat = u + (m_uw - uw) * jnp.transpose(w, (0, 2, 1)) / w_norm_sq
        wzb = jnp.einsum('nij,nj->ni', w, z)[:, :, None] + b
        z = z + (u_hat * jnp.tanh(wzb))[:, :, 0]
        psi = w * (1.0 - jnp.tanh(wzb) ** 2)
        ldj_acc = ldj_acc + jnp.log(
            jnp.abs(1.0 + jnp.einsum('nij,njk->nik', psi, u_hat)))[:, 0, 0]
    ldj = ldj_acc[:, None]
    z_pad = jnp.pad(z, ((0, 0), (0, 14)))

    p = params['dec1']
    W0, b0 = p['lin0']['W'], p['lin0']['b']
    W0aT = jnp.pad(W0[:, :2].T, ((0, 14), (0, 0)))
    W0bT = jnp.pad(W0[:, 2:].T, ((0, 14), (0, 0)))
    W1T, b1 = p['lin1']['W'].T, p['lin1']['b']
    Zi, Zj = _gather_pair(z_pad, dst, src_n, 16)
    st0 = _dec1_pA(Zi, Zj, W0aT, W0bT, r1(b0), W1T, r1(b1))
    s0, t0 = _affine_host(st0, p['bn0']['gamma'], p['bn0']['beta'])
    Ma, Mb, st1 = _dec1_pB(Zi, Zj, W0aT, W0bT, r1(b0), W1T, r1(b1), r1(s0),
                           r1(t0), p['lin2']['W'].T, r1(p['lin2']['b']))
    pa = _scatter32(Ma, dst)
    pb = _scatter32(Mb, dst)
    s1, t1 = _affine_host(st1, p['bn1']['gamma'], p['bn1']['beta'])
    d = _node3(pa, pb, cpart, r1(s1), r1(t1))

    p = params['dec2']
    W0, b0 = p['lin0']['W'], p['lin0']['b']
    W0aT, W0bT = W0[:, :64].T, W0[:, 64:].T
    Di, Dj = _gather_pair(d, dst, src_n, 64)
    st0 = _pairA(Di, Dj, W0aT, W0bT, r1(b0), 64, 64)
    s0, t0 = _affine_host(st0, p['bn0']['gamma'], p['bn0']['beta'])
    Ma2, Mb2, st1 = _dec2_pB(Di, Dj, W0aT, W0bT, r1(b0), r1(s0), r1(t0),
                             p['lin1']['W'].T, r1(p['lin1']['b']))
    pa2 = _scatter32(Ma2, dst)
    pb2 = _scatter32(Mb2, dst)
    s1, t1 = _affine_host(st1, p['bn1']['gamma'], p['bn1']['beta'])
    x_dec = _node4(pa2, pb2, cpart, r1(s1), r1(t1), p['lin2']['W'].T,
                   r1(p['lin2']['b']))

    return (x_dec, mu_z, log_var, ldj[:, 0], z0, z)

# --- scband reference (transcript-rebuilt; emitter-appended) ---
"""Pipeline reference for scband-planar-edge-net-vae-59339268162218 (READ-ONLY COPY).

The authoritative reference and input builder live on the scoring server;
editing this copy changes nothing except your own understanding.
"""

import jax, jax.numpy as jnp
import numpy as np

N_NODES = 50000
N_EDGES = 800000
INPUT_DIM = 4
OUTPUT_DIM = 4
BIG = 32
HID = 2
NUM_FLOWS = 6


def _lin(key, fan_in, fan_out):
    k1, k2 = jax.random.split(key)
    return {'W': jax.random.normal(k1, (fan_out, fan_in), dtype=jnp.float32) / np.sqrt(fan_in),
            'b': jnp.zeros((fan_out,), dtype=jnp.float32)}


def _bn(dim):
    return {'gamma': jnp.ones((dim,), jnp.float32), 'beta': jnp.zeros((dim,), jnp.float32)}


def linear(x, p):
    return x @ p['W'].T + p['b']


def batchnorm(x, p, eps=1e-5):
    mean = jnp.mean(x, axis=0)
    var = jnp.var(x, axis=0)
    return p['gamma'] * (x - mean) / jnp.sqrt(var + eps) + p['beta']


def mlp_enc1(e, p):
    h = batchnorm(jax.nn.relu(linear(e, p['lin0'])), p['bn0'])
    h = batchnorm(jax.nn.relu(linear(h, p['lin1'])), p['bn1'])
    h = batchnorm(jax.nn.relu(linear(h, p['lin2'])), p['bn2'])
    return h


def mlp_enc2(e, p):
    h = batchnorm(jax.nn.relu(linear(e, p['lin0'])), p['bn0'])
    h = batchnorm(jax.nn.relu(linear(h, p['lin1'])), p['bn1'])
    return h


def mlp_dec1(e, p):
    h = jax.nn.relu(linear(e, p['lin0']))
    h = jax.nn.relu(batchnorm(linear(h, p['lin1']), p['bn0']))
    h = batchnorm(jax.nn.relu(linear(h, p['lin2'])), p['bn1'])
    return h


def mlp_dec2(e, p):
    h = batchnorm(jax.nn.relu(linear(e, p['lin0'])), p['bn0'])
    h = batchnorm(jax.nn.relu(linear(h, p['lin1'])), p['bn1'])
    return linear(h, p['lin2'])


def edge_conv(x, src, dst, nn_fn):
    x_i = x[dst]
    x_j = x[src]
    m = nn_fn(jnp.concatenate([x_i, x_j - x_i], axis=-1))
    s = jax.ops.segment_sum(m, dst, num_segments=N_NODES)
    cnt = jax.ops.segment_sum(jnp.ones((m.shape[0], 1), m.dtype), dst, num_segments=N_NODES)
    return s / jnp.maximum(cnt, 1.0)


def planar_flow(zk, u, w, b):
    uw = jnp.einsum('nij,njk->nik', w, u)
    m_uw = -1.0 + jax.nn.softplus(uw)
    w_norm_sq = jnp.sum(w ** 2, axis=2, keepdims=True)
    u_hat = u + (m_uw - uw) * jnp.transpose(w, (0, 2, 1)) / w_norm_sq
    wzb = jnp.einsum('nij,nj->ni', w, zk)[:, :, None] + b
    z = zk + (u_hat * jnp.tanh(wzb))[:, :, 0]
    psi = w * (1.0 - jnp.tanh(wzb) ** 2)
    ldj = jnp.log(jnp.abs(1.0 + jnp.einsum('nij,njk->nik', psi, u_hat)))[:, 0, 0]
    return z, ldj


def setup_inputs(seed: int = 0):
    key = jax.random.key(seed)
    ks = jax.random.split(key, 20)
    x = jax.random.normal(ks[0], (N_NODES, INPUT_DIM), dtype=jnp.float32)
    edge_index = jax.random.randint(ks[1], (2, N_EDGES), 0, N_NODES, dtype=jnp.int32)
    params = {
        'bn_in': _bn(INPUT_DIM),
        'enc1': {'lin0': _lin(ks[2], 2 * INPUT_DIM, 2 * BIG), 'bn0': _bn(2 * BIG),
                 'lin1': _lin(ks[3], 2 * BIG, 2 * BIG), 'bn1': _bn(2 * BIG),
                 'lin2': _lin(ks[4], 2 * BIG, BIG), 'bn2': _bn(BIG)},
        'enc2': {'lin0': _lin(ks[5], 2 * BIG, BIG), 'bn0': _bn(BIG),
                 'lin1': _lin(ks[6], BIG, BIG), 'bn1': _bn(BIG)},
        'dec1': {'lin0': _lin(ks[7], 2 * HID, BIG),
                 'lin1': _lin(ks[8], BIG, BIG), 'bn0': _bn(BIG),
                 'lin2': _lin(ks[9], BIG, 2 * BIG), 'bn1': _bn(2 * BIG)},
        'dec2': {'lin0': _lin(ks[10], 4 * BIG, 2 * BIG), 'bn0': _bn(2 * BIG),
                 'lin1': _lin(ks[11], 2 * BIG, 2 * BIG), 'bn1': _bn(2 * BIG),
                 'lin2': _lin(ks[12], 2 * BIG, OUTPUT_DIM)},
        'mu': _lin(ks[13], BIG, HID),
        'var': _lin(ks[14], BIG, HID),
        'amor_u': _lin(ks[15], BIG, NUM_FLOWS * HID),
        'amor_w': _lin(ks[16], BIG, NUM_FLOWS * HID),
        'amor_b': _lin(ks[17], BIG, NUM_FLOWS),
    }
    return {'x': x, 'edge_index': edge_index, 'params': params}


def reference(x, edge_index, params):
    src = edge_index[0]
    dst = edge_index[1]
    xn = batchnorm(x, params['bn_in'])
    h = edge_conv(xn, src, dst, lambda e: mlp_enc1(e, params['enc1']))
    h = edge_conv(h, src, dst, lambda e: mlp_enc2(e, params['enc2']))
    mu = linear(h, params['mu'])
    log_var = linear(h, params['var'])
    N = x.shape[0]
    u = linear(h, params['amor_u']).reshape(N, NUM_FLOWS, HID, 1)
    w = linear(h, params['amor_w']).reshape(N, NUM_FLOWS, 1, HID)
    b = linear(h, params['amor_b']).reshape(N, NUM_FLOWS, 1, 1)
    eps = jax.random.normal(jax.random.key(42), mu.shape, dtype=jnp.float32)
    z0 = mu + eps * jnp.exp(0.5 * log_var)
    z = z0
    log_det_j = jnp.zeros((N,), jnp.float32)
    for k in range(NUM_FLOWS):
        z, ldj = planar_flow(z, u[:, k], w[:, k], b[:, k])
        log_det_j = log_det_j + ldj
    d = edge_conv(z, src, dst, lambda e: mlp_dec1(e, params['dec1']))
    x_dec = edge_conv(d, src, dst, lambda e: mlp_dec2(e, params['dec2']))
    return (x_dec, mu, log_var, log_det_j, z0, z)

if __name__ == "__main__":
    import jax
    _d = setup_inputs()
    print(jax.jit(kernel)(*tuple(_d.values())))

</pallas_src>

<mosaic_0001>
#map = affine_map<(d0, d1) -> (0, 0)>
#map1 = affine_map<(d0, d1) -> (0)>
module attributes {stable_mosaic.version = 14 : i64} {
  func.func @k(%arg0: i32, %arg1: i32, %arg2: memref<50000x32xf32, #tpu.memory_space<hbm>>, %arg3: memref<800000xi32, #tpu.memory_space<hbm>>, %arg4: memref<800000xi32, #tpu.memory_space<hbm>>, %arg5: memref<800000x32xf32, #tpu.memory_space<hbm>>, %arg6: memref<800000x32xf32, #tpu.memory_space<hbm>>, %arg7: memref<128xi32, #tpu.memory_space<vmem>>, %arg8: memref<128xi32, #tpu.memory_space<vmem>>, %arg9: memref<128x32xf32, #tpu.memory_space<vmem>>, %arg10: memref<128x32xf32, #tpu.memory_space<vmem>>, %arg11: memref<!tpu.dma_semaphore, #tpu.memory_space<semaphore_mem>>, %arg12: memref<!tpu.dma_semaphore, #tpu.memory_space<semaphore_mem>>) attributes {dimension_semantics = [#tpu.dimension_semantics<core_parallel>, #tpu.dimension_semantics<subcore_parallel>], iteration_bounds = array<i64: 2, 16>, scalar_prefetch = 0 : i64, scratch_operands = 6 : i64, tpu.core_type = #tpu.core_type<sc_vector_subcore>, window_params = [{transform_indices = #map}, {transform_indices = #map1}, {transform_indices = #map1}, {transform_indices = #map}, {transform_indices = #map}]} {
    %mul3A = arith.constant 2 : i32
    %mul3A_0 = arith.muli %arg1, %mul3A : i32
    %add3A = arith.addi %mul3A_0, %arg0 : i32
    %scan3A = arith.constant 0 : i32
    %scan3A_1 = arith.constant 0 : i32
    %scan3A_2 = arith.constant 196 : i32
    %scan3A_3 = arith.addi %scan3A_1, %scan3A_2 : i32
    %scan3A_4 = arith.constant 1 : i32
    scf.for %scan3A_6 = %scan3A_1 to %scan3A_3 step %scan3A_4  : i32 {
      %mul3A_7 = arith.constant 32 : i32
      %mul3A_8 = arith.muli %scan3A_6, %mul3A_7 : i32
      %add3A_9 = arith.addi %add3A, %mul3A_8 : i32
      %lt3A = arith.constant 6250 : i32
      %lt3A_10 = arith.cmpi slt, %add3A_9, %lt3A : i32
      %convert_element_type3A = arith.extui %lt3A_10 : i1 to i32
      %cond3A = arith.constant 0 : i32
      %cond3A_11 = arith.cmpi ne, %convert_element_type3A, %cond3A : i32
      scf.if %cond3A_11 {
        %mul3A_12 = arith.constant 128 : i32
        %mul3A_13 = arith.muli %add3A_9, %mul3A_12 : i32
        "tpu.region"() ({
          %run_scoped3A = tpu.sem_alloc : memref<!tpu.dma_semaphore, #tpu.memory_space<semaphore_mem>>
          %dma_start3A_24 = tpu.memref_slice %arg3[%mul3A_13] : memref<800000xi32, #tpu.memory_space<hbm>> -> memref<128xi32, #tpu.memory_space<hbm>>
          %dma_start3A_25 = tpu.memref_slice %arg3[%mul3A_13] : memref<800000xi32, #tpu.memory_space<hbm>> -> memref<128xi32, #tpu.memory_space<hbm>>
          tpu.enqueue_dma source(%dma_start3A_25 : memref<128xi32, #tpu.memory_space<hbm>>) target(%arg7 : memref<128xi32, #tpu.memory_space<vmem>>) target_semaphore(%run_scoped3A : memref<!tpu.dma_semaphore, #tpu.memory_space<semaphore_mem>>)
          %dma_wait3A_26 = tpu.memref_slice %arg3[%mul3A_13] : memref<800000xi32, #tpu.memory_space<hbm>> -> memref<128xi32, #tpu.memory_space<hbm>>
          %dma_wait3A_27 = tpu.memref_slice %arg3[%mul3A_13] : memref<800000xi32, #tpu.memory_space<hbm>> -> memref<128xi32, #tpu.memory_space<hbm>>
          tpu.wait_dma2 semaphore(%run_scoped3A : memref<!tpu.dma_semaphore, #tpu.memory_space<semaphore_mem>>) src(%dma_wait3A_27 : memref<128xi32, #tpu.memory_space<hbm>>) dst(%arg7 : memref<128xi32, #tpu.memory_space<vmem>>)
          tpu.yield
        }) : () -> ()
        "tpu.region"() ({
          %run_scoped3A = tpu.sem_alloc : memref<!tpu.dma_semaphore, #tpu.memory_space<semaphore_mem>>
          %dma_start3A_24 = tpu.memref_slice %arg4[%mul3A_13] : memref<800000xi32, #tpu.memory_space<hbm>> -> memref<128xi32, #tpu.memory_space<hbm>>
          %dma_start3A_25 = tpu.memref_slice %arg4[%mul3A_13] : memref<800000xi32, #tpu.memory_space<hbm>> -> memref<128xi32, #tpu.memory_space<hbm>>
          tpu.enqueue_dma source(%dma_start3A_25 : memref<128xi32, #tpu.memory_space<hbm>>) target(%arg8 : memref<128xi32, #tpu.memory_space<vmem>>) target_semaphore(%run_scoped3A : memref<!tpu.dma_semaphore, #tpu.memory_space<semaphore_mem>>)
          %dma_wait3A_26 = tpu.memref_slice %arg4[%mul3A_13] : memref<800000xi32, #tpu.memory_space<hbm>> -> memref<128xi32, #tpu.memory_space<hbm>>
          %dma_wait3A_27 = tpu.memref_slice %arg4[%mul3A_13] : memref<800000xi32, #tpu.memory_space<hbm>> -> memref<128xi32, #tpu.memory_space<hbm>>
          tpu.wait_dma2 semaphore(%run_scoped3A : memref<!tpu.dma_semaphore, #tpu.memory_space<semaphore_mem>>) src(%dma_wait3A_27 : memref<128xi32, #tpu.memory_space<hbm>>) dst(%arg8 : memref<128xi32, #tpu.memory_space<vmem>>)
          tpu.yield
        }) : () -> ()
        %dma_start3A = arith.constant 0 : i32
        %dma_start3A_14 = arith.constant 0 : i32
        %dma_start3A_15 = tpu.memref_slice %arg2[%dma_start3A, %dma_start3A_14] : memref<50000x32xf32, #tpu.memory_space<hbm>> -> memref<50000x32xf32, #tpu.memory_space<hbm>>
        tpu.enqueue_indirect_dma source(%dma_start3A_15 : memref<50000x32xf32, #tpu.memory_space<hbm>>) target(%arg9 : memref<128x32xf32, #tpu.memory_space<vmem>>) offsets(%arg7 : memref<128xi32, #tpu.memory_space<vmem>>) semaphore(%arg11 : memref<!tpu.dma_semaphore, #tpu.memory_space<semaphore_mem>>)
        %dma_start3A_16 = arith.constant 0 : i32
        %dma_start3A_17 = arith.constant 0 : i32
        %dma_start3A_18 = tpu.memref_slice %arg2[%dma_start3A_16, %dma_start3A_17] : memref<50000x32xf32, #tpu.memory_space<hbm>> -> memref<50000x32xf32, #tpu.memory_space<hbm>>
        tpu.enqueue_indirect_dma source(%dma_start3A_18 : memref<50000x32xf32, #tpu.memory_space<hbm>>) target(%arg10 : memref<128x32xf32, #tpu.memory_space<vmem>>) offsets(%arg8 : memref<128xi32, #tpu.memory_space<vmem>>) semaphore(%arg12 : memref<!tpu.dma_semaphore, #tpu.memory_space<semaphore_mem>>)
        %dma_wait3A = arith.constant 0 : i32
        %dma_wait3A_19 = arith.constant 0 : i32
        %dma_wait3A_20 = tpu.memref_slice %arg2[%dma_wait3A, %dma_wait3A_19] : memref<50000x32xf32, #tpu.memory_space<hbm>> -> memref<50000x32xf32, #tpu.memory_space<hbm>>
        tpu.wait_indirect_dma semaphore(%arg11 : memref<!tpu.dma_semaphore, #tpu.memory_space<semaphore_mem>>) src(%dma_wait3A_20 : memref<50000x32xf32, #tpu.memory_space<hbm>>) dst(%arg9 : memref<128x32xf32, #tpu.memory_space<vmem>>)
        %dma_wait3A_21 = arith.constant 0 : i32
        %dma_wait3A_22 = arith.constant 0 : i32
        %dma_wait3A_23 = tpu.memref_slice %arg2[%dma_wait3A_21, %dma_wait3A_22] : memref<50000x32xf32, #tpu.memory_space<hbm>> -> memref<50000x32xf32, #tpu.memory_space<hbm>>
        tpu.wait_indirect_dma semaphore(%arg12 : memref<!tpu.dma_semaphore, #tpu.memory_space<semaphore_mem>>) src(%dma_wait3A_23 : memref<50000x32xf32, #tpu.memory_space<hbm>>) dst(%arg10 : memref<128x32xf32, #tpu.memory_space<vmem>>)
        "tpu.region"() ({
          %run_scoped3A = tpu.sem_alloc : memref<!tpu.dma_semaphore, #tpu.memory_space<semaphore_mem>>
          %dma_start3A_24 = arith.constant 0 : i32
          %dma_start3A_25 = tpu.memref_slice %arg5[%mul3A_13, %dma_start3A_24] : memref<800000x32xf32, #tpu.memory_space<hbm>> -> memref<128x32xf32, #tpu.memory_space<hbm>>
          %dma_start3A_26 = arith.constant 0 : i32
          %dma_start3A_27 = tpu.memref_slice %arg5[%mul3A_13, %dma_start3A_26] : memref<800000x32xf32, #tpu.memory_space<hbm>> -> memref<128x32xf32, #tpu.memory_space<hbm>>
          tpu.enqueue_dma source(%arg9 : memref<128x32xf32, #tpu.memory_space<vmem>>) target(%dma_start3A_27 : memref<128x32xf32, #tpu.memory_space<hbm>>) target_semaphore(%run_scoped3A : memref<!tpu.dma_semaphore, #tpu.memory_space<semaphore_mem>>)
          %dma_wait3A_28 = arith.constant 0 : i32
          %dma_wait3A_29 = tpu.memref_slice %arg5[%mul3A_13, %dma_wait3A_28] : memref<800000x32xf32, #tpu.memory_space<hbm>> -> memref<128x32xf32, #tpu.memory_space<hbm>>
          %dma_wait3A_30 = arith.constant 0 : i32
          %dma_wait3A_31 = tpu.memref_slice %arg5[%mul3A_13, %dma_wait3A_30] : memref<800000x32xf32, #tpu.memory_space<hbm>> -> memref<128x32xf32, #tpu.memory_space<hbm>>
          tpu.wait_dma2 semaphore(%run_scoped3A : memref<!tpu.dma_semaphore, #tpu.memory_space<semaphore_mem>>) src(%arg9 : memref<128x32xf32, #tpu.memory_space<vmem>>) dst(%dma_wait3A_31 : memref<128x32xf32, #tpu.memory_space<hbm>>)
          tpu.yield
        }) : () -> ()
        "tpu.region"() ({
          %run_scoped3A = tpu.sem_alloc : memref<!tpu.dma_semaphore, #tpu.memory_space<semaphore_mem>>
          %dma_start3A_24 = arith.constant 0 : i32
          %dma_start3A_25 = tpu.memref_slice %arg6[%mul3A_13, %dma_start3A_24] : memref<800000x32xf32, #tpu.memory_space<hbm>> -> memref<128x32xf32, #tpu.memory_space<hbm>>
          %dma_start3A_26 = arith.constant 0 : i32
          %dma_start3A_27 = tpu.memref_slice %arg6[%mul3A_13, %dma_start3A_26] : memref<800000x32xf32, #tpu.memory_space<hbm>> -> memref<128x32xf32, #tpu.memory_space<hbm>>
          tpu.enqueue_dma source(%arg10 : memref<128x32xf32, #tpu.memory_space<vmem>>) target(%dma_start3A_27 : memref<128x32xf32, #tpu.memory_space<hbm>>) target_semaphore(%run_scoped3A : memref<!tpu.dma_semaphore, #tpu.memory_space<semaphore_mem>>)
          %dma_wait3A_28 = arith.constant 0 : i32
          %dma_wait3A_29 = tpu.memref_slice %arg6[%mul3A_13, %dma_wait3A_28] : memref<800000x32xf32, #tpu.memory_space<hbm>> -> memref<128x32xf32, #tpu.memory_space<hbm>>
          %dma_wait3A_30 = arith.constant 0 : i32
          %dma_wait3A_31 = tpu.memref_slice %arg6[%mul3A_13, %dma_wait3A_30] : memref<800000x32xf32, #tpu.memory_space<hbm>> -> memref<128x32xf32, #tpu.memory_space<hbm>>
          tpu.wait_dma2 semaphore(%run_scoped3A : memref<!tpu.dma_semaphore, #tpu.memory_space<semaphore_mem>>) src(%arg10 : memref<128x32xf32, #tpu.memory_space<vmem>>) dst(%dma_wait3A_31 : memref<128x32xf32, #tpu.memory_space<hbm>>)
          tpu.yield
        }) : () -> ()
      } else {
      }
    }
    %scan3A_5 = arith.constant 196 : i32
    return
  }
}

#map = affine_map<(d0, d1) -> (0, 0)>
#map1 = affine_map<(d0, d1) -> (0)>
module attributes {stable_mosaic.version = 14 : i64} {
  func.func @k(%arg0: i32, %arg1: i32, %arg2: memref<50000x16xf32, #tpu.memory_space<hbm>>, %arg3: memref<800000xi32, #tpu.memory_space<hbm>>, %arg4: memref<800000xi32, #tpu.memory_space<hbm>>, %arg5: memref<800000x16xf32, #tpu.memory_space<hbm>>, %arg6: memref<800000x16xf32, #tpu.memory_space<hbm>>, %arg7: memref<128xi32, #tpu.memory_space<vmem>>, %arg8: memref<128xi32, #tpu.memory_space<vmem>>, %arg9: memref<128x16xf32, #tpu.memory_space<vmem>>, %arg10: memref<128x16xf32, #tpu.memory_space<vmem>>, %arg11: memref<!tpu.dma_semaphore, #tpu.memory_space<semaphore_mem>>, %arg12: memref<!tpu.dma_semaphore, #tpu.memory_space<semaphore_mem>>) attributes {dimension_semantics = [#tpu.dimension_semantics<core_parallel>, #tpu.dimension_semantics<subcore_parallel>], iteration_bounds = array<i64: 2, 16>, scalar_prefetch = 0 : i64, scratch_operands = 6 : i64, tpu.core_type = #tpu.core_type<sc_vector_subcore>, window_params = [{transform_indices = #map}, {transform_indices = #map1}, {transform_indices = #map1}, {transform_indices = #map}, {transform_indices = #map}]} {
    %mul3A = arith.constant 2 : i32
    %mul3A_0 = arith.muli %arg1, %mul3A : i32
    %add3A = arith.addi %mul3A_0, %arg0 : i32
    %scan3A = arith.constant 0 : i32
    %scan3A_1 = arith.constant 0 : i32
    %scan3A_2 = arith.constant 196 : i32
    %scan3A_3 = arith.addi %scan3A_1, %scan3A_2 : i32
    %scan3A_4 = arith.constant 1 : i32
    scf.for %scan3A_6 = %scan3A_1 to %scan3A_3 step %scan3A_4  : i32 {
      %mul3A_7 = arith.constant 32 : i32
      %mul3A_8 = arith.muli %scan3A_6, %mul3A_7 : i32
      %add3A_9 = arith.addi %add3A, %mul3A_8 : i32
      %lt3A = arith.constant 6250 : i32
      %lt3A_10 = arith.cmpi slt, %add3A_9, %lt3A : i32
      %convert_element_type3A = arith.extui %lt3A_10 : i1 to i32
      %cond3A = arith.constant 0 : i32
      %cond3A_11 = arith.cmpi ne, %convert_element_type3A, %cond3A : i32
      scf.if %cond3A_11 {
        %mul3A_12 = arith.constant 128 : i32
        %mul3A_13 = arith.muli %add3A_9, %mul3A_12 : i32
        "tpu.region"() ({
          %run_scoped3A = tpu.sem_alloc : memref<!tpu.dma_semaphore, #tpu.memory_space<semaphore_mem>>
          %dma_start3A_24 = tpu.memref_slice %arg3[%mul3A_13] : memref<800000xi32, #tpu.memory_space<hbm>> -> memref<128xi32, #tpu.memory_space<hbm>>
          %dma_start3A_25 = tpu.memref_slice %arg3[%mul3A_13] : memref<800000xi32, #tpu.memory_space<hbm>> -> memref<128xi32, #tpu.memory_space<hbm>>
          tpu.enqueue_dma source(%dma_start3A_25 : memref<128xi32, #tpu.memory_space<hbm>>) target(%arg7 : memref<128xi32, #tpu.memory_space<vmem>>) target_semaphore(%run_scoped3A : memref<!tpu.dma_semaphore, #tpu.memory_space<semaphore_mem>>)
          %dma_wait3A_26 = tpu.memref_slice %arg3[%mul3A_13] : memref<800000xi32, #tpu.memory_space<hbm>> -> memref<128xi32, #tpu.memory_space<hbm>>
          %dma_wait3A_27 = tpu.memref_slice %arg3[%mul3A_13] : memref<800000xi32, #tpu.memory_space<hbm>> -> memref<128xi32, #tpu.memory_space<hbm>>
          tpu.wait_dma2 semaphore(%run_scoped3A : memref<!tpu.dma_semaphore, #tpu.memory_space<semaphore_mem>>) src(%dma_wait3A_27 : memref<128xi32, #tpu.memory_space<hbm>>) dst(%arg7 : memref<128xi32, #tpu.memory_space<vmem>>)
          tpu.yield
        }) : () -> ()
        "tpu.region"() ({
          %run_scoped3A = tpu.sem_alloc : memref<!tpu.dma_semaphore, #tpu.memory_space<semaphore_mem>>
          %dma_start3A_24 = tpu.memref_slice %arg4[%mul3A_13] : memref<800000xi32, #tpu.memory_space<hbm>> -> memref<128xi32, #tpu.memory_space<hbm>>
          %dma_start3A_25 = tpu.memref_slice %arg4[%mul3A_13] : memref<800000xi32, #tpu.memory_space<hbm>> -> memref<128xi32, #tpu.memory_space<hbm>>
          tpu.enqueue_dma source(%dma_start3A_25 : memref<128xi32, #tpu.memory_space<hbm>>) target(%arg8 : memref<128xi32, #tpu.memory_space<vmem>>) target_semaphore(%run_scoped3A : memref<!tpu.dma_semaphore, #tpu.memory_space<semaphore_mem>>)
          %dma_wait3A_26 = tpu.memref_slice %arg4[%mul3A_13] : memref<800000xi32, #tpu.memory_space<hbm>> -> memref<128xi32, #tpu.memory_space<hbm>>
          %dma_wait3A_27 = tpu.memref_slice %arg4[%mul3A_13] : memref<800000xi32, #tpu.memory_space<hbm>> -> memref<128xi32, #tpu.memory_space<hbm>>
          tpu.wait_dma2 semaphore(%run_scoped3A : memref<!tpu.dma_semaphore, #tpu.memory_space<semaphore_mem>>) src(%dma_wait3A_27 : memref<128xi32, #tpu.memory_space<hbm>>) dst(%arg8 : memref<128xi32, #tpu.memory_space<vmem>>)
          tpu.yield
        }) : () -> ()
        %dma_start3A = arith.constant 0 : i32
        %dma_start3A_14 = arith.constant 0 : i32
        %dma_start3A_15 = tpu.memref_slice %arg2[%dma_start3A, %dma_start3A_14] : memref<50000x16xf32, #tpu.memory_space<hbm>> -> memref<50000x16xf32, #tpu.memory_space<hbm>>
        tpu.enqueue_indirect_dma source(%dma_start3A_15 : memref<50000x16xf32, #tpu.memory_space<hbm>>) target(%arg9 : memref<128x16xf32, #tpu.memory_space<vmem>>) offsets(%arg7 : memref<128xi32, #tpu.memory_space<vmem>>) semaphore(%arg11 : memref<!tpu.dma_semaphore, #tpu.memory_space<semaphore_mem>>)
        %dma_start3A_16 = arith.constant 0 : i32
        %dma_start3A_17 = arith.constant 0 : i32
        %dma_start3A_18 = tpu.memref_slice %arg2[%dma_start3A_16, %dma_start3A_17] : memref<50000x16xf32, #tpu.memory_space<hbm>> -> memref<50000x16xf32, #tpu.memory_space<hbm>>
        tpu.enqueue_indirect_dma source(%dma_start3A_18 : memref<50000x16xf32, #tpu.memory_space<hbm>>) target(%arg10 : memref<128x16xf32, #tpu.memory_space<vmem>>) offsets(%arg8 : memref<128xi32, #tpu.memory_space<vmem>>) semaphore(%arg12 : memref<!tpu.dma_semaphore, #tpu.memory_space<semaphore_mem>>)
        %dma_wait3A = arith.constant 0 : i32
        %dma_wait3A_19 = arith.constant 0 : i32
        %dma_wait3A_20 = tpu.memref_slice %arg2[%dma_wait3A, %dma_wait3A_19] : memref<50000x16xf32, #tpu.memory_space<hbm>> -> memref<50000x16xf32, #tpu.memory_space<hbm>>
        tpu.wait_indirect_dma semaphore(%arg11 : memref<!tpu.dma_semaphore, #tpu.memory_space<semaphore_mem>>) src(%dma_wait3A_20 : memref<50000x16xf32, #tpu.memory_space<hbm>>) dst(%arg9 : memref<128x16xf32, #tpu.memory_space<vmem>>)
        %dma_wait3A_21 = arith.constant 0 : i32
        %dma_wait3A_22 = arith.constant 0 : i32
        %dma_wait3A_23 = tpu.memref_slice %arg2[%dma_wait3A_21, %dma_wait3A_22] : memref<50000x16xf32, #tpu.memory_space<hbm>> -> memref<50000x16xf32, #tpu.memory_space<hbm>>
        tpu.wait_indirect_dma semaphore(%arg12 : memref<!tpu.dma_semaphore, #tpu.memory_space<semaphore_mem>>) src(%dma_wait3A_23 : memref<50000x16xf32, #tpu.memory_space<hbm>>) dst(%arg10 : memref<128x16xf32, #tpu.memory_space<vmem>>)
        "tpu.region"() ({
          %run_scoped3A = tpu.sem_alloc : memref<!tpu.dma_semaphore, #tpu.memory_space<semaphore_mem>>
          %dma_start3A_24 = arith.constant 0 : i32
          %dma_start3A_25 = tpu.memref_slice %arg5[%mul3A_13, %dma_start3A_24] : memref<800000x16xf32, #tpu.memory_space<hbm>> -> memref<128x16xf32, #tpu.memory_space<hbm>>
          %dma_start3A_26 = arith.constant 0 : i32
          %dma_start3A_27 = tpu.memref_slice %arg5[%mul3A_13, %dma_start3A_26] : memref<800000x16xf32, #tpu.memory_space<hbm>> -> memref<128x16xf32, #tpu.memory_space<hbm>>
          tpu.enqueue_dma source(%arg9 : memref<128x16xf32, #tpu.memory_space<vmem>>) target(%dma_start3A_27 : memref<128x16xf32, #tpu.memory_space<hbm>>) target_semaphore(%run_scoped3A : memref<!tpu.dma_semaphore, #tpu.memory_space<semaphore_mem>>)
          %dma_wait3A_28 = arith.constant 0 : i32
          %dma_wait3A_29 = tpu.memref_slice %arg5[%mul3A_13, %dma_wait3A_28] : memref<800000x16xf32, #tpu.memory_space<hbm>> -> memref<128x16xf32, #tpu.memory_space<hbm>>
          %dma_wait3A_30 = arith.constant 0 : i32
          %dma_wait3A_31 = tpu.memref_slice %arg5[%mul3A_13, %dma_wait3A_30] : memref<800000x16xf32, #tpu.memory_space<hbm>> -> memref<128x16xf32, #tpu.memory_space<hbm>>
          tpu.wait_dma2 semaphore(%run_scoped3A : memref<!tpu.dma_semaphore, #tpu.memory_space<semaphore_mem>>) src(%arg9 : memref<128x16xf32, #tpu.memory_space<vmem>>) dst(%dma_wait3A_31 : memref<128x16xf32, #tpu.memory_space<hbm>>)
          tpu.yield
        }) : () -> ()
        "tpu.region"() ({
          %run_scoped3A = tpu.sem_alloc : memref<!tpu.dma_semaphore, #tpu.memory_space<semaphore_mem>>
          %dma_start3A_24 = arith.constant 0 : i32
          %dma_start3A_25 = tpu.memref_slice %arg6[%mul3A_13, %dma_start3A_24] : memref<800000x16xf32, #tpu.memory_space<hbm>> -> memref<128x16xf32, #tpu.memory_space<hbm>>
          %dma_start3A_26 = arith.constant 0 : i32
          %dma_start3A_27 = tpu.memref_slice %arg6[%mul3A_13, %dma_start3A_26] : memref<800000x16xf32, #tpu.memory_space<hbm>> -> memref<128x16xf32, #tpu.memory_space<hbm>>
          tpu.enqueue_dma source(%arg10 : memref<128x16xf32, #tpu.memory_space<vmem>>) target(%dma_start3A_27 : memref<128x16xf32, #tpu.memory_space<hbm>>) target_semaphore(%run_scoped3A : memref<!tpu.dma_semaphore, #tpu.memory_space<semaphore_mem>>)
          %dma_wait3A_28 = arith.constant 0 : i32
          %dma_wait3A_29 = tpu.memref_slice %arg6[%mul3A_13, %dma_wait3A_28] : memref<800000x16xf32, #tpu.memory_space<hbm>> -> memref<128x16xf32, #tpu.memory_space<hbm>>
          %dma_wait3A_30 = arith.constant 0 : i32
          %dma_wait3A_31 = tpu.memref_slice %arg6[%mul3A_13, %dma_wait3A_30] : memref<800000x16xf32, #tpu.memory_space<hbm>> -> memref<128x16xf32, #tpu.memory_space<hbm>>
          tpu.wait_dma2 semaphore(%run_scoped3A : memref<!tpu.dma_semaphore, #tpu.memory_space<semaphore_mem>>) src(%arg10 : memref<128x16xf32, #tpu.memory_space<vmem>>) dst(%dma_wait3A_31 : memref<128x16xf32, #tpu.memory_space<hbm>>)
          tpu.yield
        }) : () -> ()
      } else {
      }
    }
    %scan3A_5 = arith.constant 196 : i32
    return
  }
}

#map = affine_map<(d0, d1) -> (0, 0)>
#map1 = affine_map<(d0, d1) -> (0)>
#map2 = affine_map<(d0, d1) -> (0, 0, 0)>
module attributes {stable_mosaic.version = 14 : i64} {
  func.func @k(%arg0: i32, %arg1: i32, %arg2: memref<800000x32xf32, #tpu.memory_space<hbm>>, %arg3: memref<800000xi32, #tpu.memory_space<hbm>>, %arg4: memref<50000x16xf32, #tpu.memory_space<hbm>>, %arg5: memref<2x50000x16xf32, #tpu.memory_space<hbm>>, %arg6: memref<128xi32, #tpu.memory_space<vmem>>, %arg7: memref<128x16xf32, #tpu.memory_space<vmem>>, %arg8: memref<3125x16xf32, #tpu.memory_space<vmem>>, %arg9: memref<50000x16xf32, #tpu.memory_space<vmem_shared>>) attributes {dimension_semantics = [#tpu.dimension_semantics<core_parallel>, #tpu.dimension_semantics<subcore_parallel>], iteration_bounds = array<i64: 2, 16>, scalar_prefetch = 0 : i64, scratch_operands = 4 : i64, tpu.core_type = #tpu.core_type<sc_vector_subcore>, window_params = [{transform_indices = #map}, {transform_indices = #map1}, {transform_indices = #map}, {transform_indices = #map2}]} {
    %mul3A = arith.constant 3125 : i32
    %mul3A_0 = arith.muli %arg1, %mul3A : i32
    %mul3A_1 = arith.constant 16 : i32
    %mul3A_2 = arith.muli %arg0, %mul3A_1 : i32
    "tpu.region"() ({
      %run_scoped3A = tpu.sem_alloc : memref<!tpu.dma_semaphore, #tpu.memory_space<semaphore_mem>>
      %dma_start3A = arith.constant 0 : i32
      %dma_start3A_9 = tpu.memref_slice %arg4[%mul3A_0, %dma_start3A] : memref<50000x16xf32, #tpu.memory_space<hbm>> -> memref<3125x16xf32, #tpu.memory_space<hbm>>
      %dma_start3A_10 = arith.constant 0 : i32
      %dma_start3A_11 = tpu.memref_slice %arg4[%mul3A_0, %dma_start3A_10] : memref<50000x16xf32, #tpu.memory_space<hbm>> -> memref<3125x16xf32, #tpu.memory_space<hbm>>
      tpu.enqueue_dma source(%dma_start3A_11 : memref<3125x16xf32, #tpu.memory_space<hbm>>) target(%arg8 : memref<3125x16xf32, #tpu.memory_space<vmem>>) target_semaphore(%run_scoped3A : memref<!tpu.dma_semaphore, #tpu.memory_space<semaphore_mem>>)
      %dma_wait3A = arith.constant 0 : i32
      %dma_wait3A_12 = tpu.memref_slice %arg4[%mul3A_0, %dma_wait3A] : memref<50000x16xf32, #tpu.memory_space<hbm>> -> memref<3125x16xf32, #tpu.memory_space<hbm>>
      %dma_wait3A_13 = arith.constant 0 : i32
      %dma_wait3A_14 = tpu.memref_slice %arg4[%mul3A_0, %dma_wait3A_13] : memref<50000x16xf32, #tpu.memory_space<hbm>> -> memref<3125x16xf32, #tpu.memory_space<hbm>>
      tpu.wait_dma2 semaphore(%run_scoped3A : memref<!tpu.dma_semaphore, #tpu.memory_space<semaphore_mem>>) src(%dma_wait3A_14 : memref<3125x16xf32, #tpu.memory_space<hbm>>) dst(%arg8 : memref<3125x16xf32, #tpu.memory_space<vmem>>)
      tpu.yield
    }) : () -> ()
    "tpu.region"() ({
      %run_scoped3A = tpu.sem_alloc : memref<!tpu.dma_semaphore, #tpu.memory_space<semaphore_mem>>
      %dma_start3A = arith.constant 0 : i32
      %dma_start3A_9 = tpu.memref_slice %arg9[%mul3A_0, %dma_start3A] : memref<50000x16xf32, #tpu.memory_space<vmem_shared>> -> memref<3125x16xf32, #tpu.memory_space<vmem_shared>>
      %dma_start3A_10 = arith.constant 0 : i32
      %dma_start3A_11 = tpu.memref_slice %arg9[%mul3A_0, %dma_start3A_10] : memref<50000x16xf32, #tpu.memory_space<vmem_shared>> -> memref<3125x16xf32, #tpu.memory_space<vmem_shared>>
      tpu.enqueue_dma source(%arg8 : memref<3125x16xf32, #tpu.memory_space<vmem>>) target(%dma_start3A_11 : memref<3125x16xf32, #tpu.memory_space<vmem_shared>>) target_semaphore(%run_scoped3A : memref<!tpu.dma_semaphore, #tpu.memory_space<semaphore_mem>>)
      %dma_wait3A = arith.constant 0 : i32
      %dma_wait3A_12 = tpu.memref_slice %arg9[%mul3A_0, %dma_wait3A] : memref<50000x16xf32, #tpu.memory_space<vmem_shared>> -> memref<3125x16xf32, #tpu.memory_space<vmem_shared>>
      %dma_wait3A_13 = arith.constant 0 : i32
      %dma_wait3A_14 = tpu.memref_slice %arg9[%mul3A_0, %dma_wait3A_13] : memref<50000x16xf32, #tpu.memory_space<vmem_shared>> -> memref<3125x16xf32, #tpu.memory_space<vmem_shared>>
      tpu.wait_dma2 semaphore(%run_scoped3A : memref<!tpu.dma_semaphore, #tpu.memory_space<semaphore_mem>>) src(%arg8 : memref<3125x16xf32, #tpu.memory_space<vmem>>) dst(%dma_wait3A_14 : memref<3125x16xf32, #tpu.memory_space<vmem_shared>>)
      tpu.yield
    }) : () -> ()
    %barrier3A = arith.constant 0 : index
    tpu.barrier barrier_id(%barrier3A)
    %scan3A = arith.constant 0 : i32
    %scan3A_3 = arith.constant 0 : i32
    %scan3A_4 = arith.constant 391 : i32
    %scan3A_5 = arith.addi %scan3A_3, %scan3A_4 : i32
    %scan3A_6 = arith.constant 1 : i32
    scf.for %scan3A_9 = %scan3A_3 to %scan3A_5 step %scan3A_6  : i32 {
      %mul3A_10 = arith.constant 16 : i32
      %mul3A_11 = arith.muli %scan3A_9, %mul3A_10 : i32
      %add3A = arith.addi %arg1, %mul3A_11 : i32
      %lt3A = arith.constant 6250 : i32
      %lt3A_12 = arith.cmpi slt, %add3A, %lt3A : i32
      %convert_element_type3A = arith.extui %lt3A_12 : i1 to i32
      %cond3A = arith.constant 0 : i32
      %cond3A_13 = arith.cmpi ne, %convert_element_type3A, %cond3A : i32
      scf.if %cond3A_13 {
        %mul3A_14 = arith.constant 128 : i32
        %mul3A_15 = arith.muli %add3A, %mul3A_14 : i32
        "tpu.region"() ({
          %run_scoped3A = tpu.sem_alloc : memref<!tpu.dma_semaphore, #tpu.memory_space<semaphore_mem>>
          %dma_start3A = tpu.memref_slice %arg3[%mul3A_15] : memref<800000xi32, #tpu.memory_space<hbm>> -> memref<128xi32, #tpu.memory_space<hbm>>
          %dma_start3A_16 = tpu.memref_slice %arg3[%mul3A_15] : memref<800000xi32, #tpu.memory_space<hbm>> -> memref<128xi32, #tpu.memory_space<hbm>>
          tpu.enqueue_dma source(%dma_start3A_16 : memref<128xi32, #tpu.memory_space<hbm>>) target(%arg6 : memref<128xi32, #tpu.memory_space<vmem>>) target_semaphore(%run_scoped3A : memref<!tpu.dma_semaphore, #tpu.memory_space<semaphore_mem>>)
          %dma_wait3A = tpu.memref_slice %arg3[%mul3A_15] : memref<800000xi32, #tpu.memory_space<hbm>> -> memref<128xi32, #tpu.memory_space<hbm>>
          %dma_wait3A_17 = tpu.memref_slice %arg3[%mul3A_15] : memref<800000xi32, #tpu.memory_space<hbm>> -> memref<128xi32, #tpu.memory_space<hbm>>
          tpu.wait_dma2 semaphore(%run_scoped3A : memref<!tpu.dma_semaphore, #tpu.memory_space<semaphore_mem>>) src(%dma_wait3A_17 : memref<128xi32, #tpu.memory_space<hbm>>) dst(%arg6 : memref<128xi32, #tpu.memory_space<vmem>>)
          tpu.yield
        }) : () -> ()
        "tpu.region"() ({
          %run_scoped3A = tpu.sem_alloc : memref<!tpu.dma_semaphore, #tpu.memory_space<semaphore_mem>>
          %dma_start3A = tpu.memref_slice %arg2[%mul3A_15, %mul3A_2] : memref<800000x32xf32, #tpu.memory_space<hbm>> -> memref<128x16xf32, #tpu.memory_space<hbm>>
          %dma_start3A_16 = tpu.memref_slice %arg2[%mul3A_15, %mul3A_2] : memref<800000x32xf32, #tpu.memory_space<hbm>> -> memref<128x16xf32, #tpu.memory_space<hbm>>
          tpu.enqueue_dma source(%dma_start3A_16 : memref<128x16xf32, #tpu.memory_space<hbm>>) target(%arg7 : memref<128x16xf32, #tpu.memory_space<vmem>>) target_semaphore(%run_scoped3A : memref<!tpu.dma_semaphore, #tpu.memory_space<semaphore_mem>>)
          %dma_wait3A = tpu.memref_slice %arg2[%mul3A_15, %mul3A_2] : memref<800000x32xf32, #tpu.memory_space<hbm>> -> memref<128x16xf32, #tpu.memory_space<hbm>>
          %dma_wait3A_17 = tpu.memref_slice %arg2[%mul3A_15, %mul3A_2] : memref<800000x32xf32, #tpu.memory_space<hbm>> -> memref<128x16xf32, #tpu.memory_space<hbm>>
          tpu.wait_dma2 semaphore(%run_scoped3A : memref<!tpu.dma_semaphore, #tpu.memory_space<semaphore_mem>>) src(%dma_wait3A_17 : memref<128x16xf32, #tpu.memory_space<hbm>>) dst(%arg7 : memref<128x16xf32, #tpu.memory_space<vmem>>)
          tpu.yield
        }) : () -> ()
        "tpu.region"() ({
          %run_scoped3A = tpu.sem_alloc : memref<!tpu.dma_semaphore, #tpu.memory_space<semaphore_mem>>
          %dma_start3A = arith.constant 0 : i32
          %dma_start3A_16 = arith.constant 0 : i32
          %dma_start3A_17 = tpu.memref_slice %arg9[%dma_start3A, %dma_start3A_16] : memref<50000x16xf32, #tpu.memory_space<vmem_shared>> -> memref<50000x16xf32, #tpu.memory_space<vmem_shared>>
          tpu.enqueue_indirect_dma source(%arg7 : memref<128x16xf32, #tpu.memory_space<vmem>>) target(%dma_start3A_17 : memref<50000x16xf32, #tpu.memory_space<vmem_shared>>) offsets(%arg6 : memref<128xi32, #tpu.memory_space<vmem>>) semaphore(%run_scoped3A : memref<!tpu.dma_semaphore, #tpu.memory_space<semaphore_mem>>) {add = true}
          %dma_wait3A = arith.constant 0 : i32
          %dma_wait3A_18 = arith.constant 0 : i32
          %dma_wait3A_19 = tpu.memref_slice %arg9[%dma_wait3A, %dma_wait3A_18] : memref<50000x16xf32, #tpu.memory_space<vmem_shared>> -> memref<50000x16xf32, #tpu.memory_space<vmem_shared>>
          tpu.wait_indirect_dma semaphore(%run_scoped3A : memref<!tpu.dma_semaphore, #tpu.memory_space<semaphore_mem>>) src(%arg7 : memref<128x16xf32, #tpu.memory_space<vmem>>) dst(%dma_wait3A_19 : memref<50000x16xf32, #tpu.memory_space<vmem_shared>>)
          tpu.yield
        }) : () -> ()
      } else {
      }
    }
    %scan3A_7 = arith.constant 391 : i32
    %barrier3A_8 = arith.constant 0 : index
    tpu.barrier barrier_id(%barrier3A_8)
    "tpu.region"() ({
      %run_scoped3A = tpu.sem_alloc : memref<!tpu.dma_semaphore, #tpu.memory_space<semaphore_mem>>
      %dma_start3A = arith.constant 0 : i32
      %dma_start3A_9 = tpu.memref_slice %arg9[%mul3A_0, %dma_start3A] : memref<50000x16xf32, #tpu.memory_space<vmem_shared>> -> memref<3125x16xf32, #tpu.memory_space<vmem_shared>>
      %dma_start3A_10 = arith.constant 0 : i32
      %dma_start3A_11 = tpu.memref_slice %arg9[%mul3A_0, %dma_start3A_10] : memref<50000x16xf32, #tpu.memory_space<vmem_shared>> -> memref<3125x16xf32, #tpu.memory_space<vmem_shared>>
      tpu.enqueue_dma source(%dma_start3A_11 : memref<3125x16xf32, #tpu.memory_space<vmem_shared>>) target(%arg8 : memref<3125x16xf32, #tpu.memory_space<vmem>>) target_semaphore(%run_scoped3A : memref<!tpu.dma_semaphore, #tpu.memory_space<semaphore_mem>>)
      %dma_wait3A = arith.constant 0 : i32
      %dma_wait3A_12 = tpu.memref_slice %arg9[%mul3A_0, %dma_wait3A] : memref<50000x16xf32, #tpu.memory_space<vmem_shared>> -> memref<3125x16xf32, #tpu.memory_space<vmem_shared>>
      %dma_wait3A_13 = arith.constant 0 : i32
      %dma_wait3A_14 = tpu.memref_slice %arg9[%mul3A_0, %dma_wait3A_13] : memref<50000x16xf32, #tpu.memory_space<vmem_shared>> -> memref<3125x16xf32, #tpu.memory_space<vmem_shared>>
      tpu.wait_dma2 semaphore(%run_scoped3A : memref<!tpu.dma_semaphore, #tpu.memory_space<semaphore_mem>>) src(%dma_wait3A_14 : memref<3125x16xf32, #tpu.memory_space<vmem_shared>>) dst(%arg8 : memref<3125x16xf32, #tpu.memory_space<vmem>>)
      tpu.yield
    }) : () -> ()
    "tpu.region"() ({
      %run_scoped3A = tpu.sem_alloc : memref<!tpu.dma_semaphore, #tpu.memory_space<semaphore_mem>>
      %dma_start3A = arith.constant 0 : i32
      %dma_start3A_9 = tpu.memref_slice %arg5[%arg0, %mul3A_0, %dma_start3A] : memref<2x50000x16xf32, #tpu.memory_space<hbm>> -> memref<1x3125x16xf32, #tpu.memory_space<hbm>>
      %dma_start3A_10 = tpu.memref_squeeze %dma_start3A_9 : memref<1x3125x16xf32, #tpu.memory_space<hbm>> -> memref<3125x16xf32, #tpu.memory_space<hbm>>
      %dma_start3A_11 = arith.constant 0 : i32
      %dma_start3A_12 = tpu.memref_slice %arg5[%arg0, %mul3A_0, %dma_start3A_11] : memref<2x50000x16xf32, #tpu.memory_space<hbm>> -> memref<1x3125x16xf32, #tpu.memory_space<hbm>>
      %dma_start3A_13 = tpu.memref_squeeze %dma_start3A_12 : memref<1x3125x16xf32, #tpu.memory_space<hbm>> -> memref<3125x16xf32, #tpu.memory_space<hbm>>
      tpu.enqueue_dma source(%arg8 : memref<3125x16xf32, #tpu.memory_space<vmem>>) target(%dma_start3A_13 : memref<3125x16xf32, #tpu.memory_space<hbm>>) target_semaphore(%run_scoped3A : memref<!tpu.dma_semaphore, #tpu.memory_space<semaphore_mem>>)
      %dma_wait3A = arith.constant 0 : i32
      %dma_wait3A_14 = tpu.memref_slice %arg5[%arg0, %mul3A_0, %dma_wait3A] : memref<2x50000x16xf32, #tpu.memory_space<hbm>> -> memref<1x3125x16xf32, #tpu.memory_space<hbm>>
      %dma_wait3A_15 = tpu.memref_squeeze %dma_wait3A_14 : memref<1x3125x16xf32, #tpu.memory_space<hbm>> -> memref<3125x16xf32, #tpu.memory_space<hbm>>
      %dma_wait3A_16 = arith.constant 0 : i32
      %dma_wait3A_17 = tpu.memref_slice %arg5[%arg0, %mul3A_0, %dma_wait3A_16] : memref<2x50000x16xf32, #tpu.memory_space<hbm>> -> memref<1x3125x16xf32, #tpu.memory_space<hbm>>
      %dma_wait3A_18 = tpu.memref_squeeze %dma_wait3A_17 : memref<1x3125x16xf32, #tpu.memory_space<hbm>> -> memref<3125x16xf32, #tpu.memory_space<hbm>>
      tpu.wait_dma2 semaphore(%run_scoped3A : memref<!tpu.dma_semaphore, #tpu.memory_space<semaphore_mem>>) src(%arg8 : memref<3125x16xf32, #tpu.memory_space<vmem>>) dst(%dma_wait3A_18 : memref<3125x16xf32, #tpu.memory_space<hbm>>)
      tpu.yield
    }) : () -> ()
    return
  }
}

#map = affine_map<(d0, d1) -> (0)>
#map1 = affine_map<(d0, d1) -> (0, 0)>
module attributes {stable_mosaic.version = 14 : i64} {
  func.func @k(%arg0: i32, %arg1: i32, %arg2: memref<800000xi32, #tpu.memory_space<hbm>>, %arg3: memref<128x16xf32, #tpu.memory_space<hbm>>, %arg4: memref<50000x16xf32, #tpu.memory_space<hbm>>, %arg5: memref<50000x16xf32, #tpu.memory_space<hbm>>, %arg6: memref<128xi32, #tpu.memory_space<vmem>>, %arg7: memref<128x16xf32, #tpu.memory_space<vmem>>, %arg8: memref<3125x16xf32, #tpu.memory_space<vmem>>, %arg9: memref<50000x16xf32, #tpu.memory_space<vmem_shared>>) attributes {dimension_semantics = [#tpu.dimension_semantics<core_parallel>, #tpu.dimension_semantics<subcore_parallel>], iteration_bounds = array<i64: 2, 16>, scalar_prefetch = 0 : i64, scratch_operands = 4 : i64, tpu.core_type = #tpu.core_type<sc_vector_subcore>, window_params = [{transform_indices = #map}, {transform_indices = #map1}, {transform_indices = #map1}, {transform_indices = #map1}]} {
    %mul3A = arith.constant 3125 : i32
    %mul3A_0 = arith.muli %arg1, %mul3A : i32
    "tpu.region"() ({
      %run_scoped3A = tpu.sem_alloc : memref<!tpu.dma_semaphore, #tpu.memory_space<semaphore_mem>>
      tpu.enqueue_dma source(%arg3 : memref<128x16xf32, #tpu.memory_space<hbm>>) target(%arg7 : memref<128x16xf32, #tpu.memory_space<vmem>>) target_semaphore(%run_scoped3A : memref<!tpu.dma_semaphore, #tpu.memory_space<semaphore_mem>>)
      tpu.wait_dma2 semaphore(%run_scoped3A : memref<!tpu.dma_semaphore, #tpu.memory_space<semaphore_mem>>) src(%arg3 : memref<128x16xf32, #tpu.memory_space<hbm>>) dst(%arg7 : memref<128x16xf32, #tpu.memory_space<vmem>>)
      tpu.yield
    }) : () -> ()
    "tpu.region"() ({
      %run_scoped3A = tpu.sem_alloc : memref<!tpu.dma_semaphore, #tpu.memory_space<semaphore_mem>>
      %dma_start3A = arith.constant 0 : i32
      %dma_start3A_9 = tpu.memref_slice %arg4[%mul3A_0, %dma_start3A] : memref<50000x16xf32, #tpu.memory_space<hbm>> -> memref<3125x16xf32, #tpu.memory_space<hbm>>
      %dma_start3A_10 = arith.constant 0 : i32
      %dma_start3A_11 = tpu.memref_slice %arg4[%mul3A_0, %dma_start3A_10] : memref<50000x16xf32, #tpu.memory_space<hbm>> -> memref<3125x16xf32, #tpu.memory_space<hbm>>
      tpu.enqueue_dma source(%dma_start3A_11 : memref<3125x16xf32, #tpu.memory_space<hbm>>) target(%arg8 : memref<3125x16xf32, #tpu.memory_space<vmem>>) target_semaphore(%run_scoped3A : memref<!tpu.dma_semaphore, #tpu.memory_space<semaphore_mem>>)
      %dma_wait3A = arith.constant 0 : i32
      %dma_wait3A_12 = tpu.memref_slice %arg4[%mul3A_0, %dma_wait3A] : memref<50000x16xf32, #tpu.memory_space<hbm>> -> memref<3125x16xf32, #tpu.memory_space<hbm>>
      %dma_wait3A_13 = arith.constant 0 : i32
      %dma_wait3A_14 = tpu.memref_slice %arg4[%mul3A_0, %dma_wait3A_13] : memref<50000x16xf32, #tpu.memory_space<hbm>> -> memref<3125x16xf32, #tpu.memory_space<hbm>>
      tpu.wait_dma2 semaphore(%run_scoped3A : memref<!tpu.dma_semaphore, #tpu.memory_space<semaphore_mem>>) src(%dma_wait3A_14 : memref<3125x16xf32, #tpu.memory_space<hbm>>) dst(%arg8 : memref<3125x16xf32, #tpu.memory_space<vmem>>)
      tpu.yield
    }) : () -> ()
    "tpu.region"() ({
      %run_scoped3A = tpu.sem_alloc : memref<!tpu.dma_semaphore, #tpu.memory_space<semaphore_mem>>
      %dma_start3A = arith.constant 0 : i32
      %dma_start3A_9 = tpu.memref_slice %arg9[%mul3A_0, %dma_start3A] : memref<50000x16xf32, #tpu.memory_space<vmem_shared>> -> memref<3125x16xf32, #tpu.memory_space<vmem_shared>>
      %dma_start3A_10 = arith.constant 0 : i32
      %dma_start3A_11 = tpu.memref_slice %arg9[%mul3A_0, %dma_start3A_10] : memref<50000x16xf32, #tpu.memory_space<vmem_shared>> -> memref<3125x16xf32, #tpu.memory_space<vmem_shared>>
      tpu.enqueue_dma source(%arg8 : memref<3125x16xf32, #tpu.memory_space<vmem>>) target(%dma_start3A_11 : memref<3125x16xf32, #tpu.memory_space<vmem_shared>>) target_semaphore(%run_scoped3A : memref<!tpu.dma_semaphore, #tpu.memory_space<semaphore_mem>>)
      %dma_wait3A = arith.constant 0 : i32
      %dma_wait3A_12 = tpu.memref_slice %arg9[%mul3A_0, %dma_wait3A] : memref<50000x16xf32, #tpu.memory_space<vmem_shared>> -> memref<3125x16xf32, #tpu.memory_space<vmem_shared>>
      %dma_wait3A_13 = arith.constant 0 : i32
      %dma_wait3A_14 = tpu.memref_slice %arg9[%mul3A_0, %dma_wait3A_13] : memref<50000x16xf32, #tpu.memory_space<vmem_shared>> -> memref<3125x16xf32, #tpu.memory_space<vmem_shared>>
      tpu.wait_dma2 semaphore(%run_scoped3A : memref<!tpu.dma_semaphore, #tpu.memory_space<semaphore_mem>>) src(%arg8 : memref<3125x16xf32, #tpu.memory_space<vmem>>) dst(%dma_wait3A_14 : memref<3125x16xf32, #tpu.memory_space<vmem_shared>>)
      tpu.yield
    }) : () -> ()
    %barrier3A = arith.constant 0 : index
    tpu.barrier barrier_id(%barrier3A)
    %scan3A = arith.constant 0 : i32
    %scan3A_1 = arith.constant 0 : i32
    %scan3A_2 = arith.constant 391 : i32
    %scan3A_3 = arith.addi %scan3A_1, %scan3A_2 : i32
    %scan3A_4 = arith.constant 1 : i32
    scf.for %scan3A_9 = %scan3A_1 to %scan3A_3 step %scan3A_4  : i32 {
      %mul3A_10 = arith.constant 16 : i32
      %mul3A_11 = arith.muli %scan3A_9, %mul3A_10 : i32
      %add3A = arith.addi %arg1, %mul3A_11 : i32
      %lt3A = arith.constant 6250 : i32
      %lt3A_12 = arith.cmpi slt, %add3A, %lt3A : i32
      %convert_element_type3A_13 = arith.extui %lt3A_12 : i1 to i32
      %cond3A_14 = arith.constant 0 : i32
      %cond3A_15 = arith.cmpi ne, %convert_element_type3A_13, %cond3A_14 : i32
      scf.if %cond3A_15 {
        %mul3A_16 = arith.constant 128 : i32
        %mul3A_17 = arith.muli %add3A, %mul3A_16 : i32
        "tpu.region"() ({
          %run_scoped3A = tpu.sem_alloc : memref<!tpu.dma_semaphore, #tpu.memory_space<semaphore_mem>>
          %dma_start3A = tpu.memref_slice %arg2[%mul3A_17] : memref<800000xi32, #tpu.memory_space<hbm>> -> memref<128xi32, #tpu.memory_space<hbm>>
          %dma_start3A_18 = tpu.memref_slice %arg2[%mul3A_17] : memref<800000xi32, #tpu.memory_space<hbm>> -> memref<128xi32, #tpu.memory_space<hbm>>
          tpu.enqueue_dma source(%dma_start3A_18 : memref<128xi32, #tpu.memory_space<hbm>>) target(%arg6 : memref<128xi32, #tpu.memory_space<vmem>>) target_semaphore(%run_scoped3A : memref<!tpu.dma_semaphore, #tpu.memory_space<semaphore_mem>>)
          %dma_wait3A = tpu.memref_slice %arg2[%mul3A_17] : memref<800000xi32, #tpu.memory_space<hbm>> -> memref<128xi32, #tpu.memory_space<hbm>>
          %dma_wait3A_19 = tpu.memref_slice %arg2[%mul3A_17] : memref<800000xi32, #tpu.memory_space<hbm>> -> memref<128xi32, #tpu.memory_space<hbm>>
          tpu.wait_dma2 semaphore(%run_scoped3A : memref<!tpu.dma_semaphore, #tpu.memory_space<semaphore_mem>>) src(%dma_wait3A_19 : memref<128xi32, #tpu.memory_space<hbm>>) dst(%arg6 : memref<128xi32, #tpu.memory_space<vmem>>)
          tpu.yield
        }) : () -> ()
        "tpu.region"() ({
          %run_scoped3A = tpu.sem_alloc : memref<!tpu.dma_semaphore, #tpu.memory_space<semaphore_mem>>
          %dma_start3A = arith.constant 0 : i32
          %dma_start3A_18 = arith.constant 0 : i32
          %dma_start3A_19 = tpu.memref_slice %arg9[%dma_start3A, %dma_start3A_18] : memref<50000x16xf32, #tpu.memory_space<vmem_shared>> -> memref<50000x16xf32, #tpu.memory_space<vmem_shared>>
          tpu.enqueue_indirect_dma source(%arg7 : memref<128x16xf32, #tpu.memory_space<vmem>>) target(%dma_start3A_19 : memref<50000x16xf32, #tpu.memory_space<vmem_shared>>) offsets(%arg6 : memref<128xi32, #tpu.memory_space<vmem>>) semaphore(%run_scoped3A : memref<!tpu.dma_semaphore, #tpu.memory_space<semaphore_mem>>) {add = true}
          %dma_wait3A = arith.constant 0 : i32
          %dma_wait3A_20 = arith.constant 0 : i32
          %dma_wait3A_21 = tpu.memref_slice %arg9[%dma_wait3A, %dma_wait3A_20] : memref<50000x16xf32, #tpu.memory_space<vmem_shared>> -> memref<50000x16xf32, #tpu.memory_space<vmem_shared>>
          tpu.wait_indirect_dma semaphore(%run_scoped3A : memref<!tpu.dma_semaphore, #tpu.memory_space<semaphore_mem>>) src(%arg7 : memref<128x16xf32, #tpu.memory_space<vmem>>) dst(%dma_wait3A_21 : memref<50000x16xf32, #tpu.memory_space<vmem_shared>>)
          tpu.yield
        }) : () -> ()
      } else {
      }
    }
    %scan3A_5 = arith.constant 391 : i32
    %barrier3A_6 = arith.constant 0 : index
    tpu.barrier barrier_id(%barrier3A_6)
    %eq3A = arith.constant 0 : i32
    %eq3A_7 = arith.cmpi eq, %arg0, %eq3A : i32
    %convert_element_type3A = arith.extui %eq3A_7 : i1 to i32
    %cond3A = arith.constant 0 : i32
    %cond3A_8 = arith.cmpi ne, %convert_element_type3A, %cond3A : i32
    scf.if %cond3A_8 {
      "tpu.region"() ({
        %run_scoped3A = tpu.sem_alloc : memref<!tpu.dma_semaphore, #tpu.memory_space<semaphore_mem>>
        %dma_start3A = arith.constant 0 : i32
        %dma_start3A_9 = tpu.memref_slice %arg9[%mul3A_0, %dma_start3A] : memref<50000x16xf32, #tpu.memory_space<vmem_shared>> -> memref<3125x16xf32, #tpu.memory_space<vmem_shared>>
        %dma_start3A_10 = arith.constant 0 : i32
        %dma_start3A_11 = tpu.memref_slice %arg9[%mul3A_0, %dma_start3A_10] : memref<50000x16xf32, #tpu.memory_space<vmem_shared>> -> memref<3125x16xf32, #tpu.memory_space<vmem_shared>>
        tpu.enqueue_dma source(%dma_start3A_11 : memref<3125x16xf32, #tpu.memory_space<vmem_shared>>) target(%arg8 : memref<3125x16xf32, #tpu.memory_space<vmem>>) target_semaphore(%run_scoped3A : memref<!tpu.dma_semaphore, #tpu.memory_space<semaphore_mem>>)
        %dma_wait3A = arith.constant 0 : i32
        %dma_wait3A_12 = tpu.memref_slice %arg9[%mul3A_0, %dma_wait3A] : memref<50000x16xf32, #tpu.memory_space<vmem_shared>> -> memref<3125x16xf32, #tpu.memory_space<vmem_shared>>
        %dma_wait3A_13 = arith.constant 0 : i32
        %dma_wait3A_14 = tpu.memref_slice %arg9[%mul3A_0, %dma_wait3A_13] : memref<50000x16xf32, #tpu.memory_space<vmem_shared>> -> memref<3125x16xf32, #tpu.memory_space<vmem_shared>>
        tpu.wait_dma2 semaphore(%run_scoped3A : memref<!tpu.dma_semaphore, #tpu.memory_space<semaphore_mem>>) src(%dma_wait3A_14 : memref<3125x16xf32, #tpu.memory_space<vmem_shared>>) dst(%arg8 : memref<3125x16xf32, #tpu.memory_space<vmem>>)
        tpu.yield
      }) : () -> ()
      "tpu.region"() ({
        %run_scoped3A = tpu.sem_alloc : memref<!tpu.dma_semaphore, #tpu.memory_space<semaphore_mem>>
        %dma_start3A = arith.constant 0 : i32
        %dma_start3A_9 = tpu.memref_slice %arg5[%mul3A_0, %dma_start3A] : memref<50000x16xf32, #tpu.memory_space<hbm>> -> memref<3125x16xf32, #tpu.memory_space<hbm>>
        %dma_start3A_10 = arith.constant 0 : i32
        %dma_start3A_11 = tpu.memref_slice %arg5[%mul3A_0, %dma_start3A_10] : memref<50000x16xf32, #tpu.memory_space<hbm>> -> memref<3125x16xf32, #tpu.memory_space<hbm>>
        tpu.enqueue_dma source(%arg8 : memref<3125x16xf32, #tpu.memory_space<vmem>>) target(%dma_start3A_11 : memref<3125x16xf32, #tpu.memory_space<hbm>>) target_semaphore(%run_scoped3A : memref<!tpu.dma_semaphore, #tpu.memory_space<semaphore_mem>>)
        %dma_wait3A = arith.constant 0 : i32
        %dma_wait3A_12 = tpu.memref_slice %arg5[%mul3A_0, %dma_wait3A] : memref<50000x16xf32, #tpu.memory_space<hbm>> -> memref<3125x16xf32, #tpu.memory_space<hbm>>
        %dma_wait3A_13 = arith.constant 0 : i32
        %dma_wait3A_14 = tpu.memref_slice %arg5[%mul3A_0, %dma_wait3A_13] : memref<50000x16xf32, #tpu.memory_space<hbm>> -> memref<3125x16xf32, #tpu.memory_space<hbm>>
        tpu.wait_dma2 semaphore(%run_scoped3A : memref<!tpu.dma_semaphore, #tpu.memory_space<semaphore_mem>>) src(%arg8 : memref<3125x16xf32, #tpu.memory_space<vmem>>) dst(%dma_wait3A_14 : memref<3125x16xf32, #tpu.memory_space<hbm>>)
        tpu.yield
      }) : () -> ()
    } else {
    }
    return
  }
}

#map = affine_map<(d0, d1) -> (0, 0)>
#map1 = affine_map<(d0, d1) -> (0)>
#map2 = affine_map<(d0, d1) -> (0, 0, 0)>
module attributes {stable_mosaic.version = 14 : i64} {
  func.func @k(%arg0: i32, %arg1: i32, %arg2: memref<800000x32xf32, #tpu.memory_space<hbm>>, %arg3: memref<800000xi32, #tpu.memory_space<hbm>>, %arg4: memref<50000x16xf32, #tpu.memory_space<hbm>>, %arg5: memref<2x50000x16xf32, #tpu.memory_space<hbm>>, %arg6: memref<128xi32, #tpu.memory_space<vmem>>, %arg7: memref<128x16xf32, #tpu.memory_space<vmem>>, %arg8: memref<3125x16xf32, #tpu.memory_space<vmem>>, %arg9: memref<50000x16xf32, #tpu.memory_space<vmem_shared>>) attributes {dimension_semantics = [#tpu.dimension_semantics<core_parallel>, #tpu.dimension_semantics<subcore_parallel>], iteration_bounds = array<i64: 2, 16>, scalar_prefetch = 0 : i64, scratch_operands = 4 : i64, tpu.core_type = #tpu.core_type<sc_vector_subcore>, window_params = [{transform_indices = #map}, {transform_indices = #map1}, {transform_indices = #map}, {transform_indices = #map2}]} {
    %mul3A = arith.constant 3125 : i32
    %mul3A_0 = arith.muli %arg1, %mul3A : i32
    %mul3A_1 = arith.constant 16 : i32
    %mul3A_2 = arith.muli %arg0, %mul3A_1 : i32
    "tpu.region"() ({
      %run_scoped3A = tpu.sem_alloc : memref<!tpu.dma_semaphore, #tpu.memory_space<semaphore_mem>>
      %dma_start3A = arith.constant 0 : i32
      %dma_start3A_9 = tpu.memref_slice %arg4[%mul3A_0, %dma_start3A] : memref<50000x16xf32, #tpu.memory_space<hbm>> -> memref<3125x16xf32, #tpu.memory_space<hbm>>
      %dma_start3A_10 = arith.constant 0 : i32
      %dma_start3A_11 = tpu.memref_slice %arg4[%mul3A_0, %dma_start3A_10] : memref<50000x16xf32, #tpu.memory_space<hbm>> -> memref<3125x16xf32, #tpu.memory_space<hbm>>
      tpu.enqueue_dma source(%dma_start3A_11 : memref<3125x16xf32, #tpu.memory_space<hbm>>) target(%arg8 : memref<3125x16xf32, #tpu.memory_space<vmem>>) target_semaphore(%run_scoped3A : memref<!tpu.dma_semaphore, #tpu.memory_space<semaphore_mem>>)
      %dma_wait3A = arith.constant 0 : i32
      %dma_wait3A_12 = tpu.memref_slice %arg4[%mul3A_0, %dma_wait3A] : memref<50000x16xf32, #tpu.memory_space<hbm>> -> memref<3125x16xf32, #tpu.memory_space<hbm>>
      %dma_wait3A_13 = arith.constant 0 : i32
      %dma_wait3A_14 = tpu.memref_slice %arg4[%mul3A_0, %dma_wait3A_13] : memref<50000x16xf32, #tpu.memory_space<hbm>> -> memref<3125x16xf32, #tpu.memory_space<hbm>>
      tpu.wait_dma2 semaphore(%run_scoped3A : memref<!tpu.dma_semaphore, #tpu.memory_space<semaphore_mem>>) src(%dma_wait3A_14 : memref<3125x16xf32, #tpu.memory_space<hbm>>) dst(%arg8 : memref<3125x16xf32, #tpu.memory_space<vmem>>)
      tpu.yield
    }) : () -> ()
    "tpu.region"() ({
      %run_scoped3A = tpu.sem_alloc : memref<!tpu.dma_semaphore, #tpu.memory_space<semaphore_mem>>
      %dma_start3A = arith.constant 0 : i32
      %dma_start3A_9 = tpu.memref_slice %arg9[%mul3A_0, %dma_start3A] : memref<50000x16xf32, #tpu.memory_space<vmem_shared>> -> memref<3125x16xf32, #tpu.memory_space<vmem_shared>>
      %dma_start3A_10 = arith.constant 0 : i32
      %dma_start3A_11 = tpu.memref_slice %arg9[%mul3A_0, %dma_start3A_10] : memref<50000x16xf32, #tpu.memory_space<vmem_shared>> -> memref<3125x16xf32, #tpu.memory_space<vmem_shared>>
      tpu.enqueue_dma source(%arg8 : memref<3125x16xf32, #tpu.memory_space<vmem>>) target(%dma_start3A_11 : memref<3125x16xf32, #tpu.memory_space<vmem_shared>>) target_semaphore(%run_scoped3A : memref<!tpu.dma_semaphore, #tpu.memory_space<semaphore_mem>>)
      %dma_wait3A = arith.constant 0 : i32
      %dma_wait3A_12 = tpu.memref_slice %arg9[%mul3A_0, %dma_wait3A] : memref<50000x16xf32, #tpu.memory_space<vmem_shared>> -> memref<3125x16xf32, #tpu.memory_space<vmem_shared>>
      %dma_wait3A_13 = arith.constant 0 : i32
      %dma_wait3A_14 = tpu.memref_slice %arg9[%mul3A_0, %dma_wait3A_13] : memref<50000x16xf32, #tpu.memory_space<vmem_shared>> -> memref<3125x16xf32, #tpu.memory_space<vmem_shared>>
      tpu.wait_dma2 semaphore(%run_scoped3A : memref<!tpu.dma_semaphore, #tpu.memory_space<semaphore_mem>>) src(%arg8 : memref<3125x16xf32, #tpu.memory_space<vmem>>) dst(%dma_wait3A_14 : memref<3125x16xf32, #tpu.memory_space<vmem_shared>>)
      tpu.yield
    }) : () -> ()
    %barrier3A = arith.constant 0 : index
    tpu.barrier barrier_id(%barrier3A)
    %scan3A = arith.constant 0 : i32
    %scan3A_3 = arith.constant 0 : i32
    %scan3A_4 = arith.constant 391 : i32
    %scan3A_5 = arith.addi %scan3A_3, %scan3A_4 : i32
    %scan3A_6 = arith.constant 1 : i32
    scf.for %scan3A_9 = %scan3A_3 to %scan3A_5 step %scan3A_6  : i32 {
      %mul3A_10 = arith.constant 16 : i32
      %mul3A_11 = arith.muli %scan3A_9, %mul3A_10 : i32
      %add3A = arith.addi %arg1, %mul3A_11 : i32
      %lt3A = arith.constant 6250 : i32
      %lt3A_12 = arith.cmpi slt, %add3A, %lt3A : i32
      %convert_element_type3A = arith.extui %lt3A_12 : i1 to i32
      %cond3A = arith.constant 0 : i32
      %cond3A_13 = arith.cmpi ne, %convert_element_type3A, %cond3A : i32
      scf.if %cond3A_13 {
        %mul3A_14 = arith.constant 128 : i32
        %mul3A_15 = arith.muli %add3A, %mul3A_14 : i32
        "tpu.region"() ({
          %run_scoped3A = tpu.sem_alloc : memref<!tpu.dma_semaphore, #tpu.memory_space<semaphore_mem>>
          %dma_start3A = tpu.memref_slice %arg3[%mul3A_15] : memref<800000xi32, #tpu.memory_space<hbm>> -> memref<128xi32, #tpu.memory_space<hbm>>
          %dma_start3A_16 = tpu.memref_slice %arg3[%mul3A_15] : memref<800000xi32, #tpu.memory_space<hbm>> -> memref<128xi32, #tpu.memory_space<hbm>>
          tpu.enqueue_dma source(%dma_start3A_16 : memref<128xi32, #tpu.memory_space<hbm>>) target(%arg6 : memref<128xi32, #tpu.memory_space<vmem>>) target_semaphore(%run_scoped3A : memref<!tpu.dma_semaphore, #tpu.memory_space<semaphore_mem>>)
          %dma_wait3A = tpu.memref_slice %arg3[%mul3A_15] : memref<800000xi32, #tpu.memory_space<hbm>> -> memref<128xi32, #tpu.memory_space<hbm>>
          %dma_wait3A_17 = tpu.memref_slice %arg3[%mul3A_15] : memref<800000xi32, #tpu.memory_space<hbm>> -> memref<128xi32, #tpu.memory_space<hbm>>
          tpu.wait_dma2 semaphore(%run_scoped3A : memref<!tpu.dma_semaphore, #tpu.memory_space<semaphore_mem>>) src(%dma_wait3A_17 : memref<128xi32, #tpu.memory_space<hbm>>) dst(%arg6 : memref<128xi32, #tpu.memory_space<vmem>>)
          tpu.yield
        }) : () -> ()
        "tpu.region"() ({
          %run_scoped3A = tpu.sem_alloc : memref<!tpu.dma_semaphore, #tpu.memory_space<semaphore_mem>>
          %dma_start3A = tpu.memref_slice %arg2[%mul3A_15, %mul3A_2] : memref<800000x32xf32, #tpu.memory_space<hbm>> -> memref<128x16xf32, #tpu.memory_space<hbm>>
          %dma_start3A_16 = tpu.memref_slice %arg2[%mul3A_15, %mul3A_2] : memref<800000x32xf32, #tpu.memory_space<hbm>> -> memref<128x16xf32, #tpu.memory_space<hbm>>
          tpu.enqueue_dma source(%dma_start3A_16 : memref<128x16xf32, #tpu.memory_space<hbm>>) target(%arg7 : memref<128x16xf32, #tpu.memory_space<vmem>>) target_semaphore(%run_scoped3A : memref<!tpu.dma_semaphore, #tpu.memory_space<semaphore_mem>>)
          %dma_wait3A = tpu.memref_slice %arg2[%mul3A_15, %mul3A_2] : memref<800000x32xf32, #tpu.memory_space<hbm>> -> memref<128x16xf32, #tpu.memory_space<hbm>>
          %dma_wait3A_17 = tpu.memref_slice %arg2[%mul3A_15, %mul3A_2] : memref<800000x32xf32, #tpu.memory_space<hbm>> -> memref<128x16xf32, #tpu.memory_space<hbm>>
          tpu.wait_dma2 semaphore(%run_scoped3A : memref<!tpu.dma_semaphore, #tpu.memory_space<semaphore_mem>>) src(%dma_wait3A_17 : memref<128x16xf32, #tpu.memory_space<hbm>>) dst(%arg7 : memref<128x16xf32, #tpu.memory_space<vmem>>)
          tpu.yield
        }) : () -> ()
        "tpu.region"() ({
          %run_scoped3A = tpu.sem_alloc : memref<!tpu.dma_semaphore, #tpu.memory_space<semaphore_mem>>
          %dma_start3A = arith.constant 0 : i32
          %dma_start3A_16 = arith.constant 0 : i32
          %dma_start3A_17 = tpu.memref_slice %arg9[%dma_start3A, %dma_start3A_16] : memref<50000x16xf32, #tpu.memory_space<vmem_shared>> -> memref<50000x16xf32, #tpu.memory_space<vmem_shared>>
          tpu.enqueue_indirect_dma source(%arg7 : memref<128x16xf32, #tpu.memory_space<vmem>>) target(%dma_start3A_17 : memref<50000x16xf32, #tpu.memory_space<vmem_shared>>) offsets(%arg6 : memref<128xi32, #tpu.memory_space<vmem>>) semaphore(%run_scoped3A : memref<!tpu.dma_semaphore, #tpu.memory_space<semaphore_mem>>) {add = true}
          %dma_wait3A = arith.constant 0 : i32
          %dma_wait3A_18 = arith.constant 0 : i32
          %dma_wait3A_19 = tpu.memref_slice %arg9[%dma_wait3A, %dma_wait3A_18] : memref<50000x16xf32, #tpu.memory_space<vmem_shared>> -> memref<50000x16xf32, #tpu.memory_space<vmem_shared>>
          tpu.wait_indirect_dma semaphore(%run_scoped3A : memref<!tpu.dma_semaphore, #tpu.memory_space<semaphore_mem>>) src(%arg7 : memref<128x16xf32, #tpu.memory_space<vmem>>) dst(%dma_wait3A_19 : memref<50000x16xf32, #tpu.memory_space<vmem_shared>>)
          tpu.yield
        }) : () -> ()
      } else {
      }
    }
    %scan3A_7 = arith.constant 391 : i32
    %barrier3A_8 = arith.constant 0 : index
    tpu.barrier barrier_id(%barrier3A_8)
    "tpu.region"() ({
      %run_scoped3A = tpu.sem_alloc : memref<!tpu.dma_semaphore, #tpu.memory_space<semaphore_mem>>
      %dma_start3A = arith.constant 0 : i32
      %dma_start3A_9 = tpu.memref_slice %arg9[%mul3A_0, %dma_start3A] : memref<50000x16xf32, #tpu.memory_space<vmem_shared>> -> memref<3125x16xf32, #tpu.memory_space<vmem_shared>>
      %dma_start3A_10 = arith.constant 0 : i32
      %dma_start3A_11 = tpu.memref_slice %arg9[%mul3A_0, %dma_start3A_10] : memref<50000x16xf32, #tpu.memory_space<vmem_shared>> -> memref<3125x16xf32, #tpu.memory_space<vmem_shared>>
      tpu.enqueue_dma source(%dma_start3A_11 : memref<3125x16xf32, #tpu.memory_space<vmem_shared>>) target(%arg8 : memref<3125x16xf32, #tpu.memory_space<vmem>>) target_semaphore(%run_scoped3A : memref<!tpu.dma_semaphore, #tpu.memory_space<semaphore_mem>>)
      %dma_wait3A = arith.constant 0 : i32
      %dma_wait3A_12 = tpu.memref_slice %arg9[%mul3A_0, %dma_wait3A] : memref<50000x16xf32, #tpu.memory_space<vmem_shared>> -> memref<3125x16xf32, #tpu.memory_space<vmem_shared>>
      %dma_wait3A_13 = arith.constant 0 : i32
      %dma_wait3A_14 = tpu.memref_slice %arg9[%mul3A_0, %dma_wait3A_13] : memref<50000x16xf32, #tpu.memory_space<vmem_shared>> -> memref<3125x16xf32, #tpu.memory_space<vmem_shared>>
      tpu.wait_dma2 semaphore(%run_scoped3A : memref<!tpu.dma_semaphore, #tpu.memory_space<semaphore_mem>>) src(%dma_wait3A_14 : memref<3125x16xf32, #tpu.memory_space<vmem_shared>>) dst(%arg8 : memref<3125x16xf32, #tpu.memory_space<vmem>>)
      tpu.yield
    }) : () -> ()
    "tpu.region"() ({
      %run_scoped3A = tpu.sem_alloc : memref<!tpu.dma_semaphore, #tpu.memory_space<semaphore_mem>>
      %dma_start3A = arith.constant 0 : i32
      %dma_start3A_9 = tpu.memref_slice %arg5[%arg0, %mul3A_0, %dma_start3A] : memref<2x50000x16xf32, #tpu.memory_space<hbm>> -> memref<1x3125x16xf32, #tpu.memory_space<hbm>>
      %dma_start3A_10 = tpu.memref_squeeze %dma_start3A_9 : memref<1x3125x16xf32, #tpu.memory_space<hbm>> -> memref<3125x16xf32, #tpu.memory_space<hbm>>
      %dma_start3A_11 = arith.constant 0 : i32
      %dma_start3A_12 = tpu.memref_slice %arg5[%arg0, %mul3A_0, %dma_start3A_11] : memref<2x50000x16xf32, #tpu.memory_space<hbm>> -> memref<1x3125x16xf32, #tpu.memory_space<hbm>>
      %dma_start3A_13 = tpu.memref_squeeze %dma_start3A_12 : memref<1x3125x16xf32, #tpu.memory_space<hbm>> -> memref<3125x16xf32, #tpu.memory_space<hbm>>
      tpu.enqueue_dma source(%arg8 : memref<3125x16xf32, #tpu.memory_space<vmem>>) target(%dma_start3A_13 : memref<3125x16xf32, #tpu.memory_space<hbm>>) target_semaphore(%run_scoped3A : memref<!tpu.dma_semaphore, #tpu.memory_space<semaphore_mem>>)
      %dma_wait3A = arith.constant 0 : i32
      %dma_wait3A_14 = tpu.memref_slice %arg5[%arg0, %mul3A_0, %dma_wait3A] : memref<2x50000x16xf32, #tpu.memory_space<hbm>> -> memref<1x3125x16xf32, #tpu.memory_space<hbm>>
      %dma_wait3A_15 = tpu.memref_squeeze %dma_wait3A_14 : memref<1x3125x16xf32, #tpu.memory_space<hbm>> -> memref<3125x16xf32, #tpu.memory_space<hbm>>
      %dma_wait3A_16 = arith.constant 0 : i32
      %dma_wait3A_17 = tpu.memref_slice %arg5[%arg0, %mul3A_0, %dma_wait3A_16] : memref<2x50000x16xf32, #tpu.memory_space<hbm>> -> memref<1x3125x16xf32, #tpu.memory_space<hbm>>
      %dma_wait3A_18 = tpu.memref_squeeze %dma_wait3A_17 : memref<1x3125x16xf32, #tpu.memory_space<hbm>> -> memref<3125x16xf32, #tpu.memory_space<hbm>>
      tpu.wait_dma2 semaphore(%run_scoped3A : memref<!tpu.dma_semaphore, #tpu.memory_space<semaphore_mem>>) src(%arg8 : memref<3125x16xf32, #tpu.memory_space<vmem>>) dst(%dma_wait3A_18 : memref<3125x16xf32, #tpu.memory_space<hbm>>)
      tpu.yield
    }) : () -> ()
    return
  }
}

#map = affine_map<(d0, d1) -> (0, 0)>
#map1 = affine_map<(d0, d1) -> (0)>
module attributes {stable_mosaic.version = 14 : i64} {
  func.func @k(%arg0: i32, %arg1: i32, %arg2: memref<50000x16xf32, #tpu.memory_space<hbm>>, %arg3: memref<800000xi32, #tpu.memory_space<hbm>>, %arg4: memref<800000xi32, #tpu.memory_space<hbm>>, %arg5: memref<800000x16xf32, #tpu.memory_space<hbm>>, %arg6: memref<800000x16xf32, #tpu.memory_space<hbm>>, %arg7: memref<128xi32, #tpu.memory_space<vmem>>, %arg8: memref<128xi32, #tpu.memory_space<vmem>>, %arg9: memref<128x16xf32, #tpu.memory_space<vmem>>, %arg10: memref<128x16xf32, #tpu.memory_space<vmem>>, %arg11: memref<!tpu.dma_semaphore, #tpu.memory_space<semaphore_mem>>, %arg12: memref<!tpu.dma_semaphore, #tpu.memory_space<semaphore_mem>>) attributes {dimension_semantics = [#tpu.dimension_semantics<core_parallel>, #tpu.dimension_semantics<subcore_parallel>], iteration_bounds = array<i64: 2, 16>, scalar_prefetch = 0 : i64, scratch_operands = 6 : i64, tpu.core_type = #tpu.core_type<sc_vector_subcore>, window_params = [{transform_indices = #map}, {transform_indices = #map1}, {transform_indices = #map1}, {transform_indices = #map}, {transform_indices = #map}]} {
    %mul3A = arith.constant 2 : i32
    %mul3A_0 = arith.muli %arg1, %mul3A : i32
    %add3A = arith.addi %mul3A_0, %arg0 : i32
    %scan3A = arith.constant 0 : i32
    %scan3A_1 = arith.constant 0 : i32
    %scan3A_2 = arith.constant 196 : i32
    %scan3A_3 = arith.addi %scan3A_1, %scan3A_2 : i32
    %scan3A_4 = arith.constant 1 : i32
    scf.for %scan3A_6 = %scan3A_1 to %scan3A_3 step %scan3A_4  : i32 {
      %mul3A_7 = arith.constant 32 : i32
      %mul3A_8 = arith.muli %scan3A_6, %mul3A_7 : i32
      %add3A_9 = arith.addi %add3A, %mul3A_8 : i32
      %lt3A = arith.constant 6250 : i32
      %lt3A_10 = arith.cmpi slt, %add3A_9, %lt3A : i32
      %convert_element_type3A = arith.extui %lt3A_10 : i1 to i32
      %cond3A = arith.constant 0 : i32
      %cond3A_11 = arith.cmpi ne, %convert_element_type3A, %cond3A : i32
      scf.if %cond3A_11 {
        %mul3A_12 = arith.constant 128 : i32
        %mul3A_13 = arith.muli %add3A_9, %mul3A_12 : i32
        "tpu.region"() ({
          %run_scoped3A = tpu.sem_alloc : memref<!tpu.dma_semaphore, #tpu.memory_space<semaphore_mem>>
          %dma_start3A_24 = tpu.memref_slice %arg3[%mul3A_13] : memref<800000xi32, #tpu.memory_space<hbm>> -> memref<128xi32, #tpu.memory_space<hbm>>
          %dma_start3A_25 = tpu.memref_slice %arg3[%mul3A_13] : memref<800000xi32, #tpu.memory_space<hbm>> -> memref<128xi32, #tpu.memory_space<hbm>>
          tpu.enqueue_dma source(%dma_start3A_25 : memref<128xi32, #tpu.memory_space<hbm>>) target(%arg7 : memref<128xi32, #tpu.memory_space<vmem>>) target_semaphore(%run_scoped3A : memref<!tpu.dma_semaphore, #tpu.memory_space<semaphore_mem>>)
          %dma_wait3A_26 = tpu.memref_slice %arg3[%mul3A_13] : memref<800000xi32, #tpu.memory_space<hbm>> -> memref<128xi32, #tpu.memory_space<hbm>>
          %dma_wait3A_27 = tpu.memref_slice %arg3[%mul3A_13] : memref<800000xi32, #tpu.memory_space<hbm>> -> memref<128xi32, #tpu.memory_space<hbm>>
          tpu.wait_dma2 semaphore(%run_scoped3A : memref<!tpu.dma_semaphore, #tpu.memory_space<semaphore_mem>>) src(%dma_wait3A_27 : memref<128xi32, #tpu.memory_space<hbm>>) dst(%arg7 : memref<128xi32, #tpu.memory_space<vmem>>)
          tpu.yield
        }) : () -> ()
        "tpu.region"() ({
          %run_scoped3A = tpu.sem_alloc : memref<!tpu.dma_semaphore, #tpu.memory_space<semaphore_mem>>
          %dma_start3A_24 = tpu.memref_slice %arg4[%mul3A_13] : memref<800000xi32, #tpu.memory_space<hbm>> -> memref<128xi32, #tpu.memory_space<hbm>>
          %dma_start3A_25 = tpu.memref_slice %arg4[%mul3A_13] : memref<800000xi32, #tpu.memory_space<hbm>> -> memref<128xi32, #tpu.memory_space<hbm>>
          tpu.enqueue_dma source(%dma_start3A_25 : memref<128xi32, #tpu.memory_space<hbm>>) target(%arg8 : memref<128xi32, #tpu.memory_space<vmem>>) target_semaphore(%run_scoped3A : memref<!tpu.dma_semaphore, #tpu.memory_space<semaphore_mem>>)
          %dma_wait3A_26 = tpu.memref_slice %arg4[%mul3A_13] : memref<800000xi32, #tpu.memory_space<hbm>> -> memref<128xi32, #tpu.memory_space<hbm>>
          %dma_wait3A_27 = tpu.memref_slice %arg4[%mul3A_13] : memref<800000xi32, #tpu.memory_space<hbm>> -> memref<128xi32, #tpu.memory_space<hbm>>
          tpu.wait_dma2 semaphore(%run_scoped3A : memref<!tpu.dma_semaphore, #tpu.memory_space<semaphore_mem>>) src(%dma_wait3A_27 : memref<128xi32, #tpu.memory_space<hbm>>) dst(%arg8 : memref<128xi32, #tpu.memory_space<vmem>>)
          tpu.yield
        }) : () -> ()
        %dma_start3A = arith.constant 0 : i32
        %dma_start3A_14 = arith.constant 0 : i32
        %dma_start3A_15 = tpu.memref_slice %arg2[%dma_start3A, %dma_start3A_14] : memref<50000x16xf32, #tpu.memory_space<hbm>> -> memref<50000x16xf32, #tpu.memory_space<hbm>>
        tpu.enqueue_indirect_dma source(%dma_start3A_15 : memref<50000x16xf32, #tpu.memory_space<hbm>>) target(%arg9 : memref<128x16xf32, #tpu.memory_space<vmem>>) offsets(%arg7 : memref<128xi32, #tpu.memory_space<vmem>>) semaphore(%arg11 : memref<!tpu.dma_semaphore, #tpu.memory_space<semaphore_mem>>)
        %dma_start3A_16 = arith.constant 0 : i32
        %dma_start3A_17 = arith.constant 0 : i32
        %dma_start3A_18 = tpu.memref_slice %arg2[%dma_start3A_16, %dma_start3A_17] : memref<50000x16xf32, #tpu.memory_space<hbm>> -> memref<50000x16xf32, #tpu.memory_space<hbm>>
        tpu.enqueue_indirect_dma source(%dma_start3A_18 : memref<50000x16xf32, #tpu.memory_space<hbm>>) target(%arg10 : memref<128x16xf32, #tpu.memory_space<vmem>>) offsets(%arg8 : memref<128xi32, #tpu.memory_space<vmem>>) semaphore(%arg12 : memref<!tpu.dma_semaphore, #tpu.memory_space<semaphore_mem>>)
        %dma_wait3A = arith.constant 0 : i32
        %dma_wait3A_19 = arith.constant 0 : i32
        %dma_wait3A_20 = tpu.memref_slice %arg2[%dma_wait3A, %dma_wait3A_19] : memref<50000x16xf32, #tpu.memory_space<hbm>> -> memref<50000x16xf32, #tpu.memory_space<hbm>>
        tpu.wait_indirect_dma semaphore(%arg11 : memref<!tpu.dma_semaphore, #tpu.memory_space<semaphore_mem>>) src(%dma_wait3A_20 : memref<50000x16xf32, #tpu.memory_space<hbm>>) dst(%arg9 : memref<128x16xf32, #tpu.memory_space<vmem>>)
        %dma_wait3A_21 = arith.constant 0 : i32
        %dma_wait3A_22 = arith.constant 0 : i32
        %dma_wait3A_23 = tpu.memref_slice %arg2[%dma_wait3A_21, %dma_wait3A_22] : memref<50000x16xf32, #tpu.memory_space<hbm>> -> memref<50000x16xf32, #tpu.memory_space<hbm>>
        tpu.wait_indirect_dma semaphore(%arg12 : memref<!tpu.dma_semaphore, #tpu.memory_space<semaphore_mem>>) src(%dma_wait3A_23 : memref<50000x16xf32, #tpu.memory_space<hbm>>) dst(%arg10 : memref<128x16xf32, #tpu.memory_space<vmem>>)
        "tpu.region"() ({
          %run_scoped3A = tpu.sem_alloc : memref<!tpu.dma_semaphore, #tpu.memory_space<semaphore_mem>>
          %dma_start3A_24 = arith.constant 0 : i32
          %dma_start3A_25 = tpu.memref_slice %arg5[%mul3A_13, %dma_start3A_24] : memref<800000x16xf32, #tpu.memory_space<hbm>> -> memref<128x16xf32, #tpu.memory_space<hbm>>
          %dma_start3A_26 = arith.constant 0 : i32
          %dma_start3A_27 = tpu.memref_slice %arg5[%mul3A_13, %dma_start3A_26] : memref<800000x16xf32, #tpu.memory_space<hbm>> -> memref<128x16xf32, #tpu.memory_space<hbm>>
          tpu.enqueue_dma source(%arg9 : memref<128x16xf32, #tpu.memory_space<vmem>>) target(%dma_start3A_27 : memref<128x16xf32, #tpu.memory_space<hbm>>) target_semaphore(%run_scoped3A : memref<!tpu.dma_semaphore, #tpu.memory_space<semaphore_mem>>)
          %dma_wait3A_28 = arith.constant 0 : i32
          %dma_wait3A_29 = tpu.memref_slice %arg5[%mul3A_13, %dma_wait3A_28] : memref<800000x16xf32, #tpu.memory_space<hbm>> -> memref<128x16xf32, #tpu.memory_space<hbm>>
          %dma_wait3A_30 = arith.constant 0 : i32
          %dma_wait3A_31 = tpu.memref_slice %arg5[%mul3A_13, %dma_wait3A_30] : memref<800000x16xf32, #tpu.memory_space<hbm>> -> memref<128x16xf32, #tpu.memory_space<hbm>>
          tpu.wait_dma2 semaphore(%run_scoped3A : memref<!tpu.dma_semaphore, #tpu.memory_space<semaphore_mem>>) src(%arg9 : memref<128x16xf32, #tpu.memory_space<vmem>>) dst(%dma_wait3A_31 : memref<128x16xf32, #tpu.memory_space<hbm>>)
          tpu.yield
        }) : () -> ()
        "tpu.region"() ({
          %run_scoped3A = tpu.sem_alloc : memref<!tpu.dma_semaphore, #tpu.memory_space<semaphore_mem>>
          %dma_start3A_24 = arith.constant 0 : i32
          %dma_start3A_25 = tpu.memref_slice %arg6[%mul3A_13, %dma_start3A_24] : memref<800000x16xf32, #tpu.memory_space<hbm>> -> memref<128x16xf32, #tpu.memory_space<hbm>>
          %dma_start3A_26 = arith.constant 0 : i32
          %dma_start3A_27 = tpu.memref_slice %arg6[%mul3A_13, %dma_start3A_26] : memref<800000x16xf32, #tpu.memory_space<hbm>> -> memref<128x16xf32, #tpu.memory_space<hbm>>
          tpu.enqueue_dma source(%arg10 : memref<128x16xf32, #tpu.memory_space<vmem>>) target(%dma_start3A_27 : memref<128x16xf32, #tpu.memory_space<hbm>>) target_semaphore(%run_scoped3A : memref<!tpu.dma_semaphore, #tpu.memory_space<semaphore_mem>>)
          %dma_wait3A_28 = arith.constant 0 : i32
          %dma_wait3A_29 = tpu.memref_slice %arg6[%mul3A_13, %dma_wait3A_28] : memref<800000x16xf32, #tpu.memory_space<hbm>> -> memref<128x16xf32, #tpu.memory_space<hbm>>
          %dma_wait3A_30 = arith.constant 0 : i32
          %dma_wait3A_31 = tpu.memref_slice %arg6[%mul3A_13, %dma_wait3A_30] : memref<800000x16xf32, #tpu.memory_space<hbm>> -> memref<128x16xf32, #tpu.memory_space<hbm>>
          tpu.wait_dma2 semaphore(%run_scoped3A : memref<!tpu.dma_semaphore, #tpu.memory_space<semaphore_mem>>) src(%arg10 : memref<128x16xf32, #tpu.memory_space<vmem>>) dst(%dma_wait3A_31 : memref<128x16xf32, #tpu.memory_space<hbm>>)
          tpu.yield
        }) : () -> ()
      } else {
      }
    }
    %scan3A_5 = arith.constant 196 : i32
    return
  }
}

#map = affine_map<(d0, d1) -> (0, 0)>
#map1 = affine_map<(d0, d1) -> (0)>
#map2 = affine_map<(d0, d1) -> (0, 0, 0)>
module attributes {stable_mosaic.version = 14 : i64} {
  func.func @k(%arg0: i32, %arg1: i32, %arg2: memref<800000x32xf32, #tpu.memory_space<hbm>>, %arg3: memref<800000xi32, #tpu.memory_space<hbm>>, %arg4: memref<50000x16xf32, #tpu.memory_space<hbm>>, %arg5: memref<2x50000x16xf32, #tpu.memory_space<hbm>>, %arg6: memref<128xi32, #tpu.memory_space<vmem>>, %arg7: memref<128x16xf32, #tpu.memory_space<vmem>>, %arg8: memref<3125x16xf32, #tpu.memory_space<vmem>>, %arg9: memref<50000x16xf32, #tpu.memory_space<vmem_shared>>) attributes {dimension_semantics = [#tpu.dimension_semantics<core_parallel>, #tpu.dimension_semantics<subcore_parallel>], iteration_bounds = array<i64: 2, 16>, scalar_prefetch = 0 : i64, scratch_operands = 4 : i64, tpu.core_type = #tpu.core_type<sc_vector_subcore>, window_params = [{transform_indices = #map}, {transform_indices = #map1}, {transform_indices = #map}, {transform_indices = #map2}]} {
    %mul3A = arith.constant 3125 : i32
    %mul3A_0 = arith.muli %arg1, %mul3A : i32
    %mul3A_1 = arith.constant 16 : i32
    %mul3A_2 = arith.muli %arg0, %mul3A_1 : i32
    "tpu.region"() ({
      %run_scoped3A = tpu.sem_alloc : memref<!tpu.dma_semaphore, #tpu.memory_space<semaphore_mem>>
      %dma_start3A = arith.constant 0 : i32
      %dma_start3A_9 = tpu.memref_slice %arg4[%mul3A_0, %dma_start3A] : memref<50000x16xf32, #tpu.memory_space<hbm>> -> memref<3125x16xf32, #tpu.memory_space<hbm>>
      %dma_start3A_10 = arith.constant 0 : i32
      %dma_start3A_11 = tpu.memref_slice %arg4[%mul3A_0, %dma_start3A_10] : memref<50000x16xf32, #tpu.memory_space<hbm>> -> memref<3125x16xf32, #tpu.memory_space<hbm>>
      tpu.enqueue_dma source(%dma_start3A_11 : memref<3125x16xf32, #tpu.memory_space<hbm>>) target(%arg8 : memref<3125x16xf32, #tpu.memory_space<vmem>>) target_semaphore(%run_scoped3A : memref<!tpu.dma_semaphore, #tpu.memory_space<semaphore_mem>>)
      %dma_wait3A = arith.constant 0 : i32
      %dma_wait3A_12 = tpu.memref_slice %arg4[%mul3A_0, %dma_wait3A] : memref<50000x16xf32, #tpu.memory_space<hbm>> -> memref<3125x16xf32, #tpu.memory_space<hbm>>
      %dma_wait3A_13 = arith.constant 0 : i32
      %dma_wait3A_14 = tpu.memref_slice %arg4[%mul3A_0, %dma_wait3A_13] : memref<50000x16xf32, #tpu.memory_space<hbm>> -> memref<3125x16xf32, #tpu.memory_space<hbm>>
      tpu.wait_dma2 semaphore(%run_scoped3A : memref<!tpu.dma_semaphore, #tpu.memory_space<semaphore_mem>>) src(%dma_wait3A_14 : memref<3125x16xf32, #tpu.memory_space<hbm>>) dst(%arg8 : memref<3125x16xf32, #tpu.memory_space<vmem>>)
      tpu.yield
    }) : () -> ()
    "tpu.region"() ({
      %run_scoped3A = tpu.sem_alloc : memref<!tpu.dma_semaphore, #tpu.memory_space<semaphore_mem>>
      %dma_start3A = arith.constant 0 : i32
      %dma_start3A_9 = tpu.memref_slice %arg9[%mul3A_0, %dma_start3A] : memref<50000x16xf32, #tpu.memory_space<vmem_shared>> -> memref<3125x16xf32, #tpu.memory_space<vmem_shared>>
      %dma_start3A_10 = arith.constant 0 : i32
      %dma_start3A_11 = tpu.memref_slice %arg9[%mul3A_0, %dma_start3A_10] : memref<50000x16xf32, #tpu.memory_space<vmem_shared>> -> memref<3125x16xf32, #tpu.memory_space<vmem_shared>>
      tpu.enqueue_dma source(%arg8 : memref<3125x16xf32, #tpu.memory_space<vmem>>) target(%dma_start3A_11 : memref<3125x16xf32, #tpu.memory_space<vmem_shared>>) target_semaphore(%run_scoped3A : memref<!tpu.dma_semaphore, #tpu.memory_space<semaphore_mem>>)
      %dma_wait3A = arith.constant 0 : i32
      %dma_wait3A_12 = tpu.memref_slice %arg9[%mul3A_0, %dma_wait3A] : memref<50000x16xf32, #tpu.memory_space<vmem_shared>> -> memref<3125x16xf32, #tpu.memory_space<vmem_shared>>
      %dma_wait3A_13 = arith.constant 0 : i32
      %dma_wait3A_14 = tpu.memref_slice %arg9[%mul3A_0, %dma_wait3A_13] : memref<50000x16xf32, #tpu.memory_space<vmem_shared>> -> memref<3125x16xf32, #tpu.memory_space<vmem_shared>>
      tpu.wait_dma2 semaphore(%run_scoped3A : memref<!tpu.dma_semaphore, #tpu.memory_space<semaphore_mem>>) src(%arg8 : memref<3125x16xf32, #tpu.memory_space<vmem>>) dst(%dma_wait3A_14 : memref<3125x16xf32, #tpu.memory_space<vmem_shared>>)
      tpu.yield
    }) : () -> ()
    %barrier3A = arith.constant 0 : index
    tpu.barrier barrier_id(%barrier3A)
    %scan3A = arith.constant 0 : i32
    %scan3A_3 = arith.constant 0 : i32
    %scan3A_4 = arith.constant 391 : i32
    %scan3A_5 = arith.addi %scan3A_3, %scan3A_4 : i32
    %scan3A_6 = arith.constant 1 : i32
    scf.for %scan3A_9 = %scan3A_3 to %scan3A_5 step %scan3A_6  : i32 {
      %mul3A_10 = arith.constant 16 : i32
      %mul3A_11 = arith.muli %scan3A_9, %mul3A_10 : i32
      %add3A = arith.addi %arg1, %mul3A_11 : i32
      %lt3A = arith.constant 6250 : i32
      %lt3A_12 = arith.cmpi slt, %add3A, %lt3A : i32
      %convert_element_type3A = arith.extui %lt3A_12 : i1 to i32
      %cond3A = arith.constant 0 : i32
      %cond3A_13 = arith.cmpi ne, %convert_element_type3A, %cond3A : i32
      scf.if %cond3A_13 {
        %mul3A_14 = arith.constant 128 : i32
        %mul3A_15 = arith.muli %add3A, %mul3A_14 : i32
        "tpu.region"() ({
          %run_scoped3A = tpu.sem_alloc : memref<!tpu.dma_semaphore, #tpu.memory_space<semaphore_mem>>
          %dma_start3A = tpu.memref_slice %arg3[%mul3A_15] : memref<800000xi32, #tpu.memory_space<hbm>> -> memref<128xi32, #tpu.memory_space<hbm>>
          %dma_start3A_16 = tpu.memref_slice %arg3[%mul3A_15] : memref<800000xi32, #tpu.memory_space<hbm>> -> memref<128xi32, #tpu.memory_space<hbm>>
          tpu.enqueue_dma source(%dma_start3A_16 : memref<128xi32, #tpu.memory_space<hbm>>) target(%arg6 : memref<128xi32, #tpu.memory_space<vmem>>) target_semaphore(%run_scoped3A : memref<!tpu.dma_semaphore, #tpu.memory_space<semaphore_mem>>)
          %dma_wait3A = tpu.memref_slice %arg3[%mul3A_15] : memref<800000xi32, #tpu.memory_space<hbm>> -> memref<128xi32, #tpu.memory_space<hbm>>
          %dma_wait3A_17 = tpu.memref_slice %arg3[%mul3A_15] : memref<800000xi32, #tpu.memory_space<hbm>> -> memref<128xi32, #tpu.memory_space<hbm>>
          tpu.wait_dma2 semaphore(%run_scoped3A : memref<!tpu.dma_semaphore, #tpu.memory_space<semaphore_mem>>) src(%dma_wait3A_17 : memref<128xi32, #tpu.memory_space<hbm>>) dst(%arg6 : memref<128xi32, #tpu.memory_space<vmem>>)
          tpu.yield
        }) : () -> ()
        "tpu.region"() ({
          %run_scoped3A = tpu.sem_alloc : memref<!tpu.dma_semaphore, #tpu.memory_space<semaphore_mem>>
          %dma_start3A = tpu.memref_slice %arg2[%mul3A_15, %mul3A_2] : memref<800000x32xf32, #tpu.memory_space<hbm>> -> memref<128x16xf32, #tpu.memory_space<hbm>>
          %dma_start3A_16 = tpu.memref_slice %arg2[%mul3A_15, %mul3A_2] : memref<800000x32xf32, #tpu.memory_space<hbm>> -> memref<128x16xf32, #tpu.memory_space<hbm>>
          tpu.enqueue_dma source(%dma_start3A_16 : memref<128x16xf32, #tpu.memory_space<hbm>>) target(%arg7 : memref<128x16xf32, #tpu.memory_space<vmem>>) target_semaphore(%run_scoped3A : memref<!tpu.dma_semaphore, #tpu.memory_space<semaphore_mem>>)
          %dma_wait3A = tpu.memref_slice %arg2[%mul3A_15, %mul3A_2] : memref<800000x32xf32, #tpu.memory_space<hbm>> -> memref<128x16xf32, #tpu.memory_space<hbm>>
          %dma_wait3A_17 = tpu.memref_slice %arg2[%mul3A_15, %mul3A_2] : memref<800000x32xf32, #tpu.memory_space<hbm>> -> memref<128x16xf32, #tpu.memory_space<hbm>>
          tpu.wait_dma2 semaphore(%run_scoped3A : memref<!tpu.dma_semaphore, #tpu.memory_space<semaphore_mem>>) src(%dma_wait3A_17 : memref<128x16xf32, #tpu.memory_space<hbm>>) dst(%arg7 : memref<128x16xf32, #tpu.memory_space<vmem>>)
          tpu.yield
        }) : () -> ()
        "tpu.region"() ({
          %run_scoped3A = tpu.sem_alloc : memref<!tpu.dma_semaphore, #tpu.memory_space<semaphore_mem>>
          %dma_start3A = arith.constant 0 : i32
          %dma_start3A_16 = arith.constant 0 : i32
          %dma_start3A_17 = tpu.memref_slice %arg9[%dma_start3A, %dma_start3A_16] : memref<50000x16xf32, #tpu.memory_space<vmem_shared>> -> memref<50000x16xf32, #tpu.memory_space<vmem_shared>>
          tpu.enqueue_indirect_dma source(%arg7 : memref<128x16xf32, #tpu.memory_space<vmem>>) target(%dma_start3A_17 : memref<50000x16xf32, #tpu.memory_space<vmem_shared>>) offsets(%arg6 : memref<128xi32, #tpu.memory_space<vmem>>) semaphore(%run_scoped3A : memref<!tpu.dma_semaphore, #tpu.memory_space<semaphore_mem>>) {add = true}
          %dma_wait3A = arith.constant 0 : i32
          %dma_wait3A_18 = arith.constant 0 : i32
          %dma_wait3A_19 = tpu.memref_slice %arg9[%dma_wait3A, %dma_wait3A_18] : memref<50000x16xf32, #tpu.memory_space<vmem_shared>> -> memref<50000x16xf32, #tpu.memory_space<vmem_shared>>
          tpu.wait_indirect_dma semaphore(%run_scoped3A : memref<!tpu.dma_semaphore, #tpu.memory_space<semaphore_mem>>) src(%arg7 : memref<128x16xf32, #tpu.memory_space<vmem>>) dst(%dma_wait3A_19 : memref<50000x16xf32, #tpu.memory_space<vmem_shared>>)
          tpu.yield
        }) : () -> ()
      } else {
      }
    }
    %scan3A_7 = arith.constant 391 : i32
    %barrier3A_8 = arith.constant 0 : index
    tpu.barrier barrier_id(%barrier3A_8)
    "tpu.region"() ({
      %run_scoped3A = tpu.sem_alloc : memref<!tpu.dma_semaphore, #tpu.memory_space<semaphore_mem>>
      %dma_start3A = arith.constant 0 : i32
      %dma_start3A_9 = tpu.memref_slice %arg9[%mul3A_0, %dma_start3A] : memref<50000x16xf32, #tpu.memory_space<vmem_shared>> -> memref<3125x16xf32, #tpu.memory_space<vmem_shared>>
      %dma_start3A_10 = arith.constant 0 : i32
      %dma_start3A_11 = tpu.memref_slice %arg9[%mul3A_0, %dma_start3A_10] : memref<50000x16xf32, #tpu.memory_space<vmem_shared>> -> memref<3125x16xf32, #tpu.memory_space<vmem_shared>>
      tpu.enqueue_dma source(%dma_start3A_11 : memref<3125x16xf32, #tpu.memory_space<vmem_shared>>) target(%arg8 : memref<3125x16xf32, #tpu.memory_space<vmem>>) target_semaphore(%run_scoped3A : memref<!tpu.dma_semaphore, #tpu.memory_space<semaphore_mem>>)
      %dma_wait3A = arith.constant 0 : i32
      %dma_wait3A_12 = tpu.memref_slice %arg9[%mul3A_0, %dma_wait3A] : memref<50000x16xf32, #tpu.memory_space<vmem_shared>> -> memref<3125x16xf32, #tpu.memory_space<vmem_shared>>
      %dma_wait3A_13 = arith.constant 0 : i32
      %dma_wait3A_14 = tpu.memref_slice %arg9[%mul3A_0, %dma_wait3A_13] : memref<50000x16xf32, #tpu.memory_space<vmem_shared>> -> memref<3125x16xf32, #tpu.memory_space<vmem_shared>>
      tpu.wait_dma2 semaphore(%run_scoped3A : memref<!tpu.dma_semaphore, #tpu.memory_space<semaphore_mem>>) src(%dma_wait3A_14 : memref<3125x16xf32, #tpu.memory_space<vmem_shared>>) dst(%arg8 : memref<3125x16xf32, #tpu.memory_space<vmem>>)
      tpu.yield
    }) : () -> ()
    "tpu.region"() ({
      %run_scoped3A = tpu.sem_alloc : memref<!tpu.dma_semaphore, #tpu.memory_space<semaphore_mem>>
      %dma_start3A = arith.constant 0 : i32
      %dma_start3A_9 = tpu.memref_slice %arg5[%arg0, %mul3A_0, %dma_start3A] : memref<2x50000x16xf32, #tpu.memory_space<hbm>> -> memref<1x3125x16xf32, #tpu.memory_space<hbm>>
      %dma_start3A_10 = tpu.memref_squeeze %dma_start3A_9 : memref<1x3125x16xf32, #tpu.memory_space<hbm>> -> memref<3125x16xf32, #tpu.memory_space<hbm>>
      %dma_start3A_11 = arith.constant 0 : i32
      %dma_start3A_12 = tpu.memref_slice %arg5[%arg0, %mul3A_0, %dma_start3A_11] : memref<2x50000x16xf32, #tpu.memory_space<hbm>> -> memref<1x3125x16xf32, #tpu.memory_space<hbm>>
      %dma_start3A_13 = tpu.memref_squeeze %dma_start3A_12 : memref<1x3125x16xf32, #tpu.memory_space<hbm>> -> memref<3125x16xf32, #tpu.memory_space<hbm>>
      tpu.enqueue_dma source(%arg8 : memref<3125x16xf32, #tpu.memory_space<vmem>>) target(%dma_start3A_13 : memref<3125x16xf32, #tpu.memory_space<hbm>>) target_semaphore(%run_scoped3A : memref<!tpu.dma_semaphore, #tpu.memory_space<semaphore_mem>>)
      %dma_wait3A = arith.constant 0 : i32
      %dma_wait3A_14 = tpu.memref_slice %arg5[%arg0, %mul3A_0, %dma_wait3A] : memref<2x50000x16xf32, #tpu.memory_space<hbm>> -> memref<1x3125x16xf32, #tpu.memory_space<hbm>>
      %dma_wait3A_15 = tpu.memref_squeeze %dma_wait3A_14 : memref<1x3125x16xf32, #tpu.memory_space<hbm>> -> memref<3125x16xf32, #tpu.memory_space<hbm>>
      %dma_wait3A_16 = arith.constant 0 : i32
      %dma_wait3A_17 = tpu.memref_slice %arg5[%arg0, %mul3A_0, %dma_wait3A_16] : memref<2x50000x16xf32, #tpu.memory_space<hbm>> -> memref<1x3125x16xf32, #tpu.memory_space<hbm>>
      %dma_wait3A_18 = tpu.memref_squeeze %dma_wait3A_17 : memref<1x3125x16xf32, #tpu.memory_space<hbm>> -> memref<3125x16xf32, #tpu.memory_space<hbm>>
      tpu.wait_dma2 semaphore(%run_scoped3A : memref<!tpu.dma_semaphore, #tpu.memory_space<semaphore_mem>>) src(%arg8 : memref<3125x16xf32, #tpu.memory_space<vmem>>) dst(%dma_wait3A_18 : memref<3125x16xf32, #tpu.memory_space<hbm>>)
      tpu.yield
    }) : () -> ()
    return
  }
}

#map = affine_map<(d0, d1) -> (0, 0)>
#map1 = affine_map<(d0, d1) -> (0)>
#map2 = affine_map<(d0, d1) -> (0, 0, 0)>
module attributes {stable_mosaic.version = 14 : i64} {
  func.func @k(%arg0: i32, %arg1: i32, %arg2: memref<800000x32xf32, #tpu.memory_space<hbm>>, %arg3: memref<800000xi32, #tpu.memory_space<hbm>>, %arg4: memref<50000x16xf32, #tpu.memory_space<hbm>>, %arg5: memref<2x50000x16xf32, #tpu.memory_space<hbm>>, %arg6: memref<128xi32, #tpu.memory_space<vmem>>, %arg7: memref<128x16xf32, #tpu.memory_space<vmem>>, %arg8: memref<3125x16xf32, #tpu.memory_space<vmem>>, %arg9: memref<50000x16xf32, #tpu.memory_space<vmem_shared>>) attributes {dimension_semantics = [#tpu.dimension_semantics<core_parallel>, #tpu.dimension_semantics<subcore_parallel>], iteration_bounds = array<i64: 2, 16>, scalar_prefetch = 0 : i64, scratch_operands = 4 : i64, tpu.core_type = #tpu.core_type<sc_vector_subcore>, window_params = [{transform_indices = #map}, {transform_indices = #map1}, {transform_indices = #map}, {transform_indices = #map2}]} {
    %mul3A = arith.constant 3125 : i32
    %mul3A_0 = arith.muli %arg1, %mul3A : i32
    %mul3A_1 = arith.constant 16 : i32
    %mul3A_2 = arith.muli %arg0, %mul3A_1 : i32
    "tpu.region"() ({
      %run_scoped3A = tpu.sem_alloc : memref<!tpu.dma_semaphore, #tpu.memory_space<semaphore_mem>>
      %dma_start3A = arith.constant 0 : i32
      %dma_start3A_9 = tpu.memref_slice %arg4[%mul3A_0, %dma_start3A] : memref<50000x16xf32, #tpu.memory_space<hbm>> -> memref<3125x16xf32, #tpu.memory_space<hbm>>
      %dma_start3A_10 = arith.constant 0 : i32
      %dma_start3A_11 = tpu.memref_slice %arg4[%mul3A_0, %dma_start3A_10] : memref<50000x16xf32, #tpu.memory_space<hbm>> -> memref<3125x16xf32, #tpu.memory_space<hbm>>
      tpu.enqueue_dma source(%dma_start3A_11 : memref<3125x16xf32, #tpu.memory_space<hbm>>) target(%arg8 : memref<3125x16xf32, #tpu.memory_space<vmem>>) target_semaphore(%run_scoped3A : memref<!tpu.dma_semaphore, #tpu.memory_space<semaphore_mem>>)
      %dma_wait3A = arith.constant 0 : i32
      %dma_wait3A_12 = tpu.memref_slice %arg4[%mul3A_0, %dma_wait3A] : memref<50000x16xf32, #tpu.memory_space<hbm>> -> memref<3125x16xf32, #tpu.memory_space<hbm>>
      %dma_wait3A_13 = arith.constant 0 : i32
      %dma_wait3A_14 = tpu.memref_slice %arg4[%mul3A_0, %dma_wait3A_13] : memref<50000x16xf32, #tpu.memory_space<hbm>> -> memref<3125x16xf32, #tpu.memory_space<hbm>>
      tpu.wait_dma2 semaphore(%run_scoped3A : memref<!tpu.dma_semaphore, #tpu.memory_space<semaphore_mem>>) src(%dma_wait3A_14 : memref<3125x16xf32, #tpu.memory_space<hbm>>) dst(%arg8 : memref<3125x16xf32, #tpu.memory_space<vmem>>)
      tpu.yield
    }) : () -> ()
    "tpu.region"() ({
      %run_scoped3A = tpu.sem_alloc : memref<!tpu.dma_semaphore, #tpu.memory_space<semaphore_mem>>
      %dma_start3A = arith.constant 0 : i32
      %dma_start3A_9 = tpu.memref_slice %arg9[%mul3A_0, %dma_start3A] : memref<50000x16xf32, #tpu.memory_space<vmem_shared>> -> memref<3125x16xf32, #tpu.memory_space<vmem_shared>>
      %dma_start3A_10 = arith.constant 0 : i32
      %dma_start3A_11 = tpu.memref_slice %arg9[%mul3A_0, %dma_start3A_10] : memref<50000x16xf32, #tpu.memory_space<vmem_shared>> -> memref<3125x16xf32, #tpu.memory_space<vmem_shared>>
      tpu.enqueue_dma source(%arg8 : memref<3125x16xf32, #tpu.memory_space<vmem>>) target(%dma_start3A_11 : memref<3125x16xf32, #tpu.memory_space<vmem_shared>>) target_semaphore(%run_scoped3A : memref<!tpu.dma_semaphore, #tpu.memory_space<semaphore_mem>>)
      %dma_wait3A = arith.constant 0 : i32
      %dma_wait3A_12 = tpu.memref_slice %arg9[%mul3A_0, %dma_wait3A] : memref<50000x16xf32, #tpu.memory_space<vmem_shared>> -> memref<3125x16xf32, #tpu.memory_space<vmem_shared>>
      %dma_wait3A_13 = arith.constant 0 : i32
      %dma_wait3A_14 = tpu.memref_slice %arg9[%mul3A_0, %dma_wait3A_13] : memref<50000x16xf32, #tpu.memory_space<vmem_shared>> -> memref<3125x16xf32, #tpu.memory_space<vmem_shared>>
      tpu.wait_dma2 semaphore(%run_scoped3A : memref<!tpu.dma_semaphore, #tpu.memory_space<semaphore_mem>>) src(%arg8 : memref<3125x16xf32, #tpu.memory_space<vmem>>) dst(%dma_wait3A_14 : memref<3125x16xf32, #tpu.memory_space<vmem_shared>>)
      tpu.yield
    }) : () -> ()
    %barrier3A = arith.constant 0 : index
    tpu.barrier barrier_id(%barrier3A)
    %scan3A = arith.constant 0 : i32
    %scan3A_3 = arith.constant 0 : i32
    %scan3A_4 = arith.constant 391 : i32
    %scan3A_5 = arith.addi %scan3A_3, %scan3A_4 : i32
    %scan3A_6 = arith.constant 1 : i32
    scf.for %scan3A_9 = %scan3A_3 to %scan3A_5 step %scan3A_6  : i32 {
      %mul3A_10 = arith.constant 16 : i32
      %mul3A_11 = arith.muli %scan3A_9, %mul3A_10 : i32
      %add3A = arith.addi %arg1, %mul3A_11 : i32
      %lt3A = arith.constant 6250 : i32
      %lt3A_12 = arith.cmpi slt, %add3A, %lt3A : i32
      %convert_element_type3A = arith.extui %lt3A_12 : i1 to i32
      %cond3A = arith.constant 0 : i32
      %cond3A_13 = arith.cmpi ne, %convert_element_type3A, %cond3A : i32
      scf.if %cond3A_13 {
        %mul3A_14 = arith.constant 128 : i32
        %mul3A_15 = arith.muli %add3A, %mul3A_14 : i32
        "tpu.region"() ({
          %run_scoped3A = tpu.sem_alloc : memref<!tpu.dma_semaphore, #tpu.memory_space<semaphore_mem>>
          %dma_start3A = tpu.memref_slice %arg3[%mul3A_15] : memref<800000xi32, #tpu.memory_space<hbm>> -> memref<128xi32, #tpu.memory_space<hbm>>
          %dma_start3A_16 = tpu.memref_slice %arg3[%mul3A_15] : memref<800000xi32, #tpu.memory_space<hbm>> -> memref<128xi32, #tpu.memory_space<hbm>>
          tpu.enqueue_dma source(%dma_start3A_16 : memref<128xi32, #tpu.memory_space<hbm>>) target(%arg6 : memref<128xi32, #tpu.memory_space<vmem>>) target_semaphore(%run_scoped3A : memref<!tpu.dma_semaphore, #tpu.memory_space<semaphore_mem>>)
          %dma_wait3A = tpu.memref_slice %arg3[%mul3A_15] : memref<800000xi32, #tpu.memory_space<hbm>> -> memref<128xi32, #tpu.memory_space<hbm>>
          %dma_wait3A_17 = tpu.memref_slice %arg3[%mul3A_15] : memref<800000xi32, #tpu.memory_space<hbm>> -> memref<128xi32, #tpu.memory_space<hbm>>
          tpu.wait_dma2 semaphore(%run_scoped3A : memref<!tpu.dma_semaphore, #tpu.memory_space<semaphore_mem>>) src(%dma_wait3A_17 : memref<128xi32, #tpu.memory_space<hbm>>) dst(%arg6 : memref<128xi32, #tpu.memory_space<vmem>>)
          tpu.yield
        }) : () -> ()
        "tpu.region"() ({
          %run_scoped3A = tpu.sem_alloc : memref<!tpu.dma_semaphore, #tpu.memory_space<semaphore_mem>>
          %dma_start3A = tpu.memref_slice %arg2[%mul3A_15, %mul3A_2] : memref<800000x32xf32, #tpu.memory_space<hbm>> -> memref<128x16xf32, #tpu.memory_space<hbm>>
          %dma_start3A_16 = tpu.memref_slice %arg2[%mul3A_15, %mul3A_2] : memref<800000x32xf32, #tpu.memory_space<hbm>> -> memref<128x16xf32, #tpu.memory_space<hbm>>
          tpu.enqueue_dma source(%dma_start3A_16 : memref<128x16xf32, #tpu.memory_space<hbm>>) target(%arg7 : memref<128x16xf32, #tpu.memory_space<vmem>>) target_semaphore(%run_scoped3A : memref<!tpu.dma_semaphore, #tpu.memory_space<semaphore_mem>>)
          %dma_wait3A = tpu.memref_slice %arg2[%mul3A_15, %mul3A_2] : memref<800000x32xf32, #tpu.memory_space<hbm>> -> memref<128x16xf32, #tpu.memory_space<hbm>>
          %dma_wait3A_17 = tpu.memref_slice %arg2[%mul3A_15, %mul3A_2] : memref<800000x32xf32, #tpu.memory_space<hbm>> -> memref<128x16xf32, #tpu.memory_space<hbm>>
          tpu.wait_dma2 semaphore(%run_scoped3A : memref<!tpu.dma_semaphore, #tpu.memory_space<semaphore_mem>>) src(%dma_wait3A_17 : memref<128x16xf32, #tpu.memory_space<hbm>>) dst(%arg7 : memref<128x16xf32, #tpu.memory_space<vmem>>)
          tpu.yield
        }) : () -> ()
        "tpu.region"() ({
          %run_scoped3A = tpu.sem_alloc : memref<!tpu.dma_semaphore, #tpu.memory_space<semaphore_mem>>
          %dma_start3A = arith.constant 0 : i32
          %dma_start3A_16 = arith.constant 0 : i32
          %dma_start3A_17 = tpu.memref_slice %arg9[%dma_start3A, %dma_start3A_16] : memref<50000x16xf32, #tpu.memory_space<vmem_shared>> -> memref<50000x16xf32, #tpu.memory_space<vmem_shared>>
          tpu.enqueue_indirect_dma source(%arg7 : memref<128x16xf32, #tpu.memory_space<vmem>>) target(%dma_start3A_17 : memref<50000x16xf32, #tpu.memory_space<vmem_shared>>) offsets(%arg6 : memref<128xi32, #tpu.memory_space<vmem>>) semaphore(%run_scoped3A : memref<!tpu.dma_semaphore, #tpu.memory_space<semaphore_mem>>) {add = true}
          %dma_wait3A = arith.constant 0 : i32
          %dma_wait3A_18 = arith.constant 0 : i32
          %dma_wait3A_19 = tpu.memref_slice %arg9[%dma_wait3A, %dma_wait3A_18] : memref<50000x16xf32, #tpu.memory_space<vmem_shared>> -> memref<50000x16xf32, #tpu.memory_space<vmem_shared>>
          tpu.wait_indirect_dma semaphore(%run_scoped3A : memref<!tpu.dma_semaphore, #tpu.memory_space<semaphore_mem>>) src(%arg7 : memref<128x16xf32, #tpu.memory_space<vmem>>) dst(%dma_wait3A_19 : memref<50000x16xf32, #tpu.memory_space<vmem_shared>>)
          tpu.yield
        }) : () -> ()
      } else {
      }
    }
    %scan3A_7 = arith.constant 391 : i32
    %barrier3A_8 = arith.constant 0 : index
    tpu.barrier barrier_id(%barrier3A_8)
    "tpu.region"() ({
      %run_scoped3A = tpu.sem_alloc : memref<!tpu.dma_semaphore, #tpu.memory_space<semaphore_mem>>
      %dma_start3A = arith.constant 0 : i32
      %dma_start3A_9 = tpu.memref_slice %arg9[%mul3A_0, %dma_start3A] : memref<50000x16xf32, #tpu.memory_space<vmem_shared>> -> memref<3125x16xf32, #tpu.memory_space<vmem_shared>>
      %dma_start3A_10 = arith.constant 0 : i32
      %dma_start3A_11 = tpu.memref_slice %arg9[%mul3A_0, %dma_start3A_10] : memref<50000x16xf32, #tpu.memory_space<vmem_shared>> -> memref<3125x16xf32, #tpu.memory_space<vmem_shared>>
      tpu.enqueue_dma source(%dma_start3A_11 : memref<3125x16xf32, #tpu.memory_space<vmem_shared>>) target(%arg8 : memref<3125x16xf32, #tpu.memory_space<vmem>>) target_semaphore(%run_scoped3A : memref<!tpu.dma_semaphore, #tpu.memory_space<semaphore_mem>>)
      %dma_wait3A = arith.constant 0 : i32
      %dma_wait3A_12 = tpu.memref_slice %arg9[%mul3A_0, %dma_wait3A] : memref<50000x16xf32, #tpu.memory_space<vmem_shared>> -> memref<3125x16xf32, #tpu.memory_space<vmem_shared>>
      %dma_wait3A_13 = arith.constant 0 : i32
      %dma_wait3A_14 = tpu.memref_slice %arg9[%mul3A_0, %dma_wait3A_13] : memref<50000x16xf32, #tpu.memory_space<vmem_shared>> -> memref<3125x16xf32, #tpu.memory_space<vmem_shared>>
      tpu.wait_dma2 semaphore(%run_scoped3A : memref<!tpu.dma_semaphore, #tpu.memory_space<semaphore_mem>>) src(%dma_wait3A_14 : memref<3125x16xf32, #tpu.memory_space<vmem_shared>>) dst(%arg8 : memref<3125x16xf32, #tpu.memory_space<vmem>>)
      tpu.yield
    }) : () -> ()
    "tpu.region"() ({
      %run_scoped3A = tpu.sem_alloc : memref<!tpu.dma_semaphore, #tpu.memory_space<semaphore_mem>>
      %dma_start3A = arith.constant 0 : i32
      %dma_start3A_9 = tpu.memref_slice %arg5[%arg0, %mul3A_0, %dma_start3A] : memref<2x50000x16xf32, #tpu.memory_space<hbm>> -> memref<1x3125x16xf32, #tpu.memory_space<hbm>>
      %dma_start3A_10 = tpu.memref_squeeze %dma_start3A_9 : memref<1x3125x16xf32, #tpu.memory_space<hbm>> -> memref<3125x16xf32, #tpu.memory_space<hbm>>
      %dma_start3A_11 = arith.constant 0 : i32
      %dma_start3A_12 = tpu.memref_slice %arg5[%arg0, %mul3A_0, %dma_start3A_11] : memref<2x50000x16xf32, #tpu.memory_space<hbm>> -> memref<1x3125x16xf32, #tpu.memory_space<hbm>>
      %dma_start3A_13 = tpu.memref_squeeze %dma_start3A_12 : memref<1x3125x16xf32, #tpu.memory_space<hbm>> -> memref<3125x16xf32, #tpu.memory_space<hbm>>
      tpu.enqueue_dma source(%arg8 : memref<3125x16xf32, #tpu.memory_space<vmem>>) target(%dma_start3A_13 : memref<3125x16xf32, #tpu.memory_space<hbm>>) target_semaphore(%run_scoped3A : memref<!tpu.dma_semaphore, #tpu.memory_space<semaphore_mem>>)
      %dma_wait3A = arith.constant 0 : i32
      %dma_wait3A_14 = tpu.memref_slice %arg5[%arg0, %mul3A_0, %dma_wait3A] : memref<2x50000x16xf32, #tpu.memory_space<hbm>> -> memref<1x3125x16xf32, #tpu.memory_space<hbm>>
      %dma_wait3A_15 = tpu.memref_squeeze %dma_wait3A_14 : memref<1x3125x16xf32, #tpu.memory_space<hbm>> -> memref<3125x16xf32, #tpu.memory_space<hbm>>
      %dma_wait3A_16 = arith.constant 0 : i32
      %dma_wait3A_17 = tpu.memref_slice %arg5[%arg0, %mul3A_0, %dma_wait3A_16] : memref<2x50000x16xf32, #tpu.memory_space<hbm>> -> memref<1x3125x16xf32, #tpu.memory_space<hbm>>
      %dma_wait3A_18 = tpu.memref_squeeze %dma_wait3A_17 : memref<1x3125x16xf32, #tpu.memory_space<hbm>> -> memref<3125x16xf32, #tpu.memory_space<hbm>>
      tpu.wait_dma2 semaphore(%run_scoped3A : memref<!tpu.dma_semaphore, #tpu.memory_space<semaphore_mem>>) src(%arg8 : memref<3125x16xf32, #tpu.memory_space<vmem>>) dst(%dma_wait3A_18 : memref<3125x16xf32, #tpu.memory_space<hbm>>)
      tpu.yield
    }) : () -> ()
    return
  }
}

#map = affine_map<(d0, d1) -> (0, 0)>
#map1 = affine_map<(d0, d1) -> (0)>
module attributes {stable_mosaic.version = 14 : i64} {
  func.func @k(%arg0: i32, %arg1: i32, %arg2: memref<50000x64xf32, #tpu.memory_space<hbm>>, %arg3: memref<800000xi32, #tpu.memory_space<hbm>>, %arg4: memref<800000xi32, #tpu.memory_space<hbm>>, %arg5: memref<800000x64xf32, #tpu.memory_space<hbm>>, %arg6: memref<800000x64xf32, #tpu.memory_space<hbm>>, %arg7: memref<128xi32, #tpu.memory_space<vmem>>, %arg8: memref<128xi32, #tpu.memory_space<vmem>>, %arg9: memref<128x64xf32, #tpu.memory_space<vmem>>, %arg10: memref<128x64xf32, #tpu.memory_space<vmem>>, %arg11: memref<!tpu.dma_semaphore, #tpu.memory_space<semaphore_mem>>, %arg12: memref<!tpu.dma_semaphore, #tpu.memory_space<semaphore_mem>>) attributes {dimension_semantics = [#tpu.dimension_semantics<core_parallel>, #tpu.dimension_semantics<subcore_parallel>], iteration_bounds = array<i64: 2, 16>, scalar_prefetch = 0 : i64, scratch_operands = 6 : i64, tpu.core_type = #tpu.core_type<sc_vector_subcore>, window_params = [{transform_indices = #map}, {transform_indices = #map1}, {transform_indices = #map1}, {transform_indices = #map}, {transform_indices = #map}]} {
    %mul3A = arith.constant 2 : i32
    %mul3A_0 = arith.muli %arg1, %mul3A : i32
    %add3A = arith.addi %mul3A_0, %arg0 : i32
    %scan3A = arith.constant 0 : i32
    %scan3A_1 = arith.constant 0 : i32
    %scan3A_2 = arith.constant 196 : i32
    %scan3A_3 = arith.addi %scan3A_1, %scan3A_2 : i32
    %scan3A_4 = arith.constant 1 : i32
    scf.for %scan3A_6 = %scan3A_1 to %scan3A_3 step %scan3A_4  : i32 {
      %mul3A_7 = arith.constant 32 : i32
      %mul3A_8 = arith.muli %scan3A_6, %mul3A_7 : i32
      %add3A_9 = arith.addi %add3A, %mul3A_8 : i32
      %lt3A = arith.constant 6250 : i32
      %lt3A_10 = arith.cmpi slt, %add3A_9, %lt3A : i32
      %convert_element_type3A = arith.extui %lt3A_10 : i1 to i32
      %cond3A = arith.constant 0 : i32
      %cond3A_11 = arith.cmpi ne, %convert_element_type3A, %cond3A : i32
      scf.if %cond3A_11 {
        %mul3A_12 = arith.constant 128 : i32
        %mul3A_13 = arith.muli %add3A_9, %mul3A_12 : i32
        "tpu.region"() ({
          %run_scoped3A = tpu.sem_alloc : memref<!tpu.dma_semaphore, #tpu.memory_space<semaphore_mem>>
          %dma_start3A_24 = tpu.memref_slice %arg3[%mul3A_13] : memref<800000xi32, #tpu.memory_space<hbm>> -> memref<128xi32, #tpu.memory_space<hbm>>
          %dma_start3A_25 = tpu.memref_slice %arg3[%mul3A_13] : memref<800000xi32, #tpu.memory_space<hbm>> -> memref<128xi32, #tpu.memory_space<hbm>>
          tpu.enqueue_dma source(%dma_start3A_25 : memref<128xi32, #tpu.memory_space<hbm>>) target(%arg7 : memref<128xi32, #tpu.memory_space<vmem>>) target_semaphore(%run_scoped3A : memref<!tpu.dma_semaphore, #tpu.memory_space<semaphore_mem>>)
          %dma_wait3A_26 = tpu.memref_slice %arg3[%mul3A_13] : memref<800000xi32, #tpu.memory_space<hbm>> -> memref<128xi32, #tpu.memory_space<hbm>>
          %dma_wait3A_27 = tpu.memref_slice %arg3[%mul3A_13] : memref<800000xi32, #tpu.memory_space<hbm>> -> memref<128xi32, #tpu.memory_space<hbm>>
          tpu.wait_dma2 semaphore(%run_scoped3A : memref<!tpu.dma_semaphore, #tpu.memory_space<semaphore_mem>>) src(%dma_wait3A_27 : memref<128xi32, #tpu.memory_space<hbm>>) dst(%arg7 : memref<128xi32, #tpu.memory_space<vmem>>)
          tpu.yield
        }) : () -> ()
        "tpu.region"() ({
          %run_scoped3A = tpu.sem_alloc : memref<!tpu.dma_semaphore, #tpu.memory_space<semaphore_mem>>
          %dma_start3A_24 = tpu.memref_slice %arg4[%mul3A_13] : memref<800000xi32, #tpu.memory_space<hbm>> -> memref<128xi32, #tpu.memory_space<hbm>>
          %dma_start3A_25 = tpu.memref_slice %arg4[%mul3A_13] : memref<800000xi32, #tpu.memory_space<hbm>> -> memref<128xi32, #tpu.memory_space<hbm>>
          tpu.enqueue_dma source(%dma_start3A_25 : memref<128xi32, #tpu.memory_space<hbm>>) target(%arg8 : memref<128xi32, #tpu.memory_space<vmem>>) target_semaphore(%run_scoped3A : memref<!tpu.dma_semaphore, #tpu.memory_space<semaphore_mem>>)
          %dma_wait3A_26 = tpu.memref_slice %arg4[%mul3A_13] : memref<800000xi32, #tpu.memory_space<hbm>> -> memref<128xi32, #tpu.memory_space<hbm>>
          %dma_wait3A_27 = tpu.memref_slice %arg4[%mul3A_13] : memref<800000xi32, #tpu.memory_space<hbm>> -> memref<128xi32, #tpu.memory_space<hbm>>
          tpu.wait_dma2 semaphore(%run_scoped3A : memref<!tpu.dma_semaphore, #tpu.memory_space<semaphore_mem>>) src(%dma_wait3A_27 : memref<128xi32, #tpu.memory_space<hbm>>) dst(%arg8 : memref<128xi32, #tpu.memory_space<vmem>>)
          tpu.yield
        }) : () -> ()
        %dma_start3A = arith.constant 0 : i32
        %dma_start3A_14 = arith.constant 0 : i32
        %dma_start3A_15 = tpu.memref_slice %arg2[%dma_start3A, %dma_start3A_14] : memref<50000x64xf32, #tpu.memory_space<hbm>> -> memref<50000x64xf32, #tpu.memory_space<hbm>>
        tpu.enqueue_indirect_dma source(%dma_start3A_15 : memref<50000x64xf32, #tpu.memory_space<hbm>>) target(%arg9 : memref<128x64xf32, #tpu.memory_space<vmem>>) offsets(%arg7 : memref<128xi32, #tpu.memory_space<vmem>>) semaphore(%arg11 : memref<!tpu.dma_semaphore, #tpu.memory_space<semaphore_mem>>)
        %dma_start3A_16 = arith.constant 0 : i32
        %dma_start3A_17 = arith.constant 0 : i32
        %dma_start3A_18 = tpu.memref_slice %arg2[%dma_start3A_16, %dma_start3A_17] : memref<50000x64xf32, #tpu.memory_space<hbm>> -> memref<50000x64xf32, #tpu.memory_space<hbm>>
        tpu.enqueue_indirect_dma source(%dma_start3A_18 : memref<50000x64xf32, #tpu.memory_space<hbm>>) target(%arg10 : memref<128x64xf32, #tpu.memory_space<vmem>>) offsets(%arg8 : memref<128xi32, #tpu.memory_space<vmem>>) semaphore(%arg12 : memref<!tpu.dma_semaphore, #tpu.memory_space<semaphore_mem>>)
        %dma_wait3A = arith.constant 0 : i32
        %dma_wait3A_19 = arith.constant 0 : i32
        %dma_wait3A_20 = tpu.memref_slice %arg2[%dma_wait3A, %dma_wait3A_19] : memref<50000x64xf32, #tpu.memory_space<hbm>> -> memref<50000x64xf32, #tpu.memory_space<hbm>>
        tpu.wait_indirect_dma semaphore(%arg11 : memref<!tpu.dma_semaphore, #tpu.memory_space<semaphore_mem>>) src(%dma_wait3A_20 : memref<50000x64xf32, #tpu.memory_space<hbm>>) dst(%arg9 : memref<128x64xf32, #tpu.memory_space<vmem>>)
        %dma_wait3A_21 = arith.constant 0 : i32
        %dma_wait3A_22 = arith.constant 0 : i32
        %dma_wait3A_23 = tpu.memref_slice %arg2[%dma_wait3A_21, %dma_wait3A_22] : memref<50000x64xf32, #tpu.memory_space<hbm>> -> memref<50000x64xf32, #tpu.memory_space<hbm>>
        tpu.wait_indirect_dma semaphore(%arg12 : memref<!tpu.dma_semaphore, #tpu.memory_space<semaphore_mem>>) src(%dma_wait3A_23 : memref<50000x64xf32, #tpu.memory_space<hbm>>) dst(%arg10 : memref<128x64xf32, #tpu.memory_space<vmem>>)
        "tpu.region"() ({
          %run_scoped3A = tpu.sem_alloc : memref<!tpu.dma_semaphore, #tpu.memory_space<semaphore_mem>>
          %dma_start3A_24 = arith.constant 0 : i32
          %dma_start3A_25 = tpu.memref_slice %arg5[%mul3A_13, %dma_start3A_24] : memref<800000x64xf32, #tpu.memory_space<hbm>> -> memref<128x64xf32, #tpu.memory_space<hbm>>
          %dma_start3A_26 = arith.constant 0 : i32
          %dma_start3A_27 = tpu.memref_slice %arg5[%mul3A_13, %dma_start3A_26] : memref<800000x64xf32, #tpu.memory_space<hbm>> -> memref<128x64xf32, #tpu.memory_space<hbm>>
          tpu.enqueue_dma source(%arg9 : memref<128x64xf32, #tpu.memory_space<vmem>>) target(%dma_start3A_27 : memref<128x64xf32, #tpu.memory_space<hbm>>) target_semaphore(%run_scoped3A : memref<!tpu.dma_semaphore, #tpu.memory_space<semaphore_mem>>)
          %dma_wait3A_28 = arith.constant 0 : i32
          %dma_wait3A_29 = tpu.memref_slice %arg5[%mul3A_13, %dma_wait3A_28] : memref<800000x64xf32, #tpu.memory_space<hbm>> -> memref<128x64xf32, #tpu.memory_space<hbm>>
          %dma_wait3A_30 = arith.constant 0 : i32
          %dma_wait3A_31 = tpu.memref_slice %arg5[%mul3A_13, %dma_wait3A_30] : memref<800000x64xf32, #tpu.memory_space<hbm>> -> memref<128x64xf32, #tpu.memory_space<hbm>>
          tpu.wait_dma2 semaphore(%run_scoped3A : memref<!tpu.dma_semaphore, #tpu.memory_space<semaphore_mem>>) src(%arg9 : memref<128x64xf32, #tpu.memory_space<vmem>>) dst(%dma_wait3A_31 : memref<128x64xf32, #tpu.memory_space<hbm>>)
          tpu.yield
        }) : () -> ()
        "tpu.region"() ({
          %run_scoped3A = tpu.sem_alloc : memref<!tpu.dma_semaphore, #tpu.memory_space<semaphore_mem>>
          %dma_start3A_24 = arith.constant 0 : i32
          %dma_start3A_25 = tpu.memref_slice %arg6[%mul3A_13, %dma_start3A_24] : memref<800000x64xf32, #tpu.memory_space<hbm>> -> memref<128x64xf32, #tpu.memory_space<hbm>>
          %dma_start3A_26 = arith.constant 0 : i32
          %dma_start3A_27 = tpu.memref_slice %arg6[%mul3A_13, %dma_start3A_26] : memref<800000x64xf32, #tpu.memory_space<hbm>> -> memref<128x64xf32, #tpu.memory_space<hbm>>
          tpu.enqueue_dma source(%arg10 : memref<128x64xf32, #tpu.memory_space<vmem>>) target(%dma_start3A_27 : memref<128x64xf32, #tpu.memory_space<hbm>>) target_semaphore(%run_scoped3A : memref<!tpu.dma_semaphore, #tpu.memory_space<semaphore_mem>>)
          %dma_wait3A_28 = arith.constant 0 : i32
          %dma_wait3A_29 = tpu.memref_slice %arg6[%mul3A_13, %dma_wait3A_28] : memref<800000x64xf32, #tpu.memory_space<hbm>> -> memref<128x64xf32, #tpu.memory_space<hbm>>
          %dma_wait3A_30 = arith.constant 0 : i32
          %dma_wait3A_31 = tpu.memref_slice %arg6[%mul3A_13, %dma_wait3A_30] : memref<800000x64xf32, #tpu.memory_space<hbm>> -> memref<128x64xf32, #tpu.memory_space<hbm>>
          tpu.wait_dma2 semaphore(%run_scoped3A : memref<!tpu.dma_semaphore, #tpu.memory_space<semaphore_mem>>) src(%arg10 : memref<128x64xf32, #tpu.memory_space<vmem>>) dst(%dma_wait3A_31 : memref<128x64xf32, #tpu.memory_space<hbm>>)
          tpu.yield
        }) : () -> ()
      } else {
      }
    }
    %scan3A_5 = arith.constant 196 : i32
    return
  }
}

#map = affine_map<(d0, d1) -> (0, 0)>
#map1 = affine_map<(d0, d1) -> (0)>
#map2 = affine_map<(d0, d1) -> (0, 0, 0)>
module attributes {stable_mosaic.version = 14 : i64} {
  func.func @k(%arg0: i32, %arg1: i32, %arg2: memref<800000x32xf32, #tpu.memory_space<hbm>>, %arg3: memref<800000xi32, #tpu.memory_space<hbm>>, %arg4: memref<50000x16xf32, #tpu.memory_space<hbm>>, %arg5: memref<2x50000x16xf32, #tpu.memory_space<hbm>>, %arg6: memref<128xi32, #tpu.memory_space<vmem>>, %arg7: memref<128x16xf32, #tpu.memory_space<vmem>>, %arg8: memref<3125x16xf32, #tpu.memory_space<vmem>>, %arg9: memref<50000x16xf32, #tpu.memory_space<vmem_shared>>) attributes {dimension_semantics = [#tpu.dimension_semantics<core_parallel>, #tpu.dimension_semantics<subcore_parallel>], iteration_bounds = array<i64: 2, 16>, scalar_prefetch = 0 : i64, scratch_operands = 4 : i64, tpu.core_type = #tpu.core_type<sc_vector_subcore>, window_params = [{transform_indices = #map}, {transform_indices = #map1}, {transform_indices = #map}, {transform_indices = #map2}]} {
    %mul3A = arith.constant 3125 : i32
    %mul3A_0 = arith.muli %arg1, %mul3A : i32
    %mul3A_1 = arith.constant 16 : i32
    %mul3A_2 = arith.muli %arg0, %mul3A_1 : i32
    "tpu.region"() ({
      %run_scoped3A = tpu.sem_alloc : memref<!tpu.dma_semaphore, #tpu.memory_space<semaphore_mem>>
      %dma_start3A = arith.constant 0 : i32
      %dma_start3A_9 = tpu.memref_slice %arg4[%mul3A_0, %dma_start3A] : memref<50000x16xf32, #tpu.memory_space<hbm>> -> memref<3125x16xf32, #tpu.memory_space<hbm>>
      %dma_start3A_10 = arith.constant 0 : i32
      %dma_start3A_11 = tpu.memref_slice %arg4[%mul3A_0, %dma_start3A_10] : memref<50000x16xf32, #tpu.memory_space<hbm>> -> memref<3125x16xf32, #tpu.memory_space<hbm>>
      tpu.enqueue_dma source(%dma_start3A_11 : memref<3125x16xf32, #tpu.memory_space<hbm>>) target(%arg8 : memref<3125x16xf32, #tpu.memory_space<vmem>>) target_semaphore(%run_scoped3A : memref<!tpu.dma_semaphore, #tpu.memory_space<semaphore_mem>>)
      %dma_wait3A = arith.constant 0 : i32
      %dma_wait3A_12 = tpu.memref_slice %arg4[%mul3A_0, %dma_wait3A] : memref<50000x16xf32, #tpu.memory_space<hbm>> -> memref<3125x16xf32, #tpu.memory_space<hbm>>
      %dma_wait3A_13 = arith.constant 0 : i32
      %dma_wait3A_14 = tpu.memref_slice %arg4[%mul3A_0, %dma_wait3A_13] : memref<50000x16xf32, #tpu.memory_space<hbm>> -> memref<3125x16xf32, #tpu.memory_space<hbm>>
      tpu.wait_dma2 semaphore(%run_scoped3A : memref<!tpu.dma_semaphore, #tpu.memory_space<semaphore_mem>>) src(%dma_wait3A_14 : memref<3125x16xf32, #tpu.memory_space<hbm>>) dst(%arg8 : memref<3125x16xf32, #tpu.memory_space<vmem>>)
      tpu.yield
    }) : () -> ()
    "tpu.region"() ({
      %run_scoped3A = tpu.sem_alloc : memref<!tpu.dma_semaphore, #tpu.memory_space<semaphore_mem>>
      %dma_start3A = arith.constant 0 : i32
      %dma_start3A_9 = tpu.memref_slice %arg9[%mul3A_0, %dma_start3A] : memref<50000x16xf32, #tpu.memory_space<vmem_shared>> -> memref<3125x16xf32, #tpu.memory_space<vmem_shared>>
      %dma_start3A_10 = arith.constant 0 : i32
      %dma_start3A_11 = tpu.memref_slice %arg9[%mul3A_0, %dma_start3A_10] : memref<50000x16xf32, #tpu.memory_space<vmem_shared>> -> memref<3125x16xf32, #tpu.memory_space<vmem_shared>>
      tpu.enqueue_dma source(%arg8 : memref<3125x16xf32, #tpu.memory_space<vmem>>) target(%dma_start3A_11 : memref<3125x16xf32, #tpu.memory_space<vmem_shared>>) target_semaphore(%run_scoped3A : memref<!tpu.dma_semaphore, #tpu.memory_space<semaphore_mem>>)
      %dma_wait3A = arith.constant 0 : i32
      %dma_wait3A_12 = tpu.memref_slice %arg9[%mul3A_0, %dma_wait3A] : memref<50000x16xf32, #tpu.memory_space<vmem_shared>> -> memref<3125x16xf32, #tpu.memory_space<vmem_shared>>
      %dma_wait3A_13 = arith.constant 0 : i32
      %dma_wait3A_14 = tpu.memref_slice %arg9[%mul3A_0, %dma_wait3A_13] : memref<50000x16xf32, #tpu.memory_space<vmem_shared>> -> memref<3125x16xf32, #tpu.memory_space<vmem_shared>>
      tpu.wait_dma2 semaphore(%run_scoped3A : memref<!tpu.dma_semaphore, #tpu.memory_space<semaphore_mem>>) src(%arg8 : memref<3125x16xf32, #tpu.memory_space<vmem>>) dst(%dma_wait3A_14 : memref<3125x16xf32, #tpu.memory_space<vmem_shared>>)
      tpu.yield
    }) : () -> ()
    %barrier3A = arith.constant 0 : index
    tpu.barrier barrier_id(%barrier3A)
    %scan3A = arith.constant 0 : i32
    %scan3A_3 = arith.constant 0 : i32
    %scan3A_4 = arith.constant 391 : i32
    %scan3A_5 = arith.addi %scan3A_3, %scan3A_4 : i32
    %scan3A_6 = arith.constant 1 : i32
    scf.for %scan3A_9 = %scan3A_3 to %scan3A_5 step %scan3A_6  : i32 {
      %mul3A_10 = arith.constant 16 : i32
      %mul3A_11 = arith.muli %scan3A_9, %mul3A_10 : i32
      %add3A = arith.addi %arg1, %mul3A_11 : i32
      %lt3A = arith.constant 6250 : i32
      %lt3A_12 = arith.cmpi slt, %add3A, %lt3A : i32
      %convert_element_type3A = arith.extui %lt3A_12 : i1 to i32
      %cond3A = arith.constant 0 : i32
      %cond3A_13 = arith.cmpi ne, %convert_element_type3A, %cond3A : i32
      scf.if %cond3A_13 {
        %mul3A_14 = arith.constant 128 : i32
        %mul3A_15 = arith.muli %add3A, %mul3A_14 : i32
        "tpu.region"() ({
          %run_scoped3A = tpu.sem_alloc : memref<!tpu.dma_semaphore, #tpu.memory_space<semaphore_mem>>
          %dma_start3A = tpu.memref_slice %arg3[%mul3A_15] : memref<800000xi32, #tpu.memory_space<hbm>> -> memref<128xi32, #tpu.memory_space<hbm>>
          %dma_start3A_16 = tpu.memref_slice %arg3[%mul3A_15] : memref<800000xi32, #tpu.memory_space<hbm>> -> memref<128xi32, #tpu.memory_space<hbm>>
          tpu.enqueue_dma source(%dma_start3A_16 : memref<128xi32, #tpu.memory_space<hbm>>) target(%arg6 : memref<128xi32, #tpu.memory_space<vmem>>) target_semaphore(%run_scoped3A : memref<!tpu.dma_semaphore, #tpu.memory_space<semaphore_mem>>)
          %dma_wait3A = tpu.memref_slice %arg3[%mul3A_15] : memref<800000xi32, #tpu.memory_space<hbm>> -> memref<128xi32, #tpu.memory_space<hbm>>
          %dma_wait3A_17 = tpu.memref_slice %arg3[%mul3A_15] : memref<800000xi32, #tpu.memory_space<hbm>> -> memref<128xi32, #tpu.memory_space<hbm>>
          tpu.wait_dma2 semaphore(%run_scoped3A : memref<!tpu.dma_semaphore, #tpu.memory_space<semaphore_mem>>) src(%dma_wait3A_17 : memref<128xi32, #tpu.memory_space<hbm>>) dst(%arg6 : memref<128xi32, #tpu.memory_space<vmem>>)
          tpu.yield
        }) : () -> ()
        "tpu.region"() ({
          %run_scoped3A = tpu.sem_alloc : memref<!tpu.dma_semaphore, #tpu.memory_space<semaphore_mem>>
          %dma_start3A = tpu.memref_slice %arg2[%mul3A_15, %mul3A_2] : memref<800000x32xf32, #tpu.memory_space<hbm>> -> memref<128x16xf32, #tpu.memory_space<hbm>>
          %dma_start3A_16 = tpu.memref_slice %arg2[%mul3A_15, %mul3A_2] : memref<800000x32xf32, #tpu.memory_space<hbm>> -> memref<128x16xf32, #tpu.memory_space<hbm>>
          tpu.enqueue_dma source(%dma_start3A_16 : memref<128x16xf32, #tpu.memory_space<hbm>>) target(%arg7 : memref<128x16xf32, #tpu.memory_space<vmem>>) target_semaphore(%run_scoped3A : memref<!tpu.dma_semaphore, #tpu.memory_space<semaphore_mem>>)
          %dma_wait3A = tpu.memref_slice %arg2[%mul3A_15, %mul3A_2] : memref<800000x32xf32, #tpu.memory_space<hbm>> -> memref<128x16xf32, #tpu.memory_space<hbm>>
          %dma_wait3A_17 = tpu.memref_slice %arg2[%mul3A_15, %mul3A_2] : memref<800000x32xf32, #tpu.memory_space<hbm>> -> memref<128x16xf32, #tpu.memory_space<hbm>>
          tpu.wait_dma2 semaphore(%run_scoped3A : memref<!tpu.dma_semaphore, #tpu.memory_space<semaphore_mem>>) src(%dma_wait3A_17 : memref<128x16xf32, #tpu.memory_space<hbm>>) dst(%arg7 : memref<128x16xf32, #tpu.memory_space<vmem>>)
          tpu.yield
        }) : () -> ()
        "tpu.region"() ({
          %run_scoped3A = tpu.sem_alloc : memref<!tpu.dma_semaphore, #tpu.memory_space<semaphore_mem>>
          %dma_start3A = arith.constant 0 : i32
          %dma_start3A_16 = arith.constant 0 : i32
          %dma_start3A_17 = tpu.memref_slice %arg9[%dma_start3A, %dma_start3A_16] : memref<50000x16xf32, #tpu.memory_space<vmem_shared>> -> memref<50000x16xf32, #tpu.memory_space<vmem_shared>>
          tpu.enqueue_indirect_dma source(%arg7 : memref<128x16xf32, #tpu.memory_space<vmem>>) target(%dma_start3A_17 : memref<50000x16xf32, #tpu.memory_space<vmem_shared>>) offsets(%arg6 : memref<128xi32, #tpu.memory_space<vmem>>) semaphore(%run_scoped3A : memref<!tpu.dma_semaphore, #tpu.memory_space<semaphore_mem>>) {add = true}
          %dma_wait3A = arith.constant 0 : i32
          %dma_wait3A_18 = arith.constant 0 : i32
          %dma_wait3A_19 = tpu.memref_slice %arg9[%dma_wait3A, %dma_wait3A_18] : memref<50000x16xf32, #tpu.memory_space<vmem_shared>> -> memref<50000x16xf32, #tpu.memory_space<vmem_shared>>
          tpu.wait_indirect_dma semaphore(%run_scoped3A : memref<!tpu.dma_semaphore, #tpu.memory_space<semaphore_mem>>) src(%arg7 : memref<128x16xf32, #tpu.memory_space<vmem>>) dst(%dma_wait3A_19 : memref<50000x16xf32, #tpu.memory_space<vmem_shared>>)
          tpu.yield
        }) : () -> ()
      } else {
      }
    }
    %scan3A_7 = arith.constant 391 : i32
    %barrier3A_8 = arith.constant 0 : index
    tpu.barrier barrier_id(%barrier3A_8)
    "tpu.region"() ({
      %run_scoped3A = tpu.sem_alloc : memref<!tpu.dma_semaphore, #tpu.memory_space<semaphore_mem>>
      %dma_start3A = arith.constant 0 : i32
      %dma_start3A_9 = tpu.memref_slice %arg9[%mul3A_0, %dma_start3A] : memref<50000x16xf32, #tpu.memory_space<vmem_shared>> -> memref<3125x16xf32, #tpu.memory_space<vmem_shared>>
      %dma_start3A_10 = arith.constant 0 : i32
      %dma_start3A_11 = tpu.memref_slice %arg9[%mul3A_0, %dma_start3A_10] : memref<50000x16xf32, #tpu.memory_space<vmem_shared>> -> memref<3125x16xf32, #tpu.memory_space<vmem_shared>>
      tpu.enqueue_dma source(%dma_start3A_11 : memref<3125x16xf32, #tpu.memory_space<vmem_shared>>) target(%arg8 : memref<3125x16xf32, #tpu.memory_space<vmem>>) target_semaphore(%run_scoped3A : memref<!tpu.dma_semaphore, #tpu.memory_space<semaphore_mem>>)
      %dma_wait3A = arith.constant 0 : i32
      %dma_wait3A_12 = tpu.memref_slice %arg9[%mul3A_0, %dma_wait3A] : memref<50000x16xf32, #tpu.memory_space<vmem_shared>> -> memref<3125x16xf32, #tpu.memory_space<vmem_shared>>
      %dma_wait3A_13 = arith.constant 0 : i32
      %dma_wait3A_14 = tpu.memref_slice %arg9[%mul3A_0, %dma_wait3A_13] : memref<50000x16xf32, #tpu.memory_space<vmem_shared>> -> memref<3125x16xf32, #tpu.memory_space<vmem_shared>>
      tpu.wait_dma2 semaphore(%run_scoped3A : memref<!tpu.dma_semaphore, #tpu.memory_space<semaphore_mem>>) src(%dma_wait3A_14 : memref<3125x16xf32, #tpu.memory_space<vmem_shared>>) dst(%arg8 : memref<3125x16xf32, #tpu.memory_space<vmem>>)
      tpu.yield
    }) : () -> ()
    "tpu.region"() ({
      %run_scoped3A = tpu.sem_alloc : memref<!tpu.dma_semaphore, #tpu.memory_space<semaphore_mem>>
      %dma_start3A = arith.constant 0 : i32
      %dma_start3A_9 = tpu.memref_slice %arg5[%arg0, %mul3A_0, %dma_start3A] : memref<2x50000x16xf32, #tpu.memory_space<hbm>> -> memref<1x3125x16xf32, #tpu.memory_space<hbm>>
      %dma_start3A_10 = tpu.memref_squeeze %dma_start3A_9 : memref<1x3125x16xf32, #tpu.memory_space<hbm>> -> memref<3125x16xf32, #tpu.memory_space<hbm>>
      %dma_start3A_11 = arith.constant 0 : i32
      %dma_start3A_12 = tpu.memref_slice %arg5[%arg0, %mul3A_0, %dma_start3A_11] : memref<2x50000x16xf32, #tpu.memory_space<hbm>> -> memref<1x3125x16xf32, #tpu.memory_space<hbm>>
      %dma_start3A_13 = tpu.memref_squeeze %dma_start3A_12 : memref<1x3125x16xf32, #tpu.memory_space<hbm>> -> memref<3125x16xf32, #tpu.memory_space<hbm>>
      tpu.enqueue_dma source(%arg8 : memref<3125x16xf32, #tpu.memory_space<vmem>>) target(%dma_start3A_13 : memref<3125x16xf32, #tpu.memory_space<hbm>>) target_semaphore(%run_scoped3A : memref<!tpu.dma_semaphore, #tpu.memory_space<semaphore_mem>>)
      %dma_wait3A = arith.constant 0 : i32
      %dma_wait3A_14 = tpu.memref_slice %arg5[%arg0, %mul3A_0, %dma_wait3A] : memref<2x50000x16xf32, #tpu.memory_space<hbm>> -> memref<1x3125x16xf32, #tpu.memory_space<hbm>>
      %dma_wait3A_15 = tpu.memref_squeeze %dma_wait3A_14 : memref<1x3125x16xf32, #tpu.memory_space<hbm>> -> memref<3125x16xf32, #tpu.memory_space<hbm>>
      %dma_wait3A_16 = arith.constant 0 : i32
      %dma_wait3A_17 = tpu.memref_slice %arg5[%arg0, %mul3A_0, %dma_wait3A_16] : memref<2x50000x16xf32, #tpu.memory_space<hbm>> -> memref<1x3125x16xf32, #tpu.memory_space<hbm>>
      %dma_wait3A_18 = tpu.memref_squeeze %dma_wait3A_17 : memref<1x3125x16xf32, #tpu.memory_space<hbm>> -> memref<3125x16xf32, #tpu.memory_space<hbm>>
      tpu.wait_dma2 semaphore(%run_scoped3A : memref<!tpu.dma_semaphore, #tpu.memory_space<semaphore_mem>>) src(%arg8 : memref<3125x16xf32, #tpu.memory_space<vmem>>) dst(%dma_wait3A_18 : memref<3125x16xf32, #tpu.memory_space<hbm>>)
      tpu.yield
    }) : () -> ()
    return
  }
}

#map = affine_map<(d0, d1) -> (0, 0)>
#map1 = affine_map<(d0, d1) -> (0)>
#map2 = affine_map<(d0, d1) -> (0, 0, 0)>
module attributes {stable_mosaic.version = 14 : i64} {
  func.func @k(%arg0: i32, %arg1: i32, %arg2: memref<800000x32xf32, #tpu.memory_space<hbm>>, %arg3: memref<800000xi32, #tpu.memory_space<hbm>>, %arg4: memref<50000x16xf32, #tpu.memory_space<hbm>>, %arg5: memref<2x50000x16xf32, #tpu.memory_space<hbm>>, %arg6: memref<128xi32, #tpu.memory_space<vmem>>, %arg7: memref<128x16xf32, #tpu.memory_space<vmem>>, %arg8: memref<3125x16xf32, #tpu.memory_space<vmem>>, %arg9: memref<50000x16xf32, #tpu.memory_space<vmem_shared>>) attributes {dimension_semantics = [#tpu.dimension_semantics<core_parallel>, #tpu.dimension_semantics<subcore_parallel>], iteration_bounds = array<i64: 2, 16>, scalar_prefetch = 0 : i64, scratch_operands = 4 : i64, tpu.core_type = #tpu.core_type<sc_vector_subcore>, window_params = [{transform_indices = #map}, {transform_indices = #map1}, {transform_indices = #map}, {transform_indices = #map2}]} {
    %mul3A = arith.constant 3125 : i32
    %mul3A_0 = arith.muli %arg1, %mul3A : i32
    %mul3A_1 = arith.constant 16 : i32
    %mul3A_2 = arith.muli %arg0, %mul3A_1 : i32
    "tpu.region"() ({
      %run_scoped3A = tpu.sem_alloc : memref<!tpu.dma_semaphore, #tpu.memory_space<semaphore_mem>>
      %dma_start3A = arith.constant 0 : i32
      %dma_start3A_9 = tpu.memref_slice %arg4[%mul3A_0, %dma_start3A] : memref<50000x16xf32, #tpu.memory_space<hbm>> -> memref<3125x16xf32, #tpu.memory_space<hbm>>
      %dma_start3A_10 = arith.constant 0 : i32
      %dma_start3A_11 = tpu.memref_slice %arg4[%mul3A_0, %dma_start3A_10] : memref<50000x16xf32, #tpu.memory_space<hbm>> -> memref<3125x16xf32, #tpu.memory_space<hbm>>
      tpu.enqueue_dma source(%dma_start3A_11 : memref<3125x16xf32, #tpu.memory_space<hbm>>) target(%arg8 : memref<3125x16xf32, #tpu.memory_space<vmem>>) target_semaphore(%run_scoped3A : memref<!tpu.dma_semaphore, #tpu.memory_space<semaphore_mem>>)
      %dma_wait3A = arith.constant 0 : i32
      %dma_wait3A_12 = tpu.memref_slice %arg4[%mul3A_0, %dma_wait3A] : memref<50000x16xf32, #tpu.memory_space<hbm>> -> memref<3125x16xf32, #tpu.memory_space<hbm>>
      %dma_wait3A_13 = arith.constant 0 : i32
      %dma_wait3A_14 = tpu.memref_slice %arg4[%mul3A_0, %dma_wait3A_13] : memref<50000x16xf32, #tpu.memory_space<hbm>> -> memref<3125x16xf32, #tpu.memory_space<hbm>>
      tpu.wait_dma2 semaphore(%run_scoped3A : memref<!tpu.dma_semaphore, #tpu.memory_space<semaphore_mem>>) src(%dma_wait3A_14 : memref<3125x16xf32, #tpu.memory_space<hbm>>) dst(%arg8 : memref<3125x16xf32, #tpu.memory_space<vmem>>)
      tpu.yield
    }) : () -> ()
    "tpu.region"() ({
      %run_scoped3A = tpu.sem_alloc : memref<!tpu.dma_semaphore, #tpu.memory_space<semaphore_mem>>
      %dma_start3A = arith.constant 0 : i32
      %dma_start3A_9 = tpu.memref_slice %arg9[%mul3A_0, %dma_start3A] : memref<50000x16xf32, #tpu.memory_space<vmem_shared>> -> memref<3125x16xf32, #tpu.memory_space<vmem_shared>>
      %dma_start3A_10 = arith.constant 0 : i32
      %dma_start3A_11 = tpu.memref_slice %arg9[%mul3A_0, %dma_start3A_10] : memref<50000x16xf32, #tpu.memory_space<vmem_shared>> -> memref<3125x16xf32, #tpu.memory_space<vmem_shared>>
      tpu.enqueue_dma source(%arg8 : memref<3125x16xf32, #tpu.memory_space<vmem>>) target(%dma_start3A_11 : memref<3125x16xf32, #tpu.memory_space<vmem_shared>>) target_semaphore(%run_scoped3A : memref<!tpu.dma_semaphore, #tpu.memory_space<semaphore_mem>>)
      %dma_wait3A = arith.constant 0 : i32
      %dma_wait3A_12 = tpu.memref_slice %arg9[%mul3A_0, %dma_wait3A] : memref<50000x16xf32, #tpu.memory_space<vmem_shared>> -> memref<3125x16xf32, #tpu.memory_space<vmem_shared>>
      %dma_wait3A_13 = arith.constant 0 : i32
      %dma_wait3A_14 = tpu.memref_slice %arg9[%mul3A_0, %dma_wait3A_13] : memref<50000x16xf32, #tpu.memory_space<vmem_shared>> -> memref<3125x16xf32, #tpu.memory_space<vmem_shared>>
      tpu.wait_dma2 semaphore(%run_scoped3A : memref<!tpu.dma_semaphore, #tpu.memory_space<semaphore_mem>>) src(%arg8 : memref<3125x16xf32, #tpu.memory_space<vmem>>) dst(%dma_wait3A_14 : memref<3125x16xf32, #tpu.memory_space<vmem_shared>>)
      tpu.yield
    }) : () -> ()
    %barrier3A = arith.constant 0 : index
    tpu.barrier barrier_id(%barrier3A)
    %scan3A = arith.constant 0 : i32
    %scan3A_3 = arith.constant 0 : i32
    %scan3A_4 = arith.constant 391 : i32
    %scan3A_5 = arith.addi %scan3A_3, %scan3A_4 : i32
    %scan3A_6 = arith.constant 1 : i32
    scf.for %scan3A_9 = %scan3A_3 to %scan3A_5 step %scan3A_6  : i32 {
      %mul3A_10 = arith.constant 16 : i32
      %mul3A_11 = arith.muli %scan3A_9, %mul3A_10 : i32
      %add3A = arith.addi %arg1, %mul3A_11 : i32
      %lt3A = arith.constant 6250 : i32
      %lt3A_12 = arith.cmpi slt, %add3A, %lt3A : i32
      %convert_element_type3A = arith.extui %lt3A_12 : i1 to i32
      %cond3A = arith.constant 0 : i32
      %cond3A_13 = arith.cmpi ne, %convert_element_type3A, %cond3A : i32
      scf.if %cond3A_13 {
        %mul3A_14 = arith.constant 128 : i32
        %mul3A_15 = arith.muli %add3A, %mul3A_14 : i32
        "tpu.region"() ({
          %run_scoped3A = tpu.sem_alloc : memref<!tpu.dma_semaphore, #tpu.memory_space<semaphore_mem>>
          %dma_start3A = tpu.memref_slice %arg3[%mul3A_15] : memref<800000xi32, #tpu.memory_space<hbm>> -> memref<128xi32, #tpu.memory_space<hbm>>
          %dma_start3A_16 = tpu.memref_slice %arg3[%mul3A_15] : memref<800000xi32, #tpu.memory_space<hbm>> -> memref<128xi32, #tpu.memory_space<hbm>>
          tpu.enqueue_dma source(%dma_start3A_16 : memref<128xi32, #tpu.memory_space<hbm>>) target(%arg6 : memref<128xi32, #tpu.memory_space<vmem>>) target_semaphore(%run_scoped3A : memref<!tpu.dma_semaphore, #tpu.memory_space<semaphore_mem>>)
          %dma_wait3A = tpu.memref_slice %arg3[%mul3A_15] : memref<800000xi32, #tpu.memory_space<hbm>> -> memref<128xi32, #tpu.memory_space<hbm>>
          %dma_wait3A_17 = tpu.memref_slice %arg3[%mul3A_15] : memref<800000xi32, #tpu.memory_space<hbm>> -> memref<128xi32, #tpu.memory_space<hbm>>
          tpu.wait_dma2 semaphore(%run_scoped3A : memref<!tpu.dma_semaphore, #tpu.memory_space<semaphore_mem>>) src(%dma_wait3A_17 : memref<128xi32, #tpu.memory_space<hbm>>) dst(%arg6 : memref<128xi32, #tpu.memory_space<vmem>>)
          tpu.yield
        }) : () -> ()
        "tpu.region"() ({
          %run_scoped3A = tpu.sem_alloc : memref<!tpu.dma_semaphore, #tpu.memory_space<semaphore_mem>>
          %dma_start3A = tpu.memref_slice %arg2[%mul3A_15, %mul3A_2] : memref<800000x32xf32, #tpu.memory_space<hbm>> -> memref<128x16xf32, #tpu.memory_space<hbm>>
          %dma_start3A_16 = tpu.memref_slice %arg2[%mul3A_15, %mul3A_2] : memref<800000x32xf32, #tpu.memory_space<hbm>> -> memref<128x16xf32, #tpu.memory_space<hbm>>
          tpu.enqueue_dma source(%dma_start3A_16 : memref<128x16xf32, #tpu.memory_space<hbm>>) target(%arg7 : memref<128x16xf32, #tpu.memory_space<vmem>>) target_semaphore(%run_scoped3A : memref<!tpu.dma_semaphore, #tpu.memory_space<semaphore_mem>>)
          %dma_wait3A = tpu.memref_slice %arg2[%mul3A_15, %mul3A_2] : memref<800000x32xf32, #tpu.memory_space<hbm>> -> memref<128x16xf32, #tpu.memory_space<hbm>>
          %dma_wait3A_17 = tpu.memref_slice %arg2[%mul3A_15, %mul3A_2] : memref<800000x32xf32, #tpu.memory_space<hbm>> -> memref<128x16xf32, #tpu.memory_space<hbm>>
          tpu.wait_dma2 semaphore(%run_scoped3A : memref<!tpu.dma_semaphore, #tpu.memory_space<semaphore_mem>>) src(%dma_wait3A_17 : memref<128x16xf32, #tpu.memory_space<hbm>>) dst(%arg7 : memref<128x16xf32, #tpu.memory_space<vmem>>)
          tpu.yield
        }) : () -> ()
        "tpu.region"() ({
          %run_scoped3A = tpu.sem_alloc : memref<!tpu.dma_semaphore, #tpu.memory_space<semaphore_mem>>
          %dma_start3A = arith.constant 0 : i32
          %dma_start3A_16 = arith.constant 0 : i32
          %dma_start3A_17 = tpu.memref_slice %arg9[%dma_start3A, %dma_start3A_16] : memref<50000x16xf32, #tpu.memory_space<vmem_shared>> -> memref<50000x16xf32, #tpu.memory_space<vmem_shared>>
          tpu.enqueue_indirect_dma source(%arg7 : memref<128x16xf32, #tpu.memory_space<vmem>>) target(%dma_start3A_17 : memref<50000x16xf32, #tpu.memory_space<vmem_shared>>) offsets(%arg6 : memref<128xi32, #tpu.memory_space<vmem>>) semaphore(%run_scoped3A : memref<!tpu.dma_semaphore, #tpu.memory_space<semaphore_mem>>) {add = true}
          %dma_wait3A = arith.constant 0 : i32
          %dma_wait3A_18 = arith.constant 0 : i32
          %dma_wait3A_19 = tpu.memref_slice %arg9[%dma_wait3A, %dma_wait3A_18] : memref<50000x16xf32, #tpu.memory_space<vmem_shared>> -> memref<50000x16xf32, #tpu.memory_space<vmem_shared>>
          tpu.wait_indirect_dma semaphore(%run_scoped3A : memref<!tpu.dma_semaphore, #tpu.memory_space<semaphore_mem>>) src(%arg7 : memref<128x16xf32, #tpu.memory_space<vmem>>) dst(%dma_wait3A_19 : memref<50000x16xf32, #tpu.memory_space<vmem_shared>>)
          tpu.yield
        }) : () -> ()
      } else {
      }
    }
    %scan3A_7 = arith.constant 391 : i32
    %barrier3A_8 = arith.constant 0 : index
    tpu.barrier barrier_id(%barrier3A_8)
    "tpu.region"() ({
      %run_scoped3A = tpu.sem_alloc : memref<!tpu.dma_semaphore, #tpu.memory_space<semaphore_mem>>
      %dma_start3A = arith.constant 0 : i32
      %dma_start3A_9 = tpu.memref_slice %arg9[%mul3A_0, %dma_start3A] : memref<50000x16xf32, #tpu.memory_space<vmem_shared>> -> memref<3125x16xf32, #tpu.memory_space<vmem_shared>>
      %dma_start3A_10 = arith.constant 0 : i32
      %dma_start3A_11 = tpu.memref_slice %arg9[%mul3A_0, %dma_start3A_10] : memref<50000x16xf32, #tpu.memory_space<vmem_shared>> -> memref<3125x16xf32, #tpu.memory_space<vmem_shared>>
      tpu.enqueue_dma source(%dma_start3A_11 : memref<3125x16xf32, #tpu.memory_space<vmem_shared>>) target(%arg8 : memref<3125x16xf32, #tpu.memory_space<vmem>>) target_semaphore(%run_scoped3A : memref<!tpu.dma_semaphore, #tpu.memory_space<semaphore_mem>>)
      %dma_wait3A = arith.constant 0 : i32
      %dma_wait3A_12 = tpu.memref_slice %arg9[%mul3A_0, %dma_wait3A] : memref<50000x16xf32, #tpu.memory_space<vmem_shared>> -> memref<3125x16xf32, #tpu.memory_space<vmem_shared>>
      %dma_wait3A_13 = arith.constant 0 : i32
      %dma_wait3A_14 = tpu.memref_slice %arg9[%mul3A_0, %dma_wait3A_13] : memref<50000x16xf32, #tpu.memory_space<vmem_shared>> -> memref<3125x16xf32, #tpu.memory_space<vmem_shared>>
      tpu.wait_dma2 semaphore(%run_scoped3A : memref<!tpu.dma_semaphore, #tpu.memory_space<semaphore_mem>>) src(%dma_wait3A_14 : memref<3125x16xf32, #tpu.memory_space<vmem_shared>>) dst(%arg8 : memref<3125x16xf32, #tpu.memory_space<vmem>>)
      tpu.yield
    }) : () -> ()
    "tpu.region"() ({
      %run_scoped3A = tpu.sem_alloc : memref<!tpu.dma_semaphore, #tpu.memory_space<semaphore_mem>>
      %dma_start3A = arith.constant 0 : i32
      %dma_start3A_9 = tpu.memref_slice %arg5[%arg0, %mul3A_0, %dma_start3A] : memref<2x50000x16xf32, #tpu.memory_space<hbm>> -> memref<1x3125x16xf32, #tpu.memory_space<hbm>>
      %dma_start3A_10 = tpu.memref_squeeze %dma_start3A_9 : memref<1x3125x16xf32, #tpu.memory_space<hbm>> -> memref<3125x16xf32, #tpu.memory_space<hbm>>
      %dma_start3A_11 = arith.constant 0 : i32
      %dma_start3A_12 = tpu.memref_slice %arg5[%arg0, %mul3A_0, %dma_start3A_11] : memref<2x50000x16xf32, #tpu.memory_space<hbm>> -> memref<1x3125x16xf32, #tpu.memory_space<hbm>>
      %dma_start3A_13 = tpu.memref_squeeze %dma_start3A_12 : memref<1x3125x16xf32, #tpu.memory_space<hbm>> -> memref<3125x16xf32, #tpu.memory_space<hbm>>
      tpu.enqueue_dma source(%arg8 : memref<3125x16xf32, #tpu.memory_space<vmem>>) target(%dma_start3A_13 : memref<3125x16xf32, #tpu.memory_space<hbm>>) target_semaphore(%run_scoped3A : memref<!tpu.dma_semaphore, #tpu.memory_space<semaphore_mem>>)
      %dma_wait3A = arith.constant 0 : i32
      %dma_wait3A_14 = tpu.memref_slice %arg5[%arg0, %mul3A_0, %dma_wait3A] : memref<2x50000x16xf32, #tpu.memory_space<hbm>> -> memref<1x3125x16xf32, #tpu.memory_space<hbm>>
      %dma_wait3A_15 = tpu.memref_squeeze %dma_wait3A_14 : memref<1x3125x16xf32, #tpu.memory_space<hbm>> -> memref<3125x16xf32, #tpu.memory_space<hbm>>
      %dma_wait3A_16 = arith.constant 0 : i32
      %dma_wait3A_17 = tpu.memref_slice %arg5[%arg0, %mul3A_0, %dma_wait3A_16] : memref<2x50000x16xf32, #tpu.memory_space<hbm>> -> memref<1x3125x16xf32, #tpu.memory_space<hbm>>
      %dma_wait3A_18 = tpu.memref_squeeze %dma_wait3A_17 : memref<1x3125x16xf32, #tpu.memory_space<hbm>> -> memref<3125x16xf32, #tpu.memory_space<hbm>>
      tpu.wait_dma2 semaphore(%run_scoped3A : memref<!tpu.dma_semaphore, #tpu.memory_space<semaphore_mem>>) src(%arg8 : memref<3125x16xf32, #tpu.memory_space<vmem>>) dst(%dma_wait3A_18 : memref<3125x16xf32, #tpu.memory_space<hbm>>)
      tpu.yield
    }) : () -> ()
    return
  }
}

module attributes {stable_mosaic.version = 14 : i64} {
  func.func @body(%arg0: i32, %arg1: memref<4000x16xf32, #tpu.memory_space<vmem>>, %arg2: memref<4000x16xf32, #tpu.memory_space<vmem>>, %arg3: memref<8x64xf32, #tpu.memory_space<vmem>>, %arg4: memref<1x64xf32, #tpu.memory_space<vmem>>, %arg5: memref<4000x64xf32, #tpu.memory_space<vmem>>) attributes {dimension_semantics = [#tpu.dimension_semantics<arbitrary>], iteration_bounds = array<i64: 200>, scalar_prefetch = 0 : i64, scratch_operands = 0 : i64, tpu.core_type = #tpu.core_type<tc>, window_params = [{transform_indices = @transform_0, window_bounds = array<i64: 4000, 16>}, {transform_indices = @transform_1, window_bounds = array<i64: 4000, 16>}, {pipeline_mode = #tpu.pipeline_mode<synchronous>, transform_indices = @transform_2, window_bounds = array<i64: 8, 64>}, {pipeline_mode = #tpu.pipeline_mode<synchronous>, transform_indices = @transform_3, window_bounds = array<i64: 1, 64>}, {transform_indices = @transform_4, window_bounds = array<i64: 4000, 64>}]} {
    %get3A = arith.constant 0 : index
    %get3A_0 = arith.constant 0 : index
    %get3A_1 = vector.load %arg1[%get3A, %get3A_0] : memref<4000x16xf32, #tpu.memory_space<vmem>>, vector<4000x16xf32>
    %slice3A = vector.extract_strided_slice %get3A_1 {offsets = [0, 0], sizes = [4000, 4], strides = [1, 1]} : vector<4000x16xf32> to vector<4000x4xf32>
    %get3A_2 = arith.constant 0 : index
    %get3A_3 = arith.constant 0 : index
    %get3A_4 = vector.load %arg2[%get3A_2, %get3A_3] : memref<4000x16xf32, #tpu.memory_space<vmem>>, vector<4000x16xf32>
    %slice3A_5 = vector.extract_strided_slice %get3A_4 {offsets = [0, 0], sizes = [4000, 4], strides = [1, 1]} : vector<4000x16xf32> to vector<4000x4xf32>
    %sub3A = arith.subf %slice3A_5, %slice3A : vector<4000x4xf32>
    %concatenate3A = tpu.concatenate %slice3A, %sub3A in 1 : vector<4000x4xf32>, vector<4000x4xf32> -> vector<4000x8xf32>
    %get3A_6 = arith.constant 0 : index
    %get3A_7 = arith.constant 0 : index
    %get3A_8 = vector.load %arg3[%get3A_6, %get3A_7] : memref<8x64xf32, #tpu.memory_space<vmem>>, vector<8x64xf32>
    %dot_general3A = arith.constant dense<0.000000e+00> : vector<4000x64xf32>
    %dot_general3A_9 = tpu.matmul %concatenate3A, %get3A_8, %dot_general3A {dimension_numbers = #tpu.dot_dimension_numbers<[1], [0], [0], [1], [0, 0, 1, 1], [], []>, transpose_lhs_hint = false} : vector<4000x8xf32>, vector<8x64xf32>, vector<4000x64xf32> -> vector<4000x64xf32>
    %get3A_10 = arith.constant 0 : index
    %get3A_11 = arith.constant 0 : index
    %get3A_12 = vector.load %arg4[%get3A_10, %get3A_11] : memref<1x64xf32, #tpu.memory_space<vmem>>, vector<1x64xf32>
    %add3A = vector.broadcast %get3A_12 : vector<1x64xf32> to vector<4000x64xf32>
    %add3A_13 = arith.addf %dot_general3A_9, %add3A : vector<4000x64xf32>
    %max3A = arith.constant 0.000000e+00 : f32
    %max3A_14 = vector.broadcast %max3A : f32 to vector<4000x64xf32>
    %max3A_15 = arith.maximumf %add3A_13, %max3A_14 : vector<4000x64xf32>
    %swap3A = arith.constant 0 : index
    %swap3A_16 = arith.constant 0 : index
    %swap3A_17 = vector.load %arg5[%swap3A, %swap3A_16] : memref<4000x64xf32, #tpu.memory_space<vmem>>, vector<4000x64xf32>
    tpu.vector_store %arg5[%swap3A, %swap3A_16], %max3A_15 {strides = array<i32>} : memref<4000x64xf32, #tpu.memory_space<vmem>>, vector<4000x64xf32>,
    return
  }
  func.func @transform_0(%arg0: i32) -> (i32, i32) {
    %c0_i32 = arith.constant 0 : i32
    %c0_i32_0 = arith.constant 0 : i32
    return %arg0, %c0_i32 : i32, i32
  }
  func.func @transform_1(%arg0: i32) -> (i32, i32) {
    %c0_i32 = arith.constant 0 : i32
    %c0_i32_0 = arith.constant 0 : i32
    return %arg0, %c0_i32 : i32, i32
  }
  func.func @transform_2(%arg0: i32) -> (i32, i32) {
    %c0_i32 = arith.constant 0 : i32
    %c0_i32_0 = arith.constant 0 : i32
    %c0_i32_1 = arith.constant 0 : i32
    return %c0_i32, %c0_i32_0 : i32, i32
  }
  func.func @transform_3(%arg0: i32) -> (i32, i32) {
    %c0_i32 = arith.constant 0 : i32
    %c0_i32_0 = arith.constant 0 : i32
    %c0_i32_1 = arith.constant 0 : i32
    return %c0_i32, %c0_i32_0 : i32, i32
  }
  func.func @transform_4(%arg0: i32) -> (i32, i32) {
    %c0_i32 = arith.constant 0 : i32
    %c0_i32_0 = arith.constant 0 : i32
    return %arg0, %c0_i32 : i32, i32
  }
}

module attributes {stable_mosaic.version = 14 : i64} {
  func.func @body(%arg0: i32, %arg1: memref<4000x64xf32, #tpu.memory_space<vmem>>, %arg2: memref<64x64xf32, #tpu.memory_space<vmem>>, %arg3: memref<1x64xf32, #tpu.memory_space<vmem>>, %arg4: memref<4000x64xf32, #tpu.memory_space<vmem>>) attributes {dimension_semantics = [#tpu.dimension_semantics<arbitrary>], iteration_bounds = array<i64: 200>, scalar_prefetch = 0 : i64, scratch_operands = 0 : i64, tpu.core_type = #tpu.core_type<tc>, window_params = [{transform_indices = @transform_0, window_bounds = array<i64: 4000, 64>}, {pipeline_mode = #tpu.pipeline_mode<synchronous>, transform_indices = @transform_1, window_bounds = array<i64: 64, 64>}, {pipeline_mode = #tpu.pipeline_mode<synchronous>, transform_indices = @transform_2, window_bounds = array<i64: 1, 64>}, {transform_indices = @transform_3, window_bounds = array<i64: 4000, 64>}]} {
    %get3A = arith.constant 0 : index
    %get3A_0 = arith.constant 0 : index
    %get3A_1 = vector.load %arg1[%get3A, %get3A_0] : memref<4000x64xf32, #tpu.memory_space<vmem>>, vector<4000x64xf32>
    %get3A_2 = arith.constant 0 : index
    %get3A_3 = arith.constant 0 : index
    %get3A_4 = vector.load %arg2[%get3A_2, %get3A_3] : memref<64x64xf32, #tpu.memory_space<vmem>>, vector<64x64xf32>
    %dot_general3A = arith.constant dense<0.000000e+00> : vector<4000x64xf32>
    %dot_general3A_5 = tpu.matmul %get3A_1, %get3A_4, %dot_general3A {dimension_numbers = #tpu.dot_dimension_numbers<[1], [0], [0], [1], [0, 0, 1, 1], [], []>, transpose_lhs_hint = false} : vector<4000x64xf32>, vector<64x64xf32>, vector<4000x64xf32> -> vector<4000x64xf32>
    %get3A_6 = arith.constant 0 : index
    %get3A_7 = arith.constant 0 : index
    %get3A_8 = vector.load %arg3[%get3A_6, %get3A_7] : memref<1x64xf32, #tpu.memory_space<vmem>>, vector<1x64xf32>
    %add3A = vector.broadcast %get3A_8 : vector<1x64xf32> to vector<4000x64xf32>
    %add3A_9 = arith.addf %dot_general3A_5, %add3A : vector<4000x64xf32>
    %max3A = arith.constant 0.000000e+00 : f32
    %max3A_10 = vector.broadcast %max3A : f32 to vector<4000x64xf32>
    %max3A_11 = arith.maximumf %add3A_9, %max3A_10 : vector<4000x64xf32>
    %swap3A = arith.constant 0 : index
    %swap3A_12 = arith.constant 0 : index
    %swap3A_13 = vector.load %arg4[%swap3A, %swap3A_12] : memref<4000x64xf32, #tpu.memory_space<vmem>>, vector<4000x64xf32>
    tpu.vector_store %arg4[%swap3A, %swap3A_12], %max3A_11 {strides = array<i32>} : memref<4000x64xf32, #tpu.memory_space<vmem>>, vector<4000x64xf32>,
    return
  }
  func.func @transform_0(%arg0: i32) -> (i32, i32) {
    %c0_i32 = arith.constant 0 : i32
    %c0_i32_0 = arith.constant 0 : i32
    return %arg0, %c0_i32 : i32, i32
  }
  func.func @transform_1(%arg0: i32) -> (i32, i32) {
    %c0_i32 = arith.constant 0 : i32
    %c0_i32_0 = arith.constant 0 : i32
    %c0_i32_1 = arith.constant 0 : i32
    return %c0_i32, %c0_i32_0 : i32, i32
  }
  func.func @transform_2(%arg0: i32) -> (i32, i32) {
    %c0_i32 = arith.constant 0 : i32
    %c0_i32_0 = arith.constant 0 : i32
    %c0_i32_1 = arith.constant 0 : i32
    return %c0_i32, %c0_i32_0 : i32, i32
  }
  func.func @transform_3(%arg0: i32) -> (i32, i32) {
    %c0_i32 = arith.constant 0 : i32
    %c0_i32_0 = arith.constant 0 : i32
    return %arg0, %c0_i32 : i32, i32
  }
}

module attributes {stable_mosaic.version = 14 : i64} {
  func.func @body(%arg0: i32, %arg1: memref<4000x64xf32, #tpu.memory_space<vmem>>, %arg2: memref<64x32xf32, #tpu.memory_space<vmem>>, %arg3: memref<1x32xf32, #tpu.memory_space<vmem>>, %arg4: memref<4000x32xf32, #tpu.memory_space<vmem>>) attributes {dimension_semantics = [#tpu.dimension_semantics<arbitrary>], iteration_bounds = array<i64: 200>, scalar_prefetch = 0 : i64, scratch_operands = 0 : i64, tpu.core_type = #tpu.core_type<tc>, window_params = [{transform_indices = @transform_0, window_bounds = array<i64: 4000, 64>}, {pipeline_mode = #tpu.pipeline_mode<synchronous>, transform_indices = @transform_1, window_bounds = array<i64: 64, 32>}, {pipeline_mode = #tpu.pipeline_mode<synchronous>, transform_indices = @transform_2, window_bounds = array<i64: 1, 32>}, {transform_indices = @transform_3, window_bounds = array<i64: 4000, 32>}]} {
    %get3A = arith.constant 0 : index
    %get3A_0 = arith.constant 0 : index
    %get3A_1 = vector.load %arg1[%get3A, %get3A_0] : memref<4000x64xf32, #tpu.memory_space<vmem>>, vector<4000x64xf32>
    %get3A_2 = arith.constant 0 : index
    %get3A_3 = arith.constant 0 : index
    %get3A_4 = vector.load %arg2[%get3A_2, %get3A_3] : memref<64x32xf32, #tpu.memory_space<vmem>>, vector<64x32xf32>
    %dot_general3A = arith.constant dense<0.000000e+00> : vector<4000x32xf32>
    %dot_general3A_5 = tpu.matmul %get3A_1, %get3A_4, %dot_general3A {dimension_numbers = #tpu.dot_dimension_numbers<[1], [0], [0], [1], [0, 0, 1, 1], [], []>, transpose_lhs_hint = false} : vector<4000x64xf32>, vector<64x32xf32>, vector<4000x32xf32> -> vector<4000x32xf32>
    %get3A_6 = arith.constant 0 : index
    %get3A_7 = arith.constant 0 : index
    %get3A_8 = vector.load %arg3[%get3A_6, %get3A_7] : memref<1x32xf32, #tpu.memory_space<vmem>>, vector<1x32xf32>
    %add3A = vector.broadcast %get3A_8 : vector<1x32xf32> to vector<4000x32xf32>
    %add3A_9 = arith.addf %dot_general3A_5, %add3A : vector<4000x32xf32>
    %max3A = arith.constant 0.000000e+00 : f32
    %max3A_10 = vector.broadcast %max3A : f32 to vector<4000x32xf32>
    %max3A_11 = arith.maximumf %add3A_9, %max3A_10 : vector<4000x32xf32>
    %swap3A = arith.constant 0 : index
    %swap3A_12 = arith.constant 0 : index
    %swap3A_13 = vector.load %arg4[%swap3A, %swap3A_12] : memref<4000x32xf32, #tpu.memory_space<vmem>>, vector<4000x32xf32>
    tpu.vector_store %arg4[%swap3A, %swap3A_12], %max3A_11 {strides = array<i32>} : memref<4000x32xf32, #tpu.memory_space<vmem>>, vector<4000x32xf32>,
    return
  }
  func.func @transform_0(%arg0: i32) -> (i32, i32) {
    %c0_i32 = arith.constant 0 : i32
    %c0_i32_0 = arith.constant 0 : i32
    return %arg0, %c0_i32 : i32, i32
  }
  func.func @transform_1(%arg0: i32) -> (i32, i32) {
    %c0_i32 = arith.constant 0 : i32
    %c0_i32_0 = arith.constant 0 : i32
    %c0_i32_1 = arith.constant 0 : i32
    return %c0_i32, %c0_i32_0 : i32, i32
  }
  func.func @transform_2(%arg0: i32) -> (i32, i32) {
    %c0_i32 = arith.constant 0 : i32
    %c0_i32_0 = arith.constant 0 : i32
    %c0_i32_1 = arith.constant 0 : i32
    return %c0_i32, %c0_i32_0 : i32, i32
  }
  func.func @transform_3(%arg0: i32) -> (i32, i32) {
    %c0_i32 = arith.constant 0 : i32
    %c0_i32_0 = arith.constant 0 : i32
    return %arg0, %c0_i32 : i32, i32
  }
}

module attributes {stable_mosaic.version = 14 : i64} {
  func.func @body(%arg0: i32, %arg1: memref<4000x32xf32, #tpu.memory_space<vmem>>, %arg2: memref<4000x32xf32, #tpu.memory_space<vmem>>, %arg3: memref<64x32xf32, #tpu.memory_space<vmem>>, %arg4: memref<1x32xf32, #tpu.memory_space<vmem>>, %arg5: memref<4000x32xf32, #tpu.memory_space<vmem>>) attributes {dimension_semantics = [#tpu.dimension_semantics<arbitrary>], iteration_bounds = array<i64: 200>, scalar_prefetch = 0 : i64, scratch_operands = 0 : i64, tpu.core_type = #tpu.core_type<tc>, window_params = [{transform_indices = @transform_0, window_bounds = array<i64: 4000, 32>}, {transform_indices = @transform_1, window_bounds = array<i64: 4000, 32>}, {pipeline_mode = #tpu.pipeline_mode<synchronous>, transform_indices = @transform_2, window_bounds = array<i64: 64, 32>}, {pipeline_mode = #tpu.pipeline_mode<synchronous>, transform_indices = @transform_3, window_bounds = array<i64: 1, 32>}, {transform_indices = @transform_4, window_bounds = array<i64: 4000, 32>}]} {
    %get3A = arith.constant 0 : index
    %get3A_0 = arith.constant 0 : index
    %get3A_1 = vector.load %arg1[%get3A, %get3A_0] : memref<4000x32xf32, #tpu.memory_space<vmem>>, vector<4000x32xf32>
    %get3A_2 = arith.constant 0 : index
    %get3A_3 = arith.constant 0 : index
    %get3A_4 = vector.load %arg2[%get3A_2, %get3A_3] : memref<4000x32xf32, #tpu.memory_space<vmem>>, vector<4000x32xf32>
    %sub3A = arith.subf %get3A_4, %get3A_1 : vector<4000x32xf32>
    %concatenate3A = tpu.concatenate %get3A_1, %sub3A in 1 : vector<4000x32xf32>, vector<4000x32xf32> -> vector<4000x64xf32>
    %get3A_5 = arith.constant 0 : index
    %get3A_6 = arith.constant 0 : index
    %get3A_7 = vector.load %arg3[%get3A_5, %get3A_6] : memref<64x32xf32, #tpu.memory_space<vmem>>, vector<64x32xf32>
    %dot_general3A = arith.constant dense<0.000000e+00> : vector<4000x32xf32>
    %dot_general3A_8 = tpu.matmul %concatenate3A, %get3A_7, %dot_general3A {dimension_numbers = #tpu.dot_dimension_numbers<[1], [0], [0], [1], [0, 0, 1, 1], [], []>, transpose_lhs_hint = false} : vector<4000x64xf32>, vector<64x32xf32>, vector<4000x32xf32> -> vector<4000x32xf32>
    %get3A_9 = arith.constant 0 : index
    %get3A_10 = arith.constant 0 : index
    %get3A_11 = vector.load %arg4[%get3A_9, %get3A_10] : memref<1x32xf32, #tpu.memory_space<vmem>>, vector<1x32xf32>
    %add3A = vector.broadcast %get3A_11 : vector<1x32xf32> to vector<4000x32xf32>
    %add3A_12 = arith.addf %dot_general3A_8, %add3A : vector<4000x32xf32>
    %max3A = arith.constant 0.000000e+00 : f32
    %max3A_13 = vector.broadcast %max3A : f32 to vector<4000x32xf32>
    %max3A_14 = arith.maximumf %add3A_12, %max3A_13 : vector<4000x32xf32>
    %swap3A = arith.constant 0 : index
    %swap3A_15 = arith.constant 0 : index
    %swap3A_16 = vector.load %arg5[%swap3A, %swap3A_15] : memref<4000x32xf32, #tpu.memory_space<vmem>>, vector<4000x32xf32>
    tpu.vector_store %arg5[%swap3A, %swap3A_15], %max3A_14 {strides = array<i32>} : memref<4000x32xf32, #tpu.memory_space<vmem>>, vector<4000x32xf32>,
    return
  }
  func.func @transform_0(%arg0: i32) -> (i32, i32) {
    %c0_i32 = arith.constant 0 : i32
    %c0_i32_0 = arith.constant 0 : i32
    return %arg0, %c0_i32 : i32, i32
  }
  func.func @transform_1(%arg0: i32) -> (i32, i32) {
    %c0_i32 = arith.constant 0 : i32
    %c0_i32_0 = arith.constant 0 : i32
    return %arg0, %c0_i32 : i32, i32
  }
  func.func @transform_2(%arg0: i32) -> (i32, i32) {
    %c0_i32 = arith.constant 0 : i32
    %c0_i32_0 = arith.constant 0 : i32
    %c0_i32_1 = arith.constant 0 : i32
    return %c0_i32, %c0_i32_0 : i32, i32
  }
  func.func @transform_3(%arg0: i32) -> (i32, i32) {
    %c0_i32 = arith.constant 0 : i32
    %c0_i32_0 = arith.constant 0 : i32
    %c0_i32_1 = arith.constant 0 : i32
    return %c0_i32, %c0_i32_0 : i32, i32
  }
  func.func @transform_4(%arg0: i32) -> (i32, i32) {
    %c0_i32 = arith.constant 0 : i32
    %c0_i32_0 = arith.constant 0 : i32
    return %arg0, %c0_i32 : i32, i32
  }
}

module attributes {stable_mosaic.version = 14 : i64} {
  func.func @body(%arg0: i32, %arg1: memref<4000x32xf32, #tpu.memory_space<vmem>>, %arg2: memref<32x32xf32, #tpu.memory_space<vmem>>, %arg3: memref<1x32xf32, #tpu.memory_space<vmem>>, %arg4: memref<4000x32xf32, #tpu.memory_space<vmem>>) attributes {dimension_semantics = [#tpu.dimension_semantics<arbitrary>], iteration_bounds = array<i64: 200>, scalar_prefetch = 0 : i64, scratch_operands = 0 : i64, tpu.core_type = #tpu.core_type<tc>, window_params = [{transform_indices = @transform_0, window_bounds = array<i64: 4000, 32>}, {pipeline_mode = #tpu.pipeline_mode<synchronous>, transform_indices = @transform_1, window_bounds = array<i64: 32, 32>}, {pipeline_mode = #tpu.pipeline_mode<synchronous>, transform_indices = @transform_2, window_bounds = array<i64: 1, 32>}, {transform_indices = @transform_3, window_bounds = array<i64: 4000, 32>}]} {
    %get3A = arith.constant 0 : index
    %get3A_0 = arith.constant 0 : index
    %get3A_1 = vector.load %arg1[%get3A, %get3A_0] : memref<4000x32xf32, #tpu.memory_space<vmem>>, vector<4000x32xf32>
    %get3A_2 = arith.constant 0 : index
    %get3A_3 = arith.constant 0 : index
    %get3A_4 = vector.load %arg2[%get3A_2, %get3A_3] : memref<32x32xf32, #tpu.memory_space<vmem>>, vector<32x32xf32>
    %dot_general3A = arith.constant dense<0.000000e+00> : vector<4000x32xf32>
    %dot_general3A_5 = tpu.matmul %get3A_1, %get3A_4, %dot_general3A {dimension_numbers = #tpu.dot_dimension_numbers<[1], [0], [0], [1], [0, 0, 1, 1], [], []>, transpose_lhs_hint = false} : vector<4000x32xf32>, vector<32x32xf32>, vector<4000x32xf32> -> vector<4000x32xf32>
    %get3A_6 = arith.constant 0 : index
    %get3A_7 = arith.constant 0 : index
    %get3A_8 = vector.load %arg3[%get3A_6, %get3A_7] : memref<1x32xf32, #tpu.memory_space<vmem>>, vector<1x32xf32>
    %add3A = vector.broadcast %get3A_8 : vector<1x32xf32> to vector<4000x32xf32>
    %add3A_9 = arith.addf %dot_general3A_5, %add3A : vector<4000x32xf32>
    %max3A = arith.constant 0.000000e+00 : f32
    %max3A_10 = vector.broadcast %max3A : f32 to vector<4000x32xf32>
    %max3A_11 = arith.maximumf %add3A_9, %max3A_10 : vector<4000x32xf32>
    %swap3A = arith.constant 0 : index
    %swap3A_12 = arith.constant 0 : index
    %swap3A_13 = vector.load %arg4[%swap3A, %swap3A_12] : memref<4000x32xf32, #tpu.memory_space<vmem>>, vector<4000x32xf32>
    tpu.vector_store %arg4[%swap3A, %swap3A_12], %max3A_11 {strides = array<i32>} : memref<4000x32xf32, #tpu.memory_space<vmem>>, vector<4000x32xf32>,
    return
  }
  func.func @transform_0(%arg0: i32) -> (i32, i32) {
    %c0_i32 = arith.constant 0 : i32
    %c0_i32_0 = arith.constant 0 : i32
    return %arg0, %c0_i32 : i32, i32
  }
  func.func @transform_1(%arg0: i32) -> (i32, i32) {
    %c0_i32 = arith.constant 0 : i32
    %c0_i32_0 = arith.constant 0 : i32
    %c0_i32_1 = arith.constant 0 : i32
    return %c0_i32, %c0_i32_0 : i32, i32
  }
  func.func @transform_2(%arg0: i32) -> (i32, i32) {
    %c0_i32 = arith.constant 0 : i32
    %c0_i32_0 = arith.constant 0 : i32
    %c0_i32_1 = arith.constant 0 : i32
    return %c0_i32, %c0_i32_0 : i32, i32
  }
  func.func @transform_3(%arg0: i32) -> (i32, i32) {
    %c0_i32 = arith.constant 0 : i32
    %c0_i32_0 = arith.constant 0 : i32
    return %arg0, %c0_i32 : i32, i32
  }
}

module attributes {stable_mosaic.version = 14 : i64} {
  func.func @body(%arg0: i32, %arg1: memref<1000x32xf32, #tpu.memory_space<vmem>>, %arg2: memref<32x2xf32, #tpu.memory_space<vmem>>, %arg3: memref<1x2xf32, #tpu.memory_space<vmem>>, %arg4: memref<32x2xf32, #tpu.memory_space<vmem>>, %arg5: memref<1x2xf32, #tpu.memory_space<vmem>>, %arg6: memref<32x12xf32, #tpu.memory_space<vmem>>, %arg7: memref<1x12xf32, #tpu.memory_space<vmem>>, %arg8: memref<32x12xf32, #tpu.memory_space<vmem>>, %arg9: memref<1x12xf32, #tpu.memory_space<vmem>>, %arg10: memref<32x6xf32, #tpu.memory_space<vmem>>, %arg11: memref<1x6xf32, #tpu.memory_space<vmem>>, %arg12: memref<1000x2xf32, #tpu.memory_space<vmem>>, %arg13: memref<1000x2xf32, #tpu.memory_space<vmem>>, %arg14: memref<1000x12xf32, #tpu.memory_space<vmem>>, %arg15: memref<1000x12xf32, #tpu.memory_space<vmem>>, %arg16: memref<1000x6xf32, #tpu.memory_space<vmem>>) attributes {dimension_semantics = [#tpu.dimension_semantics<arbitrary>], iteration_bounds = array<i64: 50>, scalar_prefetch = 0 : i64, scratch_operands = 0 : i64, tpu.core_type = #tpu.core_type<tc>, window_params = [{transform_indices = @transform_0, window_bounds = array<i64: 1000, 32>}, {pipeline_mode = #tpu.pipeline_mode<synchronous>, transform_indices = @transform_1, window_bounds = array<i64: 32, 2>}, {pipeline_mode = #tpu.pipeline_mode<synchronous>, transform_indices = @transform_2, window_bounds = array<i64: 1, 2>}, {pipeline_mode = #tpu.pipeline_mode<synchronous>, transform_indices = @transform_3, window_bounds = array<i64: 32, 2>}, {pipeline_mode = #tpu.pipeline_mode<synchronous>, transform_indices = @transform_4, window_bounds = array<i64: 1, 2>}, {pipeline_mode = #tpu.pipeline_mode<synchronous>, transform_indices = @transform_5, window_bounds = array<i64: 32, 12>}, {pipeline_mode = #tpu.pipeline_mode<synchronous>, transform_indices = @transform_6, window_bounds = array<i64: 1, 12>}, {pipeline_mode = #tpu.pipeline_mode<synchronous>, transform_indices = @transform_7, window_bounds = array<i64: 32, 12>}, {pipeline_mode = #tpu.pipeline_mode<synchronous>, transform_indices = @transform_8, window_bounds = array<i64: 1, 12>}, {pipeline_mode = #tpu.pipeline_mode<synchronous>, transform_indices = @transform_9, window_bounds = array<i64: 32, 6>}, {pipeline_mode = #tpu.pipeline_mode<synchronous>, transform_indices = @transform_10, window_bounds = array<i64: 1, 6>}, {transform_indices = @transform_11, window_bounds = array<i64: 1000, 2>}, {transform_indices = @transform_12, window_bounds = array<i64: 1000, 2>}, {transform_indices = @transform_13, window_bounds = array<i64: 1000, 12>}, {transform_indices = @transform_14, window_bounds = array<i64: 1000, 12>}, {transform_indices = @transform_15, window_bounds = array<i64: 1000, 6>}]} {
    %get3A = arith.constant 0 : index
    %get3A_0 = arith.constant 0 : index
    %get3A_1 = vector.load %arg1[%get3A, %get3A_0] : memref<1000x32xf32, #tpu.memory_space<vmem>>, vector<1000x32xf32>
    %get3A_2 = arith.constant 0 : index
    %get3A_3 = arith.constant 0 : index
    %get3A_4 = vector.load %arg2[%get3A_2, %get3A_3] : memref<32x2xf32, #tpu.memory_space<vmem>>, vector<32x2xf32>
    %dot_general3A = arith.constant dense<0.000000e+00> : vector<1000x2xf32>
    %dot_general3A_5 = tpu.matmul %get3A_1, %get3A_4, %dot_general3A {dimension_numbers = #tpu.dot_dimension_numbers<[1], [0], [0], [1], [0, 0, 1, 1], [], []>, transpose_lhs_hint = false} : vector<1000x32xf32>, vector<32x2xf32>, vector<1000x2xf32> -> vector<1000x2xf32>
    %get3A_6 = arith.constant 0 : index
    %get3A_7 = arith.constant 0 : index
    %get3A_8 = vector.load %arg3[%get3A_6, %get3A_7] : memref<1x2xf32, #tpu.memory_space<vmem>>, vector<1x2xf32>
    %add3A = vector.broadcast %get3A_8 : vector<1x2xf32> to vector<1000x2xf32>
    %add3A_9 = arith.addf %dot_general3A_5, %add3A : vector<1000x2xf32>
    %swap3A = arith.constant 0 : index
    %swap3A_10 = arith.constant 0 : index
    %swap3A_11 = vector.load %arg12[%swap3A, %swap3A_10] : memref<1000x2xf32, #tpu.memory_space<vmem>>, vector<1000x2xf32>
    tpu.vector_store %arg12[%swap3A, %swap3A_10], %add3A_9 {strides = array<i32>} : memref<1000x2xf32, #tpu.memory_space<vmem>>, vector<1000x2xf32>,
    %get3A_12 = arith.constant 0 : index
    %get3A_13 = arith.constant 0 : index
    %get3A_14 = vector.load %arg4[%get3A_12, %get3A_13] : memref<32x2xf32, #tpu.memory_space<vmem>>, vector<32x2xf32>
    %dot_general3A_15 = arith.constant dense<0.000000e+00> : vector<1000x2xf32>
    %dot_general3A_16 = tpu.matmul %get3A_1, %get3A_14, %dot_general3A_15 {dimension_numbers = #tpu.dot_dimension_numbers<[1], [0], [0], [1], [0, 0, 1, 1], [], []>, transpose_lhs_hint = false} : vector<1000x32xf32>, vector<32x2xf32>, vector<1000x2xf32> -> vector<1000x2xf32>
    %get3A_17 = arith.constant 0 : index
    %get3A_18 = arith.constant 0 : index
    %get3A_19 = vector.load %arg5[%get3A_17, %get3A_18] : memref<1x2xf32, #tpu.memory_space<vmem>>, vector<1x2xf32>
    %add3A_20 = vector.broadcast %get3A_19 : vector<1x2xf32> to vector<1000x2xf32>
    %add3A_21 = arith.addf %dot_general3A_16, %add3A_20 : vector<1000x2xf32>
    %swap3A_22 = arith.constant 0 : index
    %swap3A_23 = arith.constant 0 : index
    %swap3A_24 = vector.load %arg13[%swap3A_22, %swap3A_23] : memref<1000x2xf32, #tpu.memory_space<vmem>>, vector<1000x2xf32>
    tpu.vector_store %arg13[%swap3A_22, %swap3A_23], %add3A_21 {strides = array<i32>} : memref<1000x2xf32, #tpu.memory_space<vmem>>, vector<1000x2xf32>,
    %get3A_25 = arith.constant 0 : index
    %get3A_26 = arith.constant 0 : index
    %get3A_27 = vector.load %arg6[%get3A_25, %get3A_26] : memref<32x12xf32, #tpu.memory_space<vmem>>, vector<32x12xf32>
    %dot_general3A_28 = arith.constant dense<0.000000e+00> : vector<1000x12xf32>
    %dot_general3A_29 = tpu.matmul %get3A_1, %get3A_27, %dot_general3A_28 {dimension_numbers = #tpu.dot_dimension_numbers<[1], [0], [0], [1], [0, 0, 1, 1], [], []>, transpose_lhs_hint = false} : vector<1000x32xf32>, vector<32x12xf32>, vector<1000x12xf32> -> vector<1000x12xf32>
    %get3A_30 = arith.constant 0 : index
    %get3A_31 = arith.constant 0 : index
    %get3A_32 = vector.load %arg7[%get3A_30, %get3A_31] : memref<1x12xf32, #tpu.memory_space<vmem>>, vector<1x12xf32>
    %add3A_33 = vector.broadcast %get3A_32 : vector<1x12xf32> to vector<1000x12xf32>
    %add3A_34 = arith.addf %dot_general3A_29, %add3A_33 : vector<1000x12xf32>
    %swap3A_35 = arith.constant 0 : index
    %swap3A_36 = arith.constant 0 : index
    %swap3A_37 = vector.load %arg14[%swap3A_35, %swap3A_36] : memref<1000x12xf32, #tpu.memory_space<vmem>>, vector<1000x12xf32>
    tpu.vector_store %arg14[%swap3A_35, %swap3A_36], %add3A_34 {strides = array<i32>} : memref<1000x12xf32, #tpu.memory_space<vmem>>, vector<1000x12xf32>,
    %get3A_38 = arith.constant 0 : index
    %get3A_39 = arith.constant 0 : index
    %get3A_40 = vector.load %arg8[%get3A_38, %get3A_39] : memref<32x12xf32, #tpu.memory_space<vmem>>, vector<32x12xf32>
    %dot_general3A_41 = arith.constant dense<0.000000e+00> : vector<1000x12xf32>
    %dot_general3A_42 = tpu.matmul %get3A_1, %get3A_40, %dot_general3A_41 {dimension_numbers = #tpu.dot_dimension_numbers<[1], [0], [0], [1], [0, 0, 1, 1], [], []>, transpose_lhs_hint = false} : vector<1000x32xf32>, vector<32x12xf32>, vector<1000x12xf32> -> vector<1000x12xf32>
    %get3A_43 = arith.constant 0 : index
    %get3A_44 = arith.constant 0 : index
    %get3A_45 = vector.load %arg9[%get3A_43, %get3A_44] : memref<1x12xf32, #tpu.memory_space<vmem>>, vector<1x12xf32>
    %add3A_46 = vector.broadcast %get3A_45 : vector<1x12xf32> to vector<1000x12xf32>
    %add3A_47 = arith.addf %dot_general3A_42, %add3A_46 : vector<1000x12xf32>
    %swap3A_48 = arith.constant 0 : index
    %swap3A_49 = arith.constant 0 : index
    %swap3A_50 = vector.load %arg15[%swap3A_48, %swap3A_49] : memref<1000x12xf32, #tpu.memory_space<vmem>>, vector<1000x12xf32>
    tpu.vector_store %arg15[%swap3A_48, %swap3A_49], %add3A_47 {strides = array<i32>} : memref<1000x12xf32, #tpu.memory_space<vmem>>, vector<1000x12xf32>,
    %get3A_51 = arith.constant 0 : index
    %get3A_52 = arith.constant 0 : index
    %get3A_53 = vector.load %arg10[%get3A_51, %get3A_52] : memref<32x6xf32, #tpu.memory_space<vmem>>, vector<32x6xf32>
    %dot_general3A_54 = arith.constant dense<0.000000e+00> : vector<1000x6xf32>
    %dot_general3A_55 = tpu.matmul %get3A_1, %get3A_53, %dot_general3A_54 {dimension_numbers = #tpu.dot_dimension_numbers<[1], [0], [0], [1], [0, 0, 1, 1], [], []>, transpose_lhs_hint = false} : vector<1000x32xf32>, vector<32x6xf32>, vector<1000x6xf32> -> vector<1000x6xf32>
    %get3A_56 = arith.constant 0 : index
    %get3A_57 = arith.constant 0 : index
    %get3A_58 = vector.load %arg11[%get3A_56, %get3A_57] : memref<1x6xf32, #tpu.memory_space<vmem>>, vector<1x6xf32>
    %add3A_59 = vector.broadcast %get3A_58 : vector<1x6xf32> to vector<1000x6xf32>
    %add3A_60 = arith.addf %dot_general3A_55, %add3A_59 : vector<1000x6xf32>
    %swap3A_61 = arith.constant 0 : index
    %swap3A_62 = arith.constant 0 : index
    %swap3A_63 = vector.load %arg16[%swap3A_61, %swap3A_62] : memref<1000x6xf32, #tpu.memory_space<vmem>>, vector<1000x6xf32>
    tpu.vector_store %arg16[%swap3A_61, %swap3A_62], %add3A_60 {strides = array<i32>} : memref<1000x6xf32, #tpu.memory_space<vmem>>, vector<1000x6xf32>,
    return
  }
  func.func @transform_0(%arg0: i32) -> (i32, i32) {
    %c0_i32 = arith.constant 0 : i32
    %c0_i32_0 = arith.constant 0 : i32
    return %arg0, %c0_i32 : i32, i32
  }
  func.func @transform_1(%arg0: i32) -> (i32, i32) {
    %c0_i32 = arith.constant 0 : i32
    %c0_i32_0 = arith.constant 0 : i32
    %c0_i32_1 = arith.constant 0 : i32
    return %c0_i32, %c0_i32_0 : i32, i32
  }
  func.func @transform_2(%arg0: i32) -> (i32, i32) {
    %c0_i32 = arith.constant 0 : i32
    %c0_i32_0 = arith.constant 0 : i32
    %c0_i32_1 = arith.constant 0 : i32
    return %c0_i32, %c0_i32_0 : i32, i32
  }
  func.func @transform_3(%arg0: i32) -> (i32, i32) {
    %c0_i32 = arith.constant 0 : i32
    %c0_i32_0 = arith.constant 0 : i32
    %c0_i32_1 = arith.constant 0 : i32
    return %c0_i32, %c0_i32_0 : i32, i32
  }
  func.func @transform_4(%arg0: i32) -> (i32, i32) {
    %c0_i32 = arith.constant 0 : i32
    %c0_i32_0 = arith.constant 0 : i32
    %c0_i32_1 = arith.constant 0 : i32
    return %c0_i32, %c0_i32_0 : i32, i32
  }
  func.func @transform_5(%arg0: i32) -> (i32, i32) {
    %c0_i32 = arith.constant 0 : i32
    %c0_i32_0 = arith.constant 0 : i32
    %c0_i32_1 = arith.constant 0 : i32
    return %c0_i32, %c0_i32_0 : i32, i32
  }
  func.func @transform_6(%arg0: i32) -> (i32, i32) {
    %c0_i32 = arith.constant 0 : i32
    %c0_i32_0 = arith.constant 0 : i32
    %c0_i32_1 = arith.constant 0 : i32
    return %c0_i32, %c0_i32_0 : i32, i32
  }
  func.func @transform_7(%arg0: i32) -> (i32, i32) {
    %c0_i32 = arith.constant 0 : i32
    %c0_i32_0 = arith.constant 0 : i32
    %c0_i32_1 = arith.constant 0 : i32
    return %c0_i32, %c0_i32_0 : i32, i32
  }
  func.func @transform_8(%arg0: i32) -> (i32, i32) {
    %c0_i32 = arith.constant 0 : i32
    %c0_i32_0 = arith.constant 0 : i32
    %c0_i32_1 = arith.constant 0 : i32
    return %c0_i32, %c0_i32_0 : i32, i32
  }
  func.func @transform_9(%arg0: i32) -> (i32, i32) {
    %c0_i32 = arith.constant 0 : i32
    %c0_i32_0 = arith.constant 0 : i32
    %c0_i32_1 = arith.constant 0 : i32
    return %c0_i32, %c0_i32_0 : i32, i32
  }
  func.func @transform_10(%arg0: i32) -> (i32, i32) {
    %c0_i32 = arith.constant 0 : i32
    %c0_i32_0 = arith.constant 0 : i32
    %c0_i32_1 = arith.constant 0 : i32
    return %c0_i32, %c0_i32_0 : i32, i32
  }
  func.func @transform_11(%arg0: i32) -> (i32, i32) {
    %c0_i32 = arith.constant 0 : i32
    %c0_i32_0 = arith.constant 0 : i32
    return %arg0, %c0_i32 : i32, i32
  }
  func.func @transform_12(%arg0: i32) -> (i32, i32) {
    %c0_i32 = arith.constant 0 : i32
    %c0_i32_0 = arith.constant 0 : i32
    return %arg0, %c0_i32 : i32, i32
  }
  func.func @transform_13(%arg0: i32) -> (i32, i32) {
    %c0_i32 = arith.constant 0 : i32
    %c0_i32_0 = arith.constant 0 : i32
    return %arg0, %c0_i32 : i32, i32
  }
  func.func @transform_14(%arg0: i32) -> (i32, i32) {
    %c0_i32 = arith.constant 0 : i32
    %c0_i32_0 = arith.constant 0 : i32
    return %arg0, %c0_i32 : i32, i32
  }
  func.func @transform_15(%arg0: i32) -> (i32, i32) {
    %c0_i32 = arith.constant 0 : i32
    %c0_i32_0 = arith.constant 0 : i32
    return %arg0, %c0_i32 : i32, i32
  }
}

module attributes {stable_mosaic.version = 14 : i64} {
  func.func @body(%arg0: i32, %arg1: memref<4000x16xf32, #tpu.memory_space<vmem>>, %arg2: memref<4000x16xf32, #tpu.memory_space<vmem>>, %arg3: memref<16x32xf32, #tpu.memory_space<vmem>>, %arg4: memref<16x32xf32, #tpu.memory_space<vmem>>, %arg5: memref<1x32xf32, #tpu.memory_space<vmem>>, %arg6: memref<32x32xf32, #tpu.memory_space<vmem>>, %arg7: memref<1x32xf32, #tpu.memory_space<vmem>>, %arg8: memref<8x32xf32, #tpu.memory_space<vmem>>) attributes {dimension_semantics = [#tpu.dimension_semantics<arbitrary>], iteration_bounds = array<i64: 200>, scalar_prefetch = 0 : i64, scratch_operands = 0 : i64, tpu.core_type = #tpu.core_type<tc>, window_params = [{transform_indices = @transform_0, window_bounds = array<i64: 4000, 16>}, {transform_indices = @transform_1, window_bounds = array<i64: 4000, 16>}, {pipeline_mode = #tpu.pipeline_mode<synchronous>, transform_indices = @transform_2, window_bounds = array<i64: 16, 32>}, {pipeline_mode = #tpu.pipeline_mode<synchronous>, transform_indices = @transform_3, window_bounds = array<i64: 16, 32>}, {pipeline_mode = #tpu.pipeline_mode<synchronous>, transform_indices = @transform_4, window_bounds = array<i64: 1, 32>}, {pipeline_mode = #tpu.pipeline_mode<synchronous>, transform_indices = @transform_5, window_bounds = array<i64: 32, 32>}, {pipeline_mode = #tpu.pipeline_mode<synchronous>, transform_indices = @transform_6, window_bounds = array<i64: 1, 32>}, {pipeline_mode = #tpu.pipeline_mode<synchronous>, transform_indices = @transform_7, window_bounds = array<i64: 8, 32>}]} {
    %get3A = arith.constant 0 : index
    %get3A_0 = arith.constant 0 : index
    %get3A_1 = vector.load %arg1[%get3A, %get3A_0] : memref<4000x16xf32, #tpu.memory_space<vmem>>, vector<4000x16xf32>
    %get3A_2 = arith.constant 0 : index
    %get3A_3 = arith.constant 0 : index
    %get3A_4 = vector.load %arg2[%get3A_2, %get3A_3] : memref<4000x16xf32, #tpu.memory_space<vmem>>, vector<4000x16xf32>
    %sub3A = arith.subf %get3A_4, %get3A_1 : vector<4000x16xf32>
    %get3A_5 = arith.constant 0 : index
    %get3A_6 = arith.constant 0 : index
    %get3A_7 = vector.load %arg3[%get3A_5, %get3A_6] : memref<16x32xf32, #tpu.memory_space<vmem>>, vector<16x32xf32>
    %dot_general3A = arith.constant dense<0.000000e+00> : vector<4000x32xf32>
    %dot_general3A_8 = tpu.matmul %get3A_1, %get3A_7, %dot_general3A {dimension_numbers = #tpu.dot_dimension_numbers<[1], [0], [0], [1], [0, 0, 1, 1], [], []>, transpose_lhs_hint = false} : vector<4000x16xf32>, vector<16x32xf32>, vector<4000x32xf32> -> vector<4000x32xf32>
    %get3A_9 = arith.constant 0 : index
    %get3A_10 = arith.constant 0 : index
    %get3A_11 = vector.load %arg4[%get3A_9, %get3A_10] : memref<16x32xf32, #tpu.memory_space<vmem>>, vector<16x32xf32>
    %dot_general3A_12 = arith.constant dense<0.000000e+00> : vector<4000x32xf32>
    %dot_general3A_13 = tpu.matmul %sub3A, %get3A_11, %dot_general3A_12 {dimension_numbers = #tpu.dot_dimension_numbers<[1], [0], [0], [1], [0, 0, 1, 1], [], []>, transpose_lhs_hint = false} : vector<4000x16xf32>, vector<16x32xf32>, vector<4000x32xf32> -> vector<4000x32xf32>
    %add3A = arith.addf %dot_general3A_8, %dot_general3A_13 : vector<4000x32xf32>
    %get3A_14 = arith.constant 0 : index
    %get3A_15 = arith.constant 0 : index
    %get3A_16 = vector.load %arg5[%get3A_14, %get3A_15] : memref<1x32xf32, #tpu.memory_space<vmem>>, vector<1x32xf32>
    %add3A_17 = vector.broadcast %get3A_16 : vector<1x32xf32> to vector<4000x32xf32>
    %add3A_18 = arith.addf %add3A, %add3A_17 : vector<4000x32xf32>
    %max3A = arith.constant 0.000000e+00 : f32
    %max3A_19 = vector.broadcast %max3A : f32 to vector<4000x32xf32>
    %max3A_20 = arith.maximumf %add3A_18, %max3A_19 : vector<4000x32xf32>
    %get3A_21 = arith.constant 0 : index
    %get3A_22 = arith.constant 0 : index
    %get3A_23 = vector.load %arg6[%get3A_21, %get3A_22] : memref<32x32xf32, #tpu.memory_space<vmem>>, vector<32x32xf32>
    %dot_general3A_24 = arith.constant dense<0.000000e+00> : vector<4000x32xf32>
    %dot_general3A_25 = tpu.matmul %max3A_20, %get3A_23, %dot_general3A_24 {dimension_numbers = #tpu.dot_dimension_numbers<[1], [0], [0], [1], [0, 0, 1, 1], [], []>, transpose_lhs_hint = false} : vector<4000x32xf32>, vector<32x32xf32>, vector<4000x32xf32> -> vector<4000x32xf32>
    %get3A_26 = arith.constant 0 : index
    %get3A_27 = arith.constant 0 : index
    %get3A_28 = vector.load %arg7[%get3A_26, %get3A_27] : memref<1x32xf32, #tpu.memory_space<vmem>>, vector<1x32xf32>
    %add3A_29 = vector.broadcast %get3A_28 : vector<1x32xf32> to vector<4000x32xf32>
    %add3A_30 = arith.addf %dot_general3A_25, %add3A_29 : vector<4000x32xf32>
    %reduce_sum3A = arith.constant dense<0.000000e+00> : vector<32xf32>
    %reduce_sum3A_31 = vector.multi_reduction <add>, %add3A_30, %reduce_sum3A [0] : vector<4000x32xf32> to vector<32xf32>
    %mul3A = arith.mulf %add3A_30, %add3A_30 : vector<4000x32xf32>
    %reduce_sum3A_32 = arith.constant dense<0.000000e+00> : vector<32xf32>
    %reduce_sum3A_33 = vector.multi_reduction <add>, %mul3A, %reduce_sum3A_32 [0] : vector<4000x32xf32> to vector<32xf32>
    %broadcast_in_dim3A = vector.shape_cast %reduce_sum3A_31 : vector<32xf32> to vector<1x32xf32>
    %broadcast_in_dim3A_34 = vector.shape_cast %reduce_sum3A_33 : vector<32xf32> to vector<1x32xf32>
    %broadcast_in_dim3A_35 = arith.constant 0.000000e+00 : f32
    %broadcast_in_dim3A_36 = vector.broadcast %broadcast_in_dim3A_35 : f32 to vector<6x32xf32>
    %concatenate3A = tpu.concatenate %broadcast_in_dim3A, %broadcast_in_dim3A_34, %broadcast_in_dim3A_36 in 0 : vector<1x32xf32>, vector<1x32xf32>, vector<6x32xf32> -> vector<8x32xf32>
    %eq3A = arith.constant 0 : i32
    %eq3A_37 = arith.cmpi eq, %arg0, %eq3A : i32
    %convert_element_type3A = arith.extui %eq3A_37 : i1 to i32
    %cond3A = arith.constant 0 : i32
    %cond3A_38 = arith.cmpi ne, %convert_element_type3A, %cond3A : i32
    scf.if %cond3A_38 {
      %broadcast_in_dim3A_45 = arith.constant 0.000000e+00 : f32
      %broadcast_in_dim3A_46 = vector.broadcast %broadcast_in_dim3A_45 : f32 to vector<8x32xf32>
      %swap3A_47 = arith.constant 0 : index
      %swap3A_48 = arith.constant 0 : index
      %swap3A_49 = vector.load %arg8[%swap3A_47, %swap3A_48] : memref<8x32xf32, #tpu.memory_space<vmem>>, vector<8x32xf32>
      tpu.vector_store %arg8[%swap3A_47, %swap3A_48], %broadcast_in_dim3A_46 {strides = array<i32>} : memref<8x32xf32, #tpu.memory_space<vmem>>, vector<8x32xf32>,
    } else {
    }
    %get3A_39 = arith.constant 0 : index
    %get3A_40 = arith.constant 0 : index
    %get3A_41 = vector.load %arg8[%get3A_39, %get3A_40] : memref<8x32xf32, #tpu.memory_space<vmem>>, vector<8x32xf32>
    %add3A_42 = arith.addf %get3A_41, %concatenate3A : vector<8x32xf32>
    %swap3A = arith.constant 0 : index
    %swap3A_43 = arith.constant 0 : index
    %swap3A_44 = vector.load %arg8[%swap3A, %swap3A_43] : memref<8x32xf32, #tpu.memory_space<vmem>>, vector<8x32xf32>
    tpu.vector_store %arg8[%swap3A, %swap3A_43], %add3A_42 {strides = array<i32>} : memref<8x32xf32, #tpu.memory_space<vmem>>, vector<8x32xf32>,
    return
  }
  func.func @transform_0(%arg0: i32) -> (i32, i32) {
    %c0_i32 = arith.constant 0 : i32
    %c0_i32_0 = arith.constant 0 : i32
    return %arg0, %c0_i32 : i32, i32
  }
  func.func @transform_1(%arg0: i32) -> (i32, i32) {
    %c0_i32 = arith.constant 0 : i32
    %c0_i32_0 = arith.constant 0 : i32
    return %arg0, %c0_i32 : i32, i32
  }
  func.func @transform_2(%arg0: i32) -> (i32, i32) {
    %c0_i32 = arith.constant 0 : i32
    %c0_i32_0 = arith.constant 0 : i32
    %c0_i32_1 = arith.constant 0 : i32
    return %c0_i32, %c0_i32_0 : i32, i32
  }
  func.func @transform_3(%arg0: i32) -> (i32, i32) {
    %c0_i32 = arith.constant 0 : i32
    %c0_i32_0 = arith.constant 0 : i32
    %c0_i32_1 = arith.constant 0 : i32
    return %c0_i32, %c0_i32_0 : i32, i32
  }
  func.func @transform_4(%arg0: i32) -> (i32, i32) {
    %c0_i32 = arith.constant 0 : i32
    %c0_i32_0 = arith.constant 0 : i32
    %c0_i32_1 = arith.constant 0 : i32
    return %c0_i32, %c0_i32_0 : i32, i32
  }
  func.func @transform_5(%arg0: i32) -> (i32, i32) {
    %c0_i32 = arith.constant 0 : i32
    %c0_i32_0 = arith.constant 0 : i32
    %c0_i32_1 = arith.constant 0 : i32
    return %c0_i32, %c0_i32_0 : i32, i32
  }
  func.func @transform_6(%arg0: i32) -> (i32, i32) {
    %c0_i32 = arith.constant 0 : i32
    %c0_i32_0 = arith.constant 0 : i32
    %c0_i32_1 = arith.constant 0 : i32
    return %c0_i32, %c0_i32_0 : i32, i32
  }
  func.func @transform_7(%arg0: i32) -> (i32, i32) {
    %c0_i32 = arith.constant 0 : i32
    %c0_i32_0 = arith.constant 0 : i32
    %c0_i32_1 = arith.constant 0 : i32
    return %c0_i32, %c0_i32_0 : i32, i32
  }
}

module attributes {stable_mosaic.version = 14 : i64} {
  func.func @body(%arg0: i32, %arg1: memref<4000x16xf32, #tpu.memory_space<vmem>>, %arg2: memref<4000x16xf32, #tpu.memory_space<vmem>>, %arg3: memref<16x32xf32, #tpu.memory_space<vmem>>, %arg4: memref<16x32xf32, #tpu.memory_space<vmem>>, %arg5: memref<1x32xf32, #tpu.memory_space<vmem>>, %arg6: memref<32x32xf32, #tpu.memory_space<vmem>>, %arg7: memref<1x32xf32, #tpu.memory_space<vmem>>, %arg8: memref<1x32xf32, #tpu.memory_space<vmem>>, %arg9: memref<1x32xf32, #tpu.memory_space<vmem>>, %arg10: memref<32x64xf32, #tpu.memory_space<vmem>>, %arg11: memref<1x64xf32, #tpu.memory_space<vmem>>, %arg12: memref<4000x32xf32, #tpu.memory_space<vmem>>, %arg13: memref<4000x32xf32, #tpu.memory_space<vmem>>, %arg14: memref<8x64xf32, #tpu.memory_space<vmem>>) attributes {dimension_semantics = [#tpu.dimension_semantics<arbitrary>], iteration_bounds = array<i64: 200>, scalar_prefetch = 0 : i64, scratch_operands = 0 : i64, tpu.core_type = #tpu.core_type<tc>, window_params = [{transform_indices = @transform_0, window_bounds = array<i64: 4000, 16>}, {transform_indices = @transform_1, window_bounds = array<i64: 4000, 16>}, {pipeline_mode = #tpu.pipeline_mode<synchronous>, transform_indices = @transform_2, window_bounds = array<i64: 16, 32>}, {pipeline_mode = #tpu.pipeline_mode<synchronous>, transform_indices = @transform_3, window_bounds = array<i64: 16, 32>}, {pipeline_mode = #tpu.pipeline_mode<synchronous>, transform_indices = @transform_4, window_bounds = array<i64: 1, 32>}, {pipeline_mode = #tpu.pipeline_mode<synchronous>, transform_indices = @transform_5, window_bounds = array<i64: 32, 32>}, {pipeline_mode = #tpu.pipeline_mode<synchronous>, transform_indices = @transform_6, window_bounds = array<i64: 1, 32>}, {pipeline_mode = #tpu.pipeline_mode<synchronous>, transform_indices = @transform_7, window_bounds = array<i64: 1, 32>}, {pipeline_mode = #tpu.pipeline_mode<synchronous>, transform_indices = @transform_8, window_bounds = array<i64: 1, 32>}, {pipeline_mode = #tpu.pipeline_mode<synchronous>, transform_indices = @transform_9, window_bounds = array<i64: 32, 64>}, {pipeline_mode = #tpu.pipeline_mode<synchronous>, transform_indices = @transform_10, window_bounds = array<i64: 1, 64>}, {transform_indices = @transform_11, window_bounds = array<i64: 4000, 32>}, {transform_indices = @transform_12, window_bounds = array<i64: 4000, 32>}, {pipeline_mode = #tpu.pipeline_mode<synchronous>, transform_indices = @transform_13, window_bounds = array<i64: 8, 64>}]} {
    %get3A = arith.constant 0 : index
    %get3A_0 = arith.constant 0 : index
    %get3A_1 = vector.load %arg1[%get3A, %get3A_0] : memref<4000x16xf32, #tpu.memory_space<vmem>>, vector<4000x16xf32>
    %get3A_2 = arith.constant 0 : index
    %get3A_3 = arith.constant 0 : index
    %get3A_4 = vector.load %arg2[%get3A_2, %get3A_3] : memref<4000x16xf32, #tpu.memory_space<vmem>>, vector<4000x16xf32>
    %sub3A = arith.subf %get3A_4, %get3A_1 : vector<4000x16xf32>
    %get3A_5 = arith.constant 0 : index
    %get3A_6 = arith.constant 0 : index
    %get3A_7 = vector.load %arg3[%get3A_5, %get3A_6] : memref<16x32xf32, #tpu.memory_space<vmem>>, vector<16x32xf32>
    %dot_general3A = arith.constant dense<0.000000e+00> : vector<4000x32xf32>
    %dot_general3A_8 = tpu.matmul %get3A_1, %get3A_7, %dot_general3A {dimension_numbers = #tpu.dot_dimension_numbers<[1], [0], [0], [1], [0, 0, 1, 1], [], []>, transpose_lhs_hint = false} : vector<4000x16xf32>, vector<16x32xf32>, vector<4000x32xf32> -> vector<4000x32xf32>
    %get3A_9 = arith.constant 0 : index
    %get3A_10 = arith.constant 0 : index
    %get3A_11 = vector.load %arg4[%get3A_9, %get3A_10] : memref<16x32xf32, #tpu.memory_space<vmem>>, vector<16x32xf32>
    %dot_general3A_12 = arith.constant dense<0.000000e+00> : vector<4000x32xf32>
    %dot_general3A_13 = tpu.matmul %sub3A, %get3A_11, %dot_general3A_12 {dimension_numbers = #tpu.dot_dimension_numbers<[1], [0], [0], [1], [0, 0, 1, 1], [], []>, transpose_lhs_hint = false} : vector<4000x16xf32>, vector<16x32xf32>, vector<4000x32xf32> -> vector<4000x32xf32>
    %add3A = arith.addf %dot_general3A_8, %dot_general3A_13 : vector<4000x32xf32>
    %get3A_14 = arith.constant 0 : index
    %get3A_15 = arith.constant 0 : index
    %get3A_16 = vector.load %arg5[%get3A_14, %get3A_15] : memref<1x32xf32, #tpu.memory_space<vmem>>, vector<1x32xf32>
    %add3A_17 = vector.broadcast %get3A_16 : vector<1x32xf32> to vector<4000x32xf32>
    %add3A_18 = arith.addf %add3A, %add3A_17 : vector<4000x32xf32>
    %max3A = arith.constant 0.000000e+00 : f32
    %max3A_19 = vector.broadcast %max3A : f32 to vector<4000x32xf32>
    %max3A_20 = arith.maximumf %add3A_18, %max3A_19 : vector<4000x32xf32>
    %get3A_21 = arith.constant 0 : index
    %get3A_22 = arith.constant 0 : index
    %get3A_23 = vector.load %arg6[%get3A_21, %get3A_22] : memref<32x32xf32, #tpu.memory_space<vmem>>, vector<32x32xf32>
    %dot_general3A_24 = arith.constant dense<0.000000e+00> : vector<4000x32xf32>
    %dot_general3A_25 = tpu.matmul %max3A_20, %get3A_23, %dot_general3A_24 {dimension_numbers = #tpu.dot_dimension_numbers<[1], [0], [0], [1], [0, 0, 1, 1], [], []>, transpose_lhs_hint = false} : vector<4000x32xf32>, vector<32x32xf32>, vector<4000x32xf32> -> vector<4000x32xf32>
    %get3A_26 = arith.constant 0 : index
    %get3A_27 = arith.constant 0 : index
    %get3A_28 = vector.load %arg7[%get3A_26, %get3A_27] : memref<1x32xf32, #tpu.memory_space<vmem>>, vector<1x32xf32>
    %add3A_29 = vector.broadcast %get3A_28 : vector<1x32xf32> to vector<4000x32xf32>
    %add3A_30 = arith.addf %dot_general3A_25, %add3A_29 : vector<4000x32xf32>
    %get3A_31 = arith.constant 0 : index
    %get3A_32 = arith.constant 0 : index
    %get3A_33 = vector.load %arg8[%get3A_31, %get3A_32] : memref<1x32xf32, #tpu.memory_space<vmem>>, vector<1x32xf32>
    %mul3A = vector.broadcast %get3A_33 : vector<1x32xf32> to vector<4000x32xf32>
    %mul3A_34 = arith.mulf %add3A_30, %mul3A : vector<4000x32xf32>
    %get3A_35 = arith.constant 0 : index
    %get3A_36 = arith.constant 0 : index
    %get3A_37 = vector.load %arg9[%get3A_35, %get3A_36] : memref<1x32xf32, #tpu.memory_space<vmem>>, vector<1x32xf32>
    %add3A_38 = vector.broadcast %get3A_37 : vector<1x32xf32> to vector<4000x32xf32>
    %add3A_39 = arith.addf %mul3A_34, %add3A_38 : vector<4000x32xf32>
    %max3A_40 = arith.constant 0.000000e+00 : f32
    %max3A_41 = vector.broadcast %max3A_40 : f32 to vector<4000x32xf32>
    %max3A_42 = arith.maximumf %add3A_39, %max3A_41 : vector<4000x32xf32>
    %get3A_43 = arith.constant 0 : index
    %get3A_44 = arith.constant 0 : index
    %get3A_45 = vector.load %arg10[%get3A_43, %get3A_44] : memref<32x64xf32, #tpu.memory_space<vmem>>, vector<32x64xf32>
    %dot_general3A_46 = arith.constant dense<0.000000e+00> : vector<4000x64xf32>
    %dot_general3A_47 = tpu.matmul %max3A_42, %get3A_45, %dot_general3A_46 {dimension_numbers = #tpu.dot_dimension_numbers<[1], [0], [0], [1], [0, 0, 1, 1], [], []>, transpose_lhs_hint = false} : vector<4000x32xf32>, vector<32x64xf32>, vector<4000x64xf32> -> vector<4000x64xf32>
    %get3A_48 = arith.constant 0 : index
    %get3A_49 = arith.constant 0 : index
    %get3A_50 = vector.load %arg11[%get3A_48, %get3A_49] : memref<1x64xf32, #tpu.memory_space<vmem>>, vector<1x64xf32>
    %add3A_51 = vector.broadcast %get3A_50 : vector<1x64xf32> to vector<4000x64xf32>
    %add3A_52 = arith.addf %dot_general3A_47, %add3A_51 : vector<4000x64xf32>
    %max3A_53 = arith.constant 0.000000e+00 : f32
    %max3A_54 = vector.broadcast %max3A_53 : f32 to vector<4000x64xf32>
    %max3A_55 = arith.maximumf %add3A_52, %max3A_54 : vector<4000x64xf32>
    %slice3A = vector.extract_strided_slice %max3A_55 {offsets = [0, 0], sizes = [4000, 32], strides = [1, 1]} : vector<4000x64xf32> to vector<4000x32xf32>
    %swap3A = arith.constant 0 : index
    %swap3A_56 = arith.constant 0 : index
    %swap3A_57 = vector.load %arg12[%swap3A, %swap3A_56] : memref<4000x32xf32, #tpu.memory_space<vmem>>, vector<4000x32xf32>
    tpu.vector_store %arg12[%swap3A, %swap3A_56], %slice3A {strides = array<i32>} : memref<4000x32xf32, #tpu.memory_space<vmem>>, vector<4000x32xf32>,
    %slice3A_58 = vector.extract_strided_slice %max3A_55 {offsets = [0, 32], sizes = [4000, 32], strides = [1, 1]} : vector<4000x64xf32> to vector<4000x32xf32>
    %swap3A_59 = arith.constant 0 : index
    %swap3A_60 = arith.constant 0 : index
    %swap3A_61 = vector.load %arg13[%swap3A_59, %swap3A_60] : memref<4000x32xf32, #tpu.memory_space<vmem>>, vector<4000x32xf32>
    tpu.vector_store %arg13[%swap3A_59, %swap3A_60], %slice3A_58 {strides = array<i32>} : memref<4000x32xf32, #tpu.memory_space<vmem>>, vector<4000x32xf32>,
    %reduce_sum3A = arith.constant dense<0.000000e+00> : vector<64xf32>
    %reduce_sum3A_62 = vector.multi_reduction <add>, %max3A_55, %reduce_sum3A [0] : vector<4000x64xf32> to vector<64xf32>
    %mul3A_63 = arith.mulf %max3A_55, %max3A_55 : vector<4000x64xf32>
    %reduce_sum3A_64 = arith.constant dense<0.000000e+00> : vector<64xf32>
    %reduce_sum3A_65 = vector.multi_reduction <add>, %mul3A_63, %reduce_sum3A_64 [0] : vector<4000x64xf32> to vector<64xf32>
    %broadcast_in_dim3A = vector.shape_cast %reduce_sum3A_62 : vector<64xf32> to vector<1x64xf32>
    %broadcast_in_dim3A_66 = vector.shape_cast %reduce_sum3A_65 : vector<64xf32> to vector<1x64xf32>
    %broadcast_in_dim3A_67 = arith.constant 0.000000e+00 : f32
    %broadcast_in_dim3A_68 = vector.broadcast %broadcast_in_dim3A_67 : f32 to vector<6x64xf32>
    %concatenate3A = tpu.concatenate %broadcast_in_dim3A, %broadcast_in_dim3A_66, %broadcast_in_dim3A_68 in 0 : vector<1x64xf32>, vector<1x64xf32>, vector<6x64xf32> -> vector<8x64xf32>
    %eq3A = arith.constant 0 : i32
    %eq3A_69 = arith.cmpi eq, %arg0, %eq3A : i32
    %convert_element_type3A = arith.extui %eq3A_69 : i1 to i32
    %cond3A = arith.constant 0 : i32
    %cond3A_70 = arith.cmpi ne, %convert_element_type3A, %cond3A : i32
    scf.if %cond3A_70 {
      %broadcast_in_dim3A_78 = arith.constant 0.000000e+00 : f32
      %broadcast_in_dim3A_79 = vector.broadcast %broadcast_in_dim3A_78 : f32 to vector<8x64xf32>
      %swap3A_80 = arith.constant 0 : index
      %swap3A_81 = arith.constant 0 : index
      %swap3A_82 = vector.load %arg14[%swap3A_80, %swap3A_81] : memref<8x64xf32, #tpu.memory_space<vmem>>, vector<8x64xf32>
      tpu.vector_store %arg14[%swap3A_80, %swap3A_81], %broadcast_in_dim3A_79 {strides = array<i32>} : memref<8x64xf32, #tpu.memory_space<vmem>>, vector<8x64xf32>,
    } else {
    }
    %get3A_71 = arith.constant 0 : index
    %get3A_72 = arith.constant 0 : index
    %get3A_73 = vector.load %arg14[%get3A_71, %get3A_72] : memref<8x64xf32, #tpu.memory_space<vmem>>, vector<8x64xf32>
    %add3A_74 = arith.addf %get3A_73, %concatenate3A : vector<8x64xf32>
    %swap3A_75 = arith.constant 0 : index
    %swap3A_76 = arith.constant 0 : index
    %swap3A_77 = vector.load %arg14[%swap3A_75, %swap3A_76] : memref<8x64xf32, #tpu.memory_space<vmem>>, vector<8x64xf32>
    tpu.vector_store %arg14[%swap3A_75, %swap3A_76], %add3A_74 {strides = array<i32>} : memref<8x64xf32, #tpu.memory_space<vmem>>, vector<8x64xf32>,
    return
  }
  func.func @transform_0(%arg0: i32) -> (i32, i32) {
    %c0_i32 = arith.constant 0 : i32
    %c0_i32_0 = arith.constant 0 : i32
    return %arg0, %c0_i32 : i32, i32
  }
  func.func @transform_1(%arg0: i32) -> (i32, i32) {
    %c0_i32 = arith.constant 0 : i32
    %c0_i32_0 = arith.constant 0 : i32
    return %arg0, %c0_i32 : i32, i32
  }
  func.func @transform_2(%arg0: i32) -> (i32, i32) {
    %c0_i32 = arith.constant 0 : i32
    %c0_i32_0 = arith.constant 0 : i32
    %c0_i32_1 = arith.constant 0 : i32
    return %c0_i32, %c0_i32_0 : i32, i32
  }
  func.func @transform_3(%arg0: i32) -> (i32, i32) {
    %c0_i32 = arith.constant 0 : i32
    %c0_i32_0 = arith.constant 0 : i32
    %c0_i32_1 = arith.constant 0 : i32
    return %c0_i32, %c0_i32_0 : i32, i32
  }
  func.func @transform_4(%arg0: i32) -> (i32, i32) {
    %c0_i32 = arith.constant 0 : i32
    %c0_i32_0 = arith.constant 0 : i32
    %c0_i32_1 = arith.constant 0 : i32
    return %c0_i32, %c0_i32_0 : i32, i32
  }
  func.func @transform_5(%arg0: i32) -> (i32, i32) {
    %c0_i32 = arith.constant 0 : i32
    %c0_i32_0 = arith.constant 0 : i32
    %c0_i32_1 = arith.constant 0 : i32
    return %c0_i32, %c0_i32_0 : i32, i32
  }
  func.func @transform_6(%arg0: i32) -> (i32, i32) {
    %c0_i32 = arith.constant 0 : i32
    %c0_i32_0 = arith.constant 0 : i32
    %c0_i32_1 = arith.constant 0 : i32
    return %c0_i32, %c0_i32_0 : i32, i32
  }
  func.func @transform_7(%arg0: i32) -> (i32, i32) {
    %c0_i32 = arith.constant 0 : i32
    %c0_i32_0 = arith.constant 0 : i32
    %c0_i32_1 = arith.constant 0 : i32
    return %c0_i32, %c0_i32_0 : i32, i32
  }
  func.func @transform_8(%arg0: i32) -> (i32, i32) {
    %c0_i32 = arith.constant 0 : i32
    %c0_i32_0 = arith.constant 0 : i32
    %c0_i32_1 = arith.constant 0 : i32
    return %c0_i32, %c0_i32_0 : i32, i32
  }
  func.func @transform_9(%arg0: i32) -> (i32, i32) {
    %c0_i32 = arith.constant 0 : i32
    %c0_i32_0 = arith.constant 0 : i32
    %c0_i32_1 = arith.constant 0 : i32
    return %c0_i32, %c0_i32_0 : i32, i32
  }
  func.func @transform_10(%arg0: i32) -> (i32, i32) {
    %c0_i32 = arith.constant 0 : i32
    %c0_i32_0 = arith.constant 0 : i32
    %c0_i32_1 = arith.constant 0 : i32
    return %c0_i32, %c0_i32_0 : i32, i32
  }
  func.func @transform_11(%arg0: i32) -> (i32, i32) {
    %c0_i32 = arith.constant 0 : i32
    %c0_i32_0 = arith.constant 0 : i32
    return %arg0, %c0_i32 : i32, i32
  }
  func.func @transform_12(%arg0: i32) -> (i32, i32) {
    %c0_i32 = arith.constant 0 : i32
    %c0_i32_0 = arith.constant 0 : i32
    return %arg0, %c0_i32 : i32, i32
  }
  func.func @transform_13(%arg0: i32) -> (i32, i32) {
    %c0_i32 = arith.constant 0 : i32
    %c0_i32_0 = arith.constant 0 : i32
    %c0_i32_1 = arith.constant 0 : i32
    return %c0_i32, %c0_i32_0 : i32, i32
  }
}

module attributes {stable_mosaic.version = 14 : i64} {
  func.func @body(%arg0: i32, %arg1: memref<2x1000x16xf32, #tpu.memory_space<vmem>>, %arg2: memref<2x1000x16xf32, #tpu.memory_space<vmem>>, %arg3: memref<1000x1xf32, #tpu.memory_space<vmem>>, %arg4: memref<1x64xf32, #tpu.memory_space<vmem>>, %arg5: memref<1x64xf32, #tpu.memory_space<vmem>>, %arg6: memref<1000x64xf32, #tpu.memory_space<vmem>>) attributes {dimension_semantics = [#tpu.dimension_semantics<arbitrary>], iteration_bounds = array<i64: 50>, scalar_prefetch = 0 : i64, scratch_operands = 0 : i64, tpu.core_type = #tpu.core_type<tc>, window_params = [{transform_indices = @transform_0, window_bounds = array<i64: 2, 1000, 16>}, {transform_indices = @transform_1, window_bounds = array<i64: 2, 1000, 16>}, {transform_indices = @transform_2, window_bounds = array<i64: 1000, 1>}, {pipeline_mode = #tpu.pipeline_mode<synchronous>, transform_indices = @transform_3, window_bounds = array<i64: 1, 64>}, {pipeline_mode = #tpu.pipeline_mode<synchronous>, transform_indices = @transform_4, window_bounds = array<i64: 1, 64>}, {transform_indices = @transform_5, window_bounds = array<i64: 1000, 64>}]} {
    %get3A = arith.constant 0 : index
    %get3A_0 = arith.constant 0 : index
    %get3A_1 = arith.constant 0 : index
    %get3A_2 = vector.load %arg1[%get3A, %get3A_0, %get3A_1] : memref<2x1000x16xf32, #tpu.memory_space<vmem>>, vector<1x1000x16xf32>
    %get3A_3 = vector.shape_cast %get3A_2 : vector<1x1000x16xf32> to vector<1000x16xf32>
    %get3A_4 = arith.constant 1 : index
    %get3A_5 = arith.constant 0 : index
    %get3A_6 = arith.constant 0 : index
    %get3A_7 = vector.load %arg1[%get3A_4, %get3A_5, %get3A_6] : memref<2x1000x16xf32, #tpu.memory_space<vmem>>, vector<1x1000x16xf32>
    %get3A_8 = vector.shape_cast %get3A_7 : vector<1x1000x16xf32> to vector<1000x16xf32>
    %get3A_9 = arith.constant 0 : index
    %get3A_10 = arith.constant 0 : index
    %get3A_11 = arith.constant 0 : index
    %get3A_12 = vector.load %arg2[%get3A_9, %get3A_10, %get3A_11] : memref<2x1000x16xf32, #tpu.memory_space<vmem>>, vector<1x1000x16xf32>
    %get3A_13 = vector.shape_cast %get3A_12 : vector<1x1000x16xf32> to vector<1000x16xf32>
    %get3A_14 = arith.constant 1 : index
    %get3A_15 = arith.constant 0 : index
    %get3A_16 = arith.constant 0 : index
    %get3A_17 = vector.load %arg2[%get3A_14, %get3A_15, %get3A_16] : memref<2x1000x16xf32, #tpu.memory_space<vmem>>, vector<1x1000x16xf32>
    %get3A_18 = vector.shape_cast %get3A_17 : vector<1x1000x16xf32> to vector<1000x16xf32>
    %concatenate3A = tpu.concatenate %get3A_3, %get3A_8, %get3A_13, %get3A_18 in 1 : vector<1000x16xf32>, vector<1000x16xf32>, vector<1000x16xf32>, vector<1000x16xf32> -> vector<1000x64xf32>
    %get3A_19 = arith.constant 0 : index
    %get3A_20 = arith.constant 0 : index
    %get3A_21 = vector.load %arg3[%get3A_19, %get3A_20] : memref<1000x1xf32, #tpu.memory_space<vmem>>, vector<1000x1xf32>
    %max3A = arith.constant 1.000000e+00 : f32
    %max3A_22 = vector.broadcast %max3A : f32 to vector<1000x1xf32>
    %max3A_23 = arith.maximumf %get3A_21, %max3A_22 : vector<1000x1xf32>
    %div3A = vector.broadcast %max3A_23 : vector<1000x1xf32> to vector<1000x64xf32>
    %div3A_24 = arith.divf %concatenate3A, %div3A : vector<1000x64xf32>
    %get3A_25 = arith.constant 0 : index
    %get3A_26 = arith.constant 0 : index
    %get3A_27 = vector.load %arg4[%get3A_25, %get3A_26] : memref<1x64xf32, #tpu.memory_space<vmem>>, vector<1x64xf32>
    %mul3A = vector.broadcast %get3A_27 : vector<1x64xf32> to vector<1000x64xf32>
    %mul3A_28 = arith.mulf %div3A_24, %mul3A : vector<1000x64xf32>
    %get3A_29 = arith.constant 0 : index
    %get3A_30 = arith.constant 0 : index
    %get3A_31 = vector.load %arg5[%get3A_29, %get3A_30] : memref<1x64xf32, #tpu.memory_space<vmem>>, vector<1x64xf32>
    %add3A = vector.broadcast %get3A_31 : vector<1x64xf32> to vector<1000x64xf32>
    %add3A_32 = arith.addf %mul3A_28, %add3A : vector<1000x64xf32>
    %swap3A = arith.constant 0 : index
    %swap3A_33 = arith.constant 0 : index
    %swap3A_34 = vector.load %arg6[%swap3A, %swap3A_33] : memref<1000x64xf32, #tpu.memory_space<vmem>>, vector<1000x64xf32>
    tpu.vector_store %arg6[%swap3A, %swap3A_33], %add3A_32 {strides = array<i32>} : memref<1000x64xf32, #tpu.memory_space<vmem>>, vector<1000x64xf32>,
    return
  }
  func.func @transform_0(%arg0: i32) -> (i32, i32, i32) {
    %c0_i32 = arith.constant 0 : i32
    %c0_i32_0 = arith.constant 0 : i32
    %c0_i32_1 = arith.constant 0 : i32
    return %c0_i32, %arg0, %c0_i32_0 : i32, i32, i32
  }
  func.func @transform_1(%arg0: i32) -> (i32, i32, i32) {
    %c0_i32 = arith.constant 0 : i32
    %c0_i32_0 = arith.constant 0 : i32
    %c0_i32_1 = arith.constant 0 : i32
    return %c0_i32, %arg0, %c0_i32_0 : i32, i32, i32
  }
  func.func @transform_2(%arg0: i32) -> (i32, i32) {
    %c0_i32 = arith.constant 0 : i32
    %c0_i32_0 = arith.constant 0 : i32
    return %arg0, %c0_i32 : i32, i32
  }
  func.func @transform_3(%arg0: i32) -> (i32, i32) {
    %c0_i32 = arith.constant 0 : i32
    %c0_i32_0 = arith.constant 0 : i32
    %c0_i32_1 = arith.constant 0 : i32
    return %c0_i32, %c0_i32_0 : i32, i32
  }
  func.func @transform_4(%arg0: i32) -> (i32, i32) {
    %c0_i32 = arith.constant 0 : i32
    %c0_i32_0 = arith.constant 0 : i32
    %c0_i32_1 = arith.constant 0 : i32
    return %c0_i32, %c0_i32_0 : i32, i32
  }
  func.func @transform_5(%arg0: i32) -> (i32, i32) {
    %c0_i32 = arith.constant 0 : i32
    %c0_i32_0 = arith.constant 0 : i32
    return %arg0, %c0_i32 : i32, i32
  }
}

module attributes {stable_mosaic.version = 14 : i64} {
  func.func @body(%arg0: i32, %arg1: memref<4000x64xf32, #tpu.memory_space<vmem>>, %arg2: memref<4000x64xf32, #tpu.memory_space<vmem>>, %arg3: memref<64x64xf32, #tpu.memory_space<vmem>>, %arg4: memref<64x64xf32, #tpu.memory_space<vmem>>, %arg5: memref<1x64xf32, #tpu.memory_space<vmem>>, %arg6: memref<8x64xf32, #tpu.memory_space<vmem>>) attributes {dimension_semantics = [#tpu.dimension_semantics<arbitrary>], iteration_bounds = array<i64: 200>, scalar_prefetch = 0 : i64, scratch_operands = 0 : i64, tpu.core_type = #tpu.core_type<tc>, window_params = [{transform_indices = @transform_0, window_bounds = array<i64: 4000, 64>}, {transform_indices = @transform_1, window_bounds = array<i64: 4000, 64>}, {pipeline_mode = #tpu.pipeline_mode<synchronous>, transform_indices = @transform_2, window_bounds = array<i64: 64, 64>}, {pipeline_mode = #tpu.pipeline_mode<synchronous>, transform_indices = @transform_3, window_bounds = array<i64: 64, 64>}, {pipeline_mode = #tpu.pipeline_mode<synchronous>, transform_indices = @transform_4, window_bounds = array<i64: 1, 64>}, {pipeline_mode = #tpu.pipeline_mode<synchronous>, transform_indices = @transform_5, window_bounds = array<i64: 8, 64>}]} {
    %get3A = arith.constant 0 : index
    %get3A_0 = arith.constant 0 : index
    %get3A_1 = vector.load %arg1[%get3A, %get3A_0] : memref<4000x64xf32, #tpu.memory_space<vmem>>, vector<4000x64xf32>
    %get3A_2 = arith.constant 0 : index
    %get3A_3 = arith.constant 0 : index
    %get3A_4 = vector.load %arg2[%get3A_2, %get3A_3] : memref<4000x64xf32, #tpu.memory_space<vmem>>, vector<4000x64xf32>
    %sub3A = arith.subf %get3A_4, %get3A_1 : vector<4000x64xf32>
    %get3A_5 = arith.constant 0 : index
    %get3A_6 = arith.constant 0 : index
    %get3A_7 = vector.load %arg3[%get3A_5, %get3A_6] : memref<64x64xf32, #tpu.memory_space<vmem>>, vector<64x64xf32>
    %dot_general3A = arith.constant dense<0.000000e+00> : vector<4000x64xf32>
    %dot_general3A_8 = tpu.matmul %get3A_1, %get3A_7, %dot_general3A {dimension_numbers = #tpu.dot_dimension_numbers<[1], [0], [0], [1], [0, 0, 1, 1], [], []>, transpose_lhs_hint = false} : vector<4000x64xf32>, vector<64x64xf32>, vector<4000x64xf32> -> vector<4000x64xf32>
    %get3A_9 = arith.constant 0 : index
    %get3A_10 = arith.constant 0 : index
    %get3A_11 = vector.load %arg4[%get3A_9, %get3A_10] : memref<64x64xf32, #tpu.memory_space<vmem>>, vector<64x64xf32>
    %dot_general3A_12 = arith.constant dense<0.000000e+00> : vector<4000x64xf32>
    %dot_general3A_13 = tpu.matmul %sub3A, %get3A_11, %dot_general3A_12 {dimension_numbers = #tpu.dot_dimension_numbers<[1], [0], [0], [1], [0, 0, 1, 1], [], []>, transpose_lhs_hint = false} : vector<4000x64xf32>, vector<64x64xf32>, vector<4000x64xf32> -> vector<4000x64xf32>
    %add3A = arith.addf %dot_general3A_8, %dot_general3A_13 : vector<4000x64xf32>
    %get3A_14 = arith.constant 0 : index
    %get3A_15 = arith.constant 0 : index
    %get3A_16 = vector.load %arg5[%get3A_14, %get3A_15] : memref<1x64xf32, #tpu.memory_space<vmem>>, vector<1x64xf32>
    %add3A_17 = vector.broadcast %get3A_16 : vector<1x64xf32> to vector<4000x64xf32>
    %add3A_18 = arith.addf %add3A, %add3A_17 : vector<4000x64xf32>
    %max3A = arith.constant 0.000000e+00 : f32
    %max3A_19 = vector.broadcast %max3A : f32 to vector<4000x64xf32>
    %max3A_20 = arith.maximumf %add3A_18, %max3A_19 : vector<4000x64xf32>
    %reduce_sum3A = arith.constant dense<0.000000e+00> : vector<64xf32>
    %reduce_sum3A_21 = vector.multi_reduction <add>, %max3A_20, %reduce_sum3A [0] : vector<4000x64xf32> to vector<64xf32>
    %mul3A = arith.mulf %max3A_20, %max3A_20 : vector<4000x64xf32>
    %reduce_sum3A_22 = arith.constant dense<0.000000e+00> : vector<64xf32>
    %reduce_sum3A_23 = vector.multi_reduction <add>, %mul3A, %reduce_sum3A_22 [0] : vector<4000x64xf32> to vector<64xf32>
    %broadcast_in_dim3A = vector.shape_cast %reduce_sum3A_21 : vector<64xf32> to vector<1x64xf32>
    %broadcast_in_dim3A_24 = vector.shape_cast %reduce_sum3A_23 : vector<64xf32> to vector<1x64xf32>
    %broadcast_in_dim3A_25 = arith.constant 0.000000e+00 : f32
    %broadcast_in_dim3A_26 = vector.broadcast %broadcast_in_dim3A_25 : f32 to vector<6x64xf32>
    %concatenate3A = tpu.concatenate %broadcast_in_dim3A, %broadcast_in_dim3A_24, %broadcast_in_dim3A_26 in 0 : vector<1x64xf32>, vector<1x64xf32>, vector<6x64xf32> -> vector<8x64xf32>
    %eq3A = arith.constant 0 : i32
    %eq3A_27 = arith.cmpi eq, %arg0, %eq3A : i32
    %convert_element_type3A = arith.extui %eq3A_27 : i1 to i32
    %cond3A = arith.constant 0 : i32
    %cond3A_28 = arith.cmpi ne, %convert_element_type3A, %cond3A : i32
    scf.if %cond3A_28 {
      %broadcast_in_dim3A_35 = arith.constant 0.000000e+00 : f32
      %broadcast_in_dim3A_36 = vector.broadcast %broadcast_in_dim3A_35 : f32 to vector<8x64xf32>
      %swap3A_37 = arith.constant 0 : index
      %swap3A_38 = arith.constant 0 : index
      %swap3A_39 = vector.load %arg6[%swap3A_37, %swap3A_38] : memref<8x64xf32, #tpu.memory_space<vmem>>, vector<8x64xf32>
      tpu.vector_store %arg6[%swap3A_37, %swap3A_38], %broadcast_in_dim3A_36 {strides = array<i32>} : memref<8x64xf32, #tpu.memory_space<vmem>>, vector<8x64xf32>,
    } else {
    }
    %get3A_29 = arith.constant 0 : index
    %get3A_30 = arith.constant 0 : index
    %get3A_31 = vector.load %arg6[%get3A_29, %get3A_30] : memref<8x64xf32, #tpu.memory_space<vmem>>, vector<8x64xf32>
    %add3A_32 = arith.addf %get3A_31, %concatenate3A : vector<8x64xf32>
    %swap3A = arith.constant 0 : index
    %swap3A_33 = arith.constant 0 : index
    %swap3A_34 = vector.load %arg6[%swap3A, %swap3A_33] : memref<8x64xf32, #tpu.memory_space<vmem>>, vector<8x64xf32>
    tpu.vector_store %arg6[%swap3A, %swap3A_33], %add3A_32 {strides = array<i32>} : memref<8x64xf32, #tpu.memory_space<vmem>>, vector<8x64xf32>,
    return
  }
  func.func @transform_0(%arg0: i32) -> (i32, i32) {
    %c0_i32 = arith.constant 0 : i32
    %c0_i32_0 = arith.constant 0 : i32
    return %arg0, %c0_i32 : i32, i32
  }
  func.func @transform_1(%arg0: i32) -> (i32, i32) {
    %c0_i32 = arith.constant 0 : i32
    %c0_i32_0 = arith.constant 0 : i32
    return %arg0, %c0_i32 : i32, i32
  }
  func.func @transform_2(%arg0: i32) -> (i32, i32) {
    %c0_i32 = arith.constant 0 : i32
    %c0_i32_0 = arith.constant 0 : i32
    %c0_i32_1 = arith.constant 0 : i32
    return %c0_i32, %c0_i32_0 : i32, i32
  }
  func.func @transform_3(%arg0: i32) -> (i32, i32) {
    %c0_i32 = arith.constant 0 : i32
    %c0_i32_0 = arith.constant 0 : i32
    %c0_i32_1 = arith.constant 0 : i32
    return %c0_i32, %c0_i32_0 : i32, i32
  }
  func.func @transform_4(%arg0: i32) -> (i32, i32) {
    %c0_i32 = arith.constant 0 : i32
    %c0_i32_0 = arith.constant 0 : i32
    %c0_i32_1 = arith.constant 0 : i32
    return %c0_i32, %c0_i32_0 : i32, i32
  }
  func.func @transform_5(%arg0: i32) -> (i32, i32) {
    %c0_i32 = arith.constant 0 : i32
    %c0_i32_0 = arith.constant 0 : i32
    %c0_i32_1 = arith.constant 0 : i32
    return %c0_i32, %c0_i32_0 : i32, i32
  }
}

module attributes {stable_mosaic.version = 14 : i64} {
  func.func @body(%arg0: i32, %arg1: memref<4000x64xf32, #tpu.memory_space<vmem>>, %arg2: memref<4000x64xf32, #tpu.memory_space<vmem>>, %arg3: memref<64x64xf32, #tpu.memory_space<vmem>>, %arg4: memref<64x64xf32, #tpu.memory_space<vmem>>, %arg5: memref<1x64xf32, #tpu.memory_space<vmem>>, %arg6: memref<1x64xf32, #tpu.memory_space<vmem>>, %arg7: memref<1x64xf32, #tpu.memory_space<vmem>>, %arg8: memref<64x64xf32, #tpu.memory_space<vmem>>, %arg9: memref<1x64xf32, #tpu.memory_space<vmem>>, %arg10: memref<4000x32xf32, #tpu.memory_space<vmem>>, %arg11: memref<4000x32xf32, #tpu.memory_space<vmem>>, %arg12: memref<8x64xf32, #tpu.memory_space<vmem>>) attributes {dimension_semantics = [#tpu.dimension_semantics<arbitrary>], iteration_bounds = array<i64: 200>, scalar_prefetch = 0 : i64, scratch_operands = 0 : i64, tpu.core_type = #tpu.core_type<tc>, window_params = [{transform_indices = @transform_0, window_bounds = array<i64: 4000, 64>}, {transform_indices = @transform_1, window_bounds = array<i64: 4000, 64>}, {pipeline_mode = #tpu.pipeline_mode<synchronous>, transform_indices = @transform_2, window_bounds = array<i64: 64, 64>}, {pipeline_mode = #tpu.pipeline_mode<synchronous>, transform_indices = @transform_3, window_bounds = array<i64: 64, 64>}, {pipeline_mode = #tpu.pipeline_mode<synchronous>, transform_indices = @transform_4, window_bounds = array<i64: 1, 64>}, {pipeline_mode = #tpu.pipeline_mode<synchronous>, transform_indices = @transform_5, window_bounds = array<i64: 1, 64>}, {pipeline_mode = #tpu.pipeline_mode<synchronous>, transform_indices = @transform_6, window_bounds = array<i64: 1, 64>}, {pipeline_mode = #tpu.pipeline_mode<synchronous>, transform_indices = @transform_7, window_bounds = array<i64: 64, 64>}, {pipeline_mode = #tpu.pipeline_mode<synchronous>, transform_indices = @transform_8, window_bounds = array<i64: 1, 64>}, {transform_indices = @transform_9, window_bounds = array<i64: 4000, 32>}, {transform_indices = @transform_10, window_bounds = array<i64: 4000, 32>}, {pipeline_mode = #tpu.pipeline_mode<synchronous>, transform_indices = @transform_11, window_bounds = array<i64: 8, 64>}]} {
    %get3A = arith.constant 0 : index
    %get3A_0 = arith.constant 0 : index
    %get3A_1 = vector.load %arg1[%get3A, %get3A_0] : memref<4000x64xf32, #tpu.memory_space<vmem>>, vector<4000x64xf32>
    %get3A_2 = arith.constant 0 : index
    %get3A_3 = arith.constant 0 : index
    %get3A_4 = vector.load %arg2[%get3A_2, %get3A_3] : memref<4000x64xf32, #tpu.memory_space<vmem>>, vector<4000x64xf32>
    %sub3A = arith.subf %get3A_4, %get3A_1 : vector<4000x64xf32>
    %get3A_5 = arith.constant 0 : index
    %get3A_6 = arith.constant 0 : index
    %get3A_7 = vector.load %arg3[%get3A_5, %get3A_6] : memref<64x64xf32, #tpu.memory_space<vmem>>, vector<64x64xf32>
    %dot_general3A = arith.constant dense<0.000000e+00> : vector<4000x64xf32>
    %dot_general3A_8 = tpu.matmul %get3A_1, %get3A_7, %dot_general3A {dimension_numbers = #tpu.dot_dimension_numbers<[1], [0], [0], [1], [0, 0, 1, 1], [], []>, transpose_lhs_hint = false} : vector<4000x64xf32>, vector<64x64xf32>, vector<4000x64xf32> -> vector<4000x64xf32>
    %get3A_9 = arith.constant 0 : index
    %get3A_10 = arith.constant 0 : index
    %get3A_11 = vector.load %arg4[%get3A_9, %get3A_10] : memref<64x64xf32, #tpu.memory_space<vmem>>, vector<64x64xf32>
    %dot_general3A_12 = arith.constant dense<0.000000e+00> : vector<4000x64xf32>
    %dot_general3A_13 = tpu.matmul %sub3A, %get3A_11, %dot_general3A_12 {dimension_numbers = #tpu.dot_dimension_numbers<[1], [0], [0], [1], [0, 0, 1, 1], [], []>, transpose_lhs_hint = false} : vector<4000x64xf32>, vector<64x64xf32>, vector<4000x64xf32> -> vector<4000x64xf32>
    %add3A = arith.addf %dot_general3A_8, %dot_general3A_13 : vector<4000x64xf32>
    %get3A_14 = arith.constant 0 : index
    %get3A_15 = arith.constant 0 : index
    %get3A_16 = vector.load %arg5[%get3A_14, %get3A_15] : memref<1x64xf32, #tpu.memory_space<vmem>>, vector<1x64xf32>
    %add3A_17 = vector.broadcast %get3A_16 : vector<1x64xf32> to vector<4000x64xf32>
    %add3A_18 = arith.addf %add3A, %add3A_17 : vector<4000x64xf32>
    %max3A = arith.constant 0.000000e+00 : f32
    %max3A_19 = vector.broadcast %max3A : f32 to vector<4000x64xf32>
    %max3A_20 = arith.maximumf %add3A_18, %max3A_19 : vector<4000x64xf32>
    %get3A_21 = arith.constant 0 : index
    %get3A_22 = arith.constant 0 : index
    %get3A_23 = vector.load %arg6[%get3A_21, %get3A_22] : memref<1x64xf32, #tpu.memory_space<vmem>>, vector<1x64xf32>
    %mul3A = vector.broadcast %get3A_23 : vector<1x64xf32> to vector<4000x64xf32>
    %mul3A_24 = arith.mulf %max3A_20, %mul3A : vector<4000x64xf32>
    %get3A_25 = arith.constant 0 : index
    %get3A_26 = arith.constant 0 : index
    %get3A_27 = vector.load %arg7[%get3A_25, %get3A_26] : memref<1x64xf32, #tpu.memory_space<vmem>>, vector<1x64xf32>
    %add3A_28 = vector.broadcast %get3A_27 : vector<1x64xf32> to vector<4000x64xf32>
    %add3A_29 = arith.addf %mul3A_24, %add3A_28 : vector<4000x64xf32>
    %get3A_30 = arith.constant 0 : index
    %get3A_31 = arith.constant 0 : index
    %get3A_32 = vector.load %arg8[%get3A_30, %get3A_31] : memref<64x64xf32, #tpu.memory_space<vmem>>, vector<64x64xf32>
    %dot_general3A_33 = arith.constant dense<0.000000e+00> : vector<4000x64xf32>
    %dot_general3A_34 = tpu.matmul %add3A_29, %get3A_32, %dot_general3A_33 {dimension_numbers = #tpu.dot_dimension_numbers<[1], [0], [0], [1], [0, 0, 1, 1], [], []>, transpose_lhs_hint = false} : vector<4000x64xf32>, vector<64x64xf32>, vector<4000x64xf32> -> vector<4000x64xf32>
    %get3A_35 = arith.constant 0 : index
    %get3A_36 = arith.constant 0 : index
    %get3A_37 = vector.load %arg9[%get3A_35, %get3A_36] : memref<1x64xf32, #tpu.memory_space<vmem>>, vector<1x64xf32>
    %add3A_38 = vector.broadcast %get3A_37 : vector<1x64xf32> to vector<4000x64xf32>
    %add3A_39 = arith.addf %dot_general3A_34, %add3A_38 : vector<4000x64xf32>
    %max3A_40 = arith.constant 0.000000e+00 : f32
    %max3A_41 = vector.broadcast %max3A_40 : f32 to vector<4000x64xf32>
    %max3A_42 = arith.maximumf %add3A_39, %max3A_41 : vector<4000x64xf32>
    %slice3A = vector.extract_strided_slice %max3A_42 {offsets = [0, 0], sizes = [4000, 32], strides = [1, 1]} : vector<4000x64xf32> to vector<4000x32xf32>
    %swap3A = arith.constant 0 : index
    %swap3A_43 = arith.constant 0 : index
    %swap3A_44 = vector.load %arg10[%swap3A, %swap3A_43] : memref<4000x32xf32, #tpu.memory_space<vmem>>, vector<4000x32xf32>
    tpu.vector_store %arg10[%swap3A, %swap3A_43], %slice3A {strides = array<i32>} : memref<4000x32xf32, #tpu.memory_space<vmem>>, vector<4000x32xf32>,
    %slice3A_45 = vector.extract_strided_slice %max3A_42 {offsets = [0, 32], sizes = [4000, 32], strides = [1, 1]} : vector<4000x64xf32> to vector<4000x32xf32>
    %swap3A_46 = arith.constant 0 : index
    %swap3A_47 = arith.constant 0 : index
    %swap3A_48 = vector.load %arg11[%swap3A_46, %swap3A_47] : memref<4000x32xf32, #tpu.memory_space<vmem>>, vector<4000x32xf32>
    tpu.vector_store %arg11[%swap3A_46, %swap3A_47], %slice3A_45 {strides = array<i32>} : memref<4000x32xf32, #tpu.memory_space<vmem>>, vector<4000x32xf32>,
    %reduce_sum3A = arith.constant dense<0.000000e+00> : vector<64xf32>
    %reduce_sum3A_49 = vector.multi_reduction <add>, %max3A_42, %reduce_sum3A [0] : vector<4000x64xf32> to vector<64xf32>
    %mul3A_50 = arith.mulf %max3A_42, %max3A_42 : vector<4000x64xf32>
    %reduce_sum3A_51 = arith.constant dense<0.000000e+00> : vector<64xf32>
    %reduce_sum3A_52 = vector.multi_reduction <add>, %mul3A_50, %reduce_sum3A_51 [0] : vector<4000x64xf32> to vector<64xf32>
    %broadcast_in_dim3A = vector.shape_cast %reduce_sum3A_49 : vector<64xf32> to vector<1x64xf32>
    %broadcast_in_dim3A_53 = vector.shape_cast %reduce_sum3A_52 : vector<64xf32> to vector<1x64xf32>
    %broadcast_in_dim3A_54 = arith.constant 0.000000e+00 : f32
    %broadcast_in_dim3A_55 = vector.broadcast %broadcast_in_dim3A_54 : f32 to vector<6x64xf32>
    %concatenate3A = tpu.concatenate %broadcast_in_dim3A, %broadcast_in_dim3A_53, %broadcast_in_dim3A_55 in 0 : vector<1x64xf32>, vector<1x64xf32>, vector<6x64xf32> -> vector<8x64xf32>
    %eq3A = arith.constant 0 : i32
    %eq3A_56 = arith.cmpi eq, %arg0, %eq3A : i32
    %convert_element_type3A = arith.extui %eq3A_56 : i1 to i32
    %cond3A = arith.constant 0 : i32
    %cond3A_57 = arith.cmpi ne, %convert_element_type3A, %cond3A : i32
    scf.if %cond3A_57 {
      %broadcast_in_dim3A_65 = arith.constant 0.000000e+00 : f32
      %broadcast_in_dim3A_66 = vector.broadcast %broadcast_in_dim3A_65 : f32 to vector<8x64xf32>
      %swap3A_67 = arith.constant 0 : index
      %swap3A_68 = arith.constant 0 : index
      %swap3A_69 = vector.load %arg12[%swap3A_67, %swap3A_68] : memref<8x64xf32, #tpu.memory_space<vmem>>, vector<8x64xf32>
      tpu.vector_store %arg12[%swap3A_67, %swap3A_68], %broadcast_in_dim3A_66 {strides = array<i32>} : memref<8x64xf32, #tpu.memory_space<vmem>>, vector<8x64xf32>,
    } else {
    }
    %get3A_58 = arith.constant 0 : index
    %get3A_59 = arith.constant 0 : index
    %get3A_60 = vector.load %arg12[%get3A_58, %get3A_59] : memref<8x64xf32, #tpu.memory_space<vmem>>, vector<8x64xf32>
    %add3A_61 = arith.addf %get3A_60, %concatenate3A : vector<8x64xf32>
    %swap3A_62 = arith.constant 0 : index
    %swap3A_63 = arith.constant 0 : index
    %swap3A_64 = vector.load %arg12[%swap3A_62, %swap3A_63] : memref<8x64xf32, #tpu.memory_space<vmem>>, vector<8x64xf32>
    tpu.vector_store %arg12[%swap3A_62, %swap3A_63], %add3A_61 {strides = array<i32>} : memref<8x64xf32, #tpu.memory_space<vmem>>, vector<8x64xf32>,
    return
  }
  func.func @transform_0(%arg0: i32) -> (i32, i32) {
    %c0_i32 = arith.constant 0 : i32
    %c0_i32_0 = arith.constant 0 : i32
    return %arg0, %c0_i32 : i32, i32
  }
  func.func @transform_1(%arg0: i32) -> (i32, i32) {
    %c0_i32 = arith.constant 0 : i32
    %c0_i32_0 = arith.constant 0 : i32
    return %arg0, %c0_i32 : i32, i32
  }
  func.func @transform_2(%arg0: i32) -> (i32, i32) {
    %c0_i32 = arith.constant 0 : i32
    %c0_i32_0 = arith.constant 0 : i32
    %c0_i32_1 = arith.constant 0 : i32
    return %c0_i32, %c0_i32_0 : i32, i32
  }
  func.func @transform_3(%arg0: i32) -> (i32, i32) {
    %c0_i32 = arith.constant 0 : i32
    %c0_i32_0 = arith.constant 0 : i32
    %c0_i32_1 = arith.constant 0 : i32
    return %c0_i32, %c0_i32_0 : i32, i32
  }
  func.func @transform_4(%arg0: i32) -> (i32, i32) {
    %c0_i32 = arith.constant 0 : i32
    %c0_i32_0 = arith.constant 0 : i32
    %c0_i32_1 = arith.constant 0 : i32
    return %c0_i32, %c0_i32_0 : i32, i32
  }
  func.func @transform_5(%arg0: i32) -> (i32, i32) {
    %c0_i32 = arith.constant 0 : i32
    %c0_i32_0 = arith.constant 0 : i32
    %c0_i32_1 = arith.constant 0 : i32
    return %c0_i32, %c0_i32_0 : i32, i32
  }
  func.func @transform_6(%arg0: i32) -> (i32, i32) {
    %c0_i32 = arith.constant 0 : i32
    %c0_i32_0 = arith.constant 0 : i32
    %c0_i32_1 = arith.constant 0 : i32
    return %c0_i32, %c0_i32_0 : i32, i32
  }
  func.func @transform_7(%arg0: i32) -> (i32, i32) {
    %c0_i32 = arith.constant 0 : i32
    %c0_i32_0 = arith.constant 0 : i32
    %c0_i32_1 = arith.constant 0 : i32
    return %c0_i32, %c0_i32_0 : i32, i32
  }
  func.func @transform_8(%arg0: i32) -> (i32, i32) {
    %c0_i32 = arith.constant 0 : i32
    %c0_i32_0 = arith.constant 0 : i32
    %c0_i32_1 = arith.constant 0 : i32
    return %c0_i32, %c0_i32_0 : i32, i32
  }
  func.func @transform_9(%arg0: i32) -> (i32, i32) {
    %c0_i32 = arith.constant 0 : i32
    %c0_i32_0 = arith.constant 0 : i32
    return %arg0, %c0_i32 : i32, i32
  }
  func.func @transform_10(%arg0: i32) -> (i32, i32) {
    %c0_i32 = arith.constant 0 : i32
    %c0_i32_0 = arith.constant 0 : i32
    return %arg0, %c0_i32 : i32, i32
  }
  func.func @transform_11(%arg0: i32) -> (i32, i32) {
    %c0_i32 = arith.constant 0 : i32
    %c0_i32_0 = arith.constant 0 : i32
    %c0_i32_1 = arith.constant 0 : i32
    return %c0_i32, %c0_i32_0 : i32, i32
  }
}

module attributes {stable_mosaic.version = 14 : i64} {
  func.func @body(%arg0: i32, %arg1: memref<2x1000x16xf32, #tpu.memory_space<vmem>>, %arg2: memref<2x1000x16xf32, #tpu.memory_space<vmem>>, %arg3: memref<1000x1xf32, #tpu.memory_space<vmem>>, %arg4: memref<1x64xf32, #tpu.memory_space<vmem>>, %arg5: memref<1x64xf32, #tpu.memory_space<vmem>>, %arg6: memref<64x4xf32, #tpu.memory_space<vmem>>, %arg7: memref<1x4xf32, #tpu.memory_space<vmem>>, %arg8: memref<1000x4xf32, #tpu.memory_space<vmem>>) attributes {dimension_semantics = [#tpu.dimension_semantics<arbitrary>], iteration_bounds = array<i64: 50>, scalar_prefetch = 0 : i64, scratch_operands = 0 : i64, tpu.core_type = #tpu.core_type<tc>, window_params = [{transform_indices = @transform_0, window_bounds = array<i64: 2, 1000, 16>}, {transform_indices = @transform_1, window_bounds = array<i64: 2, 1000, 16>}, {transform_indices = @transform_2, window_bounds = array<i64: 1000, 1>}, {pipeline_mode = #tpu.pipeline_mode<synchronous>, transform_indices = @transform_3, window_bounds = array<i64: 1, 64>}, {pipeline_mode = #tpu.pipeline_mode<synchronous>, transform_indices = @transform_4, window_bounds = array<i64: 1, 64>}, {pipeline_mode = #tpu.pipeline_mode<synchronous>, transform_indices = @transform_5, window_bounds = array<i64: 64, 4>}, {pipeline_mode = #tpu.pipeline_mode<synchronous>, transform_indices = @transform_6, window_bounds = array<i64: 1, 4>}, {transform_indices = @transform_7, window_bounds = array<i64: 1000, 4>}]} {
    %get3A = arith.constant 0 : index
    %get3A_0 = arith.constant 0 : index
    %get3A_1 = arith.constant 0 : index
    %get3A_2 = vector.load %arg1[%get3A, %get3A_0, %get3A_1] : memref<2x1000x16xf32, #tpu.memory_space<vmem>>, vector<1x1000x16xf32>
    %get3A_3 = vector.shape_cast %get3A_2 : vector<1x1000x16xf32> to vector<1000x16xf32>
    %get3A_4 = arith.constant 1 : index
    %get3A_5 = arith.constant 0 : index
    %get3A_6 = arith.constant 0 : index
    %get3A_7 = vector.load %arg1[%get3A_4, %get3A_5, %get3A_6] : memref<2x1000x16xf32, #tpu.memory_space<vmem>>, vector<1x1000x16xf32>
    %get3A_8 = vector.shape_cast %get3A_7 : vector<1x1000x16xf32> to vector<1000x16xf32>
    %get3A_9 = arith.constant 0 : index
    %get3A_10 = arith.constant 0 : index
    %get3A_11 = arith.constant 0 : index
    %get3A_12 = vector.load %arg2[%get3A_9, %get3A_10, %get3A_11] : memref<2x1000x16xf32, #tpu.memory_space<vmem>>, vector<1x1000x16xf32>
    %get3A_13 = vector.shape_cast %get3A_12 : vector<1x1000x16xf32> to vector<1000x16xf32>
    %get3A_14 = arith.constant 1 : index
    %get3A_15 = arith.constant 0 : index
    %get3A_16 = arith.constant 0 : index
    %get3A_17 = vector.load %arg2[%get3A_14, %get3A_15, %get3A_16] : memref<2x1000x16xf32, #tpu.memory_space<vmem>>, vector<1x1000x16xf32>
    %get3A_18 = vector.shape_cast %get3A_17 : vector<1x1000x16xf32> to vector<1000x16xf32>
    %concatenate3A = tpu.concatenate %get3A_3, %get3A_8, %get3A_13, %get3A_18 in 1 : vector<1000x16xf32>, vector<1000x16xf32>, vector<1000x16xf32>, vector<1000x16xf32> -> vector<1000x64xf32>
    %get3A_19 = arith.constant 0 : index
    %get3A_20 = arith.constant 0 : index
    %get3A_21 = vector.load %arg3[%get3A_19, %get3A_20] : memref<1000x1xf32, #tpu.memory_space<vmem>>, vector<1000x1xf32>
    %max3A = arith.constant 1.000000e+00 : f32
    %max3A_22 = vector.broadcast %max3A : f32 to vector<1000x1xf32>
    %max3A_23 = arith.maximumf %get3A_21, %max3A_22 : vector<1000x1xf32>
    %div3A = vector.broadcast %max3A_23 : vector<1000x1xf32> to vector<1000x64xf32>
    %div3A_24 = arith.divf %concatenate3A, %div3A : vector<1000x64xf32>
    %get3A_25 = arith.constant 0 : index
    %get3A_26 = arith.constant 0 : index
    %get3A_27 = vector.load %arg4[%get3A_25, %get3A_26] : memref<1x64xf32, #tpu.memory_space<vmem>>, vector<1x64xf32>
    %mul3A = vector.broadcast %get3A_27 : vector<1x64xf32> to vector<1000x64xf32>
    %mul3A_28 = arith.mulf %div3A_24, %mul3A : vector<1000x64xf32>
    %get3A_29 = arith.constant 0 : index
    %get3A_30 = arith.constant 0 : index
    %get3A_31 = vector.load %arg5[%get3A_29, %get3A_30] : memref<1x64xf32, #tpu.memory_space<vmem>>, vector<1x64xf32>
    %add3A = vector.broadcast %get3A_31 : vector<1x64xf32> to vector<1000x64xf32>
    %add3A_32 = arith.addf %mul3A_28, %add3A : vector<1000x64xf32>
    %get3A_33 = arith.constant 0 : index
    %get3A_34 = arith.constant 0 : index
    %get3A_35 = vector.load %arg6[%get3A_33, %get3A_34] : memref<64x4xf32, #tpu.memory_space<vmem>>, vector<64x4xf32>
    %dot_general3A = arith.constant dense<0.000000e+00> : vector<1000x4xf32>
    %dot_general3A_36 = tpu.matmul %add3A_32, %get3A_35, %dot_general3A {dimension_numbers = #tpu.dot_dimension_numbers<[1], [0], [0], [1], [0, 0, 1, 1], [], []>, transpose_lhs_hint = false} : vector<1000x64xf32>, vector<64x4xf32>, vector<1000x4xf32> -> vector<1000x4xf32>
    %get3A_37 = arith.constant 0 : index
    %get3A_38 = arith.constant 0 : index
    %get3A_39 = vector.load %arg7[%get3A_37, %get3A_38] : memref<1x4xf32, #tpu.memory_space<vmem>>, vector<1x4xf32>
    %add3A_40 = vector.broadcast %get3A_39 : vector<1x4xf32> to vector<1000x4xf32>
    %add3A_41 = arith.addf %dot_general3A_36, %add3A_40 : vector<1000x4xf32>
    %swap3A = arith.constant 0 : index
    %swap3A_42 = arith.constant 0 : index
    %swap3A_43 = vector.load %arg8[%swap3A, %swap3A_42] : memref<1000x4xf32, #tpu.memory_space<vmem>>, vector<1000x4xf32>
    tpu.vector_store %arg8[%swap3A, %swap3A_42], %add3A_41 {strides = array<i32>} : memref<1000x4xf32, #tpu.memory_space<vmem>>, vector<1000x4xf32>,
    return
  }
  func.func @transform_0(%arg0: i32) -> (i32, i32, i32) {
    %c0_i32 = arith.constant 0 : i32
    %c0_i32_0 = arith.constant 0 : i32
    %c0_i32_1 = arith.constant 0 : i32
    return %c0_i32, %arg0, %c0_i32_0 : i32, i32, i32
  }
  func.func @transform_1(%arg0: i32) -> (i32, i32, i32) {
    %c0_i32 = arith.constant 0 : i32
    %c0_i32_0 = arith.constant 0 : i32
    %c0_i32_1 = arith.constant 0 : i32
    return %c0_i32, %arg0, %c0_i32_0 : i32, i32, i32
  }
  func.func @transform_2(%arg0: i32) -> (i32, i32) {
    %c0_i32 = arith.constant 0 : i32
    %c0_i32_0 = arith.constant 0 : i32
    return %arg0, %c0_i32 : i32, i32
  }
  func.func @transform_3(%arg0: i32) -> (i32, i32) {
    %c0_i32 = arith.constant 0 : i32
    %c0_i32_0 = arith.constant 0 : i32
    %c0_i32_1 = arith.constant 0 : i32
    return %c0_i32, %c0_i32_0 : i32, i32
  }
  func.func @transform_4(%arg0: i32) -> (i32, i32) {
    %c0_i32 = arith.constant 0 : i32
    %c0_i32_0 = arith.constant 0 : i32
    %c0_i32_1 = arith.constant 0 : i32
    return %c0_i32, %c0_i32_0 : i32, i32
  }
  func.func @transform_5(%arg0: i32) -> (i32, i32) {
    %c0_i32 = arith.constant 0 : i32
    %c0_i32_0 = arith.constant 0 : i32
    %c0_i32_1 = arith.constant 0 : i32
    return %c0_i32, %c0_i32_0 : i32, i32
  }
  func.func @transform_6(%arg0: i32) -> (i32, i32) {
    %c0_i32 = arith.constant 0 : i32
    %c0_i32_0 = arith.constant 0 : i32
    %c0_i32_1 = arith.constant 0 : i32
    return %c0_i32, %c0_i32_0 : i32, i32
  }
  func.func @transform_7(%arg0: i32) -> (i32, i32) {
    %c0_i32 = arith.constant 0 : i32
    %c0_i32_0 = arith.constant 0 : i32
    return %arg0, %c0_i32 : i32, i32
  }
}

</mosaic_0001>

<sc_bundles>
// kernel: kernel.25.cloned.1.call-start
scs
__scs_entry_jumppad:
0x0: {  	(pc) =	sbr.rel $0x88, $3  }
0x1: {  	(tag) =	ssettag $0x0;
	lr =	simm.s32 $0x1  }
0x2: {  	[smem:$0x3F6B] =	sst lr;
	_ =	strace $0xD0000000  }
0x3: {  	_ = 	snop  }
0x4: {  	_ = 	snop  }
0x5: {  	_ = 	snop  }
0x6: {  	_ = 	snop  }
0x7: {  	_ = 	snop  }
__scs_overlays_trampoline_lowered:
0x8: {  	[smem:$0x3F7A] =	sst s0  }
0x9: {  	[smem:$0x3F7B] =	sst s1  }
0xa: {  	[smem:$0x3F7C] =	sst s2  }
0xb: {  	[smem:$0x3F7D] =	sst s3  }
0xc: {  	[smem:$0x3F7E] =	sst s4  }
0xd: {  	[smem:$0x3F7F] =	sst s5  }
0xe: {  	[smem:$0x3F80] =	sst s6  }
0xf: {  	[smem:$0x3F81] =	sst s7  }
0x10: {  	[smem:$0x3F82] =	sst s8  }
0x11: {  	[smem:$0x3F83] =	sst s9;
	s0 =	simm.s32 @!p0 $0x0  }
0x12: {  	s1 =	sld [smem:$0x3F69];
	s0 =	simm.s32 @p0 $0x1  }
0x13: {  	[smem:$0x3F84] =	sst s0;
	s0 =	simm.s32 @!p1 $0x0  }
0x14: {  	s2 =	sld [smem:$0x3F68];
	s0 =	simm.s32 @p1 $0x1  }
0x15: {  	[smem:$0x3F85] =	sst s0;
	s0 =	simm.s32 @!p2 $0x0  }
0x16: {  	s3 =	sld [smem:$0x3FDB];
	s0 =	simm.s32 @p2 $0x1  }
0x17: {  	s4 =	simm.s32 $0x1BF5;
	[smem:$0x3F87] =	sst s0  }
0x18: {  	s0 =	sld [smem:$0x3F6A];
	_ =	swait.ge [sflag:s4], $0x0  }
0x19: {  	s7 =	sld [smem:$0x3F6B]  }
0x1a: {  	s8 =	sadd.s32 $0xFFFFE003, lr  }
0x1b: {  	s9 =	sadd.s32 $0xFFFFFEF7, lr;
	s5 =	simm.s32 $0xFFFFFFFF;
	p2 =	slt.u32 s8, $0xFFFFF086  }
0x1c: {  	p1 =	slt.u32 s9, $0xF7A;
	s5 =	simm.s32 @!p2 $0x0  }
0x1d: {  	s5 =	simm.s32 @p1 $0x1;
	p0 =	seq.s32 s7, s2  }
0x1e: {  	s7 =	smul.u32 @!p0 $0xF7A, s2;
	p2 =	seq.s32 @!p0 s5, $0x0  }
0x1f: {  	s9 =	smul.u32 $0xF7A, s1;
	s8 =	simm.s32 @!p0 $0x1BF5;
	p2 =	por !p2, p0  }
0x20: {  	[sflag:s8] =	ssyncset.s32 @!p0 $0xFFFFF086;
	s6 =	sadd.s32 @!p0 s3, s7;
	s7 =	simm.s32 @!p0 $0x108  }
0x21: {  	s3 =	sadd.s32 s3, s9;
	s6 =	sadd.s32 @!p0 $0x88, s6;
	s7 =	simm.s32 @p2 $0x1082  }
0x22: {  	[simem:s7], [sflag:s8] =	dma.local @!p0 [hbm:s6], $0xF7A  }
0x23: {  	s9 =	sor.u32 $0xD0000000, s2;
	s6 =	simm.s32 $0x108;
	_ =	swait.ge @!p0 [sflag:s8], $0x0  }
0x24: {  	s3 =	sadd.s32 $0x88, s3;
	s6 =	simm.s32 @!p1 $0x1082;
	[sflag:s4] =	ssyncset.s32 $0xFFFFF086  }
0x25: {  	[simem:s6], [sflag:s4] =	dma.local [hbm:s3], $0xF7A  }
0x26: {  	[smem:$0x3F6B] =	sst s1;
	(tag) =	ssettag s2;
	_ =	strace s9  }
0x27: {  	s1 =	sld [smem:$0x3F7B]  }
0x28: {  	s2 =	sld [smem:$0x3F7C]  }
0x29: {  	s4 =	sld [smem:$0x3F7E]  }
0x2a: {  	p0 =	seq.s32 s5, $0x0;
	s5 =	sld [smem:$0x3F7F]  }
0x2b: {  	s6 =	sld [smem:$0x3F80]  }
0x2c: {  	s7 =	sld [smem:$0x3F81]  }
0x2d: {  	s3 =	simm.s32 $0x108;
	s8 =	sld [smem:$0x3F82]  }
0x2e: {  	s3 =	simm.s32 @!p0 $0x1082;
	s9 =	sld [smem:$0x3F83]  }
0x2f: {  	lr =	sadd.s32 s0, s3;
	s0 =	sld [smem:$0x3F7A]  }
0x30: {  	s3 =	sld [smem:$0x3F7D]  }
0x31: {  	[smem:$0x3F86] =	sst s10  }
0x32: {  	s10 =	sld [smem:$0x3F84];
	_ =	sdelay $0x3  }
0x33: {  	p0 =	seq.s32 s10, $0x1;
	s10 =	sld [smem:$0x3F86];
	_ =	sdelay $0x3  }
0x34: {  	[smem:$0x3F86] =	sst s10  }
0x35: {  	s10 =	sld [smem:$0x3F85];
	_ =	sdelay $0x3  }
0x36: {  	p1 =	seq.s32 s10, $0x1;
	s10 =	sld [smem:$0x3F86];
	_ =	sdelay $0x3  }
0x37: {  	[smem:$0x3F86] =	sst s10  }
0x38: {  	s10 =	sld [smem:$0x3F87]  }
0x39: {  	_ = 	snop;
	(pc) =	sbr.ind lr, $3  }
0x3a: {  	_ = 	snop  }
0x3b: {  	_ = 	snop  }
0x3c: {  	p2 =	seq.s32 s10, $0x1;
	s10 =	sld [smem:$0x3F86]  }
0x3d: {  	_ =	shalt  }
0x3e: {  	_ =	shalt  }
0x3f: {  	_ =	shalt  }
0x40: {  	_ =	shalt  }
0x41: {  	_ =	shalt  }
0x42: {  	_ =	shalt  }
0x43: {  	_ =	shalt  }
0x44: {  	_ =	shalt  }
0x45: {  	_ =	shalt  }
0x46: {  	_ =	shalt  }
0x47: {  	_ =	shalt  }
0x48: {  	_ =	shalt  }
0x49: {  	_ =	shalt  }
0x4a: {  	_ =	shalt  }
0x4b: {  	_ =	shalt  }
0x4c: {  	_ =	shalt  }
0x4d: {  	_ =	shalt  }
0x4e: {  	_ =	shalt  }
0x4f: {  	_ =	shalt  }
0x50: {  	_ =	shalt  }
0x51: {  	_ =	shalt  }
0x52: {  	_ =	shalt  }
0x53: {  	_ =	shalt  }
0x54: {  	_ =	shalt  }
0x55: {  	_ =	shalt  }
0x56: {  	_ =	shalt  }
0x57: {  	_ =	shalt  }
0x58: {  	_ =	shalt  }
0x59: {  	_ =	shalt  }
0x5a: {  	_ =	shalt  }
0x5b: {  	_ =	shalt  }
0x5c: {  	_ =	shalt  }
0x5d: {  	_ =	shalt  }
0x5e: {  	_ =	shalt  }
0x5f: {  	_ =	shalt  }
0x60: {  	_ =	shalt  }
0x61: {  	_ =	shalt  }
0x62: {  	_ =	shalt  }
0x63: {  	_ =	shalt  }
0x64: {  	_ =	shalt  }
0x65: {  	_ =	shalt  }
0x66: {  	_ =	shalt  }
0x67: {  	_ =	shalt  }
0x68: {  	_ =	shalt  }
0x69: {  	_ =	shalt  }
0x6a: {  	_ =	shalt  }
0x6b: {  	_ =	shalt  }
0x6c: {  	_ =	shalt  }
0x6d: {  	_ =	shalt  }
0x6e: {  	_ =	shalt  }
0x6f: {  	_ =	shalt  }
0x70: {  	_ =	shalt  }
0x71: {  	_ =	shalt  }
0x72: {  	_ =	shalt  }
0x73: {  	_ =	shalt  }
0x74: {  	_ =	shalt  }
0x75: {  	_ =	shalt  }
0x76: {  	_ =	shalt  }
0x77: {  	_ =	shalt  }
0x78: {  	_ =	shalt  }
0x79: {  	_ =	shalt  }
0x7a: {  	_ =	shalt  }
0x7b: {  	_ =	shalt  }
0x7c: {  	_ =	shalt  }
0x7d: {  	_ =	shalt  }
0x7e: {  	_ =	shalt  }
0x7f: {  	_ =	shalt  }
0x80: {  	_ =	shalt  }
0x81: {  	_ =	shalt  }
0x82: {  	_ =	shalt  }
0x83: {  	_ =	shalt  }
0x84: {  	_ =	shalt  }
0x85: {  	_ =	shalt  }
0x86: {  	_ =	shalt  }
0x87: {  	_ =	shalt  }
.Lfunc_end0:
.L_simem_size_0:
called_computation_lowered:
.L_overlay_start_0:
0x88: {  	s2 =	sld [smem:$0x3FD9]  }
0x89: {  	s3 =	sld [smem:$0x3FFE];
	_ =	sdelay $0x1  }
0x8a: {  	s1 =	srdreg.scid  }
0x8b: {  	s0 =	sand.u32 $0x1, s1  }
0x8c: {  	s16 =	sshll.u32 s0, $0xA;
	s2 =	sadd.s32 s3, s2  }
0x8d: {  	s2 =	sadd.s32 s2, s16  }
0x8e: {  	[smem:$0x3F92] =	sst s2  }
0x8f: {  	_ = 	snop  }
0x90: {  	(tm) =	ssettm $0x1  }
0x91: {  	s17 =	sld [smem:$0x3FFB];
	_ =	sdelay $0x3  }
0x92: {  	_ =	strace s17  }
0x93: {  	s2 =	sld [smem:$0x3FFC];
	_ =	sdelay $0x3  }
0x94: {  	_ =	strace s2  }
0x95: {  	s2 =	sld [smem:$0x3FFD];
	_ =	sdelay $0x3  }
0x96: {  	_ =	strace s2  }
0x97: {  	_ =	strace $0x8FFFFFFF  }
0x98: {  	s18 =	sld [smem:$0x3FDB];
	_ =	sdelay $0x1  }
0x99: {  	s19 =	simm.s32 $_scs_section_size  }
0x9a: {  	s4 =	simm.s32 $_size__tile_overlayer_lowered;
	s5 =	simm.s32 $_tile_overlayer_lowered  }
0x9b: {  	s22 =	simm.s32 $0x1BFF;
	s21 =	sshll.u32 s5, $0x1;
	s2 =	sadd.s32 s19, s18  }
0x9c: {  	s6 =	simm.s32 $0x0;
	s20 =	sshll.u32 s4, $0x1;
	s4 =	sadd.s32 s21, s2  }
0x9d: {  	[timem:s6], [sflag:s22] =	dma.local [hbm:s4], s20  }
0x9e: {  	_ =	swait.ge [sflag:s22], s20  }
0x9f: {  	s3 =	ssub.s32 $0x0, s20;
	[sflag:s22] =	ssyncset.done $0x0  }
0xa0: {  	[sflag:s22] =	ssyncadd.s32 s3;
	_ =	sdelay $0x1  }
0xa1: {  	s23 =	simm.s32 $0x1B8B  }
0xa2: {  	_ =	swait.ge [sflag:s23], $0x1  }
0xa3: {  	[sflag:s23] =	ssyncset.done $0x0  }
0xa4: {  	s25 =	simm.s32 $0x1B8E;
	s24 =	sld [smem:$0x3FFE];
	[sflag:s23] =	ssyncadd.s32 $0xFFFFFFFF  }
0xa5: {  	s26 =	simm.s32 $execute0_lowered;
	[smem:$0x3FD2] =	sst s25  }
0xa6: {  	s4 =	sshll.u32 s26, $0x1;
	_ =	strace $0x80000046;
	[dreg:$0x1] =	wrdreg $0xFFFFFFFF  }
0xa7: {  	s28 =	simm.s32 $_size_execute0_lowered;
	s2 =	sadd.s32 s2, s4;
	[dreg:$0x0] =	wrdreg $0x0  }
0xa8: {  	s4 =	sshll.u32 s28, $0x1;
	[dreg:$0x2] =	wrdreg s2  }
0xa9: {  	[dreg:$0x3] =	wrdreg s4  }
0xaa: {  	[dreg:$0x4] =	wrdreg $0xC0  }
0xab: {  	_ =	task [dreg:s6], $0x5FFFF  }
0xac: {  	[dreg:$0x1] =	wrdreg $0xFFFFFFFF  }
0xad: {  	[dreg:$0x0] =	wrdreg $0x60  }
0xae: {  	[dreg:$0x2] =	wrdreg s24  }
0xaf: {  	[dreg:$0x3] =	wrdreg $0xA  }
0xb0: {  	_ =	task.clear_ibuf [dreg:s6], $0x4FFFF;
	_ =	strace $0x90000046  }
0xb1: {  	s29 =	simm.s32 $0xA;
	_ =	strace $0x80000048  }
0xb2: {  	_ =	swait.ge [sflag:s29], $0x1  }
0xb3: {  	[sflag:s29] =	ssyncadd.s32 $0xFFFFFFFF  }
0xb4: {  	_ =	strace $0x90000048  }
0xb5: {  	_ =	sfence  }
0xb6: {  	s30 =	sld [smem:$0x0];
	_ =	sdelay $0x2  }
0xb7: {  	s31 =	sshll.u32 s1, $0xD;
	s1 =	sshrl.u32 s1, $0x2  }
0xb8: {  	s3 =	sand.u32 $0x4000, s31;
	s1 =	sadd.s32 s1, s30  }
0xb9: {  	s0 =	sor.u32 s3, s0;
	s1 =	sshll.u32 s1, $0x11  }
0xba: {  	s0 =	sor.u32 s1, s0  }
0xbb: {  	s0 =	sadd.s32 $0x8F2B, s0  }
0xbc: {  	[sflag:s0] =	ssyncadd.remote.s32 $0x1  }
0xbd: {  	_ =	sfence.sel $0xFFFF  }
0xbe: {  	[dreg:$0x0] =	wrdreg $0xFFFFFFFF;
	(pc) =	sbr.abs _section_cstart, $3  }
0xbf: {  	[dreg:$0x1] =	wrdreg $0xFFFFFFFF  }
0xc0: {  	_ =	task.clear_ibuf [dreg:s6], $0x2FFFF;
	_ =	strace $0x9FFFFFFF  }
0xc1: {  	(tm) =	ssettm $0x7FFFFFFF  }
tec
execute0_lowered:
.L_overlay_start_1:
0x0: {  	(tag) =	ssettag $0x1  }
0x1: {  	s4 =	rddreg [dreg:$0x0]  }
0x2: {  	s0 =	rddreg [dreg:$0x1]  }
0x3: {  	s2 =	simm.s32 $0x0;
	s3 =	srdreg.scid;
	s1 =	stileid.u32  }
0x4: {  	[smem:$0x7FF] =	sst s2;
	s5 =	sand.u32 $0x1, s3;
	s3 =	sadd.s32 $0x36E00, s4  }
0x5: {  	s6 =	sshll.u32 s1, $0x5;
	s8 =	sshll.u32 s1, $0x9;
	_ =	strace $0x80000047  }
0x6: {  	s7 =	ssub.s32 $0x2, s5;
	s6 =	sadd.s32 s6, s4;
	s8 =	sadd.s32 s8, s4  }
0x7: {  	s31 =	sshll.u32 s5, $0x4;
	s10 =	sshll.u32 s5, $0x8;
	s9 =	sshrl.u32 s7, $0x1  }
0x8: {  	s4 =	sshll.u32 s1, $0x1;
	s10 =	sadd.s32 s10, s8;
	s7 =	ssub.s32 s7, s9  }
0x9: {  	s9 =	sadd.s32 s31, s6;
	s8 =	sadd.s32 $0x4F600, s10;
	s5 =	smax.u32 s7, $0x1  }
0xa: {  	s6 =	sadd.s32 $0x5E00, s9;
	s7 =	sadd.s32 $0x1E600, s9;
	s9 =	sadd.s32 $0x1D6000, s10  }
.LBB2_1:
0xb: {  	p0 =	sgt.u32 s4, $0x1869  }
0xc: {  	s10 =	sadd.s32 @!p0 $0x0, s7;
	s11 =	simm.s32 @!p0 $0x0;
	s14 =	simm.s32 @!p0 $0x4  }
0xd: {  	[tilespmem:s11], [sflag:$0x4] =	stream.linear.gather @!p0 [hbm4b:s10+s11], $0x80, $0x38;
	[tilespmem:$0x1100] =	vst v63  }
0xe: {  	_ =	swait.ge @!p0 [sflag:s14], $0x80;
	p0 =	por p0, p0  }
0xf: {  	[sflag:s14] =	ssyncset.done @!p0 $0x0  }
0x10: {  	s10 =	sadd.s32 @!p0 $0x0, s6;
	s12 =	simm.s32 @!p0 $0x80;
	[sflag:s14] =	ssyncadd.s32 @!p0 $0xFFFFFF80  }
0x11: {  	[tilespmem:s12], [sflag:$0x4] =	stream.linear.gather @!p0 [hbm4b:s10+s11], $0x80, $0x38;
	[tilespmem:$0x1100] =	vst v63  }
0x12: {  	_ =	swait.ge @!p0 [sflag:s14], $0x80  }
0x13: {  	[sflag:s14] =	ssyncset.done @!p0 $0x0  }
0x14: {  	s10 =	simm.s32 @!p0 $0x100;
	[sflag:s14] =	ssyncadd.s32 @!p0 $0xFFFFFF80  }
0x15: {  	[tilespmem:s10], [sflag:$0x1] =	stream.indirect.gather @!p0 [hbm4b:s3+s12], $0x10, s11, s12, $0xb8;
	[tilespmem:$0x1100] =	vst v63  }
0x16: {  	s15 =	simm.s32 @!p0 $0x900;
	s13 =	simm.s32 @!p0 $0x1  }
0x17: {  	[tilespmem:s15], [sflag:$0x2] =	stream.indirect.gather @!p0 [hbm4b:s3+s12], $0x10, s12, s12, $0xb8;
	[tilespmem:$0x1100] =	vst v63  }
0x18: {  	_ =	swait.ge @!p0 [sflag:s13], $0x800  }
0x19: {  	[sflag:s13] =	ssyncset.done @!p0 $0x0  }
0x1a: {  	s12 =	simm.s32 @!p0 $0x2;
	[sflag:s13] =	ssyncadd.s32 @!p0 $0xFFFFF800  }
0x1b: {  	_ =	swait.ge @!p0 [sflag:s12], $0x800  }
0x1c: {  	[sflag:s12] =	ssyncset.done @!p0 $0x0  }
0x1d: {  	[sflag:s12] =	ssyncadd.s32 @!p0 $0xFFFFF800  }
0x1e: {  	[hbm4b:s9+s11] =	stream.linear.scatter @!p0 [tilespmem:s10], [sflag:$0x4], $0x800, $0x38;
	[tilespmem:$0x1100] =	vst v63  }
0x1f: {  	_ =	swait.ge @!p0 [sflag:s14], $0x800  }
0x20: {  	[sflag:s14] =	ssyncset.done @!p0 $0x0  }
0x21: {  	s13 =	simm.s32 $0x400;
	s12 =	simm.s32 $0x200;
	[sflag:s14] =	ssyncadd.s32 @!p0 $0xFFFFF800  }
0x22: {  	[hbm4b:s8+s11] =	stream.linear.scatter @!p0 [tilespmem:s15], [sflag:$0x3], $0x800, $0x38;
	[tilespmem:$0x1100] =	vst v63  }
0x23: {  	s10 =	sadd.s32 $0x2000, s9;
	s14 =	sadd.s32 $0x20, s4;
	s15 =	simm.s32 @!p0 $0x3  }
0x24: {  	p2 =	sgt.u32 s14, $0x1869;
	s11 =	sadd.s32 $0x2000, s8;
	_ =	swait.ge @!p0 [sflag:s15], $0x800  }
.LBB2_2:
0x25: {  	s16 =	sadd.s32 @!p2 s12, s7  }
0x26: {  	s17 =	simm.s32 @!p2 $0x0;
	[sflag:s15] =	ssyncset.done @!p0 $0x0;
	s18 =	smov.u32 s13  }
0x27: {  	s13 =	sadd.s32 $0x200, s13;
	s19 =	simm.s32 @!p2 $0x4;
	[sflag:s15] =	ssyncadd.s32 @!p0 $0xFFFFF800  }
0x28: {  	[tilespmem:s17], [sflag:$0x4] =	stream.linear.gather @!p2 [hbm4b:s16+s17], $0x80, $0x38;
	[tilespmem:$0x1100] =	vst v63  }
0x29: {  	p1 =	sne.s32 s13, $0x18800;
	p0 =	por p2, p2;
	_ =	swait.ge @!p2 [sflag:s19], $0x80  }
0x2a: {  	[sflag:s19] =	ssyncset.done @!p0 $0x0  }
0x2b: {  	s12 =	sadd.s32 @!p0 s12, s6;
	s15 =	simm.s32 @!p0 $0x80;
	[sflag:s19] =	ssyncadd.s32 @!p0 $0xFFFFFF80  }
0x2c: {  	[tilespmem:s15], [sflag:$0x4] =	stream.linear.gather @!p0 [hbm4b:s12+s17], $0x80, $0x38;
	[tilespmem:$0x1100] =	vst v63  }
0x2d: {  	s12 =	smov.u32 s18;
	_ =	swait.ge @!p0 [sflag:s19], $0x80  }
0x2e: {  	[sflag:s19] =	ssyncset.done @!p0 $0x0  }
0x2f: {  	s16 =	simm.s32 @!p0 $0x100;
	[sflag:s19] =	ssyncadd.s32 @!p0 $0xFFFFFF80  }
0x30: {  	[tilespmem:s16], [sflag:$0x1] =	stream.indirect.gather @!p0 [hbm4b:s3+s15], $0x10, s17, s15, $0xb8;
	[tilespmem:$0x1100] =	vst v63  }
0x31: {  	s20 =	simm.s32 @!p0 $0x1;
	s18 =	simm.s32 @!p0 $0x900  }
0x32: {  	[tilespmem:s18], [sflag:$0x2] =	stream.indirect.gather @!p0 [hbm4b:s3+s15], $0x10, s15, s15, $0xb8;
	[tilespmem:$0x1100] =	vst v63  }
0x33: {  	_ =	swait.ge @!p0 [sflag:s20], $0x800  }
0x34: {  	[sflag:s20] =	ssyncset.done @!p0 $0x0  }
0x35: {  	s15 =	simm.s32 @!p0 $0x2;
	[sflag:s20] =	ssyncadd.s32 @!p0 $0xFFFFF800  }
0x36: {  	_ =	swait.ge @!p0 [sflag:s15], $0x800  }
0x37: {  	[sflag:s15] =	ssyncset.done @!p0 $0x0  }
0x38: {  	[sflag:s15] =	ssyncadd.s32 @!p0 $0xFFFFF800  }
0x39: {  	[hbm4b:s10+s17] =	stream.linear.scatter @!p0 [tilespmem:s16], [sflag:$0x4], $0x800, $0x38;
	[tilespmem:$0x1100] =	vst v63  }
.Ltmp0:
0x3a: {  	_ =	swait.ge @!p0 [sflag:s19], $0x800;
	(pc) =	sbr.rel @p1 .LBB2_2-.Ltmp0, $4  }
0x3b: {  	s10 =	sadd.s32 $0x2000, s10;
	[sflag:s19] =	ssyncset.done @!p0 $0x0  }
0x3c: {  	s14 =	sadd.s32 $0x20, s14;
	s15 =	simm.s32 @!p0 $0x3;
	[sflag:s19] =	ssyncadd.s32 @!p0 $0xFFFFF800  }
0x3d: {  	[hbm4b:s11+s17] =	stream.linear.scatter @!p0 [tilespmem:s18], [sflag:$0x3], $0x800, $0x38;
	[tilespmem:$0x1100] =	vst v63  }
0x3e: {  	p2 =	sgt.u32 s14, $0x1869;
	s11 =	sadd.s32 $0x2000, s11;
	_ =	swait.ge @!p0 [sflag:s15], $0x800  }
0x3f: {  	s13 =	sadd.s32 @!p2 s12, s7;
	[sflag:s15] =	ssyncset.done @!p0 $0x0  }
0x40: {  	s14 =	simm.s32 @!p2 $0x0;
	s16 =	simm.s32 @!p2 $0x4;
	[sflag:s15] =	ssyncadd.s32 @!p0 $0xFFFFF800  }
0x41: {  	[tilespmem:s14], [sflag:$0x4] =	stream.linear.gather @!p2 [hbm4b:s13+s14], $0x80, $0x38;
	[tilespmem:$0x1100] =	vst v63  }
0x42: {  	p0 =	por p2, p2;
	_ =	swait.ge @!p2 [sflag:s16], $0x80  }
0x43: {  	[sflag:s16] =	ssyncset.done @!p0 $0x0  }
0x44: {  	s12 =	sadd.s32 @!p0 s12, s6;
	s13 =	simm.s32 @!p0 $0x80;
	[sflag:s16] =	ssyncadd.s32 @!p0 $0xFFFFFF80  }
0x45: {  	[tilespmem:s13], [sflag:$0x4] =	stream.linear.gather @!p0 [hbm4b:s12+s14], $0x80, $0x38;
	[tilespmem:$0x1100] =	vst v63  }
0x46: {  	_ =	swait.ge @!p0 [sflag:s16], $0x80  }
0x47: {  	[sflag:s16] =	ssyncset.done @!p0 $0x0  }
0x48: {  	s12 =	simm.s32 @!p0 $0x100;
	[sflag:s16] =	ssyncadd.s32 @!p0 $0xFFFFFF80  }
0x49: {  	[tilespmem:s12], [sflag:$0x1] =	stream.indirect.gather @!p0 [hbm4b:s3+s13], $0x10, s14, s13, $0xb8;
	[tilespmem:$0x1100] =	vst v63  }
0x4a: {  	s15 =	simm.s32 @!p0 $0x900;
	s17 =	simm.s32 @!p0 $0x1  }
0x4b: {  	[tilespmem:s15], [sflag:$0x2] =	stream.indirect.gather @!p0 [hbm4b:s3+s13], $0x10, s13, s13, $0xb8;
	[tilespmem:$0x1100] =	vst v63  }
0x4c: {  	_ =	swait.ge @!p0 [sflag:s17], $0x800  }
0x4d: {  	[sflag:s17] =	ssyncset.done @!p0 $0x0  }
0x4e: {  	s13 =	simm.s32 @!p0 $0x2;
	[sflag:s17] =	ssyncadd.s32 @!p0 $0xFFFFF800  }
0x4f: {  	_ =	swait.ge @!p0 [sflag:s13], $0x800  }
0x50: {  	[sflag:s13] =	ssyncset.done @!p0 $0x0  }
0x51: {  	[sflag:s13] =	ssyncadd.s32 @!p0 $0xFFFFF800  }
0x52: {  	[hbm4b:s10+s14] =	stream.linear.scatter @!p0 [tilespmem:s12], [sflag:$0x4], $0x800, $0x38;
	[tilespmem:$0x1100] =	vst v63  }
0x53: {  	s2 =	sadd.s32 $0x1, s2;
	_ =	swait.ge @!p0 [sflag:s16], $0x800  }
0x54: {  	p1 =	sne.s32 s2, s5;
	[sflag:s16] =	ssyncset.done @!p0 $0x0  }
.Ltmp1:
0x55: {  	s10 =	simm.s32 @!p0 $0x3;
	[sflag:s16] =	ssyncadd.s32 @!p0 $0xFFFFF800;
	(pc) =	sbr.rel @p1 .LBB2_1-.Ltmp1, $4  }
0x56: {  	[hbm4b:s11+s14] =	stream.linear.scatter @!p0 [tilespmem:s15], [sflag:$0x3], $0x800, $0x38;
	[tilespmem:$0x1100] =	vst v63  }
0x57: {  	_ =	swait.ge @!p0 [sflag:s10], $0x800  }
0x58: {  	[sflag:s10] =	ssyncset.done @!p0 $0x0  }
0x59: {  	[sflag:s10] =	ssyncadd.s32 @!p0 $0xFFFFF800  }
0x5a: {  	_ =	sfence.sel $0x180000  }
0x5b: {  	[bflag:$0x0] =	sbarrier.arrive $0xFFFF  }
0x5c: {  	p0 =	sne.s32 s1, $0x0;
	_ =	strace $0x90000047  }
0x5d: {  	s0 =	sadd.s32 @!p0 $0x100000, s0;
	[bflag:$0x2] =	sbarrier.arrive $0xFFFF  }
0x5e: {  	[sflag:s0] =	ssyncadd.tile.s32 @!p0 $0x1;
	_ =	shalt  }
.Lfunc_end2:
_tile_overlayer_lowered:
.L_overlay_start_2:
0x5f: {  	(tag) =	ssettag $0x2  }
0x60: {  	s0 =	rddreg [dreg:$0x0];
	s2 =	stileid.u32  }
0x61: {  	s1 =	rddreg [dreg:$0x1];
	p0 =	sne.s32 s2, $0x0  }
0x62: {  	s3 =	rddreg [dreg:$0x2];
	[bflag:$0x3] =	sbarrier.arrive $0xFFFF;
	s2 =	simm.s32 @!p0 $0x1C03  }
0x63: {  	[timem:s3], [sflag:s2] =	dma.local @!p0 [hbm:s0], s1  }
0x64: {  	s0 =	simm.s32 @!p0 $0x3  }
0x65: {  	_ =	swait.ge @!p0 [sflag:s0], s1  }
0x66: {  	s1 =	ssub.s32 @!p0 $0x0, s1;
	[sflag:s0] =	ssyncset.done @!p0 $0x0  }
0x67: {  	[sflag:s0] =	ssyncadd.s32 @!p0 s1  }
0x68: {  	[bflag:$0x3] =	sbarrier.arrive $0xFFFF  }
0x69: {  	_ =	shalt  }

// kernel: kernel.28.cloned.1.call-start
scs
__scs_entry_jumppad:
0x0: {  	(pc) =	sbr.rel $0x88, $3  }
0x1: {  	(tag) =	ssettag $0x0;
	lr =	simm.s32 $0x1  }
0x2: {  	[smem:$0x3F6B] =	sst lr;
	_ =	strace $0xD0000000  }
0x3: {  	_ = 	snop  }
0x4: {  	_ = 	snop  }
0x5: {  	_ = 	snop  }
0x6: {  	_ = 	snop  }
0x7: {  	_ = 	snop  }
__scs_overlays_trampoline_lowered:
0x8: {  	[smem:$0x3F7A] =	sst s0  }
0x9: {  	[smem:$0x3F7B] =	sst s1  }
0xa: {  	[smem:$0x3F7C] =	sst s2  }
0xb: {  	[smem:$0x3F7D] =	sst s3  }
0xc: {  	[smem:$0x3F7E] =	sst s4  }
0xd: {  	[smem:$0x3F7F] =	sst s5  }
0xe: {  	[smem:$0x3F80] =	sst s6  }
0xf: {  	[smem:$0x3F81] =	sst s7  }
0x10: {  	[smem:$0x3F82] =	sst s8  }
0x11: {  	[smem:$0x3F83] =	sst s9;
	s0 =	simm.s32 @!p0 $0x0  }
0x12: {  	s1 =	sld [smem:$0x3F69];
	s0 =	simm.s32 @p0 $0x1  }
0x13: {  	[smem:$0x3F84] =	sst s0;
	s0 =	simm.s32 @!p1 $0x0  }
0x14: {  	s2 =	sld [smem:$0x3F68];
	s0 =	simm.s32 @p1 $0x1  }
0x15: {  	[smem:$0x3F85] =	sst s0;
	s0 =	simm.s32 @!p2 $0x0  }
0x16: {  	s3 =	sld [smem:$0x3FDB];
	s0 =	simm.s32 @p2 $0x1  }
0x17: {  	s4 =	simm.s32 $0x1BF5;
	[smem:$0x3F87] =	sst s0  }
0x18: {  	s0 =	sld [smem:$0x3F6A];
	_ =	swait.ge [sflag:s4], $0x0  }
0x19: {  	s7 =	sld [smem:$0x3F6B]  }
0x1a: {  	s8 =	sadd.s32 $0xFFFFE003, lr  }
0x1b: {  	s9 =	sadd.s32 $0xFFFFFEF7, lr;
	s5 =	simm.s32 $0xFFFFFFFF;
	p2 =	slt.u32 s8, $0xFFFFF086  }
0x1c: {  	p1 =	slt.u32 s9, $0xF7A;
	s5 =	simm.s32 @!p2 $0x0  }
0x1d: {  	s5 =	simm.s32 @p1 $0x1;
	p0 =	seq.s32 s7, s2  }
0x1e: {  	s7 =	smul.u32 @!p0 $0xF7A, s2;
	p2 =	seq.s32 @!p0 s5, $0x0  }
0x1f: {  	s9 =	smul.u32 $0xF7A, s1;
	s8 =	simm.s32 @!p0 $0x1BF5;
	p2 =	por !p2, p0  }
0x20: {  	[sflag:s8] =	ssyncset.s32 @!p0 $0xFFFFF086;
	s6 =	sadd.s32 @!p0 s3, s7;
	s7 =	simm.s32 @!p0 $0x108  }
0x21: {  	s3 =	sadd.s32 s3, s9;
	s6 =	sadd.s32 @!p0 $0x88, s6;
	s7 =	simm.s32 @p2 $0x1082  }
0x22: {  	[simem:s7], [sflag:s8] =	dma.local @!p0 [hbm:s6], $0xF7A  }
0x23: {  	s9 =	sor.u32 $0xD0000000, s2;
	s6 =	simm.s32 $0x108;
	_ =	swait.ge @!p0 [sflag:s8], $0x0  }
0x24: {  	s3 =	sadd.s32 $0x88, s3;
	s6 =	simm.s32 @!p1 $0x1082;
	[sflag:s4] =	ssyncset.s32 $0xFFFFF086  }
0x25: {  	[simem:s6], [sflag:s4] =	dma.local [hbm:s3], $0xF7A  }
0x26: {  	[smem:$0x3F6B] =	sst s1;
	(tag) =	ssettag s2;
	_ =	strace s9  }
0x27: {  	s1 =	sld [smem:$0x3F7B]  }
0x28: {  	s2 =	sld [smem:$0x3F7C]  }
0x29: {  	s4 =	sld [smem:$0x3F7E]  }
0x2a: {  	p0 =	seq.s32 s5, $0x0;
	s5 =	sld [smem:$0x3F7F]  }
0x2b: {  	s6 =	sld [smem:$0x3F80]  }
0x2c: {  	s7 =	sld [smem:$0x3F81]  }
0x2d: {  	s3 =	simm.s32 $0x108;
	s8 =	sld [smem:$0x3F82]  }
0x2e: {  	s3 =	simm.s32 @!p0 $0x1082;
	s9 =	sld [smem:$0x3F83]  }
0x2f: {  	lr =	sadd.s32 s0, s3;
	s0 =	sld [smem:$0x3F7A]  }
0x30: {  	s3 =	sld [smem:$0x3F7D]  }
0x31: {  	[smem:$0x3F86] =	sst s10  }
0x32: {  	s10 =	sld [smem:$0x3F84];
	_ =	sdelay $0x3  }
0x33: {  	p0 =	seq.s32 s10, $0x1;
	s10 =	sld [smem:$0x3F86];
	_ =	sdelay $0x3  }
0x34: {  	[smem:$0x3F86] =	sst s10  }
0x35: {  	s10 =	sld [smem:$0x3F85];
	_ =	sdelay $0x3  }
0x36: {  	p1 =	seq.s32 s10, $0x1;
	s10 =	sld [smem:$0x3F86];
	_ =	sdelay $0x3  }
0x37: {  	[smem:$0x3F86] =	sst s10  }
0x38: {  	s10 =	sld [smem:$0x3F87]  }
0x39: {  	_ = 	snop;
	(pc) =	sbr.ind lr, $3  }
0x3a: {  	_ = 	snop  }
0x3b: {  	_ = 	snop  }
0x3c: {  	p2 =	seq.s32 s10, $0x1;
	s10 =	sld [smem:$0x3F86]  }
0x3d: {  	_ =	shalt  }
0x3e: {  	_ =	shalt  }
0x3f: {  	_ =	shalt  }
0x40: {  	_ =	shalt  }
0x41: {  	_ =	shalt  }
0x42: {  	_ =	shalt  }
0x43: {  	_ =	shalt  }
0x44: {  	_ =	shalt  }
0x45: {  	_ =	shalt  }
0x46: {  	_ =	shalt  }
0x47: {  	_ =	shalt  }
0x48: {  	_ =	shalt  }
0x49: {  	_ =	shalt  }
0x4a: {  	_ =	shalt  }
0x4b: {  	_ =	shalt  }
0x4c: {  	_ =	shalt  }
0x4d: {  	_ =	shalt  }
0x4e: {  	_ =	shalt  }
0x4f: {  	_ =	shalt  }
0x50: {  	_ =	shalt  }
0x51: {  	_ =	shalt  }
0x52: {  	_ =	shalt  }
0x53: {  	_ =	shalt  }
0x54: {  	_ =	shalt  }
0x55: {  	_ =	shalt  }
0x56: {  	_ =	shalt  }
0x57: {  	_ =	shalt  }
0x58: {  	_ =	shalt  }
0x59: {  	_ =	shalt  }
0x5a: {  	_ =	shalt  }
0x5b: {  	_ =	shalt  }
0x5c: {  	_ =	shalt  }
0x5d: {  	_ =	shalt  }
0x5e: {  	_ =	shalt  }
0x5f: {  	_ =	shalt  }
0x60: {  	_ =	shalt  }
0x61: {  	_ =	shalt  }
0x62: {  	_ =	shalt  }
0x63: {  	_ =	shalt  }
0x64: {  	_ =	shalt  }
0x65: {  	_ =	shalt  }
0x66: {  	_ =	shalt  }
0x67: {  	_ =	shalt  }
0x68: {  	_ =	shalt  }
0x69: {  	_ =	shalt  }
0x6a: {  	_ =	shalt  }
0x6b: {  	_ =	shalt  }
0x6c: {  	_ =	shalt  }
0x6d: {  	_ =	shalt  }
0x6e: {  	_ =	shalt  }
0x6f: {  	_ =	shalt  }
0x70: {  	_ =	shalt  }
0x71: {  	_ =	shalt  }
0x72: {  	_ =	shalt  }
0x73: {  	_ =	shalt  }
0x74: {  	_ =	shalt  }
0x75: {  	_ =	shalt  }
0x76: {  	_ =	shalt  }
0x77: {  	_ =	shalt  }
0x78: {  	_ =	shalt  }
0x79: {  	_ =	shalt  }
0x7a: {  	_ =	shalt  }
0x7b: {  	_ =	shalt  }
0x7c: {  	_ =	shalt  }
0x7d: {  	_ =	shalt  }
0x7e: {  	_ =	shalt  }
0x7f: {  	_ =	shalt  }
0x80: {  	_ =	shalt  }
0x81: {  	_ =	shalt  }
0x82: {  	_ =	shalt  }
0x83: {  	_ =	shalt  }
0x84: {  	_ =	shalt  }
0x85: {  	_ =	shalt  }
0x86: {  	_ =	shalt  }
0x87: {  	_ =	shalt  }
.Lfunc_end0:
.L_simem_size_0:
called_computation.1_lowered:
.L_overlay_start_0:
0x88: {  	s2 =	sld [smem:$0x3FD9]  }
0x89: {  	s3 =	sld [smem:$0x3FFE];
	_ =	sdelay $0x1  }
0x8a: {  	s1 =	srdreg.scid  }
0x8b: {  	s0 =	sand.u32 $0x1, s1  }
0x8c: {  	s17 =	sshll.u32 s0, $0xA;
	s2 =	sadd.s32 s3, s2  }
0x8d: {  	s2 =	sadd.s32 s2, s17  }
0x8e: {  	[smem:$0x3F92] =	sst s2  }
0x8f: {  	_ = 	snop  }
0x90: {  	(tm) =	ssettm $0x1  }
0x91: {  	s18 =	sld [smem:$0x3FFB];
	_ =	sdelay $0x3  }
0x92: {  	_ =	strace s18  }
0x93: {  	s2 =	sld [smem:$0x3FFC];
	_ =	sdelay $0x3  }
0x94: {  	_ =	strace s2  }
0x95: {  	s2 =	sld [smem:$0x3FFD];
	_ =	sdelay $0x3  }
0x96: {  	_ =	strace s2  }
0x97: {  	_ =	strace $0x8FFFFFFF  }
0x98: {  	s19 =	sld [smem:$0x3FDB];
	_ =	sdelay $0x1  }
0x99: {  	s20 =	simm.s32 $_scs_section_size  }
0x9a: {  	s4 =	simm.s32 $_size__tile_overlayer_lowered;
	s5 =	simm.s32 $_tile_overlayer_lowered  }
0x9b: {  	s6 =	simm.s32 $0x1BFF;
	s21 =	sshll.u32 s5, $0x1;
	s3 =	sadd.s32 s20, s19  }
0x9c: {  	s22 =	simm.s32 $0x0;
	s4 =	sshll.u32 s4, $0x1;
	s5 =	sadd.s32 s21, s3  }
0x9d: {  	[timem:s22], [sflag:s6] =	dma.local [hbm:s5], s4  }
0x9e: {  	_ =	swait.ge [sflag:s6], s4  }
0x9f: {  	s4 =	ssub.s32 $0x0, s4;
	[sflag:s6] =	ssyncset.done $0x0  }
0xa0: {  	[sflag:s6] =	ssyncadd.s32 s4;
	_ =	sdelay $0x1  }
0xa1: {  	s23 =	simm.s32 $0x1B8B  }
0xa2: {  	_ =	swait.ge [sflag:s23], $0x1  }
0xa3: {  	[sflag:s23] =	ssyncset.done $0x0  }
0xa4: {  	[sflag:s23] =	ssyncadd.s32 $0xFFFFFFFF  }
0xa5: {  	s4 =	sld [smem:$0x0]  }
0xa6: {  	s5 =	sand.u32 $0xFFFFFFFE, s1  }
0xa7: {  	p0 =	sne.s32 s1, s5  }
0xa8: {  	s5 =	sshll.u32 @p0 s5, $0xE  }
0xa9: {  	s5 =	sadd.s32 @p0 $0x11B8D, s5;
	s6 =	sshll.u32 @p0 s4, $0x11  }
0xaa: {  	s5 =	sor.u32 @p0 s6, s5  }
0xab: {  	[sflag:s5] =	ssyncadd.remote.s32 @p0 $0x1;
	_ =	sdelay $0x1  }
0xac: {  	s5 =	simm.s32 @p0 $0x1B8D  }
0xad: {  	_ =	swait.eq @p0 [sflag:s5], $0x1  }
0xae: {  	[sflag:s5] =	ssyncadd.s32 @p0 $0xFFFFFFFF  }
0xaf: {  	s6 =	sshll.u32 @!p0 s1, $0xE  }
0xb0: {  	s6 =	sor.u32 @!p0 $0x4000, s6;
	s5 =	simm.s32 @!p0 $0x1B8D  }
0xb1: {  	s4 =	sshll.u32 @!p0 s4, $0x11;
	s6 =	sadd.s32 @!p0 $0x11B8D, s6;
	_ =	swait.eq @!p0 [sflag:s5], $0x1  }
0xb2: {  	s4 =	sor.u32 @!p0 s4, s6;
	[sflag:s5] =	ssyncadd.s32 @!p0 $0xFFFFFFFF  }
0xb3: {  	s25 =	simm.s32 $0x1B8E;
	s24 =	sld [smem:$0x3FFE];
	[sflag:s4] =	ssyncadd.remote.s32 @!p0 $0x1  }
0xb4: {  	s26 =	simm.s32 $execute0_lowered;
	[smem:$0x3FD2] =	sst s25  }
0xb5: {  	s5 =	sshll.u32 s26, $0x1;
	_ =	strace $0x8000004C;
	[dreg:$0x1] =	wrdreg $0xFFFFFFFF  }
0xb6: {  	s28 =	simm.s32 $_size_execute0_lowered;
	s3 =	sadd.s32 s3, s5;
	[dreg:$0x0] =	wrdreg $0x0  }
0xb7: {  	s5 =	sshll.u32 s28, $0x1;
	[dreg:$0x2] =	wrdreg s3  }
0xb8: {  	[dreg:$0x3] =	wrdreg s5  }
0xb9: {  	[dreg:$0x4] =	wrdreg $0xC0  }
0xba: {  	_ =	task [dreg:s22], $0x5FFFF  }
0xbb: {  	[dreg:$0x1] =	wrdreg $0xFFFFFFFF  }
0xbc: {  	[dreg:$0x0] =	wrdreg $0x60  }
0xbd: {  	[dreg:$0x2] =	wrdreg s24  }
0xbe: {  	[dreg:$0x3] =	wrdreg $0xCBD00  }
0xbf: {  	[dreg:$0x4] =	wrdreg $0xA  }
0xc0: {  	_ =	task.clear_ibuf [dreg:s22], $0x5FFFF;
	_ =	strace $0x9000004C  }
0xc1: {  	s29 =	simm.s32 $0xA;
	_ =	strace $0x8000004E  }
0xc2: {  	_ =	swait.ge [sflag:s29], $0x1  }
0xc3: {  	[sflag:s29] =	ssyncadd.s32 $0xFFFFFFFF  }
0xc4: {  	_ =	strace $0x9000004E  }
0xc5: {  	_ =	sfence  }
0xc6: {  	s30 =	sld [smem:$0x0];
	_ =	sdelay $0x2  }
0xc7: {  	s31 =	sshll.u32 s1, $0xD;
	s1 =	sshrl.u32 s1, $0x2  }
0xc8: {  	s4 =	sand.u32 $0x4000, s31;
	s1 =	sadd.s32 s1, s30  }
0xc9: {  	s0 =	sor.u32 s4, s0;
	s1 =	sshll.u32 s1, $0x11  }
0xca: {  	s0 =	sor.u32 s1, s0  }
0xcb: {  	s0 =	sadd.s32 $0x8F2B, s0  }
0xcc: {  	[sflag:s0] =	ssyncadd.remote.s32 $0x1  }
0xcd: {  	_ =	sfence.sel $0xFFFF  }
0xce: {  	[dreg:$0x0] =	wrdreg $0xFFFFFFFF;
	(pc) =	sbr.abs _section_cstart, $3  }
0xcf: {  	[dreg:$0x1] =	wrdreg $0xFFFFFFFF  }
0xd0: {  	_ =	task.clear_ibuf [dreg:s22], $0x2FFFF;
	_ =	strace $0x9FFFFFFF  }
0xd1: {  	(tm) =	ssettm $0x7FFFFFFF  }
tec
execute0_lowered:
.L_overlay_start_1:
0x0: {  	(tag) =	ssettag $0x1  }
0x1: {  	s4 =	rddreg [dreg:$0x0]  }
0x2: {  	s2 =	rddreg [dreg:$0x1]  }
0x3: {  	s0 =	rddreg [dreg:$0x2];
	s1 =	stileid.u32  }
0x4: {  	s5 =	srdreg.scid;
	s3 =	simm.s32 $0x0;
	s12 =	simm.s32 $0x0  }
0x5: {  	s6 =	smul.u32 $0xC350, s1;
	s5 =	sand.u32 $0x1, s5;
	[smem:$0x7FF] =	sst s3  }
0x6: {  	s8 =	sshll.u32 s1, $0x9;
	s9 =	sshll.u32 s1, $0x4;
	s7 =	smul.u32 $0xC3500, s5  }
0x7: {  	_ =	strace $0x8000004D;
	s8 =	sadd.s32 s8, s4;
	s9 =	sadd.s32 s9, s4  }
0x8: {  	s11 =	ssub.s32 $0x2, s5;
	s31 =	sshll.u32 s5, $0x1;
	s10 =	sshrl.u32 s6, $0x3  }
0x9: {  	s30 =	sshrl.u32 s11, $0x1;
	s5 =	sadd.s32 s6, s2;
	s7 =	sadd.s32 s6, s7  }
0xa: {  	s10 =	sadd.s32 s10, s4;
	s11 =	ssub.s32 s11, s30;
	s7 =	sshrl.u32 s7, $0x3  }
0xb: {  	s7 =	sadd.s32 s7, s4;
	s4 =	sadd.s32 $0x35CA00, s10;
	s10 =	sadd.s32 s31, s8  }
0xc: {  	s8 =	sadd.s32 $0x1E600, s9;
	s6 =	sadd.s32 $0x38DA00, s7;
	s7 =	smax.u32 s11, $0x1  }
0xd: {  	s9 =	sadd.s32 $0x36E00, s10;
	s10 =	simm.s32 $0x880;
	s11 =	simm.s32 $0x1  }
.LBB2_1:
0xe: {  	[tilespmem:s10], [sflag:$0x1] =	stream.linear.gather [hbm4b:s4+s3], $0xC350, $0x38;
	[tilespmem:$0x18F20] =	vst v63  }
0xf: {  	_ =	swait.ge [sflag:s11], $0xC350  }
0x10: {  	[sflag:s11] =	ssyncset.done $0x0  }
0x11: {  	[sflag:s11] =	ssyncadd.s32 $0xFFFF3CB0  }
0x12: {  	[spmem:s5] =	stream.linear.scatter [tilespmem:s10], [sflag:$0x1], $0xC350, $0x38;
	[tilespmem:$0x18F20] =	vst v63  }
0x13: {  	_ =	swait.ge [sflag:s11], $0xC350  }
0x14: {  	s13 =	sadd.s32 $0x0, s1;
	[sflag:s11] =	ssyncset.done $0x0  }
0x15: {  	p0 =	sgt.u32 s13, $0x1869;
	[sflag:s11] =	ssyncadd.s32 $0xFFFF3CB0  }
0x16: {  	s13 =	simm.s32 @!p0 $0x0;
	s15 =	simm.s32 @!p0 $0x2;
	[bflag:$0x0] =	sbarrier.arrive $0xFFFF  }
0x17: {  	[tilespmem:s13], [sflag:$0x2] =	stream.linear.gather @!p0 [hbm4b:s8+s13], $0x80, $0x38;
	[tilespmem:$0x18F20] =	vst v63  }
0x18: {  	_ =	swait.ge @!p0 [sflag:s15], $0x80  }
0x19: {  	s17 =	simm.s32 @!p0 $0x80;
	[sflag:s15] =	ssyncset.done @!p0 $0x0  }
0x1a: {  	s14 =	simm.s32 @!p0 $0x10;
	s16 =	simm.s32 @!p0 $0x20;
	[sflag:s15] =	ssyncadd.s32 @!p0 $0xFFFFFF80  }
0x1b: {  	[tilespmem:s17], [sflag:$0x2] =	stream.strided.gather @!p0 [hbm4b:s9+s14], $0x800, s16, s14, $0x38;
	[tilespmem:$0x18F20] =	vst v63  }
0x1c: {  	p1 =	por p0, p0;
	_ =	swait.ge @!p0 [sflag:s15], $0x800  }
0x1d: {  	[sflag:s15] =	ssyncset.done @!p1 $0x0  }
0x1e: {  	s31 =	sadd.s32 $0x10, s1;
	s16 =	simm.s32 @!p1 $0x1;
	[sflag:s15] =	ssyncadd.s32 @!p1 $0xFFFFF800  }
0x1f: {  	[spmem:s2] =	stream.indirect.scatter.add.f32 @!p1 [tilespmem:s17], [sflag:$0x1], $0x10, s13, s17, $0xb8;
	[tilespmem:$0x18F20] =	vst v63  }
0x20: {  	s14 =	simm.s32 $0x20;
	p0 =	sgt.u32 s31, $0x1869;
	_ =	swait.ge @!p1 [sflag:s16], $0x800  }
0x21: {  	s15 =	sadd.s32 $0x100, s8;
	s13 =	sadd.s32 $0x2000, s9;
	[sflag:s16] =	ssyncset.done @!p1 $0x0  }
.LBB2_2:
0x22: {  	s17 =	simm.s32 @!p0 $0x0;
	s18 =	simm.s32 @!p0 $0x2;
	[sflag:s16] =	ssyncadd.s32 @!p1 $0xFFFFF800  }
0x23: {  	[tilespmem:s17], [sflag:$0x2] =	stream.linear.gather @!p0 [hbm4b:s15+s17], $0x80, $0x38;
	[tilespmem:$0x18F20] =	vst v63  }
0x24: {  	s19 =	smov.u32 s14;
	s14 =	sadd.s32 $0x10, s14;
	_ =	swait.ge @!p0 [sflag:s18], $0x80  }
0x25: {  	s20 =	simm.s32 @!p0 $0x80;
	p2 =	sne.s32 s14, $0x1870;
	[sflag:s18] =	ssyncset.done @!p0 $0x0  }
0x26: {  	s16 =	simm.s32 @!p0 $0x10;
	s21 =	simm.s32 @!p0 $0x20;
	[sflag:s18] =	ssyncadd.s32 @!p0 $0xFFFFFF80  }
0x27: {  	[tilespmem:s20], [sflag:$0x2] =	stream.strided.gather @!p0 [hbm4b:s13+s16], $0x800, s21, s16, $0x38;
	[tilespmem:$0x18F20] =	vst v63  }
0x28: {  	p1 =	por p0, p0;
	_ =	swait.ge @!p0 [sflag:s18], $0x800  }
.Ltmp0:
0x29: {  	[sflag:s18] =	ssyncset.done @!p1 $0x0;
	(pc) =	sbr.rel @p2 .LBB2_2-.Ltmp0, $4  }
0x2a: {  	s16 =	simm.s32 @!p1 $0x1;
	[sflag:s18] =	ssyncadd.s32 @!p1 $0xFFFFF800  }
0x2b: {  	[spmem:s2] =	stream.indirect.scatter.add.f32 @!p1 [tilespmem:s20], [sflag:$0x1], $0x10, s17, s20, $0xb8;
	[tilespmem:$0x18F20] =	vst v63  }
0x2c: {  	s13 =	sadd.s32 $0x2000, s13;
	s17 =	sadd.s32 s19, s1;
	_ =	swait.ge @!p1 [sflag:s16], $0x800  }
0x2d: {  	s15 =	sadd.s32 $0x100, s15;
	p0 =	sgt.u32 s17, $0x1869;
	[sflag:s16] =	ssyncset.done @!p1 $0x0  }
0x2e: {  	s14 =	simm.s32 @!p0 $0x0;
	s17 =	simm.s32 @!p0 $0x2;
	[sflag:s16] =	ssyncadd.s32 @!p1 $0xFFFFF800  }
0x2f: {  	[tilespmem:s14], [sflag:$0x2] =	stream.linear.gather @!p0 [hbm4b:s15+s14], $0x80, $0x38;
	[tilespmem:$0x18F20] =	vst v63  }
0x30: {  	_ =	swait.ge @!p0 [sflag:s17], $0x80  }
0x31: {  	s16 =	simm.s32 @!p0 $0x10;
	[sflag:s17] =	ssyncset.done @!p0 $0x0  }
0x32: {  	s18 =	simm.s32 @!p0 $0x20;
	s15 =	simm.s32 @!p0 $0x80;
	[sflag:s17] =	ssyncadd.s32 @!p0 $0xFFFFFF80  }
0x33: {  	[tilespmem:s15], [sflag:$0x2] =	stream.strided.gather @!p0 [hbm4b:s13+s16], $0x800, s18, s16, $0x38;
	[tilespmem:$0x18F20] =	vst v63  }
0x34: {  	_ =	swait.ge @!p0 [sflag:s17], $0x800;
	p0 =	por p0, p0  }
0x35: {  	[sflag:s17] =	ssyncset.done @!p0 $0x0  }
0x36: {  	s13 =	simm.s32 @!p0 $0x1;
	[sflag:s17] =	ssyncadd.s32 @!p0 $0xFFFFF800  }
0x37: {  	[spmem:s2] =	stream.indirect.scatter.add.f32 @!p0 [tilespmem:s15], [sflag:$0x1], $0x10, s14, s15, $0xb8;
	[tilespmem:$0x18F20] =	vst v63  }
0x38: {  	_ =	swait.ge @!p0 [sflag:s13], $0x800  }
0x39: {  	[sflag:s13] =	ssyncset.done @!p0 $0x0  }
0x3a: {  	[sflag:s13] =	ssyncadd.s32 @!p0 $0xFFFFF800  }
0x3b: {  	[bflag:$0x0] =	sbarrier.arrive $0xFFFF  }
0x3c: {  	[tilespmem:s10], [sflag:$0x1] =	stream.linear.gather [spmem:s5], $0xC350, $0x38;
	[tilespmem:$0x18F20] =	vst v63  }
0x3d: {  	s12 =	sadd.s32 $0x1, s12;
	_ =	swait.ge [sflag:s11], $0xC350  }
0x3e: {  	p0 =	sne.s32 s12, s7;
	[sflag:s11] =	ssyncset.done $0x0  }
.Ltmp1:
0x3f: {  	[sflag:s11] =	ssyncadd.s32 $0xFFFF3CB0;
	(pc) =	sbr.rel @p0 .LBB2_1-.Ltmp1, $4  }
0x40: {  	[hbm4b:s6+s3] =	stream.linear.scatter [tilespmem:s10], [sflag:$0x1], $0xC350, $0x38;
	[tilespmem:$0x18F20] =	vst v63  }
0x41: {  	_ =	swait.ge [sflag:s11], $0xC350  }
0x42: {  	[sflag:s11] =	ssyncset.done $0x0  }
0x43: {  	[sflag:s11] =	ssyncadd.s32 $0xFFFF3CB0  }
0x44: {  	_ =	sfence.sel $0x180000  }
0x45: {  	[bflag:$0x0] =	sbarrier.arrive $0xFFFF  }
0x46: {  	p0 =	sne.s32 s1, $0x0;
	_ =	strace $0x9000004D  }
0x47: {  	s0 =	sadd.s32 @!p0 $0x100000, s0;
	[bflag:$0x2] =	sbarrier.arrive $0xFFFF  }
0x48: {  	[sflag:s0] =	ssyncadd.tile.s32 @!p0 $0x1;
	_ =	shalt  }
.Lfunc_end2:
_tile_overlayer_lowered:
.L_overlay_start_2:
0x49: {  	(tag) =	ssettag $0x2  }
0x4a: {  	s0 =	rddreg [dreg:$0x0];
	s2 =	stileid.u32  }
0x4b: {  	s1 =	rddreg [dreg:$0x1];
	p0 =	sne.s32 s2, $0x0  }
0x4c: {  	s3 =	rddreg [dreg:$0x2];
	[bflag:$0x3] =	sbarrier.arrive $0xFFFF;
	s2 =	simm.s32 @!p0 $0x1C01  }
0x4d: {  	[timem:s3], [sflag:s2] =	dma.local @!p0 [hbm:s0], s1  }
0x4e: {  	s0 =	simm.s32 @!p0 $0x1  }
0x4f: {  	_ =	swait.ge @!p0 [sflag:s0], s1  }
0x50: {  	s1 =	ssub.s32 @!p0 $0x0, s1;
	[sflag:s0] =	ssyncset.done @!p0 $0x0  }
0x51: {  	[sflag:s0] =	ssyncadd.s32 @!p0 s1  }
0x52: {  	[bflag:$0x3] =	sbarrier.arrive $0xFFFF  }
0x53: {  	_ =	shalt  }

// kernel: kernel.31.cloned.1.call-start
scs
__scs_entry_jumppad:
0x0: {  	(pc) =	sbr.rel $0x88, $3  }
0x1: {  	(tag) =	ssettag $0x0;
	lr =	simm.s32 $0x1  }
0x2: {  	[smem:$0x3F6B] =	sst lr;
	_ =	strace $0xD0000000  }
0x3: {  	_ = 	snop  }
0x4: {  	_ = 	snop  }
0x5: {  	_ = 	snop  }
0x6: {  	_ = 	snop  }
0x7: {  	_ = 	snop  }
__scs_overlays_trampoline_lowered:
0x8: {  	[smem:$0x3F7A] =	sst s0  }
0x9: {  	[smem:$0x3F7B] =	sst s1  }
0xa: {  	[smem:$0x3F7C] =	sst s2  }
0xb: {  	[smem:$0x3F7D] =	sst s3  }
0xc: {  	[smem:$0x3F7E] =	sst s4  }
0xd: {  	[smem:$0x3F7F] =	sst s5  }
0xe: {  	[smem:$0x3F80] =	sst s6  }
0xf: {  	[smem:$0x3F81] =	sst s7  }
0x10: {  	[smem:$0x3F82] =	sst s8  }
0x11: {  	[smem:$0x3F83] =	sst s9;
	s0 =	simm.s32 @!p0 $0x0  }
0x12: {  	s1 =	sld [smem:$0x3F69];
	s0 =	simm.s32 @p0 $0x1  }
0x13: {  	[smem:$0x3F84] =	sst s0;
	s0 =	simm.s32 @!p1 $0x0  }
0x14: {  	s2 =	sld [smem:$0x3F68];
	s0 =	simm.s32 @p1 $0x1  }
0x15: {  	[smem:$0x3F85] =	sst s0;
	s0 =	simm.s32 @!p2 $0x0  }
0x16: {  	s3 =	sld [smem:$0x3FDB];
	s0 =	simm.s32 @p2 $0x1  }
0x17: {  	s4 =	simm.s32 $0x1BF5;
	[smem:$0x3F87] =	sst s0  }
0x18: {  	s0 =	sld [smem:$0x3F6A];
	_ =	swait.ge [sflag:s4], $0x0  }
0x19: {  	s7 =	sld [smem:$0x3F6B]  }
0x1a: {  	s8 =	sadd.s32 $0xFFFFE003, lr  }
0x1b: {  	s9 =	sadd.s32 $0xFFFFFEF7, lr;
	s5 =	simm.s32 $0xFFFFFFFF;
	p2 =	slt.u32 s8, $0xFFFFF086  }
0x1c: {  	p1 =	slt.u32 s9, $0xF7A;
	s5 =	simm.s32 @!p2 $0x0  }
0x1d: {  	s5 =	simm.s32 @p1 $0x1;
	p0 =	seq.s32 s7, s2  }
0x1e: {  	s7 =	smul.u32 @!p0 $0xF7A, s2;
	p2 =	seq.s32 @!p0 s5, $0x0  }
0x1f: {  	s9 =	smul.u32 $0xF7A, s1;
	s8 =	simm.s32 @!p0 $0x1BF5;
	p2 =	por !p2, p0  }
0x20: {  	[sflag:s8] =	ssyncset.s32 @!p0 $0xFFFFF086;
	s6 =	sadd.s32 @!p0 s3, s7;
	s7 =	simm.s32 @!p0 $0x108  }
0x21: {  	s3 =	sadd.s32 s3, s9;
	s6 =	sadd.s32 @!p0 $0x88, s6;
	s7 =	simm.s32 @p2 $0x1082  }
0x22: {  	[simem:s7], [sflag:s8] =	dma.local @!p0 [hbm:s6], $0xF7A  }
0x23: {  	s9 =	sor.u32 $0xD0000000, s2;
	s6 =	simm.s32 $0x108;
	_ =	swait.ge @!p0 [sflag:s8], $0x0  }
0x24: {  	s3 =	sadd.s32 $0x88, s3;
	s6 =	simm.s32 @!p1 $0x1082;
	[sflag:s4] =	ssyncset.s32 $0xFFFFF086  }
0x25: {  	[simem:s6], [sflag:s4] =	dma.local [hbm:s3], $0xF7A  }
0x26: {  	[smem:$0x3F6B] =	sst s1;
	(tag) =	ssettag s2;
	_ =	strace s9  }
0x27: {  	s1 =	sld [smem:$0x3F7B]  }
0x28: {  	s2 =	sld [smem:$0x3F7C]  }
0x29: {  	s4 =	sld [smem:$0x3F7E]  }
0x2a: {  	p0 =	seq.s32 s5, $0x0;
	s5 =	sld [smem:$0x3F7F]  }
0x2b: {  	s6 =	sld [smem:$0x3F80]  }
0x2c: {  	s7 =	sld [smem:$0x3F81]  }
0x2d: {  	s3 =	simm.s32 $0x108;
	s8 =	sld [smem:$0x3F82]  }
0x2e: {  	s3 =	simm.s32 @!p0 $0x1082;
	s9 =	sld [smem:$0x3F83]  }
0x2f: {  	lr =	sadd.s32 s0, s3;
	s0 =	sld [smem:$0x3F7A]  }
0x30: {  	s3 =	sld [smem:$0x3F7D]  }
0x31: {  	[smem:$0x3F86] =	sst s10  }
0x32: {  	s10 =	sld [smem:$0x3F84];
	_ =	sdelay $0x3  }
0x33: {  	p0 =	seq.s32 s10, $0x1;
	s10 =	sld [smem:$0x3F86];
	_ =	sdelay $0x3  }
0x34: {  	[smem:$0x3F86] =	sst s10  }
0x35: {  	s10 =	sld [smem:$0x3F85];
	_ =	sdelay $0x3  }
0x36: {  	p1 =	seq.s32 s10, $0x1;
	s10 =	sld [smem:$0x3F86];
	_ =	sdelay $0x3  }
0x37: {  	[smem:$0x3F86] =	sst s10  }
0x38: {  	s10 =	sld [smem:$0x3F87]  }
0x39: {  	_ = 	snop;
	(pc) =	sbr.ind lr, $3  }
0x3a: {  	_ = 	snop  }
0x3b: {  	_ = 	snop  }
0x3c: {  	p2 =	seq.s32 s10, $0x1;
	s10 =	sld [smem:$0x3F86]  }
0x3d: {  	_ =	shalt  }
0x3e: {  	_ =	shalt  }
0x3f: {  	_ =	shalt  }
0x40: {  	_ =	shalt  }
0x41: {  	_ =	shalt  }
0x42: {  	_ =	shalt  }
0x43: {  	_ =	shalt  }
0x44: {  	_ =	shalt  }
0x45: {  	_ =	shalt  }
0x46: {  	_ =	shalt  }
0x47: {  	_ =	shalt  }
0x48: {  	_ =	shalt  }
0x49: {  	_ =	shalt  }
0x4a: {  	_ =	shalt  }
0x4b: {  	_ =	shalt  }
0x4c: {  	_ =	shalt  }
0x4d: {  	_ =	shalt  }
0x4e: {  	_ =	shalt  }
0x4f: {  	_ =	shalt  }
0x50: {  	_ =	shalt  }
0x51: {  	_ =	shalt  }
0x52: {  	_ =	shalt  }
0x53: {  	_ =	shalt  }
0x54: {  	_ =	shalt  }
0x55: {  	_ =	shalt  }
0x56: {  	_ =	shalt  }
0x57: {  	_ =	shalt  }
0x58: {  	_ =	shalt  }
0x59: {  	_ =	shalt  }
0x5a: {  	_ =	shalt  }
0x5b: {  	_ =	shalt  }
0x5c: {  	_ =	shalt  }
0x5d: {  	_ =	shalt  }
0x5e: {  	_ =	shalt  }
0x5f: {  	_ =	shalt  }
0x60: {  	_ =	shalt  }
0x61: {  	_ =	shalt  }
0x62: {  	_ =	shalt  }
0x63: {  	_ =	shalt  }
0x64: {  	_ =	shalt  }
0x65: {  	_ =	shalt  }
0x66: {  	_ =	shalt  }
0x67: {  	_ =	shalt  }
0x68: {  	_ =	shalt  }
0x69: {  	_ =	shalt  }
0x6a: {  	_ =	shalt  }
0x6b: {  	_ =	shalt  }
0x6c: {  	_ =	shalt  }
0x6d: {  	_ =	shalt  }
0x6e: {  	_ =	shalt  }
0x6f: {  	_ =	shalt  }
0x70: {  	_ =	shalt  }
0x71: {  	_ =	shalt  }
0x72: {  	_ =	shalt  }
0x73: {  	_ =	shalt  }
0x74: {  	_ =	shalt  }
0x75: {  	_ =	shalt  }
0x76: {  	_ =	shalt  }
0x77: {  	_ =	shalt  }
0x78: {  	_ =	shalt  }
0x79: {  	_ =	shalt  }
0x7a: {  	_ =	shalt  }
0x7b: {  	_ =	shalt  }
0x7c: {  	_ =	shalt  }
0x7d: {  	_ =	shalt  }
0x7e: {  	_ =	shalt  }
0x7f: {  	_ =	shalt  }
0x80: {  	_ =	shalt  }
0x81: {  	_ =	shalt  }
0x82: {  	_ =	shalt  }
0x83: {  	_ =	shalt  }
0x84: {  	_ =	shalt  }
0x85: {  	_ =	shalt  }
0x86: {  	_ =	shalt  }
0x87: {  	_ =	shalt  }
.Lfunc_end0:
.L_simem_size_0:
called_computation.2_lowered:
.L_overlay_start_0:
0x88: {  	s2 =	sld [smem:$0x3FD9]  }
0x89: {  	s3 =	sld [smem:$0x3FFE];
	_ =	sdelay $0x1  }
0x8a: {  	s1 =	srdreg.scid  }
0x8b: {  	s0 =	sand.u32 $0x1, s1  }
0x8c: {  	s15 =	sshll.u32 s0, $0xA;
	s2 =	sadd.s32 s3, s2  }
0x8d: {  	s2 =	sadd.s32 s2, s15  }
0x8e: {  	[smem:$0x3F92] =	sst s2  }
0x8f: {  	_ = 	snop  }
0x90: {  	s2 =	sld [smem:$0x3FD0];
	_ =	sdelay $0x2  }
0x91: {  	s16 =	simm.s32 $0xB;
	s4 =	simm.s32 $0x10  }
0x92: {  	[smem:s4], [sflag:s16] =	dma.local [hbm:s2], $0x1  }
0x93: {  	_ =	swait.eq [sflag:s16], $0x1  }
0x94: {  	[sflag:s16] =	ssyncset.done $0x0  }
0x95: {  	[sflag:s16] =	ssyncadd.s32 $0xFFFFFFFF  }
0x96: {  	s17 =	sld [smem:$0x14];
	(tm) =	ssettm $0x1  }
0x97: {  	s18 =	sld [smem:$0x3FFB];
	_ =	sdelay $0x3  }
0x98: {  	_ =	strace s18  }
0x99: {  	s2 =	sld [smem:$0x3FFC];
	_ =	sdelay $0x3  }
0x9a: {  	_ =	strace s2  }
0x9b: {  	s2 =	sld [smem:$0x3FFD];
	_ =	sdelay $0x3  }
0x9c: {  	_ =	strace s2  }
0x9d: {  	_ =	strace $0x8FFFFFFF  }
0x9e: {  	s19 =	sld [smem:$0x3FDB];
	_ =	sdelay $0x1  }
0x9f: {  	s20 =	simm.s32 $_scs_section_size  }
0xa0: {  	s5 =	simm.s32 $_size__tile_overlayer_lowered;
	s6 =	simm.s32 $_tile_overlayer_lowered  }
0xa1: {  	s7 =	simm.s32 $0x1BFF;
	s21 =	sshll.u32 s6, $0x1;
	s4 =	sadd.s32 s20, s19  }
0xa2: {  	s22 =	simm.s32 $0x0;
	s5 =	sshll.u32 s5, $0x1;
	s6 =	sadd.s32 s21, s4  }
0xa3: {  	[timem:s22], [sflag:s7] =	dma.local [hbm:s6], s5  }
0xa4: {  	_ =	swait.ge [sflag:s7], s5  }
0xa5: {  	s5 =	ssub.s32 $0x0, s5;
	[sflag:s7] =	ssyncset.done $0x0  }
0xa6: {  	[sflag:s7] =	ssyncadd.s32 s5;
	_ =	sdelay $0x1  }
0xa7: {  	s23 =	simm.s32 $0x1B8B  }
0xa8: {  	_ =	swait.ge [sflag:s23], $0x1  }
0xa9: {  	[sflag:s23] =	ssyncset.done $0x0  }
0xaa: {  	[sflag:s23] =	ssyncadd.s32 $0xFFFFFFFF  }
0xab: {  	s5 =	sld [smem:$0x0]  }
0xac: {  	s6 =	sand.u32 $0xFFFFFFFE, s1  }
0xad: {  	p0 =	sne.s32 s1, s6  }
0xae: {  	s6 =	sshll.u32 @p0 s6, $0xE  }
0xaf: {  	s6 =	sadd.s32 @p0 $0x11B8D, s6;
	s7 =	sshll.u32 @p0 s5, $0x11  }
0xb0: {  	s6 =	sor.u32 @p0 s7, s6  }
0xb1: {  	[sflag:s6] =	ssyncadd.remote.s32 @p0 $0x1;
	_ =	sdelay $0x1  }
0xb2: {  	s6 =	simm.s32 @p0 $0x1B8D  }
0xb3: {  	_ =	swait.eq @p0 [sflag:s6], $0x1  }
0xb4: {  	[sflag:s6] =	ssyncadd.s32 @p0 $0xFFFFFFFF  }
0xb5: {  	s7 =	sshll.u32 @!p0 s1, $0xE  }
0xb6: {  	s7 =	sor.u32 @!p0 $0x4000, s7;
	s6 =	simm.s32 @!p0 $0x1B8D  }
0xb7: {  	s5 =	sshll.u32 @!p0 s5, $0x11;
	s7 =	sadd.s32 @!p0 $0x11B8D, s7;
	_ =	swait.eq @!p0 [sflag:s6], $0x1  }
0xb8: {  	s5 =	sor.u32 @!p0 s5, s7;
	[sflag:s6] =	ssyncadd.s32 @!p0 $0xFFFFFFFF  }
0xb9: {  	s25 =	simm.s32 $0x1B8E;
	s24 =	sld [smem:$0x3FFE];
	[sflag:s5] =	ssyncadd.remote.s32 @!p0 $0x1  }
0xba: {  	s26 =	simm.s32 $execute0_lowered;
	[smem:$0x3FD2] =	sst s25  }
0xbb: {  	s6 =	sshll.u32 s26, $0x1;
	_ =	strace $0x80000049;
	[dreg:$0x1] =	wrdreg $0xFFFFFFFF  }
0xbc: {  	s28 =	simm.s32 $_size_execute0_lowered;
	s4 =	sadd.s32 s4, s6;
	[dreg:$0x0] =	wrdreg $0x0  }
0xbd: {  	s6 =	sshll.u32 s28, $0x1;
	[dreg:$0x2] =	wrdreg s4  }
0xbe: {  	[dreg:$0x3] =	wrdreg s6  }
0xbf: {  	[dreg:$0x4] =	wrdreg $0xC0  }
0xc0: {  	_ =	task [dreg:s22], $0x5FFFF  }
0xc1: {  	[dreg:$0x1] =	wrdreg $0xFFFFFFFF  }
0xc2: {  	[dreg:$0x0] =	wrdreg $0x60  }
0xc3: {  	[dreg:$0x2] =	wrdreg s24  }
0xc4: {  	[dreg:$0x3] =	wrdreg s17  }
0xc5: {  	[dreg:$0x4] =	wrdreg $0xCBD00  }
0xc6: {  	[dreg:$0x5] =	wrdreg $0x9  }
0xc7: {  	_ =	task.clear_ibuf [dreg:s22], $0x6FFFF;
	_ =	strace $0x90000049  }
0xc8: {  	s29 =	simm.s32 $0x9;
	_ =	strace $0x8000004B  }
0xc9: {  	_ =	swait.ge [sflag:s29], $0x1  }
0xca: {  	[sflag:s29] =	ssyncadd.s32 $0xFFFFFFFF  }
0xcb: {  	_ =	strace $0x9000004B  }
0xcc: {  	_ =	sfence  }
0xcd: {  	s30 =	sld [smem:$0x0];
	_ =	sdelay $0x2  }
0xce: {  	s31 =	sshll.u32 s1, $0xD;
	s1 =	sshrl.u32 s1, $0x2  }
0xcf: {  	s4 =	sand.u32 $0x4000, s31;
	s1 =	sadd.s32 s1, s30  }
0xd0: {  	s0 =	sor.u32 s4, s0;
	s1 =	sshll.u32 s1, $0x11  }
0xd1: {  	s0 =	sor.u32 s1, s0  }
0xd2: {  	s0 =	sadd.s32 $0x8F2B, s0  }
0xd3: {  	[sflag:s0] =	ssyncadd.remote.s32 $0x1  }
0xd4: {  	_ =	sfence.sel $0xFFFF  }
0xd5: {  	[dreg:$0x0] =	wrdreg $0xFFFFFFFF;
	(pc) =	sbr.abs _section_cstart, $3  }
0xd6: {  	[dreg:$0x1] =	wrdreg $0xFFFFFFFF  }
0xd7: {  	_ =	task.clear_ibuf [dreg:s22], $0x2FFFF;
	_ =	strace $0x9FFFFFFF  }
0xd8: {  	(tm) =	ssettm $0x7FFFFFFF  }
0xd9: {  	_ =	shalt  }
tec
execute0_lowered:
.L_overlay_start_1:
0x0: {  	(tag) =	ssettag $0x1  }
0x1: {  	s5 =	rddreg [dreg:$0x0]  }
0x2: {  	s2 =	rddreg [dreg:$0x1]  }
0x3: {  	s3 =	rddreg [dreg:$0x2]  }
0x4: {  	s0 =	rddreg [dreg:$0x3]  }
0x5: {  	s1 =	stileid.u32;
	s4 =	simm.s32 $0x0;
	s7 =	srdreg.scid  }
0x6: {  	s11 =	simm.s32 $0x1;
	s12 =	simm.s32 $0x880;
	s6 =	smul.u32 $0xC350, s1  }
0x7: {  	[smem:$0x7FF] =	sst s4;
	s13 =	sand.u32 $0x1, s7;
	s9 =	sshll.u32 s1, $0x4  }
0x8: {  	_ =	strace $0x8000004A;
	s8 =	ssub.s32 $0x2, s13;
	s9 =	sadd.s32 s9, s5  }
0x9: {  	p0 =	sne.s32 s13, $0x0;
	s13 =	simm.s32 $0x0;
	s31 =	sshrl.u32 s6, $0x3  }
0xa: {  	s10 =	sshrl.u32 s8, $0x1;
	s6 =	sadd.s32 s6, s3;
	s9 =	sadd.s32 $0x1E600, s9  }
0xb: {  	s7 =	sadd.s32 s31, s5;
	s8 =	ssub.s32 s8, s10;
	s10 =	simm.s32 $0x80  }
0xc: {  	s5 =	sadd.s32 $0x35CA00, s7;
	s7 =	sadd.s32 $0x375200, s7;
	s8 =	smax.u32 s8, $0x1  }
.LBB2_1:
0xd: {  	[tilespmem:s10], [sflag:$0x1] =	stream.linear.gather [hbm4b:s2+s4], $0x800, $0x38;
	[tilespmem:$0x18F20] =	vst v63  }
0xe: {  	_ =	swait.ge [sflag:s11], $0x800  }
0xf: {  	[sflag:s11] =	ssyncset.done $0x0  }
0x10: {  	[sflag:s11] =	ssyncadd.s32 $0xFFFFF800  }
0x11: {  	[tilespmem:s12], [sflag:$0x1] =	stream.linear.gather [hbm4b:s5+s4], $0xC350, $0x38;
	[tilespmem:$0x18F20] =	vst v63  }
0x12: {  	_ =	swait.ge [sflag:s11], $0xC350  }
0x13: {  	[sflag:s11] =	ssyncset.done $0x0  }
0x14: {  	[sflag:s11] =	ssyncadd.s32 $0xFFFF3CB0  }
0x15: {  	[spmem:s6] =	stream.linear.scatter [tilespmem:s12], [sflag:$0x1], $0xC350, $0x38;
	[tilespmem:$0x18F20] =	vst v63  }
0x16: {  	_ =	swait.ge [sflag:s11], $0xC350  }
0x17: {  	s14 =	sadd.s32 $0x0, s1;
	[sflag:s11] =	ssyncset.done $0x0  }
0x18: {  	p1 =	sgt.u32 s14, $0x1869;
	[sflag:s11] =	ssyncadd.s32 $0xFFFF3CB0  }
0x19: {  	s15 =	simm.s32 @!p1 $0x0;
	s16 =	simm.s32 @!p1 $0x2;
	[bflag:$0x0] =	sbarrier.arrive $0xFFFF  }
0x1a: {  	[tilespmem:s15], [sflag:$0x2] =	stream.linear.gather @!p1 [hbm4b:s9+s15], $0x80, $0x38;
	[tilespmem:$0x18F20] =	vst v63  }
0x1b: {  	_ =	swait.ge @!p1 [sflag:s16], $0x80  }
0x1c: {  	s31 =	sadd.s32 $0x10, s1;
	[sflag:s16] =	ssyncset.done @!p1 $0x0  }
0x1d: {  	s17 =	simm.s32 @!p1 $0x80;
	[sflag:s16] =	ssyncadd.s32 @!p1 $0xFFFFFF80;
	s16 =	simm.s32 @!p1 $0x1  }
0x1e: {  	[spmem:s3] =	stream.indirect.scatter.add.f32 @!p1 [tilespmem:s17], [sflag:$0x1], $0x10, s15, s17, $0xb8;
	[tilespmem:$0x18F20] =	vst v63  }
0x1f: {  	s14 =	simm.s32 $0x20;
	p2 =	por p1, p1;
	_ =	swait.ge @!p1 [sflag:s16], $0x800  }
0x20: {  	s15 =	sadd.s32 $0x100, s9;
	p1 =	sgt.u32 s31, $0x1869;
	[sflag:s16] =	ssyncset.done @!p2 $0x0  }
.LBB2_2:
0x21: {  	s17 =	simm.s32 @!p1 $0x0;
	s18 =	simm.s32 @!p1 $0x2  }
0x22: {  	[sflag:s16] =	ssyncadd.s32 @!p2 $0xFFFFF800;
	s19 =	smov.u32 s14;
	s14 =	sadd.s32 $0x10, s14  }
0x23: {  	[tilespmem:s17], [sflag:$0x2] =	stream.linear.gather @!p1 [hbm4b:s15+s17], $0x80, $0x38;
	[tilespmem:$0x18F20] =	vst v63  }
0x24: {  	p3 =	sne.s32 s14, $0x1870;
	_ =	swait.ge @!p1 [sflag:s18], $0x80  }
.Ltmp0:
0x25: {  	[sflag:s18] =	ssyncset.done @!p1 $0x0;
	(pc) =	sbr.rel @p3 .LBB2_2-.Ltmp0, $4  }
0x26: {  	s16 =	simm.s32 @!p1 $0x1;
	[sflag:s18] =	ssyncadd.s32 @!p1 $0xFFFFFF80;
	s18 =	simm.s32 @!p1 $0x80  }
0x27: {  	[spmem:s3] =	stream.indirect.scatter.add.f32 @!p1 [tilespmem:s18], [sflag:$0x1], $0x10, s17, s18, $0xb8;
	[tilespmem:$0x18F20] =	vst v63  }
0x28: {  	p2 =	por p1, p1;
	s17 =	sadd.s32 s19, s1;
	_ =	swait.ge @!p1 [sflag:s16], $0x800  }
0x29: {  	s15 =	sadd.s32 $0x100, s15;
	p1 =	sgt.u32 s17, $0x1869;
	[sflag:s16] =	ssyncset.done @!p2 $0x0  }
0x2a: {  	s14 =	simm.s32 @!p1 $0x0;
	s17 =	simm.s32 @!p1 $0x2;
	[sflag:s16] =	ssyncadd.s32 @!p2 $0xFFFFF800  }
0x2b: {  	[tilespmem:s14], [sflag:$0x2] =	stream.linear.gather @!p1 [hbm4b:s15+s14], $0x80, $0x38;
	[tilespmem:$0x18F20] =	vst v63  }
0x2c: {  	_ =	swait.ge @!p1 [sflag:s17], $0x80  }
0x2d: {  	[sflag:s17] =	ssyncset.done @!p1 $0x0  }
0x2e: {  	s16 =	simm.s32 @!p1 $0x1;
	s15 =	simm.s32 @!p1 $0x80;
	[sflag:s17] =	ssyncadd.s32 @!p1 $0xFFFFFF80  }
0x2f: {  	[spmem:s3] =	stream.indirect.scatter.add.f32 @!p1 [tilespmem:s15], [sflag:$0x1], $0x10, s14, s15, $0xb8;
	[tilespmem:$0x18F20] =	vst v63  }
0x30: {  	_ =	swait.ge @!p1 [sflag:s16], $0x800;
	p1 =	por p1, p1  }
0x31: {  	[sflag:s16] =	ssyncset.done @!p1 $0x0  }
0x32: {  	[sflag:s16] =	ssyncadd.s32 @!p1 $0xFFFFF800  }
0x33: {  	s14 =	simm.s32 @!p0 $0x880;
	s15 =	simm.s32 @!p0 $0x1;
	[bflag:$0x0] =	sbarrier.arrive $0xFFFF  }
0x34: {  	[tilespmem:s14], [sflag:$0x1] =	stream.linear.gather @!p0 [spmem:s6], $0xC350, $0x38;
	[tilespmem:$0x18F20] =	vst v63  }
0x35: {  	s13 =	sadd.s32 $0x1, s13;
	_ =	swait.ge @!p0 [sflag:s15], $0xC350  }
0x36: {  	p1 =	sne.s32 s13, s8;
	[sflag:s15] =	ssyncset.done @!p0 $0x0  }
.Ltmp1:
0x37: {  	s16 =	simm.s32 @!p0 $0x0;
	[sflag:s15] =	ssyncadd.s32 @!p0 $0xFFFF3CB0;
	(pc) =	sbr.rel @p1 .LBB2_1-.Ltmp1, $4  }
0x38: {  	[hbm4b:s7+s16] =	stream.linear.scatter @!p0 [tilespmem:s14], [sflag:$0x1], $0xC350, $0x38;
	[tilespmem:$0x18F20] =	vst v63  }
0x39: {  	_ =	swait.ge @!p0 [sflag:s15], $0xC350  }
0x3a: {  	[sflag:s15] =	ssyncset.done @!p0 $0x0  }
0x3b: {  	[sflag:s15] =	ssyncadd.s32 @!p0 $0xFFFF3CB0  }
0x3c: {  	_ =	sfence.sel $0x180000  }
0x3d: {  	[bflag:$0x0] =	sbarrier.arrive $0xFFFF  }
0x3e: {  	p0 =	sne.s32 s1, $0x0;
	_ =	strace $0x9000004A  }
0x3f: {  	s0 =	sadd.s32 @!p0 $0x100000, s0;
	[bflag:$0x2] =	sbarrier.arrive $0xFFFF  }
0x40: {  	[sflag:s0] =	ssyncadd.tile.s32 @!p0 $0x1;
	_ =	shalt  }
.Lfunc_end2:
_tile_overlayer_lowered:
.L_overlay_start_2:
0x41: {  	(tag) =	ssettag $0x2  }
0x42: {  	s0 =	rddreg [dreg:$0x0];
	s2 =	stileid.u32  }
0x43: {  	s1 =	rddreg [dreg:$0x1];
	p0 =	sne.s32 s2, $0x0  }
0x44: {  	s3 =	rddreg [dreg:$0x2];
	[bflag:$0x3] =	sbarrier.arrive $0xFFFF;
	s2 =	simm.s32 @!p0 $0x1C01  }
0x45: {  	[timem:s3], [sflag:s2] =	dma.local @!p0 [hbm:s0], s1  }
0x46: {  	s0 =	simm.s32 @!p0 $0x1  }
0x47: {  	_ =	swait.ge @!p0 [sflag:s0], s1  }
0x48: {  	s1 =	ssub.s32 @!p0 $0x0, s1;
	[sflag:s0] =	ssyncset.done @!p0 $0x0  }
0x49: {  	[sflag:s0] =	ssyncadd.s32 @!p0 s1  }
0x4a: {  	[bflag:$0x3] =	sbarrier.arrive $0xFFFF  }
0x4b: {  	_ =	shalt  }

// kernel: kernel.34.cloned.1.call-start
scs
__scs_entry_jumppad:
0x0: {  	(pc) =	sbr.rel $0x88, $3  }
0x1: {  	(tag) =	ssettag $0x0;
	lr =	simm.s32 $0x1  }
0x2: {  	[smem:$0x3F6B] =	sst lr;
	_ =	strace $0xD0000000  }
0x3: {  	_ = 	snop  }
0x4: {  	_ = 	snop  }
0x5: {  	_ = 	snop  }
0x6: {  	_ = 	snop  }
0x7: {  	_ = 	snop  }
__scs_overlays_trampoline_lowered:
0x8: {  	[smem:$0x3F7A] =	sst s0  }
0x9: {  	[smem:$0x3F7B] =	sst s1  }
0xa: {  	[smem:$0x3F7C] =	sst s2  }
0xb: {  	[smem:$0x3F7D] =	sst s3  }
0xc: {  	[smem:$0x3F7E] =	sst s4  }
0xd: {  	[smem:$0x3F7F] =	sst s5  }
0xe: {  	[smem:$0x3F80] =	sst s6  }
0xf: {  	[smem:$0x3F81] =	sst s7  }
0x10: {  	[smem:$0x3F82] =	sst s8  }
0x11: {  	[smem:$0x3F83] =	sst s9;
	s0 =	simm.s32 @!p0 $0x0  }
0x12: {  	s1 =	sld [smem:$0x3F69];
	s0 =	simm.s32 @p0 $0x1  }
0x13: {  	[smem:$0x3F84] =	sst s0;
	s0 =	simm.s32 @!p1 $0x0  }
0x14: {  	s2 =	sld [smem:$0x3F68];
	s0 =	simm.s32 @p1 $0x1  }
0x15: {  	[smem:$0x3F85] =	sst s0;
	s0 =	simm.s32 @!p2 $0x0  }
0x16: {  	s3 =	sld [smem:$0x3FDB];
	s0 =	simm.s32 @p2 $0x1  }
0x17: {  	s4 =	simm.s32 $0x1BF5;
	[smem:$0x3F87] =	sst s0  }
0x18: {  	s0 =	sld [smem:$0x3F6A];
	_ =	swait.ge [sflag:s4], $0x0  }
0x19: {  	s7 =	sld [smem:$0x3F6B]  }
0x1a: {  	s8 =	sadd.s32 $0xFFFFE003, lr  }
0x1b: {  	s9 =	sadd.s32 $0xFFFFFEF7, lr;
	s5 =	simm.s32 $0xFFFFFFFF;
	p2 =	slt.u32 s8, $0xFFFFF086  }
0x1c: {  	p1 =	slt.u32 s9, $0xF7A;
	s5 =	simm.s32 @!p2 $0x0  }
0x1d: {  	s5 =	simm.s32 @p1 $0x1;
	p0 =	seq.s32 s7, s2  }
0x1e: {  	s7 =	smul.u32 @!p0 $0xF7A, s2;
	p2 =	seq.s32 @!p0 s5, $0x0  }
0x1f: {  	s9 =	smul.u32 $0xF7A, s1;
	s8 =	simm.s32 @!p0 $0x1BF5;
	p2 =	por !p2, p0  }
0x20: {  	[sflag:s8] =	ssyncset.s32 @!p0 $0xFFFFF086;
	s6 =	sadd.s32 @!p0 s3, s7;
	s7 =	simm.s32 @!p0 $0x108  }
0x21: {  	s3 =	sadd.s32 s3, s9;
	s6 =	sadd.s32 @!p0 $0x88, s6;
	s7 =	simm.s32 @p2 $0x1082  }
0x22: {  	[simem:s7], [sflag:s8] =	dma.local @!p0 [hbm:s6], $0xF7A  }
0x23: {  	s9 =	sor.u32 $0xD0000000, s2;
	s6 =	simm.s32 $0x108;
	_ =	swait.ge @!p0 [sflag:s8], $0x0  }
0x24: {  	s3 =	sadd.s32 $0x88, s3;
	s6 =	simm.s32 @!p1 $0x1082;
	[sflag:s4] =	ssyncset.s32 $0xFFFFF086  }
0x25: {  	[simem:s6], [sflag:s4] =	dma.local [hbm:s3], $0xF7A  }
0x26: {  	[smem:$0x3F6B] =	sst s1;
	(tag) =	ssettag s2;
	_ =	strace s9  }
0x27: {  	s1 =	sld [smem:$0x3F7B]  }
0x28: {  	s2 =	sld [smem:$0x3F7C]  }
0x29: {  	s4 =	sld [smem:$0x3F7E]  }
0x2a: {  	p0 =	seq.s32 s5, $0x0;
	s5 =	sld [smem:$0x3F7F]  }
0x2b: {  	s6 =	sld [smem:$0x3F80]  }
0x2c: {  	s7 =	sld [smem:$0x3F81]  }
0x2d: {  	s3 =	simm.s32 $0x108;
	s8 =	sld [smem:$0x3F82]  }
0x2e: {  	s3 =	simm.s32 @!p0 $0x1082;
	s9 =	sld [smem:$0x3F83]  }
0x2f: {  	lr =	sadd.s32 s0, s3;
	s0 =	sld [smem:$0x3F7A]  }
0x30: {  	s3 =	sld [smem:$0x3F7D]  }
0x31: {  	[smem:$0x3F86] =	sst s10  }
0x32: {  	s10 =	sld [smem:$0x3F84];
	_ =	sdelay $0x3  }
0x33: {  	p0 =	seq.s32 s10, $0x1;
	s10 =	sld [smem:$0x3F86];
	_ =	sdelay $0x3  }
0x34: {  	[smem:$0x3F86] =	sst s10  }
0x35: {  	s10 =	sld [smem:$0x3F85];
	_ =	sdelay $0x3  }
0x36: {  	p1 =	seq.s32 s10, $0x1;
	s10 =	sld [smem:$0x3F86];
	_ =	sdelay $0x3  }
0x37: {  	[smem:$0x3F86] =	sst s10  }
0x38: {  	s10 =	sld [smem:$0x3F87]  }
0x39: {  	_ = 	snop;
	(pc) =	sbr.ind lr, $3  }
0x3a: {  	_ = 	snop  }
0x3b: {  	_ = 	snop  }
0x3c: {  	p2 =	seq.s32 s10, $0x1;
	s10 =	sld [smem:$0x3F86]  }
0x3d: {  	_ =	shalt  }
0x3e: {  	_ =	shalt  }
0x3f: {  	_ =	shalt  }
0x40: {  	_ =	shalt  }
0x41: {  	_ =	shalt  }
0x42: {  	_ =	shalt  }
0x43: {  	_ =	shalt  }
0x44: {  	_ =	shalt  }
0x45: {  	_ =	shalt  }
0x46: {  	_ =	shalt  }
0x47: {  	_ =	shalt  }
0x48: {  	_ =	shalt  }
0x49: {  	_ =	shalt  }
0x4a: {  	_ =	shalt  }
0x4b: {  	_ =	shalt  }
0x4c: {  	_ =	shalt  }
0x4d: {  	_ =	shalt  }
0x4e: {  	_ =	shalt  }
0x4f: {  	_ =	shalt  }
0x50: {  	_ =	shalt  }
0x51: {  	_ =	shalt  }
0x52: {  	_ =	shalt  }
0x53: {  	_ =	shalt  }
0x54: {  	_ =	shalt  }
0x55: {  	_ =	shalt  }
0x56: {  	_ =	shalt  }
0x57: {  	_ =	shalt  }
0x58: {  	_ =	shalt  }
0x59: {  	_ =	shalt  }
0x5a: {  	_ =	shalt  }
0x5b: {  	_ =	shalt  }
0x5c: {  	_ =	shalt  }
0x5d: {  	_ =	shalt  }
0x5e: {  	_ =	shalt  }
0x5f: {  	_ =	shalt  }
0x60: {  	_ =	shalt  }
0x61: {  	_ =	shalt  }
0x62: {  	_ =	shalt  }
0x63: {  	_ =	shalt  }
0x64: {  	_ =	shalt  }
0x65: {  	_ =	shalt  }
0x66: {  	_ =	shalt  }
0x67: {  	_ =	shalt  }
0x68: {  	_ =	shalt  }
0x69: {  	_ =	shalt  }
0x6a: {  	_ =	shalt  }
0x6b: {  	_ =	shalt  }
0x6c: {  	_ =	shalt  }
0x6d: {  	_ =	shalt  }
0x6e: {  	_ =	shalt  }
0x6f: {  	_ =	shalt  }
0x70: {  	_ =	shalt  }
0x71: {  	_ =	shalt  }
0x72: {  	_ =	shalt  }
0x73: {  	_ =	shalt  }
0x74: {  	_ =	shalt  }
0x75: {  	_ =	shalt  }
0x76: {  	_ =	shalt  }
0x77: {  	_ =	shalt  }
0x78: {  	_ =	shalt  }
0x79: {  	_ =	shalt  }
0x7a: {  	_ =	shalt  }
0x7b: {  	_ =	shalt  }
0x7c: {  	_ =	shalt  }
0x7d: {  	_ =	shalt  }
0x7e: {  	_ =	shalt  }
0x7f: {  	_ =	shalt  }
0x80: {  	_ =	shalt  }
0x81: {  	_ =	shalt  }
0x82: {  	_ =	shalt  }
0x83: {  	_ =	shalt  }
0x84: {  	_ =	shalt  }
0x85: {  	_ =	shalt  }
0x86: {  	_ =	shalt  }
0x87: {  	_ =	shalt  }
.Lfunc_end0:
.L_simem_size_0:
called_computation.3_lowered:
.L_overlay_start_0:
0x88: {  	s2 =	sld [smem:$0x3FD9]  }
0x89: {  	s3 =	sld [smem:$0x3FFE];
	_ =	sdelay $0x1  }
0x8a: {  	s1 =	srdreg.scid  }
0x8b: {  	s0 =	sand.u32 $0x1, s1  }
0x8c: {  	s16 =	sshll.u32 s0, $0xA;
	s2 =	sadd.s32 s3, s2  }
0x8d: {  	s2 =	sadd.s32 s2, s16  }
0x8e: {  	[smem:$0x3F92] =	sst s2  }
0x8f: {  	_ = 	snop  }
0x90: {  	(tm) =	ssettm $0x1  }
0x91: {  	s17 =	sld [smem:$0x3FFB];
	_ =	sdelay $0x3  }
0x92: {  	_ =	strace s17  }
0x93: {  	s2 =	sld [smem:$0x3FFC];
	_ =	sdelay $0x3  }
0x94: {  	_ =	strace s2  }
0x95: {  	s2 =	sld [smem:$0x3FFD];
	_ =	sdelay $0x3  }
0x96: {  	_ =	strace s2  }
0x97: {  	_ =	strace $0x8FFFFFFF  }
0x98: {  	s18 =	sld [smem:$0x3FDB];
	_ =	sdelay $0x1  }
0x99: {  	s19 =	simm.s32 $_scs_section_size  }
0x9a: {  	s4 =	simm.s32 $_size__tile_overlayer_lowered;
	s5 =	simm.s32 $_tile_overlayer_lowered  }
0x9b: {  	s22 =	simm.s32 $0x1BFF;
	s21 =	sshll.u32 s5, $0x1;
	s2 =	sadd.s32 s19, s18  }
0x9c: {  	s6 =	simm.s32 $0x0;
	s20 =	sshll.u32 s4, $0x1;
	s4 =	sadd.s32 s21, s2  }
0x9d: {  	[timem:s6], [sflag:s22] =	dma.local [hbm:s4], s20  }
0x9e: {  	_ =	swait.ge [sflag:s22], s20  }
0x9f: {  	s3 =	ssub.s32 $0x0, s20;
	[sflag:s22] =	ssyncset.done $0x0  }
0xa0: {  	[sflag:s22] =	ssyncadd.s32 s3;
	_ =	sdelay $0x1  }
0xa1: {  	s23 =	simm.s32 $0x1B8B  }
0xa2: {  	_ =	swait.ge [sflag:s23], $0x1  }
0xa3: {  	[sflag:s23] =	ssyncset.done $0x0  }
0xa4: {  	s25 =	simm.s32 $0x1B8E;
	s24 =	sld [smem:$0x3FFE];
	[sflag:s23] =	ssyncadd.s32 $0xFFFFFFFF  }
0xa5: {  	s26 =	simm.s32 $execute0_lowered;
	[smem:$0x3FD2] =	sst s25  }
0xa6: {  	s4 =	sshll.u32 s26, $0x1;
	_ =	strace $0x8000004F;
	[dreg:$0x1] =	wrdreg $0xFFFFFFFF  }
0xa7: {  	s28 =	simm.s32 $_size_execute0_lowered;
	s2 =	sadd.s32 s2, s4;
	[dreg:$0x0] =	wrdreg $0x0  }
0xa8: {  	s4 =	sshll.u32 s28, $0x1;
	[dreg:$0x2] =	wrdreg s2  }
0xa9: {  	[dreg:$0x3] =	wrdreg s4  }
0xaa: {  	[dreg:$0x4] =	wrdreg $0xC0  }
0xab: {  	_ =	task [dreg:s6], $0x5FFFF  }
0xac: {  	[dreg:$0x1] =	wrdreg $0xFFFFFFFF  }
0xad: {  	[dreg:$0x0] =	wrdreg $0x60  }
0xae: {  	[dreg:$0x2] =	wrdreg s24  }
0xaf: {  	[dreg:$0x3] =	wrdreg $0x9  }
0xb0: {  	_ =	task.clear_ibuf [dreg:s6], $0x4FFFF;
	_ =	strace $0x9000004F  }
0xb1: {  	s29 =	simm.s32 $0x9;
	_ =	strace $0x80000051  }
0xb2: {  	_ =	swait.ge [sflag:s29], $0x1  }
0xb3: {  	[sflag:s29] =	ssyncadd.s32 $0xFFFFFFFF  }
0xb4: {  	_ =	strace $0x90000051  }
0xb5: {  	_ =	sfence  }
0xb6: {  	s30 =	sld [smem:$0x0];
	_ =	sdelay $0x2  }
0xb7: {  	s31 =	sshll.u32 s1, $0xD;
	s1 =	sshrl.u32 s1, $0x2  }
0xb8: {  	s3 =	sand.u32 $0x4000, s31;
	s1 =	sadd.s32 s1, s30  }
0xb9: {  	s0 =	sor.u32 s3, s0;
	s1 =	sshll.u32 s1, $0x11  }
0xba: {  	s0 =	sor.u32 s1, s0  }
0xbb: {  	s0 =	sadd.s32 $0x8F2B, s0  }
0xbc: {  	[sflag:s0] =	ssyncadd.remote.s32 $0x1  }
0xbd: {  	_ =	sfence.sel $0xFFFF  }
0xbe: {  	[dreg:$0x0] =	wrdreg $0xFFFFFFFF;
	(pc) =	sbr.abs _section_cstart, $3  }
0xbf: {  	[dreg:$0x1] =	wrdreg $0xFFFFFFFF  }
0xc0: {  	_ =	task.clear_ibuf [dreg:s6], $0x2FFFF;
	_ =	strace $0x9FFFFFFF  }
0xc1: {  	(tm) =	ssettm $0x7FFFFFFF  }
tec
execute0_lowered:
.L_overlay_start_1:
0x0: {  	(tag) =	ssettag $0x1  }
0x1: {  	s4 =	rddreg [dreg:$0x0]  }
0x2: {  	s0 =	rddreg [dreg:$0x1]  }
0x3: {  	s2 =	simm.s32 $0x0;
	s3 =	srdreg.scid;
	s1 =	stileid.u32  }
0x4: {  	[smem:$0x7FF] =	sst s2;
	s5 =	sand.u32 $0x1, s3;
	s3 =	sadd.s32 $0x375200, s4  }
0x5: {  	s6 =	sshll.u32 s1, $0x5;
	s8 =	sshll.u32 s1, $0xA;
	_ =	strace $0x80000050  }
0x6: {  	s7 =	ssub.s32 $0x2, s5;
	s6 =	sadd.s32 s6, s4;
	s8 =	sadd.s32 s8, s4  }
0x7: {  	s31 =	sshll.u32 s5, $0x4;
	s10 =	sshll.u32 s5, $0x9;
	s9 =	sshrl.u32 s7, $0x1  }
0x8: {  	s4 =	sshll.u32 s1, $0x1;
	s10 =	sadd.s32 s10, s8;
	s7 =	ssub.s32 s7, s9  }
0x9: {  	s9 =	sadd.s32 s31, s6;
	s8 =	sadd.s32 $0x36E00, s10;
	s5 =	smax.u32 s7, $0x1  }
0xa: {  	s6 =	sadd.s32 $0x5E00, s9;
	s7 =	sadd.s32 $0x1E600, s9;
	s9 =	sadd.s32 $0x481E00, s10  }
.LBB2_1:
0xb: {  	p0 =	sgt.u32 s4, $0x1869  }
0xc: {  	s10 =	sadd.s32 @!p0 $0x0, s7;
	s11 =	simm.s32 @!p0 $0x0;
	s14 =	simm.s32 @!p0 $0x4  }
0xd: {  	[tilespmem:s11], [sflag:$0x4] =	stream.linear.gather @!p0 [hbm4b:s10+s11], $0x80, $0x38;
	[tilespmem:$0x2100] =	vst v63  }
0xe: {  	_ =	swait.ge @!p0 [sflag:s14], $0x80;
	p0 =	por p0, p0  }
0xf: {  	[sflag:s14] =	ssyncset.done @!p0 $0x0  }
0x10: {  	s10 =	sadd.s32 @!p0 $0x0, s6;
	s12 =	simm.s32 @!p0 $0x80;
	[sflag:s14] =	ssyncadd.s32 @!p0 $0xFFFFFF80  }
0x11: {  	[tilespmem:s12], [sflag:$0x4] =	stream.linear.gather @!p0 [hbm4b:s10+s11], $0x80, $0x38;
	[tilespmem:$0x2100] =	vst v63  }
0x12: {  	_ =	swait.ge @!p0 [sflag:s14], $0x80  }
0x13: {  	[sflag:s14] =	ssyncset.done @!p0 $0x0  }
0x14: {  	s10 =	simm.s32 @!p0 $0x100;
	[sflag:s14] =	ssyncadd.s32 @!p0 $0xFFFFFF80  }
0x15: {  	[tilespmem:s10], [sflag:$0x1] =	stream.indirect.gather @!p0 [hbm4b:s3+s12], $0x20, s11, s12, $0xb8;
	[tilespmem:$0x2100] =	vst v63  }
0x16: {  	s15 =	simm.s32 @!p0 $0x1100;
	s13 =	simm.s32 @!p0 $0x1  }
0x17: {  	[tilespmem:s15], [sflag:$0x2] =	stream.indirect.gather @!p0 [hbm4b:s3+s12], $0x20, s12, s12, $0xb8;
	[tilespmem:$0x2100] =	vst v63  }
0x18: {  	_ =	swait.ge @!p0 [sflag:s13], $0x1000  }
0x19: {  	[sflag:s13] =	ssyncset.done @!p0 $0x0  }
0x1a: {  	s12 =	simm.s32 @!p0 $0x2;
	[sflag:s13] =	ssyncadd.s32 @!p0 $0xFFFFF000  }
0x1b: {  	_ =	swait.ge @!p0 [sflag:s12], $0x1000  }
0x1c: {  	[sflag:s12] =	ssyncset.done @!p0 $0x0  }
0x1d: {  	[sflag:s12] =	ssyncadd.s32 @!p0 $0xFFFFF000  }
0x1e: {  	[hbm4b:s9+s11] =	stream.linear.scatter @!p0 [tilespmem:s10], [sflag:$0x4], $0x1000, $0x38;
	[tilespmem:$0x2100] =	vst v63  }
0x1f: {  	_ =	swait.ge @!p0 [sflag:s14], $0x1000  }
0x20: {  	[sflag:s14] =	ssyncset.done @!p0 $0x0  }
0x21: {  	s13 =	simm.s32 $0x400;
	s12 =	simm.s32 $0x200;
	[sflag:s14] =	ssyncadd.s32 @!p0 $0xFFFFF000  }
0x22: {  	[hbm4b:s8+s11] =	stream.linear.scatter @!p0 [tilespmem:s15], [sflag:$0x3], $0x1000, $0x38;
	[tilespmem:$0x2100] =	vst v63  }
0x23: {  	s10 =	sadd.s32 $0x4000, s9;
	s14 =	sadd.s32 $0x20, s4;
	s15 =	simm.s32 @!p0 $0x3  }
0x24: {  	p2 =	sgt.u32 s14, $0x1869;
	s11 =	sadd.s32 $0x4000, s8;
	_ =	swait.ge @!p0 [sflag:s15], $0x1000  }
.LBB2_2:
0x25: {  	s16 =	sadd.s32 @!p2 s12, s7  }
0x26: {  	s17 =	simm.s32 @!p2 $0x0;
	[sflag:s15] =	ssyncset.done @!p0 $0x0;
	s18 =	smov.u32 s13  }
0x27: {  	s13 =	sadd.s32 $0x200, s13;
	s19 =	simm.s32 @!p2 $0x4;
	[sflag:s15] =	ssyncadd.s32 @!p0 $0xFFFFF000  }
0x28: {  	[tilespmem:s17], [sflag:$0x4] =	stream.linear.gather @!p2 [hbm4b:s16+s17], $0x80, $0x38;
	[tilespmem:$0x2100] =	vst v63  }
0x29: {  	p1 =	sne.s32 s13, $0x18800;
	p0 =	por p2, p2;
	_ =	swait.ge @!p2 [sflag:s19], $0x80  }
0x2a: {  	[sflag:s19] =	ssyncset.done @!p0 $0x0  }
0x2b: {  	s12 =	sadd.s32 @!p0 s12, s6;
	s15 =	simm.s32 @!p0 $0x80;
	[sflag:s19] =	ssyncadd.s32 @!p0 $0xFFFFFF80  }
0x2c: {  	[tilespmem:s15], [sflag:$0x4] =	stream.linear.gather @!p0 [hbm4b:s12+s17], $0x80, $0x38;
	[tilespmem:$0x2100] =	vst v63  }
0x2d: {  	s12 =	smov.u32 s18;
	_ =	swait.ge @!p0 [sflag:s19], $0x80  }
0x2e: {  	[sflag:s19] =	ssyncset.done @!p0 $0x0  }
0x2f: {  	s16 =	simm.s32 @!p0 $0x100;
	[sflag:s19] =	ssyncadd.s32 @!p0 $0xFFFFFF80  }
0x30: {  	[tilespmem:s16], [sflag:$0x1] =	stream.indirect.gather @!p0 [hbm4b:s3+s15], $0x20, s17, s15, $0xb8;
	[tilespmem:$0x2100] =	vst v63  }
0x31: {  	s20 =	simm.s32 @!p0 $0x1;
	s18 =	simm.s32 @!p0 $0x1100  }
0x32: {  	[tilespmem:s18], [sflag:$0x2] =	stream.indirect.gather @!p0 [hbm4b:s3+s15], $0x20, s15, s15, $0xb8;
	[tilespmem:$0x2100] =	vst v63  }
0x33: {  	_ =	swait.ge @!p0 [sflag:s20], $0x1000  }
0x34: {  	[sflag:s20] =	ssyncset.done @!p0 $0x0  }
0x35: {  	s15 =	simm.s32 @!p0 $0x2;
	[sflag:s20] =	ssyncadd.s32 @!p0 $0xFFFFF000  }
0x36: {  	_ =	swait.ge @!p0 [sflag:s15], $0x1000  }
0x37: {  	[sflag:s15] =	ssyncset.done @!p0 $0x0  }
0x38: {  	[sflag:s15] =	ssyncadd.s32 @!p0 $0xFFFFF000  }
0x39: {  	[hbm4b:s10+s17] =	stream.linear.scatter @!p0 [tilespmem:s16], [sflag:$0x4], $0x1000, $0x38;
	[tilespmem:$0x2100] =	vst v63  }
.Ltmp0:
0x3a: {  	_ =	swait.ge @!p0 [sflag:s19], $0x1000;
	(pc) =	sbr.rel @p1 .LBB2_2-.Ltmp0, $4  }
0x3b: {  	s10 =	sadd.s32 $0x4000, s10;
	[sflag:s19] =	ssyncset.done @!p0 $0x0  }
0x3c: {  	s14 =	sadd.s32 $0x20, s14;
	s15 =	simm.s32 @!p0 $0x3;
	[sflag:s19] =	ssyncadd.s32 @!p0 $0xFFFFF000  }
0x3d: {  	[hbm4b:s11+s17] =	stream.linear.scatter @!p0 [tilespmem:s18], [sflag:$0x3], $0x1000, $0x38;
	[tilespmem:$0x2100] =	vst v63  }
0x3e: {  	p2 =	sgt.u32 s14, $0x1869;
	s11 =	sadd.s32 $0x4000, s11;
	_ =	swait.ge @!p0 [sflag:s15], $0x1000  }
0x3f: {  	s13 =	sadd.s32 @!p2 s12, s7;
	[sflag:s15] =	ssyncset.done @!p0 $0x0  }
0x40: {  	s14 =	simm.s32 @!p2 $0x0;
	s16 =	simm.s32 @!p2 $0x4;
	[sflag:s15] =	ssyncadd.s32 @!p0 $0xFFFFF000  }
0x41: {  	[tilespmem:s14], [sflag:$0x4] =	stream.linear.gather @!p2 [hbm4b:s13+s14], $0x80, $0x38;
	[tilespmem:$0x2100] =	vst v63  }
0x42: {  	p0 =	por p2, p2;
	_ =	swait.ge @!p2 [sflag:s16], $0x80  }
0x43: {  	[sflag:s16] =	ssyncset.done @!p0 $0x0  }
0x44: {  	s12 =	sadd.s32 @!p0 s12, s6;
	s13 =	simm.s32 @!p0 $0x80;
	[sflag:s16] =	ssyncadd.s32 @!p0 $0xFFFFFF80  }
0x45: {  	[tilespmem:s13], [sflag:$0x4] =	stream.linear.gather @!p0 [hbm4b:s12+s14], $0x80, $0x38;
	[tilespmem:$0x2100] =	vst v63  }
0x46: {  	_ =	swait.ge @!p0 [sflag:s16], $0x80  }
0x47: {  	[sflag:s16] =	ssyncset.done @!p0 $0x0  }
0x48: {  	s12 =	simm.s32 @!p0 $0x100;
	[sflag:s16] =	ssyncadd.s32 @!p0 $0xFFFFFF80  }
0x49: {  	[tilespmem:s12], [sflag:$0x1] =	stream.indirect.gather @!p0 [hbm4b:s3+s13], $0x20, s14, s13, $0xb8;
	[tilespmem:$0x2100] =	vst v63  }
0x4a: {  	s15 =	simm.s32 @!p0 $0x1100;
	s17 =	simm.s32 @!p0 $0x1  }
0x4b: {  	[tilespmem:s15], [sflag:$0x2] =	stream.indirect.gather @!p0 [hbm4b:s3+s13], $0x20, s13, s13, $0xb8;
	[tilespmem:$0x2100] =	vst v63  }
0x4c: {  	_ =	swait.ge @!p0 [sflag:s17], $0x1000  }
0x4d: {  	[sflag:s17] =	ssyncset.done @!p0 $0x0  }
0x4e: {  	s13 =	simm.s32 @!p0 $0x2;
	[sflag:s17] =	ssyncadd.s32 @!p0 $0xFFFFF000  }
0x4f: {  	_ =	swait.ge @!p0 [sflag:s13], $0x1000  }
0x50: {  	[sflag:s13] =	ssyncset.done @!p0 $0x0  }
0x51: {  	[sflag:s13] =	ssyncadd.s32 @!p0 $0xFFFFF000  }
0x52: {  	[hbm4b:s10+s14] =	stream.linear.scatter @!p0 [tilespmem:s12], [sflag:$0x4], $0x1000, $0x38;
	[tilespmem:$0x2100] =	vst v63  }
0x53: {  	s2 =	sadd.s32 $0x1, s2;
	_ =	swait.ge @!p0 [sflag:s16], $0x1000  }
0x54: {  	p1 =	sne.s32 s2, s5;
	[sflag:s16] =	ssyncset.done @!p0 $0x0  }
.Ltmp1:
0x55: {  	s10 =	simm.s32 @!p0 $0x3;
	[sflag:s16] =	ssyncadd.s32 @!p0 $0xFFFFF000;
	(pc) =	sbr.rel @p1 .LBB2_1-.Ltmp1, $4  }
0x56: {  	[hbm4b:s11+s14] =	stream.linear.scatter @!p0 [tilespmem:s15], [sflag:$0x3], $0x1000, $0x38;
	[tilespmem:$0x2100] =	vst v63  }
0x57: {  	_ =	swait.ge @!p0 [sflag:s10], $0x1000  }
0x58: {  	[sflag:s10] =	ssyncset.done @!p0 $0x0  }
0x59: {  	[sflag:s10] =	ssyncadd.s32 @!p0 $0xFFFFF000  }
0x5a: {  	_ =	sfence.sel $0x180000  }
0x5b: {  	[bflag:$0x0] =	sbarrier.arrive $0xFFFF  }
0x5c: {  	p0 =	sne.s32 s1, $0x0;
	_ =	strace $0x90000050  }
0x5d: {  	s0 =	sadd.s32 @!p0 $0x100000, s0;
	[bflag:$0x2] =	sbarrier.arrive $0xFFFF  }
0x5e: {  	[sflag:s0] =	ssyncadd.tile.s32 @!p0 $0x1;
	_ =	shalt  }
.Lfunc_end2:
_tile_overlayer_lowered:
.L_overlay_start_2:
0x5f: {  	(tag) =	ssettag $0x2  }
0x60: {  	s0 =	rddreg [dreg:$0x0];
	s2 =	stileid.u32  }
0x61: {  	s1 =	rddreg [dreg:$0x1];
	p0 =	sne.s32 s2, $0x0  }
0x62: {  	s3 =	rddreg [dreg:$0x2];
	[bflag:$0x3] =	sbarrier.arrive $0xFFFF;
	s2 =	simm.s32 @!p0 $0x1C03  }
0x63: {  	[timem:s3], [sflag:s2] =	dma.local @!p0 [hbm:s0], s1  }
0x64: {  	s0 =	simm.s32 @!p0 $0x3  }
0x65: {  	_ =	swait.ge @!p0 [sflag:s0], s1  }
0x66: {  	s1 =	ssub.s32 @!p0 $0x0, s1;
	[sflag:s0] =	ssyncset.done @!p0 $0x0  }
0x67: {  	[sflag:s0] =	ssyncadd.s32 @!p0 s1  }
0x68: {  	[bflag:$0x3] =	sbarrier.arrive $0xFFFF  }
0x69: {  	_ =	shalt  }

// kernel: kernel.37.cloned.1.call-start
scs
__scs_entry_jumppad:
0x0: {  	(pc) =	sbr.rel $0x88, $3  }
0x1: {  	(tag) =	ssettag $0x0;
	lr =	simm.s32 $0x1  }
0x2: {  	[smem:$0x3F6B] =	sst lr;
	_ =	strace $0xD0000000  }
0x3: {  	_ = 	snop  }
0x4: {  	_ = 	snop  }
0x5: {  	_ = 	snop  }
0x6: {  	_ = 	snop  }
0x7: {  	_ = 	snop  }
__scs_overlays_trampoline_lowered:
0x8: {  	[smem:$0x3F7A] =	sst s0  }
0x9: {  	[smem:$0x3F7B] =	sst s1  }
0xa: {  	[smem:$0x3F7C] =	sst s2  }
0xb: {  	[smem:$0x3F7D] =	sst s3  }
0xc: {  	[smem:$0x3F7E] =	sst s4  }
0xd: {  	[smem:$0x3F7F] =	sst s5  }
0xe: {  	[smem:$0x3F80] =	sst s6  }
0xf: {  	[smem:$0x3F81] =	sst s7  }
0x10: {  	[smem:$0x3F82] =	sst s8  }
0x11: {  	[smem:$0x3F83] =	sst s9;
	s0 =	simm.s32 @!p0 $0x0  }
0x12: {  	s1 =	sld [smem:$0x3F69];
	s0 =	simm.s32 @p0 $0x1  }
0x13: {  	[smem:$0x3F84] =	sst s0;
	s0 =	simm.s32 @!p1 $0x0  }
0x14: {  	s2 =	sld [smem:$0x3F68];
	s0 =	simm.s32 @p1 $0x1  }
0x15: {  	[smem:$0x3F85] =	sst s0;
	s0 =	simm.s32 @!p2 $0x0  }
0x16: {  	s3 =	sld [smem:$0x3FDB];
	s0 =	simm.s32 @p2 $0x1  }
0x17: {  	s4 =	simm.s32 $0x1BF5;
	[smem:$0x3F87] =	sst s0  }
0x18: {  	s0 =	sld [smem:$0x3F6A];
	_ =	swait.ge [sflag:s4], $0x0  }
0x19: {  	s7 =	sld [smem:$0x3F6B]  }
0x1a: {  	s8 =	sadd.s32 $0xFFFFE003, lr  }
0x1b: {  	s9 =	sadd.s32 $0xFFFFFEF7, lr;
	s5 =	simm.s32 $0xFFFFFFFF;
	p2 =	slt.u32 s8, $0xFFFFF086  }
0x1c: {  	p1 =	slt.u32 s9, $0xF7A;
	s5 =	simm.s32 @!p2 $0x0  }
0x1d: {  	s5 =	simm.s32 @p1 $0x1;
	p0 =	seq.s32 s7, s2  }
0x1e: {  	s7 =	smul.u32 @!p0 $0xF7A, s2;
	p2 =	seq.s32 @!p0 s5, $0x0  }
0x1f: {  	s9 =	smul.u32 $0xF7A, s1;
	s8 =	simm.s32 @!p0 $0x1BF5;
	p2 =	por !p2, p0  }
0x20: {  	[sflag:s8] =	ssyncset.s32 @!p0 $0xFFFFF086;
	s6 =	sadd.s32 @!p0 s3, s7;
	s7 =	simm.s32 @!p0 $0x108  }
0x21: {  	s3 =	sadd.s32 s3, s9;
	s6 =	sadd.s32 @!p0 $0x88, s6;
	s7 =	simm.s32 @p2 $0x1082  }
0x22: {  	[simem:s7], [sflag:s8] =	dma.local @!p0 [hbm:s6], $0xF7A  }
0x23: {  	s9 =	sor.u32 $0xD0000000, s2;
	s6 =	simm.s32 $0x108;
	_ =	swait.ge @!p0 [sflag:s8], $0x0  }
0x24: {  	s3 =	sadd.s32 $0x88, s3;
	s6 =	simm.s32 @!p1 $0x1082;
	[sflag:s4] =	ssyncset.s32 $0xFFFFF086  }
0x25: {  	[simem:s6], [sflag:s4] =	dma.local [hbm:s3], $0xF7A  }
0x26: {  	[smem:$0x3F6B] =	sst s1;
	(tag) =	ssettag s2;
	_ =	strace s9  }
0x27: {  	s1 =	sld [smem:$0x3F7B]  }
0x28: {  	s2 =	sld [smem:$0x3F7C]  }
0x29: {  	s4 =	sld [smem:$0x3F7E]  }
0x2a: {  	p0 =	seq.s32 s5, $0x0;
	s5 =	sld [smem:$0x3F7F]  }
0x2b: {  	s6 =	sld [smem:$0x3F80]  }
0x2c: {  	s7 =	sld [smem:$0x3F81]  }
0x2d: {  	s3 =	simm.s32 $0x108;
	s8 =	sld [smem:$0x3F82]  }
0x2e: {  	s3 =	simm.s32 @!p0 $0x1082;
	s9 =	sld [smem:$0x3F83]  }
0x2f: {  	lr =	sadd.s32 s0, s3;
	s0 =	sld [smem:$0x3F7A]  }
0x30: {  	s3 =	sld [smem:$0x3F7D]  }
0x31: {  	[smem:$0x3F86] =	sst s10  }
0x32: {  	s10 =	sld [smem:$0x3F84];
	_ =	sdelay $0x3  }
0x33: {  	p0 =	seq.s32 s10, $0x1;
	s10 =	sld [smem:$0x3F86];
	_ =	sdelay $0x3  }
0x34: {  	[smem:$0x3F86] =	sst s10  }
0x35: {  	s10 =	sld [smem:$0x3F85];
	_ =	sdelay $0x3  }
0x36: {  	p1 =	seq.s32 s10, $0x1;
	s10 =	sld [smem:$0x3F86];
	_ =	sdelay $0x3  }
0x37: {  	[smem:$0x3F86] =	sst s10  }
0x38: {  	s10 =	sld [smem:$0x3F87]  }
0x39: {  	_ = 	snop;
	(pc) =	sbr.ind lr, $3  }
0x3a: {  	_ = 	snop  }
0x3b: {  	_ = 	snop  }
0x3c: {  	p2 =	seq.s32 s10, $0x1;
	s10 =	sld [smem:$0x3F86]  }
0x3d: {  	_ =	shalt  }
0x3e: {  	_ =	shalt  }
0x3f: {  	_ =	shalt  }
0x40: {  	_ =	shalt  }
0x41: {  	_ =	shalt  }
0x42: {  	_ =	shalt  }
0x43: {  	_ =	shalt  }
0x44: {  	_ =	shalt  }
0x45: {  	_ =	shalt  }
0x46: {  	_ =	shalt  }
0x47: {  	_ =	shalt  }
0x48: {  	_ =	shalt  }
0x49: {  	_ =	shalt  }
0x4a: {  	_ =	shalt  }
0x4b: {  	_ =	shalt  }
0x4c: {  	_ =	shalt  }
0x4d: {  	_ =	shalt  }
0x4e: {  	_ =	shalt  }
0x4f: {  	_ =	shalt  }
0x50: {  	_ =	shalt  }
0x51: {  	_ =	shalt  }
0x52: {  	_ =	shalt  }
0x53: {  	_ =	shalt  }
0x54: {  	_ =	shalt  }
0x55: {  	_ =	shalt  }
0x56: {  	_ =	shalt  }
0x57: {  	_ =	shalt  }
0x58: {  	_ =	shalt  }
0x59: {  	_ =	shalt  }
0x5a: {  	_ =	shalt  }
0x5b: {  	_ =	shalt  }
0x5c: {  	_ =	shalt  }
0x5d: {  	_ =	shalt  }
0x5e: {  	_ =	shalt  }
0x5f: {  	_ =	shalt  }
0x60: {  	_ =	shalt  }
0x61: {  	_ =	shalt  }
0x62: {  	_ =	shalt  }
0x63: {  	_ =	shalt  }
0x64: {  	_ =	shalt  }
0x65: {  	_ =	shalt  }
0x66: {  	_ =	shalt  }
0x67: {  	_ =	shalt  }
0x68: {  	_ =	shalt  }
0x69: {  	_ =	shalt  }
0x6a: {  	_ =	shalt  }
0x6b: {  	_ =	shalt  }
0x6c: {  	_ =	shalt  }
0x6d: {  	_ =	shalt  }
0x6e: {  	_ =	shalt  }
0x6f: {  	_ =	shalt  }
0x70: {  	_ =	shalt  }
0x71: {  	_ =	shalt  }
0x72: {  	_ =	shalt  }
0x73: {  	_ =	shalt  }
0x74: {  	_ =	shalt  }
0x75: {  	_ =	shalt  }
0x76: {  	_ =	shalt  }
0x77: {  	_ =	shalt  }
0x78: {  	_ =	shalt  }
0x79: {  	_ =	shalt  }
0x7a: {  	_ =	shalt  }
0x7b: {  	_ =	shalt  }
0x7c: {  	_ =	shalt  }
0x7d: {  	_ =	shalt  }
0x7e: {  	_ =	shalt  }
0x7f: {  	_ =	shalt  }
0x80: {  	_ =	shalt  }
0x81: {  	_ =	shalt  }
0x82: {  	_ =	shalt  }
0x83: {  	_ =	shalt  }
0x84: {  	_ =	shalt  }
0x85: {  	_ =	shalt  }
0x86: {  	_ =	shalt  }
0x87: {  	_ =	shalt  }
.Lfunc_end0:
.L_simem_size_0:
called_computation.4_lowered:
.L_overlay_start_0:
0x88: {  	s2 =	sld [smem:$0x3FD9]  }
0x89: {  	s3 =	sld [smem:$0x3FFE];
	_ =	sdelay $0x1  }
0x8a: {  	s1 =	srdreg.scid  }
0x8b: {  	s0 =	sand.u32 $0x1, s1  }
0x8c: {  	s16 =	sshll.u32 s0, $0xA;
	s2 =	sadd.s32 s3, s2  }
0x8d: {  	s2 =	sadd.s32 s2, s16  }
0x8e: {  	[smem:$0x3F92] =	sst s2  }
0x8f: {  	_ = 	snop  }
0x90: {  	(tm) =	ssettm $0x1  }
0x91: {  	s17 =	sld [smem:$0x3FFB];
	_ =	sdelay $0x3  }
0x92: {  	_ =	strace s17  }
0x93: {  	s2 =	sld [smem:$0x3FFC];
	_ =	sdelay $0x3  }
0x94: {  	_ =	strace s2  }
0x95: {  	s2 =	sld [smem:$0x3FFD];
	_ =	sdelay $0x3  }
0x96: {  	_ =	strace s2  }
0x97: {  	_ =	strace $0x8FFFFFFF  }
0x98: {  	s18 =	sld [smem:$0x3FDB];
	_ =	sdelay $0x1  }
0x99: {  	s19 =	simm.s32 $_scs_section_size  }
0x9a: {  	s4 =	simm.s32 $_size__tile_overlayer_lowered;
	s5 =	simm.s32 $_tile_overlayer_lowered  }
0x9b: {  	s22 =	simm.s32 $0x1BFF;
	s21 =	sshll.u32 s5, $0x1;
	s2 =	sadd.s32 s19, s18  }
0x9c: {  	s6 =	simm.s32 $0x0;
	s20 =	sshll.u32 s4, $0x1;
	s4 =	sadd.s32 s21, s2  }
0x9d: {  	[timem:s6], [sflag:s22] =	dma.local [hbm:s4], s20  }
0x9e: {  	_ =	swait.ge [sflag:s22], s20  }
0x9f: {  	s3 =	ssub.s32 $0x0, s20;
	[sflag:s22] =	ssyncset.done $0x0  }
0xa0: {  	[sflag:s22] =	ssyncadd.s32 s3;
	_ =	sdelay $0x1  }
0xa1: {  	s23 =	simm.s32 $0x1B8B  }
0xa2: {  	_ =	swait.ge [sflag:s23], $0x1  }
0xa3: {  	[sflag:s23] =	ssyncset.done $0x0  }
0xa4: {  	s25 =	simm.s32 $0x1B8E;
	s24 =	sld [smem:$0x3FFE];
	[sflag:s23] =	ssyncadd.s32 $0xFFFFFFFF  }
0xa5: {  	s26 =	simm.s32 $execute0_lowered;
	[smem:$0x3FD2] =	sst s25  }
0xa6: {  	s4 =	sshll.u32 s26, $0x1;
	_ =	strace $0x80000052;
	[dreg:$0x1] =	wrdreg $0xFFFFFFFF  }
0xa7: {  	s28 =	simm.s32 $_size_execute0_lowered;
	s2 =	sadd.s32 s2, s4;
	[dreg:$0x0] =	wrdreg $0x0  }
0xa8: {  	s4 =	sshll.u32 s28, $0x1;
	[dreg:$0x2] =	wrdreg s2  }
0xa9: {  	[dreg:$0x3] =	wrdreg s4  }
0xaa: {  	[dreg:$0x4] =	wrdreg $0xC0  }
0xab: {  	_ =	task [dreg:s6], $0x5FFFF  }
0xac: {  	[dreg:$0x1] =	wrdreg $0xFFFFFFFF  }
0xad: {  	[dreg:$0x0] =	wrdreg $0x60  }
0xae: {  	[dreg:$0x2] =	wrdreg s24  }
0xaf: {  	[dreg:$0x3] =	wrdreg $0xCBD00  }
0xb0: {  	[dreg:$0x4] =	wrdreg $0x9  }
0xb1: {  	_ =	task.clear_ibuf [dreg:s6], $0x5FFFF;
	_ =	strace $0x90000052  }
0xb2: {  	s29 =	simm.s32 $0x9;
	_ =	strace $0x80000054  }
0xb3: {  	_ =	swait.ge [sflag:s29], $0x1  }
0xb4: {  	[sflag:s29] =	ssyncadd.s32 $0xFFFFFFFF  }
0xb5: {  	_ =	strace $0x90000054  }
0xb6: {  	_ =	sfence  }
0xb7: {  	s30 =	sld [smem:$0x0];
	_ =	sdelay $0x2  }
0xb8: {  	s31 =	sshll.u32 s1, $0xD;
	s1 =	sshrl.u32 s1, $0x2  }
0xb9: {  	s3 =	sand.u32 $0x4000, s31;
	s1 =	sadd.s32 s1, s30  }
0xba: {  	s0 =	sor.u32 s3, s0;
	s1 =	sshll.u32 s1, $0x11  }
0xbb: {  	s0 =	sor.u32 s1, s0  }
0xbc: {  	s0 =	sadd.s32 $0x8F2B, s0  }
0xbd: {  	[sflag:s0] =	ssyncadd.remote.s32 $0x1  }
0xbe: {  	_ =	sfence.sel $0xFFFF  }
0xbf: {  	[dreg:$0x0] =	wrdreg $0xFFFFFFFF;
	(pc) =	sbr.abs _section_cstart, $3  }
0xc0: {  	[dreg:$0x1] =	wrdreg $0xFFFFFFFF  }
0xc1: {  	_ =	task.clear_ibuf [dreg:s6], $0x2FFFF;
	_ =	strace $0x9FFFFFFF  }
0xc2: {  	(tm) =	ssettm $0x7FFFFFFF  }
0xc3: {  	_ =	shalt  }
tec
execute0_lowered:
.L_overlay_start_1:
0x0: {  	(tag) =	ssettag $0x1  }
0x1: {  	s4 =	rddreg [dreg:$0x0]  }
0x2: {  	s2 =	rddreg [dreg:$0x1]  }
0x3: {  	s0 =	rddreg [dreg:$0x2];
	s1 =	stileid.u32  }
0x4: {  	s5 =	srdreg.scid;
	s3 =	simm.s32 $0x0;
	s12 =	simm.s32 $0x0  }
0x5: {  	s6 =	smul.u32 $0xC350, s1;
	s5 =	sand.u32 $0x1, s5;
	[smem:$0x7FF] =	sst s3  }
0x6: {  	s8 =	sshll.u32 s1, $0x9;
	s9 =	sshll.u32 s1, $0x4;
	s7 =	smul.u32 $0xC3500, s5  }
0x7: {  	_ =	strace $0x80000053;
	s8 =	sadd.s32 s8, s4;
	s9 =	sadd.s32 s9, s4  }
0x8: {  	s11 =	ssub.s32 $0x2, s5;
	s31 =	sshll.u32 s5, $0x1;
	s10 =	sshrl.u32 s6, $0x3  }
0x9: {  	s30 =	sshrl.u32 s11, $0x1;
	s5 =	sadd.s32 s6, s2;
	s7 =	sadd.s32 s6, s7  }
0xa: {  	s10 =	sadd.s32 s10, s4;
	s11 =	ssub.s32 s11, s30;
	s7 =	sshrl.u32 s7, $0x3  }
0xb: {  	s7 =	sadd.s32 s7, s4;
	s4 =	sadd.s32 $0x35CA00, s10;
	s10 =	sadd.s32 s31, s8  }
0xc: {  	s8 =	sadd.s32 $0x1E600, s9;
	s6 =	sadd.s32 $0x375200, s7;
	s7 =	smax.u32 s11, $0x1  }
0xd: {  	s9 =	sadd.s32 $0x36E00, s10;
	s10 =	simm.s32 $0x880;
	s11 =	simm.s32 $0x1  }
.LBB2_1:
0xe: {  	[tilespmem:s10], [sflag:$0x1] =	stream.linear.gather [hbm4b:s4+s3], $0xC350, $0x38;
	[tilespmem:$0x18F20] =	vst v63  }
0xf: {  	_ =	swait.ge [sflag:s11], $0xC350  }
0x10: {  	[sflag:s11] =	ssyncset.done $0x0  }
0x11: {  	[sflag:s11] =	ssyncadd.s32 $0xFFFF3CB0  }
0x12: {  	[spmem:s5] =	stream.linear.scatter [tilespmem:s10], [sflag:$0x1], $0xC350, $0x38;
	[tilespmem:$0x18F20] =	vst v63  }
0x13: {  	_ =	swait.ge [sflag:s11], $0xC350  }
0x14: {  	s13 =	sadd.s32 $0x0, s1;
	[sflag:s11] =	ssyncset.done $0x0  }
0x15: {  	p0 =	sgt.u32 s13, $0x1869;
	[sflag:s11] =	ssyncadd.s32 $0xFFFF3CB0  }
0x16: {  	s13 =	simm.s32 @!p0 $0x0;
	s15 =	simm.s32 @!p0 $0x2;
	[bflag:$0x0] =	sbarrier.arrive $0xFFFF  }
0x17: {  	[tilespmem:s13], [sflag:$0x2] =	stream.linear.gather @!p0 [hbm4b:s8+s13], $0x80, $0x38;
	[tilespmem:$0x18F20] =	vst v63  }
0x18: {  	_ =	swait.ge @!p0 [sflag:s15], $0x80  }
0x19: {  	s17 =	simm.s32 @!p0 $0x80;
	[sflag:s15] =	ssyncset.done @!p0 $0x0  }
0x1a: {  	s14 =	simm.s32 @!p0 $0x10;
	s16 =	simm.s32 @!p0 $0x20;
	[sflag:s15] =	ssyncadd.s32 @!p0 $0xFFFFFF80  }
0x1b: {  	[tilespmem:s17], [sflag:$0x2] =	stream.strided.gather @!p0 [hbm4b:s9+s14], $0x800, s16, s14, $0x38;
	[tilespmem:$0x18F20] =	vst v63  }
0x1c: {  	p1 =	por p0, p0;
	_ =	swait.ge @!p0 [sflag:s15], $0x800  }
0x1d: {  	[sflag:s15] =	ssyncset.done @!p1 $0x0  }
0x1e: {  	s31 =	sadd.s32 $0x10, s1;
	s16 =	simm.s32 @!p1 $0x1;
	[sflag:s15] =	ssyncadd.s32 @!p1 $0xFFFFF800  }
0x1f: {  	[spmem:s2] =	stream.indirect.scatter.add.f32 @!p1 [tilespmem:s17], [sflag:$0x1], $0x10, s13, s17, $0xb8;
	[tilespmem:$0x18F20] =	vst v63  }
0x20: {  	s14 =	simm.s32 $0x20;
	p0 =	sgt.u32 s31, $0x1869;
	_ =	swait.ge @!p1 [sflag:s16], $0x800  }
0x21: {  	s15 =	sadd.s32 $0x100, s8;
	s13 =	sadd.s32 $0x2000, s9;
	[sflag:s16] =	ssyncset.done @!p1 $0x0  }
.LBB2_2:
0x22: {  	s17 =	simm.s32 @!p0 $0x0;
	s18 =	simm.s32 @!p0 $0x2;
	[sflag:s16] =	ssyncadd.s32 @!p1 $0xFFFFF800  }
0x23: {  	[tilespmem:s17], [sflag:$0x2] =	stream.linear.gather @!p0 [hbm4b:s15+s17], $0x80, $0x38;
	[tilespmem:$0x18F20] =	vst v63  }
0x24: {  	s19 =	smov.u32 s14;
	s14 =	sadd.s32 $0x10, s14;
	_ =	swait.ge @!p0 [sflag:s18], $0x80  }
0x25: {  	s20 =	simm.s32 @!p0 $0x80;
	p2 =	sne.s32 s14, $0x1870;
	[sflag:s18] =	ssyncset.done @!p0 $0x0  }
0x26: {  	s16 =	simm.s32 @!p0 $0x10;
	s21 =	simm.s32 @!p0 $0x20;
	[sflag:s18] =	ssyncadd.s32 @!p0 $0xFFFFFF80  }
0x27: {  	[tilespmem:s20], [sflag:$0x2] =	stream.strided.gather @!p0 [hbm4b:s13+s16], $0x800, s21, s16, $0x38;
	[tilespmem:$0x18F20] =	vst v63  }
0x28: {  	p1 =	por p0, p0;
	_ =	swait.ge @!p0 [sflag:s18], $0x800  }
.Ltmp0:
0x29: {  	[sflag:s18] =	ssyncset.done @!p1 $0x0;
	(pc) =	sbr.rel @p2 .LBB2_2-.Ltmp0, $4  }
0x2a: {  	s16 =	simm.s32 @!p1 $0x1;
	[sflag:s18] =	ssyncadd.s32 @!p1 $0xFFFFF800  }
0x2b: {  	[spmem:s2] =	stream.indirect.scatter.add.f32 @!p1 [tilespmem:s20], [sflag:$0x1], $0x10, s17, s20, $0xb8;
	[tilespmem:$0x18F20] =	vst v63  }
0x2c: {  	s13 =	sadd.s32 $0x2000, s13;
	s17 =	sadd.s32 s19, s1;
	_ =	swait.ge @!p1 [sflag:s16], $0x800  }
0x2d: {  	s15 =	sadd.s32 $0x100, s15;
	p0 =	sgt.u32 s17, $0x1869;
	[sflag:s16] =	ssyncset.done @!p1 $0x0  }
0x2e: {  	s14 =	simm.s32 @!p0 $0x0;
	s17 =	simm.s32 @!p0 $0x2;
	[sflag:s16] =	ssyncadd.s32 @!p1 $0xFFFFF800  }
0x2f: {  	[tilespmem:s14], [sflag:$0x2] =	stream.linear.gather @!p0 [hbm4b:s15+s14], $0x80, $0x38;
	[tilespmem:$0x18F20] =	vst v63  }
0x30: {  	_ =	swait.ge @!p0 [sflag:s17], $0x80  }
0x31: {  	s16 =	simm.s32 @!p0 $0x10;
	[sflag:s17] =	ssyncset.done @!p0 $0x0  }
0x32: {  	s18 =	simm.s32 @!p0 $0x20;
	s15 =	simm.s32 @!p0 $0x80;
	[sflag:s17] =	ssyncadd.s32 @!p0 $0xFFFFFF80  }
0x33: {  	[tilespmem:s15], [sflag:$0x2] =	stream.strided.gather @!p0 [hbm4b:s13+s16], $0x800, s18, s16, $0x38;
	[tilespmem:$0x18F20] =	vst v63  }
0x34: {  	_ =	swait.ge @!p0 [sflag:s17], $0x800;
	p0 =	por p0, p0  }
0x35: {  	[sflag:s17] =	ssyncset.done @!p0 $0x0  }
0x36: {  	s13 =	simm.s32 @!p0 $0x1;
	[sflag:s17] =	ssyncadd.s32 @!p0 $0xFFFFF800  }
0x37: {  	[spmem:s2] =	stream.indirect.scatter.add.f32 @!p0 [tilespmem:s15], [sflag:$0x1], $0x10, s14, s15, $0xb8;
	[tilespmem:$0x18F20] =	vst v63  }
0x38: {  	_ =	swait.ge @!p0 [sflag:s13], $0x800  }
0x39: {  	[sflag:s13] =	ssyncset.done @!p0 $0x0  }
0x3a: {  	[sflag:s13] =	ssyncadd.s32 @!p0 $0xFFFFF800  }
0x3b: {  	[bflag:$0x0] =	sbarrier.arrive $0xFFFF  }
0x3c: {  	[tilespmem:s10], [sflag:$0x1] =	stream.linear.gather [spmem:s5], $0xC350, $0x38;
	[tilespmem:$0x18F20] =	vst v63  }
0x3d: {  	s12 =	sadd.s32 $0x1, s12;
	_ =	swait.ge [sflag:s11], $0xC350  }
0x3e: {  	p0 =	sne.s32 s12, s7;
	[sflag:s11] =	ssyncset.done $0x0  }
.Ltmp1:
0x3f: {  	[sflag:s11] =	ssyncadd.s32 $0xFFFF3CB0;
	(pc) =	sbr.rel @p0 .LBB2_1-.Ltmp1, $4  }
0x40: {  	[hbm4b:s6+s3] =	stream.linear.scatter [tilespmem:s10], [sflag:$0x1], $0xC350, $0x38;
	[tilespmem:$0x18F20] =	vst v63  }
0x41: {  	_ =	swait.ge [sflag:s11], $0xC350  }
0x42: {  	[sflag:s11] =	ssyncset.done $0x0  }
0x43: {  	[sflag:s11] =	ssyncadd.s32 $0xFFFF3CB0  }
0x44: {  	_ =	sfence.sel $0x180000  }
0x45: {  	[bflag:$0x0] =	sbarrier.arrive $0xFFFF  }
0x46: {  	p0 =	sne.s32 s1, $0x0;
	_ =	strace $0x90000053  }
0x47: {  	s0 =	sadd.s32 @!p0 $0x100000, s0;
	[bflag:$0x2] =	sbarrier.arrive $0xFFFF  }
0x48: {  	[sflag:s0] =	ssyncadd.tile.s32 @!p0 $0x1;
	_ =	shalt  }
.Lfunc_end2:
_tile_overlayer_lowered:
.L_overlay_start_2:
0x49: {  	(tag) =	ssettag $0x2  }
0x4a: {  	s0 =	rddreg [dreg:$0x0];
	s2 =	stileid.u32  }
0x4b: {  	s1 =	rddreg [dreg:$0x1];
	p0 =	sne.s32 s2, $0x0  }
0x4c: {  	s3 =	rddreg [dreg:$0x2];
	[bflag:$0x3] =	sbarrier.arrive $0xFFFF;
	s2 =	simm.s32 @!p0 $0x1C01  }
0x4d: {  	[timem:s3], [sflag:s2] =	dma.local @!p0 [hbm:s0], s1  }
0x4e: {  	s0 =	simm.s32 @!p0 $0x1  }
0x4f: {  	_ =	swait.ge @!p0 [sflag:s0], s1  }
0x50: {  	s1 =	ssub.s32 @!p0 $0x0, s1;
	[sflag:s0] =	ssyncset.done @!p0 $0x0  }
0x51: {  	[sflag:s0] =	ssyncadd.s32 @!p0 s1  }
0x52: {  	[bflag:$0x3] =	sbarrier.arrive $0xFFFF  }
0x53: {  	_ =	shalt  }

// kernel: kernel.40.cloned.1.call-start
scs
__scs_entry_jumppad:
0x0: {  	(pc) =	sbr.rel $0x88, $3  }
0x1: {  	(tag) =	ssettag $0x0;
	lr =	simm.s32 $0x1  }
0x2: {  	[smem:$0x3F6B] =	sst lr;
	_ =	strace $0xD0000000  }
0x3: {  	_ = 	snop  }
0x4: {  	_ = 	snop  }
0x5: {  	_ = 	snop  }
0x6: {  	_ = 	snop  }
0x7: {  	_ = 	snop  }
__scs_overlays_trampoline_lowered:
0x8: {  	[smem:$0x3F7A] =	sst s0  }
0x9: {  	[smem:$0x3F7B] =	sst s1  }
0xa: {  	[smem:$0x3F7C] =	sst s2  }
0xb: {  	[smem:$0x3F7D] =	sst s3  }
0xc: {  	[smem:$0x3F7E] =	sst s4  }
0xd: {  	[smem:$0x3F7F] =	sst s5  }
0xe: {  	[smem:$0x3F80] =	sst s6  }
0xf: {  	[smem:$0x3F81] =	sst s7  }
0x10: {  	[smem:$0x3F82] =	sst s8  }
0x11: {  	[smem:$0x3F83] =	sst s9;
	s0 =	simm.s32 @!p0 $0x0  }
0x12: {  	s1 =	sld [smem:$0x3F69];
	s0 =	simm.s32 @p0 $0x1  }
0x13: {  	[smem:$0x3F84] =	sst s0;
	s0 =	simm.s32 @!p1 $0x0  }
0x14: {  	s2 =	sld [smem:$0x3F68];
	s0 =	simm.s32 @p1 $0x1  }
0x15: {  	[smem:$0x3F85] =	sst s0;
	s0 =	simm.s32 @!p2 $0x0  }
0x16: {  	s3 =	sld [smem:$0x3FDB];
	s0 =	simm.s32 @p2 $0x1  }
0x17: {  	s4 =	simm.s32 $0x1BF5;
	[smem:$0x3F87] =	sst s0  }
0x18: {  	s0 =	sld [smem:$0x3F6A];
	_ =	swait.ge [sflag:s4], $0x0  }
0x19: {  	s7 =	sld [smem:$0x3F6B]  }
0x1a: {  	s8 =	sadd.s32 $0xFFFFE003, lr  }
0x1b: {  	s9 =	sadd.s32 $0xFFFFFEF7, lr;
	s5 =	simm.s32 $0xFFFFFFFF;
	p2 =	slt.u32 s8, $0xFFFFF086  }
0x1c: {  	p1 =	slt.u32 s9, $0xF7A;
	s5 =	simm.s32 @!p2 $0x0  }
0x1d: {  	s5 =	simm.s32 @p1 $0x1;
	p0 =	seq.s32 s7, s2  }
0x1e: {  	s7 =	smul.u32 @!p0 $0xF7A, s2;
	p2 =	seq.s32 @!p0 s5, $0x0  }
0x1f: {  	s9 =	smul.u32 $0xF7A, s1;
	s8 =	simm.s32 @!p0 $0x1BF5;
	p2 =	por !p2, p0  }
0x20: {  	[sflag:s8] =	ssyncset.s32 @!p0 $0xFFFFF086;
	s6 =	sadd.s32 @!p0 s3, s7;
	s7 =	simm.s32 @!p0 $0x108  }
0x21: {  	s3 =	sadd.s32 s3, s9;
	s6 =	sadd.s32 @!p0 $0x88, s6;
	s7 =	simm.s32 @p2 $0x1082  }
0x22: {  	[simem:s7], [sflag:s8] =	dma.local @!p0 [hbm:s6], $0xF7A  }
0x23: {  	s9 =	sor.u32 $0xD0000000, s2;
	s6 =	simm.s32 $0x108;
	_ =	swait.ge @!p0 [sflag:s8], $0x0  }
0x24: {  	s3 =	sadd.s32 $0x88, s3;
	s6 =	simm.s32 @!p1 $0x1082;
	[sflag:s4] =	ssyncset.s32 $0xFFFFF086  }
0x25: {  	[simem:s6], [sflag:s4] =	dma.local [hbm:s3], $0xF7A  }
0x26: {  	[smem:$0x3F6B] =	sst s1;
	(tag) =	ssettag s2;
	_ =	strace s9  }
0x27: {  	s1 =	sld [smem:$0x3F7B]  }
0x28: {  	s2 =	sld [smem:$0x3F7C]  }
0x29: {  	s4 =	sld [smem:$0x3F7E]  }
0x2a: {  	p0 =	seq.s32 s5, $0x0;
	s5 =	sld [smem:$0x3F7F]  }
0x2b: {  	s6 =	sld [smem:$0x3F80]  }
0x2c: {  	s7 =	sld [smem:$0x3F81]  }
0x2d: {  	s3 =	simm.s32 $0x108;
	s8 =	sld [smem:$0x3F82]  }
0x2e: {  	s3 =	simm.s32 @!p0 $0x1082;
	s9 =	sld [smem:$0x3F83]  }
0x2f: {  	lr =	sadd.s32 s0, s3;
	s0 =	sld [smem:$0x3F7A]  }
0x30: {  	s3 =	sld [smem:$0x3F7D]  }
0x31: {  	[smem:$0x3F86] =	sst s10  }
0x32: {  	s10 =	sld [smem:$0x3F84];
	_ =	sdelay $0x3  }
0x33: {  	p0 =	seq.s32 s10, $0x1;
	s10 =	sld [smem:$0x3F86];
	_ =	sdelay $0x3  }
0x34: {  	[smem:$0x3F86] =	sst s10  }
0x35: {  	s10 =	sld [smem:$0x3F85];
	_ =	sdelay $0x3  }
0x36: {  	p1 =	seq.s32 s10, $0x1;
	s10 =	sld [smem:$0x3F86];
	_ =	sdelay $0x3  }
0x37: {  	[smem:$0x3F86] =	sst s10  }
0x38: {  	s10 =	sld [smem:$0x3F87]  }
0x39: {  	_ = 	snop;
	(pc) =	sbr.ind lr, $3  }
0x3a: {  	_ = 	snop  }
0x3b: {  	_ = 	snop  }
0x3c: {  	p2 =	seq.s32 s10, $0x1;
	s10 =	sld [smem:$0x3F86]  }
0x3d: {  	_ =	shalt  }
0x3e: {  	_ =	shalt  }
0x3f: {  	_ =	shalt  }
0x40: {  	_ =	shalt  }
0x41: {  	_ =	shalt  }
0x42: {  	_ =	shalt  }
0x43: {  	_ =	shalt  }
0x44: {  	_ =	shalt  }
0x45: {  	_ =	shalt  }
0x46: {  	_ =	shalt  }
0x47: {  	_ =	shalt  }
0x48: {  	_ =	shalt  }
0x49: {  	_ =	shalt  }
0x4a: {  	_ =	shalt  }
0x4b: {  	_ =	shalt  }
0x4c: {  	_ =	shalt  }
0x4d: {  	_ =	shalt  }
0x4e: {  	_ =	shalt  }
0x4f: {  	_ =	shalt  }
0x50: {  	_ =	shalt  }
0x51: {  	_ =	shalt  }
0x52: {  	_ =	shalt  }
0x53: {  	_ =	shalt  }
0x54: {  	_ =	shalt  }
0x55: {  	_ =	shalt  }
0x56: {  	_ =	shalt  }
0x57: {  	_ =	shalt  }
0x58: {  	_ =	shalt  }
0x59: {  	_ =	shalt  }
0x5a: {  	_ =	shalt  }
0x5b: {  	_ =	shalt  }
0x5c: {  	_ =	shalt  }
0x5d: {  	_ =	shalt  }
0x5e: {  	_ =	shalt  }
0x5f: {  	_ =	shalt  }
0x60: {  	_ =	shalt  }
0x61: {  	_ =	shalt  }
0x62: {  	_ =	shalt  }
0x63: {  	_ =	shalt  }
0x64: {  	_ =	shalt  }
0x65: {  	_ =	shalt  }
0x66: {  	_ =	shalt  }
0x67: {  	_ =	shalt  }
0x68: {  	_ =	shalt  }
0x69: {  	_ =	shalt  }
0x6a: {  	_ =	shalt  }
0x6b: {  	_ =	shalt  }
0x6c: {  	_ =	shalt  }
0x6d: {  	_ =	shalt  }
0x6e: {  	_ =	shalt  }
0x6f: {  	_ =	shalt  }
0x70: {  	_ =	shalt  }
0x71: {  	_ =	shalt  }
0x72: {  	_ =	shalt  }
0x73: {  	_ =	shalt  }
0x74: {  	_ =	shalt  }
0x75: {  	_ =	shalt  }
0x76: {  	_ =	shalt  }
0x77: {  	_ =	shalt  }
0x78: {  	_ =	shalt  }
0x79: {  	_ =	shalt  }
0x7a: {  	_ =	shalt  }
0x7b: {  	_ =	shalt  }
0x7c: {  	_ =	shalt  }
0x7d: {  	_ =	shalt  }
0x7e: {  	_ =	shalt  }
0x7f: {  	_ =	shalt  }
0x80: {  	_ =	shalt  }
0x81: {  	_ =	shalt  }
0x82: {  	_ =	shalt  }
0x83: {  	_ =	shalt  }
0x84: {  	_ =	shalt  }
0x85: {  	_ =	shalt  }
0x86: {  	_ =	shalt  }
0x87: {  	_ =	shalt  }
.Lfunc_end0:
.L_simem_size_0:
called_computation.5_lowered:
.L_overlay_start_0:
0x88: {  	s2 =	sld [smem:$0x3FD9]  }
0x89: {  	s3 =	sld [smem:$0x3FFE];
	_ =	sdelay $0x1  }
0x8a: {  	s1 =	srdreg.scid  }
0x8b: {  	s0 =	sand.u32 $0x1, s1  }
0x8c: {  	s16 =	sshll.u32 s0, $0xA;
	s2 =	sadd.s32 s3, s2  }
0x8d: {  	s2 =	sadd.s32 s2, s16  }
0x8e: {  	[smem:$0x3F92] =	sst s2  }
0x8f: {  	_ = 	snop  }
0x90: {  	(tm) =	ssettm $0x1  }
0x91: {  	s17 =	sld [smem:$0x3FFB];
	_ =	sdelay $0x3  }
0x92: {  	_ =	strace s17  }
0x93: {  	s2 =	sld [smem:$0x3FFC];
	_ =	sdelay $0x3  }
0x94: {  	_ =	strace s2  }
0x95: {  	s2 =	sld [smem:$0x3FFD];
	_ =	sdelay $0x3  }
0x96: {  	_ =	strace s2  }
0x97: {  	_ =	strace $0x8FFFFFFF  }
0x98: {  	s18 =	sld [smem:$0x3FDB];
	_ =	sdelay $0x1  }
0x99: {  	s19 =	simm.s32 $_scs_section_size  }
0x9a: {  	s4 =	simm.s32 $_size__tile_overlayer_lowered;
	s5 =	simm.s32 $_tile_overlayer_lowered  }
0x9b: {  	s22 =	simm.s32 $0x1BFF;
	s21 =	sshll.u32 s5, $0x1;
	s2 =	sadd.s32 s19, s18  }
0x9c: {  	s6 =	simm.s32 $0x0;
	s20 =	sshll.u32 s4, $0x1;
	s4 =	sadd.s32 s21, s2  }
0x9d: {  	[timem:s6], [sflag:s22] =	dma.local [hbm:s4], s20  }
0x9e: {  	_ =	swait.ge [sflag:s22], s20  }
0x9f: {  	s3 =	ssub.s32 $0x0, s20;
	[sflag:s22] =	ssyncset.done $0x0  }
0xa0: {  	[sflag:s22] =	ssyncadd.s32 s3;
	_ =	sdelay $0x1  }
0xa1: {  	s23 =	simm.s32 $0x1B8B  }
0xa2: {  	_ =	swait.ge [sflag:s23], $0x1  }
0xa3: {  	[sflag:s23] =	ssyncset.done $0x0  }
0xa4: {  	s25 =	simm.s32 $0x1B8E;
	s24 =	sld [smem:$0x3FFE];
	[sflag:s23] =	ssyncadd.s32 $0xFFFFFFFF  }
0xa5: {  	s26 =	simm.s32 $execute0_lowered;
	[smem:$0x3FD2] =	sst s25  }
0xa6: {  	s4 =	sshll.u32 s26, $0x1;
	_ =	strace $0x80000055;
	[dreg:$0x1] =	wrdreg $0xFFFFFFFF  }
0xa7: {  	s28 =	simm.s32 $_size_execute0_lowered;
	s2 =	sadd.s32 s2, s4;
	[dreg:$0x0] =	wrdreg $0x0  }
0xa8: {  	s4 =	sshll.u32 s28, $0x1;
	[dreg:$0x2] =	wrdreg s2  }
0xa9: {  	[dreg:$0x3] =	wrdreg s4  }
0xaa: {  	[dreg:$0x4] =	wrdreg $0xC0  }
0xab: {  	_ =	task [dreg:s6], $0x5FFFF  }
0xac: {  	[dreg:$0x1] =	wrdreg $0xFFFFFFFF  }
0xad: {  	[dreg:$0x0] =	wrdreg $0x60  }
0xae: {  	[dreg:$0x2] =	wrdreg s24  }
0xaf: {  	[dreg:$0x3] =	wrdreg $0x9  }
0xb0: {  	_ =	task.clear_ibuf [dreg:s6], $0x4FFFF;
	_ =	strace $0x90000055  }
0xb1: {  	s29 =	simm.s32 $0x9;
	_ =	strace $0x80000057  }
0xb2: {  	_ =	swait.ge [sflag:s29], $0x1  }
0xb3: {  	[sflag:s29] =	ssyncadd.s32 $0xFFFFFFFF  }
0xb4: {  	_ =	strace $0x90000057  }
0xb5: {  	_ =	sfence  }
0xb6: {  	s30 =	sld [smem:$0x0];
	_ =	sdelay $0x2  }
0xb7: {  	s31 =	sshll.u32 s1, $0xD;
	s1 =	sshrl.u32 s1, $0x2  }
0xb8: {  	s3 =	sand.u32 $0x4000, s31;
	s1 =	sadd.s32 s1, s30  }
0xb9: {  	s0 =	sor.u32 s3, s0;
	s1 =	sshll.u32 s1, $0x11  }
0xba: {  	s0 =	sor.u32 s1, s0  }
0xbb: {  	s0 =	sadd.s32 $0x8F2B, s0  }
0xbc: {  	[sflag:s0] =	ssyncadd.remote.s32 $0x1  }
0xbd: {  	_ =	sfence.sel $0xFFFF  }
0xbe: {  	[dreg:$0x0] =	wrdreg $0xFFFFFFFF;
	(pc) =	sbr.abs _section_cstart, $3  }
0xbf: {  	[dreg:$0x1] =	wrdreg $0xFFFFFFFF  }
0xc0: {  	_ =	task.clear_ibuf [dreg:s6], $0x2FFFF;
	_ =	strace $0x9FFFFFFF  }
0xc1: {  	(tm) =	ssettm $0x7FFFFFFF  }
tec
execute0_lowered:
.L_overlay_start_1:
0x0: {  	(tag) =	ssettag $0x1  }
0x1: {  	s4 =	rddreg [dreg:$0x0]  }
0x2: {  	s0 =	rddreg [dreg:$0x1]  }
0x3: {  	s2 =	simm.s32 $0x0;
	s3 =	srdreg.scid;
	s1 =	stileid.u32  }
0x4: {  	[smem:$0x7FF] =	sst s2;
	s5 =	sand.u32 $0x1, s3;
	s3 =	sadd.s32 $0x376C00, s4  }
0x5: {  	s6 =	sshll.u32 s1, $0x5;
	s8 =	sshll.u32 s1, $0x9;
	_ =	strace $0x80000056  }
0x6: {  	s7 =	ssub.s32 $0x2, s5;
	s6 =	sadd.s32 s6, s4;
	s8 =	sadd.s32 s8, s4  }
0x7: {  	s31 =	sshll.u32 s5, $0x4;
	s10 =	sshll.u32 s5, $0x8;
	s9 =	sshrl.u32 s7, $0x1  }
0x8: {  	s4 =	sshll.u32 s1, $0x1;
	s10 =	sadd.s32 s10, s8;
	s7 =	ssub.s32 s7, s9  }
0x9: {  	s9 =	sadd.s32 s31, s6;
	s8 =	sadd.s32 $0x36E00, s10;
	s5 =	smax.u32 s7, $0x1  }
0xa: {  	s6 =	sadd.s32 $0x5E00, s9;
	s7 =	sadd.s32 $0x1E600, s9;
	s9 =	sadd.s32 $0x1BD800, s10  }
.LBB2_1:
0xb: {  	p0 =	sgt.u32 s4, $0x1869  }
0xc: {  	s10 =	sadd.s32 @!p0 $0x0, s7;
	s11 =	simm.s32 @!p0 $0x0;
	s14 =	simm.s32 @!p0 $0x4  }
0xd: {  	[tilespmem:s11], [sflag:$0x4] =	stream.linear.gather @!p0 [hbm4b:s10+s11], $0x80, $0x38;
	[tilespmem:$0x1100] =	vst v63  }
0xe: {  	_ =	swait.ge @!p0 [sflag:s14], $0x80;
	p0 =	por p0, p0  }
0xf: {  	[sflag:s14] =	ssyncset.done @!p0 $0x0  }
0x10: {  	s10 =	sadd.s32 @!p0 $0x0, s6;
	s12 =	simm.s32 @!p0 $0x80;
	[sflag:s14] =	ssyncadd.s32 @!p0 $0xFFFFFF80  }
0x11: {  	[tilespmem:s12], [sflag:$0x4] =	stream.linear.gather @!p0 [hbm4b:s10+s11], $0x80, $0x38;
	[tilespmem:$0x1100] =	vst v63  }
0x12: {  	_ =	swait.ge @!p0 [sflag:s14], $0x80  }
0x13: {  	[sflag:s14] =	ssyncset.done @!p0 $0x0  }
0x14: {  	s10 =	simm.s32 @!p0 $0x100;
	[sflag:s14] =	ssyncadd.s32 @!p0 $0xFFFFFF80  }
0x15: {  	[tilespmem:s10], [sflag:$0x1] =	stream.indirect.gather @!p0 [hbm4b:s3+s12], $0x10, s11, s12, $0xb8;
	[tilespmem:$0x1100] =	vst v63  }
0x16: {  	s15 =	simm.s32 @!p0 $0x900;
	s13 =	simm.s32 @!p0 $0x1  }
0x17: {  	[tilespmem:s15], [sflag:$0x2] =	stream.indirect.gather @!p0 [hbm4b:s3+s12], $0x10, s12, s12, $0xb8;
	[tilespmem:$0x1100] =	vst v63  }
0x18: {  	_ =	swait.ge @!p0 [sflag:s13], $0x800  }
0x19: {  	[sflag:s13] =	ssyncset.done @!p0 $0x0  }
0x1a: {  	s12 =	simm.s32 @!p0 $0x2;
	[sflag:s13] =	ssyncadd.s32 @!p0 $0xFFFFF800  }
0x1b: {  	_ =	swait.ge @!p0 [sflag:s12], $0x800  }
0x1c: {  	[sflag:s12] =	ssyncset.done @!p0 $0x0  }
0x1d: {  	[sflag:s12] =	ssyncadd.s32 @!p0 $0xFFFFF800  }
0x1e: {  	[hbm4b:s9+s11] =	stream.linear.scatter @!p0 [tilespmem:s10], [sflag:$0x4], $0x800, $0x38;
	[tilespmem:$0x1100] =	vst v63  }
0x1f: {  	_ =	swait.ge @!p0 [sflag:s14], $0x800  }
0x20: {  	[sflag:s14] =	ssyncset.done @!p0 $0x0  }
0x21: {  	s13 =	simm.s32 $0x400;
	s12 =	simm.s32 $0x200;
	[sflag:s14] =	ssyncadd.s32 @!p0 $0xFFFFF800  }
0x22: {  	[hbm4b:s8+s11] =	stream.linear.scatter @!p0 [tilespmem:s15], [sflag:$0x3], $0x800, $0x38;
	[tilespmem:$0x1100] =	vst v63  }
0x23: {  	s10 =	sadd.s32 $0x2000, s9;
	s14 =	sadd.s32 $0x20, s4;
	s15 =	simm.s32 @!p0 $0x3  }
0x24: {  	p2 =	sgt.u32 s14, $0x1869;
	s11 =	sadd.s32 $0x2000, s8;
	_ =	swait.ge @!p0 [sflag:s15], $0x800  }
.LBB2_2:
0x25: {  	s16 =	sadd.s32 @!p2 s12, s7  }
0x26: {  	s17 =	simm.s32 @!p2 $0x0;
	[sflag:s15] =	ssyncset.done @!p0 $0x0;
	s18 =	smov.u32 s13  }
0x27: {  	s13 =	sadd.s32 $0x200, s13;
	s19 =	simm.s32 @!p2 $0x4;
	[sflag:s15] =	ssyncadd.s32 @!p0 $0xFFFFF800  }
0x28: {  	[tilespmem:s17], [sflag:$0x4] =	stream.linear.gather @!p2 [hbm4b:s16+s17], $0x80, $0x38;
	[tilespmem:$0x1100] =	vst v63  }
0x29: {  	p1 =	sne.s32 s13, $0x18800;
	p0 =	por p2, p2;
	_ =	swait.ge @!p2 [sflag:s19], $0x80  }
0x2a: {  	[sflag:s19] =	ssyncset.done @!p0 $0x0  }
0x2b: {  	s12 =	sadd.s32 @!p0 s12, s6;
	s15 =	simm.s32 @!p0 $0x80;
	[sflag:s19] =	ssyncadd.s32 @!p0 $0xFFFFFF80  }
0x2c: {  	[tilespmem:s15], [sflag:$0x4] =	stream.linear.gather @!p0 [hbm4b:s12+s17], $0x80, $0x38;
	[tilespmem:$0x1100] =	vst v63  }
0x2d: {  	s12 =	smov.u32 s18;
	_ =	swait.ge @!p0 [sflag:s19], $0x80  }
0x2e: {  	[sflag:s19] =	ssyncset.done @!p0 $0x0  }
0x2f: {  	s16 =	simm.s32 @!p0 $0x100;
	[sflag:s19] =	ssyncadd.s32 @!p0 $0xFFFFFF80  }
0x30: {  	[tilespmem:s16], [sflag:$0x1] =	stream.indirect.gather @!p0 [hbm4b:s3+s15], $0x10, s17, s15, $0xb8;
	[tilespmem:$0x1100] =	vst v63  }
0x31: {  	s20 =	simm.s32 @!p0 $0x1;
	s18 =	simm.s32 @!p0 $0x900  }
0x32: {  	[tilespmem:s18], [sflag:$0x2] =	stream.indirect.gather @!p0 [hbm4b:s3+s15], $0x10, s15, s15, $0xb8;
	[tilespmem:$0x1100] =	vst v63  }
0x33: {  	_ =	swait.ge @!p0 [sflag:s20], $0x800  }
0x34: {  	[sflag:s20] =	ssyncset.done @!p0 $0x0  }
0x35: {  	s15 =	simm.s32 @!p0 $0x2;
	[sflag:s20] =	ssyncadd.s32 @!p0 $0xFFFFF800  }
0x36: {  	_ =	swait.ge @!p0 [sflag:s15], $0x800  }
0x37: {  	[sflag:s15] =	ssyncset.done @!p0 $0x0  }
0x38: {  	[sflag:s15] =	ssyncadd.s32 @!p0 $0xFFFFF800  }
0x39: {  	[hbm4b:s10+s17] =	stream.linear.scatter @!p0 [tilespmem:s16], [sflag:$0x4], $0x800, $0x38;
	[tilespmem:$0x1100] =	vst v63  }
.Ltmp0:
0x3a: {  	_ =	swait.ge @!p0 [sflag:s19], $0x800;
	(pc) =	sbr.rel @p1 .LBB2_2-.Ltmp0, $4  }
0x3b: {  	s10 =	sadd.s32 $0x2000, s10;
	[sflag:s19] =	ssyncset.done @!p0 $0x0  }
0x3c: {  	s14 =	sadd.s32 $0x20, s14;
	s15 =	simm.s32 @!p0 $0x3;
	[sflag:s19] =	ssyncadd.s32 @!p0 $0xFFFFF800  }
0x3d: {  	[hbm4b:s11+s17] =	stream.linear.scatter @!p0 [tilespmem:s18], [sflag:$0x3], $0x800, $0x38;
	[tilespmem:$0x1100] =	vst v63  }
0x3e: {  	p2 =	sgt.u32 s14, $0x1869;
	s11 =	sadd.s32 $0x2000, s11;
	_ =	swait.ge @!p0 [sflag:s15], $0x800  }
0x3f: {  	s13 =	sadd.s32 @!p2 s12, s7;
	[sflag:s15] =	ssyncset.done @!p0 $0x0  }
0x40: {  	s14 =	simm.s32 @!p2 $0x0;
	s16 =	simm.s32 @!p2 $0x4;
	[sflag:s15] =	ssyncadd.s32 @!p0 $0xFFFFF800  }
0x41: {  	[tilespmem:s14], [sflag:$0x4] =	stream.linear.gather @!p2 [hbm4b:s13+s14], $0x80, $0x38;
	[tilespmem:$0x1100] =	vst v63  }
0x42: {  	p0 =	por p2, p2;
	_ =	swait.ge @!p2 [sflag:s16], $0x80  }
0x43: {  	[sflag:s16] =	ssyncset.done @!p0 $0x0  }
0x44: {  	s12 =	sadd.s32 @!p0 s12, s6;
	s13 =	simm.s32 @!p0 $0x80;
	[sflag:s16] =	ssyncadd.s32 @!p0 $0xFFFFFF80  }
0x45: {  	[tilespmem:s13], [sflag:$0x4] =	stream.linear.gather @!p0 [hbm4b:s12+s14], $0x80, $0x38;
	[tilespmem:$0x1100] =	vst v63  }
0x46: {  	_ =	swait.ge @!p0 [sflag:s16], $0x80  }
0x47: {  	[sflag:s16] =	ssyncset.done @!p0 $0x0  }
0x48: {  	s12 =	simm.s32 @!p0 $0x100;
	[sflag:s16] =	ssyncadd.s32 @!p0 $0xFFFFFF80  }
0x49: {  	[tilespmem:s12], [sflag:$0x1] =	stream.indirect.gather @!p0 [hbm4b:s3+s13], $0x10, s14, s13, $0xb8;
	[tilespmem:$0x1100] =	vst v63  }
0x4a: {  	s15 =	simm.s32 @!p0 $0x900;
	s17 =	simm.s32 @!p0 $0x1  }
0x4b: {  	[tilespmem:s15], [sflag:$0x2] =	stream.indirect.gather @!p0 [hbm4b:s3+s13], $0x10, s13, s13, $0xb8;
	[tilespmem:$0x1100] =	vst v63  }
0x4c: {  	_ =	swait.ge @!p0 [sflag:s17], $0x800  }
0x4d: {  	[sflag:s17] =	ssyncset.done @!p0 $0x0  }
0x4e: {  	s13 =	simm.s32 @!p0 $0x2;
	[sflag:s17] =	ssyncadd.s32 @!p0 $0xFFFFF800  }
0x4f: {  	_ =	swait.ge @!p0 [sflag:s13], $0x800  }
0x50: {  	[sflag:s13] =	ssyncset.done @!p0 $0x0  }
0x51: {  	[sflag:s13] =	ssyncadd.s32 @!p0 $0xFFFFF800  }
0x52: {  	[hbm4b:s10+s14] =	stream.linear.scatter @!p0 [tilespmem:s12], [sflag:$0x4], $0x800, $0x38;
	[tilespmem:$0x1100] =	vst v63  }
0x53: {  	s2 =	sadd.s32 $0x1, s2;
	_ =	swait.ge @!p0 [sflag:s16], $0x800  }
0x54: {  	p1 =	sne.s32 s2, s5;
	[sflag:s16] =	ssyncset.done @!p0 $0x0  }
.Ltmp1:
0x55: {  	s10 =	simm.s32 @!p0 $0x3;
	[sflag:s16] =	ssyncadd.s32 @!p0 $0xFFFFF800;
	(pc) =	sbr.rel @p1 .LBB2_1-.Ltmp1, $4  }
0x56: {  	[hbm4b:s11+s14] =	stream.linear.scatter @!p0 [tilespmem:s15], [sflag:$0x3], $0x800, $0x38;
	[tilespmem:$0x1100] =	vst v63  }
0x57: {  	_ =	swait.ge @!p0 [sflag:s10], $0x800  }
0x58: {  	[sflag:s10] =	ssyncset.done @!p0 $0x0  }
0x59: {  	[sflag:s10] =	ssyncadd.s32 @!p0 $0xFFFFF800  }
0x5a: {  	_ =	sfence.sel $0x180000  }
0x5b: {  	[bflag:$0x0] =	sbarrier.arrive $0xFFFF  }
0x5c: {  	p0 =	sne.s32 s1, $0x0;
	_ =	strace $0x90000056  }
0x5d: {  	s0 =	sadd.s32 @!p0 $0x100000, s0;
	[bflag:$0x2] =	sbarrier.arrive $0xFFFF  }
0x5e: {  	[sflag:s0] =	ssyncadd.tile.s32 @!p0 $0x1;
	_ =	shalt  }
.Lfunc_end2:
_tile_overlayer_lowered:
.L_overlay_start_2:
0x5f: {  	(tag) =	ssettag $0x2  }
0x60: {  	s0 =	rddreg [dreg:$0x0];
	s2 =	stileid.u32  }
0x61: {  	s1 =	rddreg [dreg:$0x1];
	p0 =	sne.s32 s2, $0x0  }
0x62: {  	s3 =	rddreg [dreg:$0x2];
	[bflag:$0x3] =	sbarrier.arrive $0xFFFF;
	s2 =	simm.s32 @!p0 $0x1C03  }
0x63: {  	[timem:s3], [sflag:s2] =	dma.local @!p0 [hbm:s0], s1  }
0x64: {  	s0 =	simm.s32 @!p0 $0x3  }
0x65: {  	_ =	swait.ge @!p0 [sflag:s0], s1  }
0x66: {  	s1 =	ssub.s32 @!p0 $0x0, s1;
	[sflag:s0] =	ssyncset.done @!p0 $0x0  }
0x67: {  	[sflag:s0] =	ssyncadd.s32 @!p0 s1  }
0x68: {  	[bflag:$0x3] =	sbarrier.arrive $0xFFFF  }
0x69: {  	_ =	shalt  }

// kernel: kernel.43.cloned.1.call-start
scs
__scs_entry_jumppad:
0x0: {  	(pc) =	sbr.rel $0x88, $3  }
0x1: {  	(tag) =	ssettag $0x0;
	lr =	simm.s32 $0x1  }
0x2: {  	[smem:$0x3F6B] =	sst lr;
	_ =	strace $0xD0000000  }
0x3: {  	_ = 	snop  }
0x4: {  	_ = 	snop  }
0x5: {  	_ = 	snop  }
0x6: {  	_ = 	snop  }
0x7: {  	_ = 	snop  }
__scs_overlays_trampoline_lowered:
0x8: {  	[smem:$0x3F7A] =	sst s0  }
0x9: {  	[smem:$0x3F7B] =	sst s1  }
0xa: {  	[smem:$0x3F7C] =	sst s2  }
0xb: {  	[smem:$0x3F7D] =	sst s3  }
0xc: {  	[smem:$0x3F7E] =	sst s4  }
0xd: {  	[smem:$0x3F7F] =	sst s5  }
0xe: {  	[smem:$0x3F80] =	sst s6  }
0xf: {  	[smem:$0x3F81] =	sst s7  }
0x10: {  	[smem:$0x3F82] =	sst s8  }
0x11: {  	[smem:$0x3F83] =	sst s9;
	s0 =	simm.s32 @!p0 $0x0  }
0x12: {  	s1 =	sld [smem:$0x3F69];
	s0 =	simm.s32 @p0 $0x1  }
0x13: {  	[smem:$0x3F84] =	sst s0;
	s0 =	simm.s32 @!p1 $0x0  }
0x14: {  	s2 =	sld [smem:$0x3F68];
	s0 =	simm.s32 @p1 $0x1  }
0x15: {  	[smem:$0x3F85] =	sst s0;
	s0 =	simm.s32 @!p2 $0x0  }
0x16: {  	s3 =	sld [smem:$0x3FDB];
	s0 =	simm.s32 @p2 $0x1  }
0x17: {  	s4 =	simm.s32 $0x1BF5;
	[smem:$0x3F87] =	sst s0  }
0x18: {  	s0 =	sld [smem:$0x3F6A];
	_ =	swait.ge [sflag:s4], $0x0  }
0x19: {  	s7 =	sld [smem:$0x3F6B]  }
0x1a: {  	s8 =	sadd.s32 $0xFFFFE003, lr  }
0x1b: {  	s9 =	sadd.s32 $0xFFFFFEF7, lr;
	s5 =	simm.s32 $0xFFFFFFFF;
	p2 =	slt.u32 s8, $0xFFFFF086  }
0x1c: {  	p1 =	slt.u32 s9, $0xF7A;
	s5 =	simm.s32 @!p2 $0x0  }
0x1d: {  	s5 =	simm.s32 @p1 $0x1;
	p0 =	seq.s32 s7, s2  }
0x1e: {  	s7 =	smul.u32 @!p0 $0xF7A, s2;
	p2 =	seq.s32 @!p0 s5, $0x0  }
0x1f: {  	s9 =	smul.u32 $0xF7A, s1;
	s8 =	simm.s32 @!p0 $0x1BF5;
	p2 =	por !p2, p0  }
0x20: {  	[sflag:s8] =	ssyncset.s32 @!p0 $0xFFFFF086;
	s6 =	sadd.s32 @!p0 s3, s7;
	s7 =	simm.s32 @!p0 $0x108  }
0x21: {  	s3 =	sadd.s32 s3, s9;
	s6 =	sadd.s32 @!p0 $0x88, s6;
	s7 =	simm.s32 @p2 $0x1082  }
0x22: {  	[simem:s7], [sflag:s8] =	dma.local @!p0 [hbm:s6], $0xF7A  }
0x23: {  	s9 =	sor.u32 $0xD0000000, s2;
	s6 =	simm.s32 $0x108;
	_ =	swait.ge @!p0 [sflag:s8], $0x0  }
0x24: {  	s3 =	sadd.s32 $0x88, s3;
	s6 =	simm.s32 @!p1 $0x1082;
	[sflag:s4] =	ssyncset.s32 $0xFFFFF086  }
0x25: {  	[simem:s6], [sflag:s4] =	dma.local [hbm:s3], $0xF7A  }
0x26: {  	[smem:$0x3F6B] =	sst s1;
	(tag) =	ssettag s2;
	_ =	strace s9  }
0x27: {  	s1 =	sld [smem:$0x3F7B]  }
0x28: {  	s2 =	sld [smem:$0x3F7C]  }
0x29: {  	s4 =	sld [smem:$0x3F7E]  }
0x2a: {  	p0 =	seq.s32 s5, $0x0;
	s5 =	sld [smem:$0x3F7F]  }
0x2b: {  	s6 =	sld [smem:$0x3F80]  }
0x2c: {  	s7 =	sld [smem:$0x3F81]  }
0x2d: {  	s3 =	simm.s32 $0x108;
	s8 =	sld [smem:$0x3F82]  }
0x2e: {  	s3 =	simm.s32 @!p0 $0x1082;
	s9 =	sld [smem:$0x3F83]  }
0x2f: {  	lr =	sadd.s32 s0, s3;
	s0 =	sld [smem:$0x3F7A]  }
0x30: {  	s3 =	sld [smem:$0x3F7D]  }
0x31: {  	[smem:$0x3F86] =	sst s10  }
0x32: {  	s10 =	sld [smem:$0x3F84];
	_ =	sdelay $0x3  }
0x33: {  	p0 =	seq.s32 s10, $0x1;
	s10 =	sld [smem:$0x3F86];
	_ =	sdelay $0x3  }
0x34: {  	[smem:$0x3F86] =	sst s10  }
0x35: {  	s10 =	sld [smem:$0x3F85];
	_ =	sdelay $0x3  }
0x36: {  	p1 =	seq.s32 s10, $0x1;
	s10 =	sld [smem:$0x3F86];
	_ =	sdelay $0x3  }
0x37: {  	[smem:$0x3F86] =	sst s10  }
0x38: {  	s10 =	sld [smem:$0x3F87]  }
0x39: {  	_ = 	snop;
	(pc) =	sbr.ind lr, $3  }
0x3a: {  	_ = 	snop  }
0x3b: {  	_ = 	snop  }
0x3c: {  	p2 =	seq.s32 s10, $0x1;
	s10 =	sld [smem:$0x3F86]  }
0x3d: {  	_ =	shalt  }
0x3e: {  	_ =	shalt  }
0x3f: {  	_ =	shalt  }
0x40: {  	_ =	shalt  }
0x41: {  	_ =	shalt  }
0x42: {  	_ =	shalt  }
0x43: {  	_ =	shalt  }
0x44: {  	_ =	shalt  }
0x45: {  	_ =	shalt  }
0x46: {  	_ =	shalt  }
0x47: {  	_ =	shalt  }
0x48: {  	_ =	shalt  }
0x49: {  	_ =	shalt  }
0x4a: {  	_ =	shalt  }
0x4b: {  	_ =	shalt  }
0x4c: {  	_ =	shalt  }
0x4d: {  	_ =	shalt  }
0x4e: {  	_ =	shalt  }
0x4f: {  	_ =	shalt  }
0x50: {  	_ =	shalt  }
0x51: {  	_ =	shalt  }
0x52: {  	_ =	shalt  }
0x53: {  	_ =	shalt  }
0x54: {  	_ =	shalt  }
0x55: {  	_ =	shalt  }
0x56: {  	_ =	shalt  }
0x57: {  	_ =	shalt  }
0x58: {  	_ =	shalt  }
0x59: {  	_ =	shalt  }
0x5a: {  	_ =	shalt  }
0x5b: {  	_ =	shalt  }
0x5c: {  	_ =	shalt  }
0x5d: {  	_ =	shalt  }
0x5e: {  	_ =	shalt  }
0x5f: {  	_ =	shalt  }
0x60: {  	_ =	shalt  }
0x61: {  	_ =	shalt  }
0x62: {  	_ =	shalt  }
0x63: {  	_ =	shalt  }
0x64: {  	_ =	shalt  }
0x65: {  	_ =	shalt  }
0x66: {  	_ =	shalt  }
0x67: {  	_ =	shalt  }
0x68: {  	_ =	shalt  }
0x69: {  	_ =	shalt  }
0x6a: {  	_ =	shalt  }
0x6b: {  	_ =	shalt  }
0x6c: {  	_ =	shalt  }
0x6d: {  	_ =	shalt  }
0x6e: {  	_ =	shalt  }
0x6f: {  	_ =	shalt  }
0x70: {  	_ =	shalt  }
0x71: {  	_ =	shalt  }
0x72: {  	_ =	shalt  }
0x73: {  	_ =	shalt  }
0x74: {  	_ =	shalt  }
0x75: {  	_ =	shalt  }
0x76: {  	_ =	shalt  }
0x77: {  	_ =	shalt  }
0x78: {  	_ =	shalt  }
0x79: {  	_ =	shalt  }
0x7a: {  	_ =	shalt  }
0x7b: {  	_ =	shalt  }
0x7c: {  	_ =	shalt  }
0x7d: {  	_ =	shalt  }
0x7e: {  	_ =	shalt  }
0x7f: {  	_ =	shalt  }
0x80: {  	_ =	shalt  }
0x81: {  	_ =	shalt  }
0x82: {  	_ =	shalt  }
0x83: {  	_ =	shalt  }
0x84: {  	_ =	shalt  }
0x85: {  	_ =	shalt  }
0x86: {  	_ =	shalt  }
0x87: {  	_ =	shalt  }
.Lfunc_end0:
.L_simem_size_0:
called_computation.6_lowered:
.L_overlay_start_0:
0x88: {  	s2 =	sld [smem:$0x3FD9]  }
0x89: {  	s3 =	sld [smem:$0x3FFE];
	_ =	sdelay $0x1  }
0x8a: {  	s1 =	srdreg.scid  }
0x8b: {  	s0 =	sand.u32 $0x1, s1  }
0x8c: {  	s16 =	sshll.u32 s0, $0xA;
	s2 =	sadd.s32 s3, s2  }
0x8d: {  	s2 =	sadd.s32 s2, s16  }
0x8e: {  	[smem:$0x3F92] =	sst s2  }
0x8f: {  	_ = 	snop  }
0x90: {  	(tm) =	ssettm $0x1  }
0x91: {  	s17 =	sld [smem:$0x3FFB];
	_ =	sdelay $0x3  }
0x92: {  	_ =	strace s17  }
0x93: {  	s2 =	sld [smem:$0x3FFC];
	_ =	sdelay $0x3  }
0x94: {  	_ =	strace s2  }
0x95: {  	s2 =	sld [smem:$0x3FFD];
	_ =	sdelay $0x3  }
0x96: {  	_ =	strace s2  }
0x97: {  	_ =	strace $0x8FFFFFFF  }
0x98: {  	s18 =	sld [smem:$0x3FDB];
	_ =	sdelay $0x1  }
0x99: {  	s19 =	simm.s32 $_scs_section_size  }
0x9a: {  	s4 =	simm.s32 $_size__tile_overlayer_lowered;
	s5 =	simm.s32 $_tile_overlayer_lowered  }
0x9b: {  	s22 =	simm.s32 $0x1BFF;
	s21 =	sshll.u32 s5, $0x1;
	s2 =	sadd.s32 s19, s18  }
0x9c: {  	s6 =	simm.s32 $0x0;
	s20 =	sshll.u32 s4, $0x1;
	s4 =	sadd.s32 s21, s2  }
0x9d: {  	[timem:s6], [sflag:s22] =	dma.local [hbm:s4], s20  }
0x9e: {  	_ =	swait.ge [sflag:s22], s20  }
0x9f: {  	s3 =	ssub.s32 $0x0, s20;
	[sflag:s22] =	ssyncset.done $0x0  }
0xa0: {  	[sflag:s22] =	ssyncadd.s32 s3;
	_ =	sdelay $0x1  }
0xa1: {  	s23 =	simm.s32 $0x1B8B  }
0xa2: {  	_ =	swait.ge [sflag:s23], $0x1  }
0xa3: {  	[sflag:s23] =	ssyncset.done $0x0  }
0xa4: {  	s25 =	simm.s32 $0x1B8E;
	s24 =	sld [smem:$0x3FFE];
	[sflag:s23] =	ssyncadd.s32 $0xFFFFFFFF  }
0xa5: {  	s26 =	simm.s32 $execute0_lowered;
	[smem:$0x3FD2] =	sst s25  }
0xa6: {  	s4 =	sshll.u32 s26, $0x1;
	_ =	strace $0x80000058;
	[dreg:$0x1] =	wrdreg $0xFFFFFFFF  }
0xa7: {  	s28 =	simm.s32 $_size_execute0_lowered;
	s2 =	sadd.s32 s2, s4;
	[dreg:$0x0] =	wrdreg $0x0  }
0xa8: {  	s4 =	sshll.u32 s28, $0x1;
	[dreg:$0x2] =	wrdreg s2  }
0xa9: {  	[dreg:$0x3] =	wrdreg s4  }
0xaa: {  	[dreg:$0x4] =	wrdreg $0xC0  }
0xab: {  	_ =	task [dreg:s6], $0x5FFFF  }
0xac: {  	[dreg:$0x1] =	wrdreg $0xFFFFFFFF  }
0xad: {  	[dreg:$0x0] =	wrdreg $0x60  }
0xae: {  	[dreg:$0x2] =	wrdreg s24  }
0xaf: {  	[dreg:$0x3] =	wrdreg $0xCBD00  }
0xb0: {  	[dreg:$0x4] =	wrdreg $0x9  }
0xb1: {  	_ =	task.clear_ibuf [dreg:s6], $0x5FFFF;
	_ =	strace $0x90000058  }
0xb2: {  	s29 =	simm.s32 $0x9;
	_ =	strace $0x8000005A  }
0xb3: {  	_ =	swait.ge [sflag:s29], $0x1  }
0xb4: {  	[sflag:s29] =	ssyncadd.s32 $0xFFFFFFFF  }
0xb5: {  	_ =	strace $0x9000005A  }
0xb6: {  	_ =	sfence  }
0xb7: {  	s30 =	sld [smem:$0x0];
	_ =	sdelay $0x2  }
0xb8: {  	s31 =	sshll.u32 s1, $0xD;
	s1 =	sshrl.u32 s1, $0x2  }
0xb9: {  	s3 =	sand.u32 $0x4000, s31;
	s1 =	sadd.s32 s1, s30  }
0xba: {  	s0 =	sor.u32 s3, s0;
	s1 =	sshll.u32 s1, $0x11  }
0xbb: {  	s0 =	sor.u32 s1, s0  }
0xbc: {  	s0 =	sadd.s32 $0x8F2B, s0  }
0xbd: {  	[sflag:s0] =	ssyncadd.remote.s32 $0x1  }
0xbe: {  	_ =	sfence.sel $0xFFFF  }
0xbf: {  	[dreg:$0x0] =	wrdreg $0xFFFFFFFF;
	(pc) =	sbr.abs _section_cstart, $3  }
0xc0: {  	[dreg:$0x1] =	wrdreg $0xFFFFFFFF  }
0xc1: {  	_ =	task.clear_ibuf [dreg:s6], $0x2FFFF;
	_ =	strace $0x9FFFFFFF  }
0xc2: {  	(tm) =	ssettm $0x7FFFFFFF  }
0xc3: {  	_ =	shalt  }
tec
execute0_lowered:
.L_overlay_start_1:
0x0: {  	(tag) =	ssettag $0x1  }
0x1: {  	s4 =	rddreg [dreg:$0x0]  }
0x2: {  	s2 =	rddreg [dreg:$0x1]  }
0x3: {  	s0 =	rddreg [dreg:$0x2];
	s1 =	stileid.u32  }
0x4: {  	s5 =	srdreg.scid;
	s3 =	simm.s32 $0x0;
	s12 =	simm.s32 $0x0  }
0x5: {  	s6 =	smul.u32 $0xC350, s1;
	s5 =	sand.u32 $0x1, s5;
	[smem:$0x7FF] =	sst s3  }
0x6: {  	s8 =	sshll.u32 s1, $0x9;
	s9 =	sshll.u32 s1, $0x4;
	s7 =	smul.u32 $0xC3500, s5  }
0x7: {  	_ =	strace $0x80000059;
	s8 =	sadd.s32 s8, s4;
	s9 =	sadd.s32 s9, s4  }
0x8: {  	s11 =	ssub.s32 $0x2, s5;
	s31 =	sshll.u32 s5, $0x1;
	s10 =	sshrl.u32 s6, $0x3  }
0x9: {  	s30 =	sshrl.u32 s11, $0x1;
	s5 =	sadd.s32 s6, s2;
	s7 =	sadd.s32 s6, s7  }
0xa: {  	s10 =	sadd.s32 s10, s4;
	s11 =	ssub.s32 s11, s30;
	s7 =	sshrl.u32 s7, $0x3  }
0xb: {  	s7 =	sadd.s32 s7, s4;
	s4 =	sadd.s32 $0x35CA00, s10;
	s10 =	sadd.s32 s31, s8  }
0xc: {  	s8 =	sadd.s32 $0x1E600, s9;
	s6 =	sadd.s32 $0x376C00, s7;
	s7 =	smax.u32 s11, $0x1  }
0xd: {  	s9 =	sadd.s32 $0x36E00, s10;
	s10 =	simm.s32 $0x880;
	s11 =	simm.s32 $0x1  }
.LBB2_1:
0xe: {  	[tilespmem:s10], [sflag:$0x1] =	stream.linear.gather [hbm4b:s4+s3], $0xC350, $0x38;
	[tilespmem:$0x18F20] =	vst v63  }
0xf: {  	_ =	swait.ge [sflag:s11], $0xC350  }
0x10: {  	[sflag:s11] =	ssyncset.done $0x0  }
0x11: {  	[sflag:s11] =	ssyncadd.s32 $0xFFFF3CB0  }
0x12: {  	[spmem:s5] =	stream.linear.scatter [tilespmem:s10], [sflag:$0x1], $0xC350, $0x38;
	[tilespmem:$0x18F20] =	vst v63  }
0x13: {  	_ =	swait.ge [sflag:s11], $0xC350  }
0x14: {  	s13 =	sadd.s32 $0x0, s1;
	[sflag:s11] =	ssyncset.done $0x0  }
0x15: {  	p0 =	sgt.u32 s13, $0x1869;
	[sflag:s11] =	ssyncadd.s32 $0xFFFF3CB0  }
0x16: {  	s13 =	simm.s32 @!p0 $0x0;
	s15 =	simm.s32 @!p0 $0x2;
	[bflag:$0x0] =	sbarrier.arrive $0xFFFF  }
0x17: {  	[tilespmem:s13], [sflag:$0x2] =	stream.linear.gather @!p0 [hbm4b:s8+s13], $0x80, $0x38;
	[tilespmem:$0x18F20] =	vst v63  }
0x18: {  	_ =	swait.ge @!p0 [sflag:s15], $0x80  }
0x19: {  	s17 =	simm.s32 @!p0 $0x80;
	[sflag:s15] =	ssyncset.done @!p0 $0x0  }
0x1a: {  	s14 =	simm.s32 @!p0 $0x10;
	s16 =	simm.s32 @!p0 $0x20;
	[sflag:s15] =	ssyncadd.s32 @!p0 $0xFFFFFF80  }
0x1b: {  	[tilespmem:s17], [sflag:$0x2] =	stream.strided.gather @!p0 [hbm4b:s9+s14], $0x800, s16, s14, $0x38;
	[tilespmem:$0x18F20] =	vst v63  }
0x1c: {  	p1 =	por p0, p0;
	_ =	swait.ge @!p0 [sflag:s15], $0x800  }
0x1d: {  	[sflag:s15] =	ssyncset.done @!p1 $0x0  }
0x1e: {  	s31 =	sadd.s32 $0x10, s1;
	s16 =	simm.s32 @!p1 $0x1;
	[sflag:s15] =	ssyncadd.s32 @!p1 $0xFFFFF800  }
0x1f: {  	[spmem:s2] =	stream.indirect.scatter.add.f32 @!p1 [tilespmem:s17], [sflag:$0x1], $0x10, s13, s17, $0xb8;
	[tilespmem:$0x18F20] =	vst v63  }
0x20: {  	s14 =	simm.s32 $0x20;
	p0 =	sgt.u32 s31, $0x1869;
	_ =	swait.ge @!p1 [sflag:s16], $0x800  }
0x21: {  	s15 =	sadd.s32 $0x100, s8;
	s13 =	sadd.s32 $0x2000, s9;
	[sflag:s16] =	ssyncset.done @!p1 $0x0  }
.LBB2_2:
0x22: {  	s17 =	simm.s32 @!p0 $0x0;
	s18 =	simm.s32 @!p0 $0x2;
	[sflag:s16] =	ssyncadd.s32 @!p1 $0xFFFFF800  }
0x23: {  	[tilespmem:s17], [sflag:$0x2] =	stream.linear.gather @!p0 [hbm4b:s15+s17], $0x80, $0x38;
	[tilespmem:$0x18F20] =	vst v63  }
0x24: {  	s19 =	smov.u32 s14;
	s14 =	sadd.s32 $0x10, s14;
	_ =	swait.ge @!p0 [sflag:s18], $0x80  }
0x25: {  	s20 =	simm.s32 @!p0 $0x80;
	p2 =	sne.s32 s14, $0x1870;
	[sflag:s18] =	ssyncset.done @!p0 $0x0  }
0x26: {  	s16 =	simm.s32 @!p0 $0x10;
	s21 =	simm.s32 @!p0 $0x20;
	[sflag:s18] =	ssyncadd.s32 @!p0 $0xFFFFFF80  }
0x27: {  	[tilespmem:s20], [sflag:$0x2] =	stream.strided.gather @!p0 [hbm4b:s13+s16], $0x800, s21, s16, $0x38;
	[tilespmem:$0x18F20] =	vst v63  }
0x28: {  	p1 =	por p0, p0;
	_ =	swait.ge @!p0 [sflag:s18], $0x800  }
.Ltmp0:
0x29: {  	[sflag:s18] =	ssyncset.done @!p1 $0x0;
	(pc) =	sbr.rel @p2 .LBB2_2-.Ltmp0, $4  }
0x2a: {  	s16 =	simm.s32 @!p1 $0x1;
	[sflag:s18] =	ssyncadd.s32 @!p1 $0xFFFFF800  }
0x2b: {  	[spmem:s2] =	stream.indirect.scatter.add.f32 @!p1 [tilespmem:s20], [sflag:$0x1], $0x10, s17, s20, $0xb8;
	[tilespmem:$0x18F20] =	vst v63  }
0x2c: {  	s13 =	sadd.s32 $0x2000, s13;
	s17 =	sadd.s32 s19, s1;
	_ =	swait.ge @!p1 [sflag:s16], $0x800  }
0x2d: {  	s15 =	sadd.s32 $0x100, s15;
	p0 =	sgt.u32 s17, $0x1869;
	[sflag:s16] =	ssyncset.done @!p1 $0x0  }
0x2e: {  	s14 =	simm.s32 @!p0 $0x0;
	s17 =	simm.s32 @!p0 $0x2;
	[sflag:s16] =	ssyncadd.s32 @!p1 $0xFFFFF800  }
0x2f: {  	[tilespmem:s14], [sflag:$0x2] =	stream.linear.gather @!p0 [hbm4b:s15+s14], $0x80, $0x38;
	[tilespmem:$0x18F20] =	vst v63  }
0x30: {  	_ =	swait.ge @!p0 [sflag:s17], $0x80  }
0x31: {  	s16 =	simm.s32 @!p0 $0x10;
	[sflag:s17] =	ssyncset.done @!p0 $0x0  }
0x32: {  	s18 =	simm.s32 @!p0 $0x20;
	s15 =	simm.s32 @!p0 $0x80;
	[sflag:s17] =	ssyncadd.s32 @!p0 $0xFFFFFF80  }
0x33: {  	[tilespmem:s15], [sflag:$0x2] =	stream.strided.gather @!p0 [hbm4b:s13+s16], $0x800, s18, s16, $0x38;
	[tilespmem:$0x18F20] =	vst v63  }
0x34: {  	_ =	swait.ge @!p0 [sflag:s17], $0x800;
	p0 =	por p0, p0  }
0x35: {  	[sflag:s17] =	ssyncset.done @!p0 $0x0  }
0x36: {  	s13 =	simm.s32 @!p0 $0x1;
	[sflag:s17] =	ssyncadd.s32 @!p0 $0xFFFFF800  }
0x37: {  	[spmem:s2] =	stream.indirect.scatter.add.f32 @!p0 [tilespmem:s15], [sflag:$0x1], $0x10, s14, s15, $0xb8;
	[tilespmem:$0x18F20] =	vst v63  }
0x38: {  	_ =	swait.ge @!p0 [sflag:s13], $0x800  }
0x39: {  	[sflag:s13] =	ssyncset.done @!p0 $0x0  }
0x3a: {  	[sflag:s13] =	ssyncadd.s32 @!p0 $0xFFFFF800  }
0x3b: {  	[bflag:$0x0] =	sbarrier.arrive $0xFFFF  }
0x3c: {  	[tilespmem:s10], [sflag:$0x1] =	stream.linear.gather [spmem:s5], $0xC350, $0x38;
	[tilespmem:$0x18F20] =	vst v63  }
0x3d: {  	s12 =	sadd.s32 $0x1, s12;
	_ =	swait.ge [sflag:s11], $0xC350  }
0x3e: {  	p0 =	sne.s32 s12, s7;
	[sflag:s11] =	ssyncset.done $0x0  }
.Ltmp1:
0x3f: {  	[sflag:s11] =	ssyncadd.s32 $0xFFFF3CB0;
	(pc) =	sbr.rel @p0 .LBB2_1-.Ltmp1, $4  }
0x40: {  	[hbm4b:s6+s3] =	stream.linear.scatter [tilespmem:s10], [sflag:$0x1], $0xC350, $0x38;
	[tilespmem:$0x18F20] =	vst v63  }
0x41: {  	_ =	swait.ge [sflag:s11], $0xC350  }
0x42: {  	[sflag:s11] =	ssyncset.done $0x0  }
0x43: {  	[sflag:s11] =	ssyncadd.s32 $0xFFFF3CB0  }
0x44: {  	_ =	sfence.sel $0x180000  }
0x45: {  	[bflag:$0x0] =	sbarrier.arrive $0xFFFF  }
0x46: {  	p0 =	sne.s32 s1, $0x0;
	_ =	strace $0x90000059  }
0x47: {  	s0 =	sadd.s32 @!p0 $0x100000, s0;
	[bflag:$0x2] =	sbarrier.arrive $0xFFFF  }
0x48: {  	[sflag:s0] =	ssyncadd.tile.s32 @!p0 $0x1;
	_ =	shalt  }
.Lfunc_end2:
_tile_overlayer_lowered:
.L_overlay_start_2:
0x49: {  	(tag) =	ssettag $0x2  }
0x4a: {  	s0 =	rddreg [dreg:$0x0];
	s2 =	stileid.u32  }
0x4b: {  	s1 =	rddreg [dreg:$0x1];
	p0 =	sne.s32 s2, $0x0  }
0x4c: {  	s3 =	rddreg [dreg:$0x2];
	[bflag:$0x3] =	sbarrier.arrive $0xFFFF;
	s2 =	simm.s32 @!p0 $0x1C01  }
0x4d: {  	[timem:s3], [sflag:s2] =	dma.local @!p0 [hbm:s0], s1  }
0x4e: {  	s0 =	simm.s32 @!p0 $0x1  }
0x4f: {  	_ =	swait.ge @!p0 [sflag:s0], s1  }
0x50: {  	s1 =	ssub.s32 @!p0 $0x0, s1;
	[sflag:s0] =	ssyncset.done @!p0 $0x0  }
0x51: {  	[sflag:s0] =	ssyncadd.s32 @!p0 s1  }
0x52: {  	[bflag:$0x3] =	sbarrier.arrive $0xFFFF  }
0x53: {  	_ =	shalt  }

// kernel: kernel.46.cloned.1.call-start
scs
__scs_entry_jumppad:
0x0: {  	(pc) =	sbr.rel $0x88, $3  }
0x1: {  	(tag) =	ssettag $0x0;
	lr =	simm.s32 $0x1  }
0x2: {  	[smem:$0x3F6B] =	sst lr;
	_ =	strace $0xD0000000  }
0x3: {  	_ = 	snop  }
0x4: {  	_ = 	snop  }
0x5: {  	_ = 	snop  }
0x6: {  	_ = 	snop  }
0x7: {  	_ = 	snop  }
__scs_overlays_trampoline_lowered:
0x8: {  	[smem:$0x3F7A] =	sst s0  }
0x9: {  	[smem:$0x3F7B] =	sst s1  }
0xa: {  	[smem:$0x3F7C] =	sst s2  }
0xb: {  	[smem:$0x3F7D] =	sst s3  }
0xc: {  	[smem:$0x3F7E] =	sst s4  }
0xd: {  	[smem:$0x3F7F] =	sst s5  }
0xe: {  	[smem:$0x3F80] =	sst s6  }
0xf: {  	[smem:$0x3F81] =	sst s7  }
0x10: {  	[smem:$0x3F82] =	sst s8  }
0x11: {  	[smem:$0x3F83] =	sst s9;
	s0 =	simm.s32 @!p0 $0x0  }
0x12: {  	s1 =	sld [smem:$0x3F69];
	s0 =	simm.s32 @p0 $0x1  }
0x13: {  	[smem:$0x3F84] =	sst s0;
	s0 =	simm.s32 @!p1 $0x0  }
0x14: {  	s2 =	sld [smem:$0x3F68];
	s0 =	simm.s32 @p1 $0x1  }
0x15: {  	[smem:$0x3F85] =	sst s0;
	s0 =	simm.s32 @!p2 $0x0  }
0x16: {  	s3 =	sld [smem:$0x3FDB];
	s0 =	simm.s32 @p2 $0x1  }
0x17: {  	s4 =	simm.s32 $0x1BF5;
	[smem:$0x3F87] =	sst s0  }
0x18: {  	s0 =	sld [smem:$0x3F6A];
	_ =	swait.ge [sflag:s4], $0x0  }
0x19: {  	s7 =	sld [smem:$0x3F6B]  }
0x1a: {  	s8 =	sadd.s32 $0xFFFFE003, lr  }
0x1b: {  	s9 =	sadd.s32 $0xFFFFFEF7, lr;
	s5 =	simm.s32 $0xFFFFFFFF;
	p2 =	slt.u32 s8, $0xFFFFF086  }
0x1c: {  	p1 =	slt.u32 s9, $0xF7A;
	s5 =	simm.s32 @!p2 $0x0  }
0x1d: {  	s5 =	simm.s32 @p1 $0x1;
	p0 =	seq.s32 s7, s2  }
0x1e: {  	s7 =	smul.u32 @!p0 $0xF7A, s2;
	p2 =	seq.s32 @!p0 s5, $0x0  }
0x1f: {  	s9 =	smul.u32 $0xF7A, s1;
	s8 =	simm.s32 @!p0 $0x1BF5;
	p2 =	por !p2, p0  }
0x20: {  	[sflag:s8] =	ssyncset.s32 @!p0 $0xFFFFF086;
	s6 =	sadd.s32 @!p0 s3, s7;
	s7 =	simm.s32 @!p0 $0x108  }
0x21: {  	s3 =	sadd.s32 s3, s9;
	s6 =	sadd.s32 @!p0 $0x88, s6;
	s7 =	simm.s32 @p2 $0x1082  }
0x22: {  	[simem:s7], [sflag:s8] =	dma.local @!p0 [hbm:s6], $0xF7A  }
0x23: {  	s9 =	sor.u32 $0xD0000000, s2;
	s6 =	simm.s32 $0x108;
	_ =	swait.ge @!p0 [sflag:s8], $0x0  }
0x24: {  	s3 =	sadd.s32 $0x88, s3;
	s6 =	simm.s32 @!p1 $0x1082;
	[sflag:s4] =	ssyncset.s32 $0xFFFFF086  }
0x25: {  	[simem:s6], [sflag:s4] =	dma.local [hbm:s3], $0xF7A  }
0x26: {  	[smem:$0x3F6B] =	sst s1;
	(tag) =	ssettag s2;
	_ =	strace s9  }
0x27: {  	s1 =	sld [smem:$0x3F7B]  }
0x28: {  	s2 =	sld [smem:$0x3F7C]  }
0x29: {  	s4 =	sld [smem:$0x3F7E]  }
0x2a: {  	p0 =	seq.s32 s5, $0x0;
	s5 =	sld [smem:$0x3F7F]  }
0x2b: {  	s6 =	sld [smem:$0x3F80]  }
0x2c: {  	s7 =	sld [smem:$0x3F81]  }
0x2d: {  	s3 =	simm.s32 $0x108;
	s8 =	sld [smem:$0x3F82]  }
0x2e: {  	s3 =	simm.s32 @!p0 $0x1082;
	s9 =	sld [smem:$0x3F83]  }
0x2f: {  	lr =	sadd.s32 s0, s3;
	s0 =	sld [smem:$0x3F7A]  }
0x30: {  	s3 =	sld [smem:$0x3F7D]  }
0x31: {  	[smem:$0x3F86] =	sst s10  }
0x32: {  	s10 =	sld [smem:$0x3F84];
	_ =	sdelay $0x3  }
0x33: {  	p0 =	seq.s32 s10, $0x1;
	s10 =	sld [smem:$0x3F86];
	_ =	sdelay $0x3  }
0x34: {  	[smem:$0x3F86] =	sst s10  }
0x35: {  	s10 =	sld [smem:$0x3F85];
	_ =	sdelay $0x3  }
0x36: {  	p1 =	seq.s32 s10, $0x1;
	s10 =	sld [smem:$0x3F86];
	_ =	sdelay $0x3  }
0x37: {  	[smem:$0x3F86] =	sst s10  }
0x38: {  	s10 =	sld [smem:$0x3F87]  }
0x39: {  	_ = 	snop;
	(pc) =	sbr.ind lr, $3  }
0x3a: {  	_ = 	snop  }
0x3b: {  	_ = 	snop  }
0x3c: {  	p2 =	seq.s32 s10, $0x1;
	s10 =	sld [smem:$0x3F86]  }
0x3d: {  	_ =	shalt  }
0x3e: {  	_ =	shalt  }
0x3f: {  	_ =	shalt  }
0x40: {  	_ =	shalt  }
0x41: {  	_ =	shalt  }
0x42: {  	_ =	shalt  }
0x43: {  	_ =	shalt  }
0x44: {  	_ =	shalt  }
0x45: {  	_ =	shalt  }
0x46: {  	_ =	shalt  }
0x47: {  	_ =	shalt  }
0x48: {  	_ =	shalt  }
0x49: {  	_ =	shalt  }
0x4a: {  	_ =	shalt  }
0x4b: {  	_ =	shalt  }
0x4c: {  	_ =	shalt  }
0x4d: {  	_ =	shalt  }
0x4e: {  	_ =	shalt  }
0x4f: {  	_ =	shalt  }
0x50: {  	_ =	shalt  }
0x51: {  	_ =	shalt  }
0x52: {  	_ =	shalt  }
0x53: {  	_ =	shalt  }
0x54: {  	_ =	shalt  }
0x55: {  	_ =	shalt  }
0x56: {  	_ =	shalt  }
0x57: {  	_ =	shalt  }
0x58: {  	_ =	shalt  }
0x59: {  	_ =	shalt  }
0x5a: {  	_ =	shalt  }
0x5b: {  	_ =	shalt  }
0x5c: {  	_ =	shalt  }
0x5d: {  	_ =	shalt  }
0x5e: {  	_ =	shalt  }
0x5f: {  	_ =	shalt  }
0x60: {  	_ =	shalt  }
0x61: {  	_ =	shalt  }
0x62: {  	_ =	shalt  }
0x63: {  	_ =	shalt  }
0x64: {  	_ =	shalt  }
0x65: {  	_ =	shalt  }
0x66: {  	_ =	shalt  }
0x67: {  	_ =	shalt  }
0x68: {  	_ =	shalt  }
0x69: {  	_ =	shalt  }
0x6a: {  	_ =	shalt  }
0x6b: {  	_ =	shalt  }
0x6c: {  	_ =	shalt  }
0x6d: {  	_ =	shalt  }
0x6e: {  	_ =	shalt  }
0x6f: {  	_ =	shalt  }
0x70: {  	_ =	shalt  }
0x71: {  	_ =	shalt  }
0x72: {  	_ =	shalt  }
0x73: {  	_ =	shalt  }
0x74: {  	_ =	shalt  }
0x75: {  	_ =	shalt  }
0x76: {  	_ =	shalt  }
0x77: {  	_ =	shalt  }
0x78: {  	_ =	shalt  }
0x79: {  	_ =	shalt  }
0x7a: {  	_ =	shalt  }
0x7b: {  	_ =	shalt  }
0x7c: {  	_ =	shalt  }
0x7d: {  	_ =	shalt  }
0x7e: {  	_ =	shalt  }
0x7f: {  	_ =	shalt  }
0x80: {  	_ =	shalt  }
0x81: {  	_ =	shalt  }
0x82: {  	_ =	shalt  }
0x83: {  	_ =	shalt  }
0x84: {  	_ =	shalt  }
0x85: {  	_ =	shalt  }
0x86: {  	_ =	shalt  }
0x87: {  	_ =	shalt  }
.Lfunc_end0:
.L_simem_size_0:
called_computation.7_lowered:
.L_overlay_start_0:
0x88: {  	s2 =	sld [smem:$0x3FD9]  }
0x89: {  	s3 =	sld [smem:$0x3FFE];
	_ =	sdelay $0x1  }
0x8a: {  	s1 =	srdreg.scid  }
0x8b: {  	s0 =	sand.u32 $0x1, s1  }
0x8c: {  	s17 =	sshll.u32 s0, $0xA;
	s2 =	sadd.s32 s3, s2  }
0x8d: {  	s2 =	sadd.s32 s2, s17  }
0x8e: {  	[smem:$0x3F92] =	sst s2  }
0x8f: {  	_ = 	snop  }
0x90: {  	(tm) =	ssettm $0x1  }
0x91: {  	s18 =	sld [smem:$0x3FFB];
	_ =	sdelay $0x3  }
0x92: {  	_ =	strace s18  }
0x93: {  	s2 =	sld [smem:$0x3FFC];
	_ =	sdelay $0x3  }
0x94: {  	_ =	strace s2  }
0x95: {  	s2 =	sld [smem:$0x3FFD];
	_ =	sdelay $0x3  }
0x96: {  	_ =	strace s2  }
0x97: {  	_ =	strace $0x8FFFFFFF  }
0x98: {  	s19 =	sld [smem:$0x3FDB];
	_ =	sdelay $0x1  }
0x99: {  	s20 =	simm.s32 $_scs_section_size  }
0x9a: {  	s4 =	simm.s32 $_size__tile_overlayer_lowered;
	s5 =	simm.s32 $_tile_overlayer_lowered  }
0x9b: {  	s6 =	simm.s32 $0x1BFF;
	s21 =	sshll.u32 s5, $0x1;
	s3 =	sadd.s32 s20, s19  }
0x9c: {  	s22 =	simm.s32 $0x0;
	s4 =	sshll.u32 s4, $0x1;
	s5 =	sadd.s32 s21, s3  }
0x9d: {  	[timem:s22], [sflag:s6] =	dma.local [hbm:s5], s4  }
0x9e: {  	_ =	swait.ge [sflag:s6], s4  }
0x9f: {  	s4 =	ssub.s32 $0x0, s4;
	[sflag:s6] =	ssyncset.done $0x0  }
0xa0: {  	[sflag:s6] =	ssyncadd.s32 s4;
	_ =	sdelay $0x1  }
0xa1: {  	s23 =	simm.s32 $0x1B8B  }
0xa2: {  	_ =	swait.ge [sflag:s23], $0x1  }
0xa3: {  	[sflag:s23] =	ssyncset.done $0x0  }
0xa4: {  	[sflag:s23] =	ssyncadd.s32 $0xFFFFFFFF  }
0xa5: {  	s4 =	sld [smem:$0x0]  }
0xa6: {  	s5 =	sand.u32 $0xFFFFFFFE, s1  }
0xa7: {  	p0 =	sne.s32 s1, s5  }
0xa8: {  	s5 =	sshll.u32 @p0 s5, $0xE  }
0xa9: {  	s5 =	sadd.s32 @p0 $0x11B8D, s5;
	s6 =	sshll.u32 @p0 s4, $0x11  }
0xaa: {  	s5 =	sor.u32 @p0 s6, s5  }
0xab: {  	[sflag:s5] =	ssyncadd.remote.s32 @p0 $0x1;
	_ =	sdelay $0x1  }
0xac: {  	s5 =	simm.s32 @p0 $0x1B8D  }
0xad: {  	_ =	swait.eq @p0 [sflag:s5], $0x1  }
0xae: {  	[sflag:s5] =	ssyncadd.s32 @p0 $0xFFFFFFFF  }
0xaf: {  	s6 =	sshll.u32 @!p0 s1, $0xE  }
0xb0: {  	s6 =	sor.u32 @!p0 $0x4000, s6;
	s5 =	simm.s32 @!p0 $0x1B8D  }
0xb1: {  	s4 =	sshll.u32 @!p0 s4, $0x11;
	s6 =	sadd.s32 @!p0 $0x11B8D, s6;
	_ =	swait.eq @!p0 [sflag:s5], $0x1  }
0xb2: {  	s4 =	sor.u32 @!p0 s4, s6;
	[sflag:s5] =	ssyncadd.s32 @!p0 $0xFFFFFFFF  }
0xb3: {  	s25 =	simm.s32 $0x1B8E;
	s24 =	sld [smem:$0x3FFE];
	[sflag:s4] =	ssyncadd.remote.s32 @!p0 $0x1  }
0xb4: {  	s26 =	simm.s32 $execute0_lowered;
	[smem:$0x3FD2] =	sst s25  }
0xb5: {  	s5 =	sshll.u32 s26, $0x1;
	_ =	strace $0x8000005B;
	[dreg:$0x1] =	wrdreg $0xFFFFFFFF  }
0xb6: {  	s28 =	simm.s32 $_size_execute0_lowered;
	s3 =	sadd.s32 s3, s5;
	[dreg:$0x0] =	wrdreg $0x0  }
0xb7: {  	s5 =	sshll.u32 s28, $0x1;
	[dreg:$0x2] =	wrdreg s3  }
0xb8: {  	[dreg:$0x3] =	wrdreg s5  }
0xb9: {  	[dreg:$0x4] =	wrdreg $0xC0  }
0xba: {  	_ =	task [dreg:s22], $0x5FFFF  }
0xbb: {  	[dreg:$0x1] =	wrdreg $0xFFFFFFFF  }
0xbc: {  	[dreg:$0x0] =	wrdreg $0x60  }
0xbd: {  	[dreg:$0x2] =	wrdreg s24  }
0xbe: {  	[dreg:$0x3] =	wrdreg $0xCBD00  }
0xbf: {  	[dreg:$0x4] =	wrdreg $0xA  }
0xc0: {  	_ =	task.clear_ibuf [dreg:s22], $0x5FFFF;
	_ =	strace $0x9000005B  }
0xc1: {  	s29 =	simm.s32 $0xA;
	_ =	strace $0x8000005D  }
0xc2: {  	_ =	swait.ge [sflag:s29], $0x1  }
0xc3: {  	[sflag:s29] =	ssyncadd.s32 $0xFFFFFFFF  }
0xc4: {  	_ =	strace $0x9000005D  }
0xc5: {  	_ =	sfence  }
0xc6: {  	s30 =	sld [smem:$0x0];
	_ =	sdelay $0x2  }
0xc7: {  	s31 =	sshll.u32 s1, $0xD;
	s1 =	sshrl.u32 s1, $0x2  }
0xc8: {  	s4 =	sand.u32 $0x4000, s31;
	s1 =	sadd.s32 s1, s30  }
0xc9: {  	s0 =	sor.u32 s4, s0;
	s1 =	sshll.u32 s1, $0x11  }
0xca: {  	s0 =	sor.u32 s1, s0  }
0xcb: {  	s0 =	sadd.s32 $0x8F2B, s0  }
0xcc: {  	[sflag:s0] =	ssyncadd.remote.s32 $0x1  }
0xcd: {  	_ =	sfence.sel $0xFFFF  }
0xce: {  	[dreg:$0x0] =	wrdreg $0xFFFFFFFF;
	(pc) =	sbr.abs _section_cstart, $3  }
0xcf: {  	[dreg:$0x1] =	wrdreg $0xFFFFFFFF  }
0xd0: {  	_ =	task.clear_ibuf [dreg:s22], $0x2FFFF;
	_ =	strace $0x9FFFFFFF  }
0xd1: {  	(tm) =	ssettm $0x7FFFFFFF  }
tec
execute0_lowered:
.L_overlay_start_1:
0x0: {  	(tag) =	ssettag $0x1  }
0x1: {  	s4 =	rddreg [dreg:$0x0]  }
0x2: {  	s2 =	rddreg [dreg:$0x1]  }
0x3: {  	s0 =	rddreg [dreg:$0x2];
	s1 =	stileid.u32  }
0x4: {  	s5 =	srdreg.scid;
	s3 =	simm.s32 $0x0;
	s12 =	simm.s32 $0x0  }
0x5: {  	s6 =	smul.u32 $0xC350, s1;
	s5 =	sand.u32 $0x1, s5;
	[smem:$0x7FF] =	sst s3  }
0x6: {  	s8 =	sshll.u32 s1, $0x9;
	s9 =	sshll.u32 s1, $0x4;
	s7 =	smul.u32 $0xC3500, s5  }
0x7: {  	_ =	strace $0x8000005C;
	s8 =	sadd.s32 s8, s4;
	s9 =	sadd.s32 s9, s4  }
0x8: {  	s11 =	ssub.s32 $0x2, s5;
	s31 =	sshll.u32 s5, $0x1;
	s10 =	sshrl.u32 s6, $0x3  }
0x9: {  	s30 =	sshrl.u32 s11, $0x1;
	s5 =	sadd.s32 s6, s2;
	s7 =	sadd.s32 s6, s7  }
0xa: {  	s10 =	sadd.s32 s10, s4;
	s11 =	ssub.s32 s11, s30;
	s7 =	sshrl.u32 s7, $0x3  }
0xb: {  	s7 =	sadd.s32 s7, s4;
	s4 =	sadd.s32 $0x35CA00, s10;
	s10 =	sadd.s32 s31, s8  }
0xc: {  	s8 =	sadd.s32 $0x1E600, s9;
	s6 =	sadd.s32 $0x9D9400, s7;
	s7 =	smax.u32 s11, $0x1  }
0xd: {  	s9 =	sadd.s32 $0x6CC000, s10;
	s10 =	simm.s32 $0x880;
	s11 =	simm.s32 $0x1  }
.LBB2_1:
0xe: {  	[tilespmem:s10], [sflag:$0x1] =	stream.linear.gather [hbm4b:s4+s3], $0xC350, $0x38;
	[tilespmem:$0x18F20] =	vst v63  }
0xf: {  	_ =	swait.ge [sflag:s11], $0xC350  }
0x10: {  	[sflag:s11] =	ssyncset.done $0x0  }
0x11: {  	[sflag:s11] =	ssyncadd.s32 $0xFFFF3CB0  }
0x12: {  	[spmem:s5] =	stream.linear.scatter [tilespmem:s10], [sflag:$0x1], $0xC350, $0x38;
	[tilespmem:$0x18F20] =	vst v63  }
0x13: {  	_ =	swait.ge [sflag:s11], $0xC350  }
0x14: {  	s13 =	sadd.s32 $0x0, s1;
	[sflag:s11] =	ssyncset.done $0x0  }
0x15: {  	p0 =	sgt.u32 s13, $0x1869;
	[sflag:s11] =	ssyncadd.s32 $0xFFFF3CB0  }
0x16: {  	s13 =	simm.s32 @!p0 $0x0;
	s15 =	simm.s32 @!p0 $0x2;
	[bflag:$0x0] =	sbarrier.arrive $0xFFFF  }
0x17: {  	[tilespmem:s13], [sflag:$0x2] =	stream.linear.gather @!p0 [hbm4b:s8+s13], $0x80, $0x38;
	[tilespmem:$0x18F20] =	vst v63  }
0x18: {  	_ =	swait.ge @!p0 [sflag:s15], $0x80  }
0x19: {  	s17 =	simm.s32 @!p0 $0x80;
	[sflag:s15] =	ssyncset.done @!p0 $0x0  }
0x1a: {  	s14 =	simm.s32 @!p0 $0x10;
	s16 =	simm.s32 @!p0 $0x20;
	[sflag:s15] =	ssyncadd.s32 @!p0 $0xFFFFFF80  }
0x1b: {  	[tilespmem:s17], [sflag:$0x2] =	stream.strided.gather @!p0 [hbm4b:s9+s14], $0x800, s16, s14, $0x38;
	[tilespmem:$0x18F20] =	vst v63  }
0x1c: {  	p1 =	por p0, p0;
	_ =	swait.ge @!p0 [sflag:s15], $0x800  }
0x1d: {  	[sflag:s15] =	ssyncset.done @!p1 $0x0  }
0x1e: {  	s31 =	sadd.s32 $0x10, s1;
	s16 =	simm.s32 @!p1 $0x1;
	[sflag:s15] =	ssyncadd.s32 @!p1 $0xFFFFF800  }
0x1f: {  	[spmem:s2] =	stream.indirect.scatter.add.f32 @!p1 [tilespmem:s17], [sflag:$0x1], $0x10, s13, s17, $0xb8;
	[tilespmem:$0x18F20] =	vst v63  }
0x20: {  	s14 =	simm.s32 $0x20;
	p0 =	sgt.u32 s31, $0x1869;
	_ =	swait.ge @!p1 [sflag:s16], $0x800  }
0x21: {  	s15 =	sadd.s32 $0x100, s8;
	s13 =	sadd.s32 $0x2000, s9;
	[sflag:s16] =	ssyncset.done @!p1 $0x0  }
.LBB2_2:
0x22: {  	s17 =	simm.s32 @!p0 $0x0;
	s18 =	simm.s32 @!p0 $0x2;
	[sflag:s16] =	ssyncadd.s32 @!p1 $0xFFFFF800  }
0x23: {  	[tilespmem:s17], [sflag:$0x2] =	stream.linear.gather @!p0 [hbm4b:s15+s17], $0x80, $0x38;
	[tilespmem:$0x18F20] =	vst v63  }
0x24: {  	s19 =	smov.u32 s14;
	s14 =	sadd.s32 $0x10, s14;
	_ =	swait.ge @!p0 [sflag:s18], $0x80  }
0x25: {  	s20 =	simm.s32 @!p0 $0x80;
	p2 =	sne.s32 s14, $0x1870;
	[sflag:s18] =	ssyncset.done @!p0 $0x0  }
0x26: {  	s16 =	simm.s32 @!p0 $0x10;
	s21 =	simm.s32 @!p0 $0x20;
	[sflag:s18] =	ssyncadd.s32 @!p0 $0xFFFFFF80  }
0x27: {  	[tilespmem:s20], [sflag:$0x2] =	stream.strided.gather @!p0 [hbm4b:s13+s16], $0x800, s21, s16, $0x38;
	[tilespmem:$0x18F20] =	vst v63  }
0x28: {  	p1 =	por p0, p0;
	_ =	swait.ge @!p0 [sflag:s18], $0x800  }
.Ltmp0:
0x29: {  	[sflag:s18] =	ssyncset.done @!p1 $0x0;
	(pc) =	sbr.rel @p2 .LBB2_2-.Ltmp0, $4  }
0x2a: {  	s16 =	simm.s32 @!p1 $0x1;
	[sflag:s18] =	ssyncadd.s32 @!p1 $0xFFFFF800  }
0x2b: {  	[spmem:s2] =	stream.indirect.scatter.add.f32 @!p1 [tilespmem:s20], [sflag:$0x1], $0x10, s17, s20, $0xb8;
	[tilespmem:$0x18F20] =	vst v63  }
0x2c: {  	s13 =	sadd.s32 $0x2000, s13;
	s17 =	sadd.s32 s19, s1;
	_ =	swait.ge @!p1 [sflag:s16], $0x800  }
0x2d: {  	s15 =	sadd.s32 $0x100, s15;
	p0 =	sgt.u32 s17, $0x1869;
	[sflag:s16] =	ssyncset.done @!p1 $0x0  }
0x2e: {  	s14 =	simm.s32 @!p0 $0x0;
	s17 =	simm.s32 @!p0 $0x2;
	[sflag:s16] =	ssyncadd.s32 @!p1 $0xFFFFF800  }
0x2f: {  	[tilespmem:s14], [sflag:$0x2] =	stream.linear.gather @!p0 [hbm4b:s15+s14], $0x80, $0x38;
	[tilespmem:$0x18F20] =	vst v63  }
0x30: {  	_ =	swait.ge @!p0 [sflag:s17], $0x80  }
0x31: {  	s16 =	simm.s32 @!p0 $0x10;
	[sflag:s17] =	ssyncset.done @!p0 $0x0  }
0x32: {  	s18 =	simm.s32 @!p0 $0x20;
	s15 =	simm.s32 @!p0 $0x80;
	[sflag:s17] =	ssyncadd.s32 @!p0 $0xFFFFFF80  }
0x33: {  	[tilespmem:s15], [sflag:$0x2] =	stream.strided.gather @!p0 [hbm4b:s13+s16], $0x800, s18, s16, $0x38;
	[tilespmem:$0x18F20] =	vst v63  }
0x34: {  	_ =	swait.ge @!p0 [sflag:s17], $0x800;
	p0 =	por p0, p0  }
0x35: {  	[sflag:s17] =	ssyncset.done @!p0 $0x0  }
0x36: {  	s13 =	simm.s32 @!p0 $0x1;
	[sflag:s17] =	ssyncadd.s32 @!p0 $0xFFFFF800  }
0x37: {  	[spmem:s2] =	stream.indirect.scatter.add.f32 @!p0 [tilespmem:s15], [sflag:$0x1], $0x10, s14, s15, $0xb8;
	[tilespmem:$0x18F20] =	vst v63  }
0x38: {  	_ =	swait.ge @!p0 [sflag:s13], $0x800  }
0x39: {  	[sflag:s13] =	ssyncset.done @!p0 $0x0  }
0x3a: {  	[sflag:s13] =	ssyncadd.s32 @!p0 $0xFFFFF800  }
0x3b: {  	[bflag:$0x0] =	sbarrier.arrive $0xFFFF  }
0x3c: {  	[tilespmem:s10], [sflag:$0x1] =	stream.linear.gather [spmem:s5], $0xC350, $0x38;
	[tilespmem:$0x18F20] =	vst v63  }
0x3d: {  	s12 =	sadd.s32 $0x1, s12;
	_ =	swait.ge [sflag:s11], $0xC350  }
0x3e: {  	p0 =	sne.s32 s12, s7;
	[sflag:s11] =	ssyncset.done $0x0  }
.Ltmp1:
0x3f: {  	[sflag:s11] =	ssyncadd.s32 $0xFFFF3CB0;
	(pc) =	sbr.rel @p0 .LBB2_1-.Ltmp1, $4  }
0x40: {  	[hbm4b:s6+s3] =	stream.linear.scatter [tilespmem:s10], [sflag:$0x1], $0xC350, $0x38;
	[tilespmem:$0x18F20] =	vst v63  }
0x41: {  	_ =	swait.ge [sflag:s11], $0xC350  }
0x42: {  	[sflag:s11] =	ssyncset.done $0x0  }
0x43: {  	[sflag:s11] =	ssyncadd.s32 $0xFFFF3CB0  }
0x44: {  	_ =	sfence.sel $0x180000  }
0x45: {  	[bflag:$0x0] =	sbarrier.arrive $0xFFFF  }
0x46: {  	p0 =	sne.s32 s1, $0x0;
	_ =	strace $0x9000005C  }
0x47: {  	s0 =	sadd.s32 @!p0 $0x100000, s0;
	[bflag:$0x2] =	sbarrier.arrive $0xFFFF  }
0x48: {  	[sflag:s0] =	ssyncadd.tile.s32 @!p0 $0x1;
	_ =	shalt  }
.Lfunc_end2:
_tile_overlayer_lowered:
.L_overlay_start_2:
0x49: {  	(tag) =	ssettag $0x2  }
0x4a: {  	s0 =	rddreg [dreg:$0x0];
	s2 =	stileid.u32  }
0x4b: {  	s1 =	rddreg [dreg:$0x1];
	p0 =	sne.s32 s2, $0x0  }
0x4c: {  	s3 =	rddreg [dreg:$0x2];
	[bflag:$0x3] =	sbarrier.arrive $0xFFFF;
	s2 =	simm.s32 @!p0 $0x1C01  }
0x4d: {  	[timem:s3], [sflag:s2] =	dma.local @!p0 [hbm:s0], s1  }
0x4e: {  	s0 =	simm.s32 @!p0 $0x1  }
0x4f: {  	_ =	swait.ge @!p0 [sflag:s0], s1  }
0x50: {  	s1 =	ssub.s32 @!p0 $0x0, s1;
	[sflag:s0] =	ssyncset.done @!p0 $0x0  }
0x51: {  	[sflag:s0] =	ssyncadd.s32 @!p0 s1  }
0x52: {  	[bflag:$0x3] =	sbarrier.arrive $0xFFFF  }
0x53: {  	_ =	shalt  }

// kernel: kernel.49.cloned.1.call-start
scs
__scs_entry_jumppad:
0x0: {  	(pc) =	sbr.rel $0x88, $3  }
0x1: {  	(tag) =	ssettag $0x0;
	lr =	simm.s32 $0x1  }
0x2: {  	[smem:$0x3F6B] =	sst lr;
	_ =	strace $0xD0000000  }
0x3: {  	_ = 	snop  }
0x4: {  	_ = 	snop  }
0x5: {  	_ = 	snop  }
0x6: {  	_ = 	snop  }
0x7: {  	_ = 	snop  }
__scs_overlays_trampoline_lowered:
0x8: {  	[smem:$0x3F7A] =	sst s0  }
0x9: {  	[smem:$0x3F7B] =	sst s1  }
0xa: {  	[smem:$0x3F7C] =	sst s2  }
0xb: {  	[smem:$0x3F7D] =	sst s3  }
0xc: {  	[smem:$0x3F7E] =	sst s4  }
0xd: {  	[smem:$0x3F7F] =	sst s5  }
0xe: {  	[smem:$0x3F80] =	sst s6  }
0xf: {  	[smem:$0x3F81] =	sst s7  }
0x10: {  	[smem:$0x3F82] =	sst s8  }
0x11: {  	[smem:$0x3F83] =	sst s9;
	s0 =	simm.s32 @!p0 $0x0  }
0x12: {  	s1 =	sld [smem:$0x3F69];
	s0 =	simm.s32 @p0 $0x1  }
0x13: {  	[smem:$0x3F84] =	sst s0;
	s0 =	simm.s32 @!p1 $0x0  }
0x14: {  	s2 =	sld [smem:$0x3F68];
	s0 =	simm.s32 @p1 $0x1  }
0x15: {  	[smem:$0x3F85] =	sst s0;
	s0 =	simm.s32 @!p2 $0x0  }
0x16: {  	s3 =	sld [smem:$0x3FDB];
	s0 =	simm.s32 @p2 $0x1  }
0x17: {  	s4 =	simm.s32 $0x1BF5;
	[smem:$0x3F87] =	sst s0  }
0x18: {  	s0 =	sld [smem:$0x3F6A];
	_ =	swait.ge [sflag:s4], $0x0  }
0x19: {  	s7 =	sld [smem:$0x3F6B]  }
0x1a: {  	s8 =	sadd.s32 $0xFFFFE003, lr  }
0x1b: {  	s9 =	sadd.s32 $0xFFFFFEF7, lr;
	s5 =	simm.s32 $0xFFFFFFFF;
	p2 =	slt.u32 s8, $0xFFFFF086  }
0x1c: {  	p1 =	slt.u32 s9, $0xF7A;
	s5 =	simm.s32 @!p2 $0x0  }
0x1d: {  	s5 =	simm.s32 @p1 $0x1;
	p0 =	seq.s32 s7, s2  }
0x1e: {  	s7 =	smul.u32 @!p0 $0xF7A, s2;
	p2 =	seq.s32 @!p0 s5, $0x0  }
0x1f: {  	s9 =	smul.u32 $0xF7A, s1;
	s8 =	simm.s32 @!p0 $0x1BF5;
	p2 =	por !p2, p0  }
0x20: {  	[sflag:s8] =	ssyncset.s32 @!p0 $0xFFFFF086;
	s6 =	sadd.s32 @!p0 s3, s7;
	s7 =	simm.s32 @!p0 $0x108  }
0x21: {  	s3 =	sadd.s32 s3, s9;
	s6 =	sadd.s32 @!p0 $0x88, s6;
	s7 =	simm.s32 @p2 $0x1082  }
0x22: {  	[simem:s7], [sflag:s8] =	dma.local @!p0 [hbm:s6], $0xF7A  }
0x23: {  	s9 =	sor.u32 $0xD0000000, s2;
	s6 =	simm.s32 $0x108;
	_ =	swait.ge @!p0 [sflag:s8], $0x0  }
0x24: {  	s3 =	sadd.s32 $0x88, s3;
	s6 =	simm.s32 @!p1 $0x1082;
	[sflag:s4] =	ssyncset.s32 $0xFFFFF086  }
0x25: {  	[simem:s6], [sflag:s4] =	dma.local [hbm:s3], $0xF7A  }
0x26: {  	[smem:$0x3F6B] =	sst s1;
	(tag) =	ssettag s2;
	_ =	strace s9  }
0x27: {  	s1 =	sld [smem:$0x3F7B]  }
0x28: {  	s2 =	sld [smem:$0x3F7C]  }
0x29: {  	s4 =	sld [smem:$0x3F7E]  }
0x2a: {  	p0 =	seq.s32 s5, $0x0;
	s5 =	sld [smem:$0x3F7F]  }
0x2b: {  	s6 =	sld [smem:$0x3F80]  }
0x2c: {  	s7 =	sld [smem:$0x3F81]  }
0x2d: {  	s3 =	simm.s32 $0x108;
	s8 =	sld [smem:$0x3F82]  }
0x2e: {  	s3 =	simm.s32 @!p0 $0x1082;
	s9 =	sld [smem:$0x3F83]  }
0x2f: {  	lr =	sadd.s32 s0, s3;
	s0 =	sld [smem:$0x3F7A]  }
0x30: {  	s3 =	sld [smem:$0x3F7D]  }
0x31: {  	[smem:$0x3F86] =	sst s10  }
0x32: {  	s10 =	sld [smem:$0x3F84];
	_ =	sdelay $0x3  }
0x33: {  	p0 =	seq.s32 s10, $0x1;
	s10 =	sld [smem:$0x3F86];
	_ =	sdelay $0x3  }
0x34: {  	[smem:$0x3F86] =	sst s10  }
0x35: {  	s10 =	sld [smem:$0x3F85];
	_ =	sdelay $0x3  }
0x36: {  	p1 =	seq.s32 s10, $0x1;
	s10 =	sld [smem:$0x3F86];
	_ =	sdelay $0x3  }
0x37: {  	[smem:$0x3F86] =	sst s10  }
0x38: {  	s10 =	sld [smem:$0x3F87]  }
0x39: {  	_ = 	snop;
	(pc) =	sbr.ind lr, $3  }
0x3a: {  	_ = 	snop  }
0x3b: {  	_ = 	snop  }
0x3c: {  	p2 =	seq.s32 s10, $0x1;
	s10 =	sld [smem:$0x3F86]  }
0x3d: {  	_ =	shalt  }
0x3e: {  	_ =	shalt  }
0x3f: {  	_ =	shalt  }
0x40: {  	_ =	shalt  }
0x41: {  	_ =	shalt  }
0x42: {  	_ =	shalt  }
0x43: {  	_ =	shalt  }
0x44: {  	_ =	shalt  }
0x45: {  	_ =	shalt  }
0x46: {  	_ =	shalt  }
0x47: {  	_ =	shalt  }
0x48: {  	_ =	shalt  }
0x49: {  	_ =	shalt  }
0x4a: {  	_ =	shalt  }
0x4b: {  	_ =	shalt  }
0x4c: {  	_ =	shalt  }
0x4d: {  	_ =	shalt  }
0x4e: {  	_ =	shalt  }
0x4f: {  	_ =	shalt  }
0x50: {  	_ =	shalt  }
0x51: {  	_ =	shalt  }
0x52: {  	_ =	shalt  }
0x53: {  	_ =	shalt  }
0x54: {  	_ =	shalt  }
0x55: {  	_ =	shalt  }
0x56: {  	_ =	shalt  }
0x57: {  	_ =	shalt  }
0x58: {  	_ =	shalt  }
0x59: {  	_ =	shalt  }
0x5a: {  	_ =	shalt  }
0x5b: {  	_ =	shalt  }
0x5c: {  	_ =	shalt  }
0x5d: {  	_ =	shalt  }
0x5e: {  	_ =	shalt  }
0x5f: {  	_ =	shalt  }
0x60: {  	_ =	shalt  }
0x61: {  	_ =	shalt  }
0x62: {  	_ =	shalt  }
0x63: {  	_ =	shalt  }
0x64: {  	_ =	shalt  }
0x65: {  	_ =	shalt  }
0x66: {  	_ =	shalt  }
0x67: {  	_ =	shalt  }
0x68: {  	_ =	shalt  }
0x69: {  	_ =	shalt  }
0x6a: {  	_ =	shalt  }
0x6b: {  	_ =	shalt  }
0x6c: {  	_ =	shalt  }
0x6d: {  	_ =	shalt  }
0x6e: {  	_ =	shalt  }
0x6f: {  	_ =	shalt  }
0x70: {  	_ =	shalt  }
0x71: {  	_ =	shalt  }
0x72: {  	_ =	shalt  }
0x73: {  	_ =	shalt  }
0x74: {  	_ =	shalt  }
0x75: {  	_ =	shalt  }
0x76: {  	_ =	shalt  }
0x77: {  	_ =	shalt  }
0x78: {  	_ =	shalt  }
0x79: {  	_ =	shalt  }
0x7a: {  	_ =	shalt  }
0x7b: {  	_ =	shalt  }
0x7c: {  	_ =	shalt  }
0x7d: {  	_ =	shalt  }
0x7e: {  	_ =	shalt  }
0x7f: {  	_ =	shalt  }
0x80: {  	_ =	shalt  }
0x81: {  	_ =	shalt  }
0x82: {  	_ =	shalt  }
0x83: {  	_ =	shalt  }
0x84: {  	_ =	shalt  }
0x85: {  	_ =	shalt  }
0x86: {  	_ =	shalt  }
0x87: {  	_ =	shalt  }
.Lfunc_end0:
.L_simem_size_0:
called_computation.8_lowered:
.L_overlay_start_0:
0x88: {  	s2 =	sld [smem:$0x3FD9]  }
0x89: {  	s3 =	sld [smem:$0x3FFE];
	_ =	sdelay $0x1  }
0x8a: {  	s1 =	srdreg.scid  }
0x8b: {  	s0 =	sand.u32 $0x1, s1  }
0x8c: {  	s16 =	sshll.u32 s0, $0xA;
	s2 =	sadd.s32 s3, s2  }
0x8d: {  	s2 =	sadd.s32 s2, s16  }
0x8e: {  	[smem:$0x3F92] =	sst s2  }
0x8f: {  	_ = 	snop  }
0x90: {  	(tm) =	ssettm $0x1  }
0x91: {  	s17 =	sld [smem:$0x3FFB];
	_ =	sdelay $0x3  }
0x92: {  	_ =	strace s17  }
0x93: {  	s2 =	sld [smem:$0x3FFC];
	_ =	sdelay $0x3  }
0x94: {  	_ =	strace s2  }
0x95: {  	s2 =	sld [smem:$0x3FFD];
	_ =	sdelay $0x3  }
0x96: {  	_ =	strace s2  }
0x97: {  	_ =	strace $0x8FFFFFFF  }
0x98: {  	s18 =	sld [smem:$0x3FDB];
	_ =	sdelay $0x1  }
0x99: {  	s19 =	simm.s32 $_scs_section_size  }
0x9a: {  	s4 =	simm.s32 $_size__tile_overlayer_lowered;
	s5 =	simm.s32 $_tile_overlayer_lowered  }
0x9b: {  	s22 =	simm.s32 $0x1BFF;
	s21 =	sshll.u32 s5, $0x1;
	s2 =	sadd.s32 s19, s18  }
0x9c: {  	s6 =	simm.s32 $0x0;
	s20 =	sshll.u32 s4, $0x1;
	s4 =	sadd.s32 s21, s2  }
0x9d: {  	[timem:s6], [sflag:s22] =	dma.local [hbm:s4], s20  }
0x9e: {  	_ =	swait.ge [sflag:s22], s20  }
0x9f: {  	s3 =	ssub.s32 $0x0, s20;
	[sflag:s22] =	ssyncset.done $0x0  }
0xa0: {  	[sflag:s22] =	ssyncadd.s32 s3;
	_ =	sdelay $0x1  }
0xa1: {  	s23 =	simm.s32 $0x1B8B  }
0xa2: {  	_ =	swait.ge [sflag:s23], $0x1  }
0xa3: {  	[sflag:s23] =	ssyncset.done $0x0  }
0xa4: {  	s25 =	simm.s32 $0x1B8E;
	s24 =	sld [smem:$0x3FFE];
	[sflag:s23] =	ssyncadd.s32 $0xFFFFFFFF  }
0xa5: {  	s26 =	simm.s32 $execute0_lowered;
	[smem:$0x3FD2] =	sst s25  }
0xa6: {  	s4 =	sshll.u32 s26, $0x1;
	_ =	strace $0x8000005E;
	[dreg:$0x1] =	wrdreg $0xFFFFFFFF  }
0xa7: {  	s28 =	simm.s32 $_size_execute0_lowered;
	s2 =	sadd.s32 s2, s4;
	[dreg:$0x0] =	wrdreg $0x0  }
0xa8: {  	s4 =	sshll.u32 s28, $0x1;
	[dreg:$0x2] =	wrdreg s2  }
0xa9: {  	[dreg:$0x3] =	wrdreg s4  }
0xaa: {  	[dreg:$0x4] =	wrdreg $0xC0  }
0xab: {  	_ =	task [dreg:s6], $0x5FFFF  }
0xac: {  	[dreg:$0x1] =	wrdreg $0xFFFFFFFF  }
0xad: {  	[dreg:$0x0] =	wrdreg $0x60  }
0xae: {  	[dreg:$0x2] =	wrdreg s24  }
0xaf: {  	[dreg:$0x3] =	wrdreg $0x9  }
0xb0: {  	_ =	task.clear_ibuf [dreg:s6], $0x4FFFF;
	_ =	strace $0x9000005E  }
0xb1: {  	s29 =	simm.s32 $0x9;
	_ =	strace $0x80000060  }
0xb2: {  	_ =	swait.ge [sflag:s29], $0x1  }
0xb3: {  	[sflag:s29] =	ssyncadd.s32 $0xFFFFFFFF  }
0xb4: {  	_ =	strace $0x90000060  }
0xb5: {  	_ =	sfence  }
0xb6: {  	s30 =	sld [smem:$0x0];
	_ =	sdelay $0x2  }
0xb7: {  	s31 =	sshll.u32 s1, $0xD;
	s1 =	sshrl.u32 s1, $0x2  }
0xb8: {  	s3 =	sand.u32 $0x4000, s31;
	s1 =	sadd.s32 s1, s30  }
0xb9: {  	s0 =	sor.u32 s3, s0;
	s1 =	sshll.u32 s1, $0x11  }
0xba: {  	s0 =	sor.u32 s1, s0  }
0xbb: {  	s0 =	sadd.s32 $0x8F2B, s0  }
0xbc: {  	[sflag:s0] =	ssyncadd.remote.s32 $0x1  }
0xbd: {  	_ =	sfence.sel $0xFFFF  }
0xbe: {  	[dreg:$0x0] =	wrdreg $0xFFFFFFFF;
	(pc) =	sbr.abs _section_cstart, $3  }
0xbf: {  	[dreg:$0x1] =	wrdreg $0xFFFFFFFF  }
0xc0: {  	_ =	task.clear_ibuf [dreg:s6], $0x2FFFF;
	_ =	strace $0x9FFFFFFF  }
0xc1: {  	(tm) =	ssettm $0x7FFFFFFF  }
tec
execute0_lowered:
.L_overlay_start_1:
0x0: {  	(tag) =	ssettag $0x1  }
0x1: {  	s4 =	rddreg [dreg:$0x0]  }
0x2: {  	s0 =	rddreg [dreg:$0x1]  }
0x3: {  	s2 =	simm.s32 $0x0;
	s3 =	srdreg.scid;
	s1 =	stileid.u32  }
0x4: {  	[smem:$0x7FF] =	sst s2;
	s5 =	sand.u32 $0x1, s3;
	s3 =	sadd.s32 $0x6CC000, s4  }
0x5: {  	s6 =	sshll.u32 s1, $0x5;
	s8 =	sshll.u32 s1, $0xB;
	_ =	strace $0x8000005F  }
0x6: {  	s7 =	ssub.s32 $0x2, s5;
	s6 =	sadd.s32 s6, s4;
	s8 =	sadd.s32 s8, s4  }
0x7: {  	s31 =	sshll.u32 s5, $0x4;
	s10 =	sshll.u32 s5, $0xA;
	s9 =	sshrl.u32 s7, $0x1  }
0x8: {  	s4 =	sshll.u32 s1, $0x1;
	s10 =	sadd.s32 s10, s8;
	s7 =	ssub.s32 s7, s9  }
0x9: {  	s9 =	sadd.s32 s31, s6;
	s8 =	sadd.s32 $0xCE7000, s10;
	s5 =	smax.u32 s7, $0x1  }
0xa: {  	s6 =	sadd.s32 $0x5E00, s9;
	s7 =	sadd.s32 $0x1E600, s9;
	s9 =	sadd.s32 $0x1301800, s10  }
.LBB2_1:
0xb: {  	p0 =	sgt.u32 s4, $0x1869  }
0xc: {  	s10 =	sadd.s32 @!p0 $0x0, s7;
	s11 =	simm.s32 @!p0 $0x0;
	s14 =	simm.s32 @!p0 $0x4  }
0xd: {  	[tilespmem:s11], [sflag:$0x4] =	stream.linear.gather @!p0 [hbm4b:s10+s11], $0x80, $0x38;
	[tilespmem:$0x4100] =	vst v63  }
0xe: {  	_ =	swait.ge @!p0 [sflag:s14], $0x80;
	p0 =	por p0, p0  }
0xf: {  	[sflag:s14] =	ssyncset.done @!p0 $0x0  }
0x10: {  	s10 =	sadd.s32 @!p0 $0x0, s6;
	s12 =	simm.s32 @!p0 $0x80;
	[sflag:s14] =	ssyncadd.s32 @!p0 $0xFFFFFF80  }
0x11: {  	[tilespmem:s12], [sflag:$0x4] =	stream.linear.gather @!p0 [hbm4b:s10+s11], $0x80, $0x38;
	[tilespmem:$0x4100] =	vst v63  }
0x12: {  	_ =	swait.ge @!p0 [sflag:s14], $0x80  }
0x13: {  	[sflag:s14] =	ssyncset.done @!p0 $0x0  }
0x14: {  	s10 =	simm.s32 @!p0 $0x100;
	[sflag:s14] =	ssyncadd.s32 @!p0 $0xFFFFFF80  }
0x15: {  	[tilespmem:s10], [sflag:$0x1] =	stream.indirect.gather @!p0 [hbm4b:s3+s12], $0x40, s11, s12, $0xb8;
	[tilespmem:$0x4100] =	vst v63  }
0x16: {  	s15 =	simm.s32 @!p0 $0x2100;
	s13 =	simm.s32 @!p0 $0x1  }
0x17: {  	[tilespmem:s15], [sflag:$0x2] =	stream.indirect.gather @!p0 [hbm4b:s3+s12], $0x40, s12, s12, $0xb8;
	[tilespmem:$0x4100] =	vst v63  }
0x18: {  	_ =	swait.ge @!p0 [sflag:s13], $0x2000  }
0x19: {  	[sflag:s13] =	ssyncset.done @!p0 $0x0  }
0x1a: {  	s12 =	simm.s32 @!p0 $0x2;
	[sflag:s13] =	ssyncadd.s32 @!p0 $0xFFFFE000  }
0x1b: {  	_ =	swait.ge @!p0 [sflag:s12], $0x2000  }
0x1c: {  	[sflag:s12] =	ssyncset.done @!p0 $0x0  }
0x1d: {  	[sflag:s12] =	ssyncadd.s32 @!p0 $0xFFFFE000  }
0x1e: {  	[hbm4b:s9+s11] =	stream.linear.scatter @!p0 [tilespmem:s10], [sflag:$0x4], $0x2000, $0x38;
	[tilespmem:$0x4100] =	vst v63  }
0x1f: {  	_ =	swait.ge @!p0 [sflag:s14], $0x2000  }
0x20: {  	[sflag:s14] =	ssyncset.done @!p0 $0x0  }
0x21: {  	s13 =	simm.s32 $0x400;
	s12 =	simm.s32 $0x200;
	[sflag:s14] =	ssyncadd.s32 @!p0 $0xFFFFE000  }
0x22: {  	[hbm4b:s8+s11] =	stream.linear.scatter @!p0 [tilespmem:s15], [sflag:$0x3], $0x2000, $0x38;
	[tilespmem:$0x4100] =	vst v63  }
0x23: {  	s10 =	sadd.s32 $0x8000, s9;
	s14 =	sadd.s32 $0x20, s4;
	s15 =	simm.s32 @!p0 $0x3  }
0x24: {  	p2 =	sgt.u32 s14, $0x1869;
	s11 =	sadd.s32 $0x8000, s8;
	_ =	swait.ge @!p0 [sflag:s15], $0x2000  }
.LBB2_2:
0x25: {  	s16 =	sadd.s32 @!p2 s12, s7  }
0x26: {  	s17 =	simm.s32 @!p2 $0x0;
	[sflag:s15] =	ssyncset.done @!p0 $0x0;
	s18 =	smov.u32 s13  }
0x27: {  	s13 =	sadd.s32 $0x200, s13;
	s19 =	simm.s32 @!p2 $0x4;
	[sflag:s15] =	ssyncadd.s32 @!p0 $0xFFFFE000  }
0x28: {  	[tilespmem:s17], [sflag:$0x4] =	stream.linear.gather @!p2 [hbm4b:s16+s17], $0x80, $0x38;
	[tilespmem:$0x4100] =	vst v63  }
0x29: {  	p1 =	sne.s32 s13, $0x18800;
	p0 =	por p2, p2;
	_ =	swait.ge @!p2 [sflag:s19], $0x80  }
0x2a: {  	[sflag:s19] =	ssyncset.done @!p0 $0x0  }
0x2b: {  	s12 =	sadd.s32 @!p0 s12, s6;
	s15 =	simm.s32 @!p0 $0x80;
	[sflag:s19] =	ssyncadd.s32 @!p0 $0xFFFFFF80  }
0x2c: {  	[tilespmem:s15], [sflag:$0x4] =	stream.linear.gather @!p0 [hbm4b:s12+s17], $0x80, $0x38;
	[tilespmem:$0x4100] =	vst v63  }
0x2d: {  	s12 =	smov.u32 s18;
	_ =	swait.ge @!p0 [sflag:s19], $0x80  }
0x2e: {  	[sflag:s19] =	ssyncset.done @!p0 $0x0  }
0x2f: {  	s16 =	simm.s32 @!p0 $0x100;
	[sflag:s19] =	ssyncadd.s32 @!p0 $0xFFFFFF80  }
0x30: {  	[tilespmem:s16], [sflag:$0x1] =	stream.indirect.gather @!p0 [hbm4b:s3+s15], $0x40, s17, s15, $0xb8;
	[tilespmem:$0x4100] =	vst v63  }
0x31: {  	s20 =	simm.s32 @!p0 $0x1;
	s18 =	simm.s32 @!p0 $0x2100  }
0x32: {  	[tilespmem:s18], [sflag:$0x2] =	stream.indirect.gather @!p0 [hbm4b:s3+s15], $0x40, s15, s15, $0xb8;
	[tilespmem:$0x4100] =	vst v63  }
0x33: {  	_ =	swait.ge @!p0 [sflag:s20], $0x2000  }
0x34: {  	[sflag:s20] =	ssyncset.done @!p0 $0x0  }
0x35: {  	s15 =	simm.s32 @!p0 $0x2;
	[sflag:s20] =	ssyncadd.s32 @!p0 $0xFFFFE000  }
0x36: {  	_ =	swait.ge @!p0 [sflag:s15], $0x2000  }
0x37: {  	[sflag:s15] =	ssyncset.done @!p0 $0x0  }
0x38: {  	[sflag:s15] =	ssyncadd.s32 @!p0 $0xFFFFE000  }
0x39: {  	[hbm4b:s10+s17] =	stream.linear.scatter @!p0 [tilespmem:s16], [sflag:$0x4], $0x2000, $0x38;
	[tilespmem:$0x4100] =	vst v63  }
.Ltmp0:
0x3a: {  	_ =	swait.ge @!p0 [sflag:s19], $0x2000;
	(pc) =	sbr.rel @p1 .LBB2_2-.Ltmp0, $4  }
0x3b: {  	s10 =	sadd.s32 $0x8000, s10;
	[sflag:s19] =	ssyncset.done @!p0 $0x0  }
0x3c: {  	s14 =	sadd.s32 $0x20, s14;
	s15 =	simm.s32 @!p0 $0x3;
	[sflag:s19] =	ssyncadd.s32 @!p0 $0xFFFFE000  }
0x3d: {  	[hbm4b:s11+s17] =	stream.linear.scatter @!p0 [tilespmem:s18], [sflag:$0x3], $0x2000, $0x38;
	[tilespmem:$0x4100] =	vst v63  }
0x3e: {  	p2 =	sgt.u32 s14, $0x1869;
	s11 =	sadd.s32 $0x8000, s11;
	_ =	swait.ge @!p0 [sflag:s15], $0x2000  }
0x3f: {  	s13 =	sadd.s32 @!p2 s12, s7;
	[sflag:s15] =	ssyncset.done @!p0 $0x0  }
0x40: {  	s14 =	simm.s32 @!p2 $0x0;
	s16 =	simm.s32 @!p2 $0x4;
	[sflag:s15] =	ssyncadd.s32 @!p0 $0xFFFFE000  }
0x41: {  	[tilespmem:s14], [sflag:$0x4] =	stream.linear.gather @!p2 [hbm4b:s13+s14], $0x80, $0x38;
	[tilespmem:$0x4100] =	vst v63  }
0x42: {  	p0 =	por p2, p2;
	_ =	swait.ge @!p2 [sflag:s16], $0x80  }
0x43: {  	[sflag:s16] =	ssyncset.done @!p0 $0x0  }
0x44: {  	s12 =	sadd.s32 @!p0 s12, s6;
	s13 =	simm.s32 @!p0 $0x80;
	[sflag:s16] =	ssyncadd.s32 @!p0 $0xFFFFFF80  }
0x45: {  	[tilespmem:s13], [sflag:$0x4] =	stream.linear.gather @!p0 [hbm4b:s12+s14], $0x80, $0x38;
	[tilespmem:$0x4100] =	vst v63  }
0x46: {  	_ =	swait.ge @!p0 [sflag:s16], $0x80  }
0x47: {  	[sflag:s16] =	ssyncset.done @!p0 $0x0  }
0x48: {  	s12 =	simm.s32 @!p0 $0x100;
	[sflag:s16] =	ssyncadd.s32 @!p0 $0xFFFFFF80  }
0x49: {  	[tilespmem:s12], [sflag:$0x1] =	stream.indirect.gather @!p0 [hbm4b:s3+s13], $0x40, s14, s13, $0xb8;
	[tilespmem:$0x4100] =	vst v63  }
0x4a: {  	s15 =	simm.s32 @!p0 $0x2100;
	s17 =	simm.s32 @!p0 $0x1  }
0x4b: {  	[tilespmem:s15], [sflag:$0x2] =	stream.indirect.gather @!p0 [hbm4b:s3+s13], $0x40, s13, s13, $0xb8;
	[tilespmem:$0x4100] =	vst v63  }
0x4c: {  	_ =	swait.ge @!p0 [sflag:s17], $0x2000  }
0x4d: {  	[sflag:s17] =	ssyncset.done @!p0 $0x0  }
0x4e: {  	s13 =	simm.s32 @!p0 $0x2;
	[sflag:s17] =	ssyncadd.s32 @!p0 $0xFFFFE000  }
0x4f: {  	_ =	swait.ge @!p0 [sflag:s13], $0x2000  }
0x50: {  	[sflag:s13] =	ssyncset.done @!p0 $0x0  }
0x51: {  	[sflag:s13] =	ssyncadd.s32 @!p0 $0xFFFFE000  }
0x52: {  	[hbm4b:s10+s14] =	stream.linear.scatter @!p0 [tilespmem:s12], [sflag:$0x4], $0x2000, $0x38;
	[tilespmem:$0x4100] =	vst v63  }
0x53: {  	s2 =	sadd.s32 $0x1, s2;
	_ =	swait.ge @!p0 [sflag:s16], $0x2000  }
0x54: {  	p1 =	sne.s32 s2, s5;
	[sflag:s16] =	ssyncset.done @!p0 $0x0  }
.Ltmp1:
0x55: {  	s10 =	simm.s32 @!p0 $0x3;
	[sflag:s16] =	ssyncadd.s32 @!p0 $0xFFFFE000;
	(pc) =	sbr.rel @p1 .LBB2_1-.Ltmp1, $4  }
0x56: {  	[hbm4b:s11+s14] =	stream.linear.scatter @!p0 [tilespmem:s15], [sflag:$0x3], $0x2000, $0x38;
	[tilespmem:$0x4100] =	vst v63  }
0x57: {  	_ =	swait.ge @!p0 [sflag:s10], $0x2000  }
0x58: {  	[sflag:s10] =	ssyncset.done @!p0 $0x0  }
0x59: {  	[sflag:s10] =	ssyncadd.s32 @!p0 $0xFFFFE000  }
0x5a: {  	_ =	sfence.sel $0x180000  }
0x5b: {  	[bflag:$0x0] =	sbarrier.arrive $0xFFFF  }
0x5c: {  	p0 =	sne.s32 s1, $0x0;
	_ =	strace $0x9000005F  }
0x5d: {  	s0 =	sadd.s32 @!p0 $0x100000, s0;
	[bflag:$0x2] =	sbarrier.arrive $0xFFFF  }
0x5e: {  	[sflag:s0] =	ssyncadd.tile.s32 @!p0 $0x1;
	_ =	shalt  }
.Lfunc_end2:
_tile_overlayer_lowered:
.L_overlay_start_2:
0x5f: {  	(tag) =	ssettag $0x2  }
0x60: {  	s0 =	rddreg [dreg:$0x0];
	s2 =	stileid.u32  }
0x61: {  	s1 =	rddreg [dreg:$0x1];
	p0 =	sne.s32 s2, $0x0  }
0x62: {  	s3 =	rddreg [dreg:$0x2];
	[bflag:$0x3] =	sbarrier.arrive $0xFFFF;
	s2 =	simm.s32 @!p0 $0x1C03  }
0x63: {  	[timem:s3], [sflag:s2] =	dma.local @!p0 [hbm:s0], s1  }
0x64: {  	s0 =	simm.s32 @!p0 $0x3  }
0x65: {  	_ =	swait.ge @!p0 [sflag:s0], s1  }
0x66: {  	s1 =	ssub.s32 @!p0 $0x0, s1;
	[sflag:s0] =	ssyncset.done @!p0 $0x0  }
0x67: {  	[sflag:s0] =	ssyncadd.s32 @!p0 s1  }
0x68: {  	[bflag:$0x3] =	sbarrier.arrive $0xFFFF  }
0x69: {  	_ =	shalt  }

// kernel: kernel.52.cloned.1.call-start
scs
__scs_entry_jumppad:
0x0: {  	(pc) =	sbr.rel $0x88, $3  }
0x1: {  	(tag) =	ssettag $0x0;
	lr =	simm.s32 $0x1  }
0x2: {  	[smem:$0x3F6B] =	sst lr;
	_ =	strace $0xD0000000  }
0x3: {  	_ = 	snop  }
0x4: {  	_ = 	snop  }
0x5: {  	_ = 	snop  }
0x6: {  	_ = 	snop  }
0x7: {  	_ = 	snop  }
__scs_overlays_trampoline_lowered:
0x8: {  	[smem:$0x3F7A] =	sst s0  }
0x9: {  	[smem:$0x3F7B] =	sst s1  }
0xa: {  	[smem:$0x3F7C] =	sst s2  }
0xb: {  	[smem:$0x3F7D] =	sst s3  }
0xc: {  	[smem:$0x3F7E] =	sst s4  }
0xd: {  	[smem:$0x3F7F] =	sst s5  }
0xe: {  	[smem:$0x3F80] =	sst s6  }
0xf: {  	[smem:$0x3F81] =	sst s7  }
0x10: {  	[smem:$0x3F82] =	sst s8  }
0x11: {  	[smem:$0x3F83] =	sst s9;
	s0 =	simm.s32 @!p0 $0x0  }
0x12: {  	s1 =	sld [smem:$0x3F69];
	s0 =	simm.s32 @p0 $0x1  }
0x13: {  	[smem:$0x3F84] =	sst s0;
	s0 =	simm.s32 @!p1 $0x0  }
0x14: {  	s2 =	sld [smem:$0x3F68];
	s0 =	simm.s32 @p1 $0x1  }
0x15: {  	[smem:$0x3F85] =	sst s0;
	s0 =	simm.s32 @!p2 $0x0  }
0x16: {  	s3 =	sld [smem:$0x3FDB];
	s0 =	simm.s32 @p2 $0x1  }
0x17: {  	s4 =	simm.s32 $0x1BF5;
	[smem:$0x3F87] =	sst s0  }
0x18: {  	s0 =	sld [smem:$0x3F6A];
	_ =	swait.ge [sflag:s4], $0x0  }
0x19: {  	s7 =	sld [smem:$0x3F6B]  }
0x1a: {  	s8 =	sadd.s32 $0xFFFFE003, lr  }
0x1b: {  	s9 =	sadd.s32 $0xFFFFFEF7, lr;
	s5 =	simm.s32 $0xFFFFFFFF;
	p2 =	slt.u32 s8, $0xFFFFF086  }
0x1c: {  	p1 =	slt.u32 s9, $0xF7A;
	s5 =	simm.s32 @!p2 $0x0  }
0x1d: {  	s5 =	simm.s32 @p1 $0x1;
	p0 =	seq.s32 s7, s2  }
0x1e: {  	s7 =	smul.u32 @!p0 $0xF7A, s2;
	p2 =	seq.s32 @!p0 s5, $0x0  }
0x1f: {  	s9 =	smul.u32 $0xF7A, s1;
	s8 =	simm.s32 @!p0 $0x1BF5;
	p2 =	por !p2, p0  }
0x20: {  	[sflag:s8] =	ssyncset.s32 @!p0 $0xFFFFF086;
	s6 =	sadd.s32 @!p0 s3, s7;
	s7 =	simm.s32 @!p0 $0x108  }
0x21: {  	s3 =	sadd.s32 s3, s9;
	s6 =	sadd.s32 @!p0 $0x88, s6;
	s7 =	simm.s32 @p2 $0x1082  }
0x22: {  	[simem:s7], [sflag:s8] =	dma.local @!p0 [hbm:s6], $0xF7A  }
0x23: {  	s9 =	sor.u32 $0xD0000000, s2;
	s6 =	simm.s32 $0x108;
	_ =	swait.ge @!p0 [sflag:s8], $0x0  }
0x24: {  	s3 =	sadd.s32 $0x88, s3;
	s6 =	simm.s32 @!p1 $0x1082;
	[sflag:s4] =	ssyncset.s32 $0xFFFFF086  }
0x25: {  	[simem:s6], [sflag:s4] =	dma.local [hbm:s3], $0xF7A  }
0x26: {  	[smem:$0x3F6B] =	sst s1;
	(tag) =	ssettag s2;
	_ =	strace s9  }
0x27: {  	s1 =	sld [smem:$0x3F7B]  }
0x28: {  	s2 =	sld [smem:$0x3F7C]  }
0x29: {  	s4 =	sld [smem:$0x3F7E]  }
0x2a: {  	p0 =	seq.s32 s5, $0x0;
	s5 =	sld [smem:$0x3F7F]  }
0x2b: {  	s6 =	sld [smem:$0x3F80]  }
0x2c: {  	s7 =	sld [smem:$0x3F81]  }
0x2d: {  	s3 =	simm.s32 $0x108;
	s8 =	sld [smem:$0x3F82]  }
0x2e: {  	s3 =	simm.s32 @!p0 $0x1082;
	s9 =	sld [smem:$0x3F83]  }
0x2f: {  	lr =	sadd.s32 s0, s3;
	s0 =	sld [smem:$0x3F7A]  }
0x30: {  	s3 =	sld [smem:$0x3F7D]  }
0x31: {  	[smem:$0x3F86] =	sst s10  }
0x32: {  	s10 =	sld [smem:$0x3F84];
	_ =	sdelay $0x3  }
0x33: {  	p0 =	seq.s32 s10, $0x1;
	s10 =	sld [smem:$0x3F86];
	_ =	sdelay $0x3  }
0x34: {  	[smem:$0x3F86] =	sst s10  }
0x35: {  	s10 =	sld [smem:$0x3F85];
	_ =	sdelay $0x3  }
0x36: {  	p1 =	seq.s32 s10, $0x1;
	s10 =	sld [smem:$0x3F86];
	_ =	sdelay $0x3  }
0x37: {  	[smem:$0x3F86] =	sst s10  }
0x38: {  	s10 =	sld [smem:$0x3F87]  }
0x39: {  	_ = 	snop;
	(pc) =	sbr.ind lr, $3  }
0x3a: {  	_ = 	snop  }
0x3b: {  	_ = 	snop  }
0x3c: {  	p2 =	seq.s32 s10, $0x1;
	s10 =	sld [smem:$0x3F86]  }
0x3d: {  	_ =	shalt  }
0x3e: {  	_ =	shalt  }
0x3f: {  	_ =	shalt  }
0x40: {  	_ =	shalt  }
0x41: {  	_ =	shalt  }
0x42: {  	_ =	shalt  }
0x43: {  	_ =	shalt  }
0x44: {  	_ =	shalt  }
0x45: {  	_ =	shalt  }
0x46: {  	_ =	shalt  }
0x47: {  	_ =	shalt  }
0x48: {  	_ =	shalt  }
0x49: {  	_ =	shalt  }
0x4a: {  	_ =	shalt  }
0x4b: {  	_ =	shalt  }
0x4c: {  	_ =	shalt  }
0x4d: {  	_ =	shalt  }
0x4e: {  	_ =	shalt  }
0x4f: {  	_ =	shalt  }
0x50: {  	_ =	shalt  }
0x51: {  	_ =	shalt  }
0x52: {  	_ =	shalt  }
0x53: {  	_ =	shalt  }
0x54: {  	_ =	shalt  }
0x55: {  	_ =	shalt  }
0x56: {  	_ =	shalt  }
0x57: {  	_ =	shalt  }
0x58: {  	_ =	shalt  }
0x59: {  	_ =	shalt  }
0x5a: {  	_ =	shalt  }
0x5b: {  	_ =	shalt  }
0x5c: {  	_ =	shalt  }
0x5d: {  	_ =	shalt  }
0x5e: {  	_ =	shalt  }
0x5f: {  	_ =	shalt  }
0x60: {  	_ =	shalt  }
0x61: {  	_ =	shalt  }
0x62: {  	_ =	shalt  }
0x63: {  	_ =	shalt  }
0x64: {  	_ =	shalt  }
0x65: {  	_ =	shalt  }
0x66: {  	_ =	shalt  }
0x67: {  	_ =	shalt  }
0x68: {  	_ =	shalt  }
0x69: {  	_ =	shalt  }
0x6a: {  	_ =	shalt  }
0x6b: {  	_ =	shalt  }
0x6c: {  	_ =	shalt  }
0x6d: {  	_ =	shalt  }
0x6e: {  	_ =	shalt  }
0x6f: {  	_ =	shalt  }
0x70: {  	_ =	shalt  }
0x71: {  	_ =	shalt  }
0x72: {  	_ =	shalt  }
0x73: {  	_ =	shalt  }
0x74: {  	_ =	shalt  }
0x75: {  	_ =	shalt  }
0x76: {  	_ =	shalt  }
0x77: {  	_ =	shalt  }
0x78: {  	_ =	shalt  }
0x79: {  	_ =	shalt  }
0x7a: {  	_ =	shalt  }
0x7b: {  	_ =	shalt  }
0x7c: {  	_ =	shalt  }
0x7d: {  	_ =	shalt  }
0x7e: {  	_ =	shalt  }
0x7f: {  	_ =	shalt  }
0x80: {  	_ =	shalt  }
0x81: {  	_ =	shalt  }
0x82: {  	_ =	shalt  }
0x83: {  	_ =	shalt  }
0x84: {  	_ =	shalt  }
0x85: {  	_ =	shalt  }
0x86: {  	_ =	shalt  }
0x87: {  	_ =	shalt  }
.Lfunc_end0:
.L_simem_size_0:
called_computation.9_lowered:
.L_overlay_start_0:
0x88: {  	s2 =	sld [smem:$0x3FD9]  }
0x89: {  	s3 =	sld [smem:$0x3FFE];
	_ =	sdelay $0x1  }
0x8a: {  	s1 =	srdreg.scid  }
0x8b: {  	s0 =	sand.u32 $0x1, s1  }
0x8c: {  	s16 =	sshll.u32 s0, $0xA;
	s2 =	sadd.s32 s3, s2  }
0x8d: {  	s2 =	sadd.s32 s2, s16  }
0x8e: {  	[smem:$0x3F92] =	sst s2  }
0x8f: {  	_ = 	snop  }
0x90: {  	(tm) =	ssettm $0x1  }
0x91: {  	s17 =	sld [smem:$0x3FFB];
	_ =	sdelay $0x3  }
0x92: {  	_ =	strace s17  }
0x93: {  	s2 =	sld [smem:$0x3FFC];
	_ =	sdelay $0x3  }
0x94: {  	_ =	strace s2  }
0x95: {  	s2 =	sld [smem:$0x3FFD];
	_ =	sdelay $0x3  }
0x96: {  	_ =	strace s2  }
0x97: {  	_ =	strace $0x8FFFFFFF  }
0x98: {  	s18 =	sld [smem:$0x3FDB];
	_ =	sdelay $0x1  }
0x99: {  	s19 =	simm.s32 $_scs_section_size  }
0x9a: {  	s4 =	simm.s32 $_size__tile_overlayer_lowered;
	s5 =	simm.s32 $_tile_overlayer_lowered  }
0x9b: {  	s22 =	simm.s32 $0x1BFF;
	s21 =	sshll.u32 s5, $0x1;
	s2 =	sadd.s32 s19, s18  }
0x9c: {  	s6 =	simm.s32 $0x0;
	s20 =	sshll.u32 s4, $0x1;
	s4 =	sadd.s32 s21, s2  }
0x9d: {  	[timem:s6], [sflag:s22] =	dma.local [hbm:s4], s20  }
0x9e: {  	_ =	swait.ge [sflag:s22], s20  }
0x9f: {  	s3 =	ssub.s32 $0x0, s20;
	[sflag:s22] =	ssyncset.done $0x0  }
0xa0: {  	[sflag:s22] =	ssyncadd.s32 s3;
	_ =	sdelay $0x1  }
0xa1: {  	s23 =	simm.s32 $0x1B8B  }
0xa2: {  	_ =	swait.ge [sflag:s23], $0x1  }
0xa3: {  	[sflag:s23] =	ssyncset.done $0x0  }
0xa4: {  	s25 =	simm.s32 $0x1B8E;
	s24 =	sld [smem:$0x3FFE];
	[sflag:s23] =	ssyncadd.s32 $0xFFFFFFFF  }
0xa5: {  	s26 =	simm.s32 $execute0_lowered;
	[smem:$0x3FD2] =	sst s25  }
0xa6: {  	s4 =	sshll.u32 s26, $0x1;
	_ =	strace $0x80000061;
	[dreg:$0x1] =	wrdreg $0xFFFFFFFF  }
0xa7: {  	s28 =	simm.s32 $_size_execute0_lowered;
	s2 =	sadd.s32 s2, s4;
	[dreg:$0x0] =	wrdreg $0x0  }
0xa8: {  	s4 =	sshll.u32 s28, $0x1;
	[dreg:$0x2] =	wrdreg s2  }
0xa9: {  	[dreg:$0x3] =	wrdreg s4  }
0xaa: {  	[dreg:$0x4] =	wrdreg $0xC0  }
0xab: {  	_ =	task [dreg:s6], $0x5FFFF  }
0xac: {  	[dreg:$0x1] =	wrdreg $0xFFFFFFFF  }
0xad: {  	[dreg:$0x0] =	wrdreg $0x60  }
0xae: {  	[dreg:$0x2] =	wrdreg s24  }
0xaf: {  	[dreg:$0x3] =	wrdreg $0xCBD00  }
0xb0: {  	[dreg:$0x4] =	wrdreg $0x9  }
0xb1: {  	_ =	task.clear_ibuf [dreg:s6], $0x5FFFF;
	_ =	strace $0x90000061  }
0xb2: {  	s29 =	simm.s32 $0x9;
	_ =	strace $0x80000063  }
0xb3: {  	_ =	swait.ge [sflag:s29], $0x1  }
0xb4: {  	[sflag:s29] =	ssyncadd.s32 $0xFFFFFFFF  }
0xb5: {  	_ =	strace $0x90000063  }
0xb6: {  	_ =	sfence  }
0xb7: {  	s30 =	sld [smem:$0x0];
	_ =	sdelay $0x2  }
0xb8: {  	s31 =	sshll.u32 s1, $0xD;
	s1 =	sshrl.u32 s1, $0x2  }
0xb9: {  	s3 =	sand.u32 $0x4000, s31;
	s1 =	sadd.s32 s1, s30  }
0xba: {  	s0 =	sor.u32 s3, s0;
	s1 =	sshll.u32 s1, $0x11  }
0xbb: {  	s0 =	sor.u32 s1, s0  }
0xbc: {  	s0 =	sadd.s32 $0x8F2B, s0  }
0xbd: {  	[sflag:s0] =	ssyncadd.remote.s32 $0x1  }
0xbe: {  	_ =	sfence.sel $0xFFFF  }
0xbf: {  	[dreg:$0x0] =	wrdreg $0xFFFFFFFF;
	(pc) =	sbr.abs _section_cstart, $3  }
0xc0: {  	[dreg:$0x1] =	wrdreg $0xFFFFFFFF  }
0xc1: {  	_ =	task.clear_ibuf [dreg:s6], $0x2FFFF;
	_ =	strace $0x9FFFFFFF  }
0xc2: {  	(tm) =	ssettm $0x7FFFFFFF  }
0xc3: {  	_ =	shalt  }
tec
execute0_lowered:
.L_overlay_start_1:
0x0: {  	(tag) =	ssettag $0x1  }
0x1: {  	s4 =	rddreg [dreg:$0x0]  }
0x2: {  	s2 =	rddreg [dreg:$0x1]  }
0x3: {  	s0 =	rddreg [dreg:$0x2];
	s1 =	stileid.u32  }
0x4: {  	s5 =	srdreg.scid;
	s3 =	simm.s32 $0x0;
	s12 =	simm.s32 $0x0  }
0x5: {  	s6 =	smul.u32 $0xC350, s1;
	s5 =	sand.u32 $0x1, s5;
	[smem:$0x7FF] =	sst s3  }
0x6: {  	s8 =	sshll.u32 s1, $0x9;
	s9 =	sshll.u32 s1, $0x4;
	s7 =	smul.u32 $0xC3500, s5  }
0x7: {  	_ =	strace $0x80000062;
	s8 =	sadd.s32 s8, s4;
	s9 =	sadd.s32 s9, s4  }
0x8: {  	s11 =	ssub.s32 $0x2, s5;
	s31 =	sshll.u32 s5, $0x1;
	s10 =	sshrl.u32 s6, $0x3  }
0x9: {  	s30 =	sshrl.u32 s11, $0x1;
	s5 =	sadd.s32 s6, s2;
	s7 =	sadd.s32 s6, s7  }
0xa: {  	s10 =	sadd.s32 s10, s4;
	s11 =	ssub.s32 s11, s30;
	s7 =	sshrl.u32 s7, $0x3  }
0xb: {  	s7 =	sadd.s32 s7, s4;
	s4 =	sadd.s32 $0x35CA00, s10;
	s10 =	sadd.s32 s31, s8  }
0xc: {  	s8 =	sadd.s32 $0x1E600, s9;
	s6 =	sadd.s32 $0x376C00, s7;
	s7 =	smax.u32 s11, $0x1  }
0xd: {  	s9 =	sadd.s32 $0x36E00, s10;
	s10 =	simm.s32 $0x880;
	s11 =	simm.s32 $0x1  }
.LBB2_1:
0xe: {  	[tilespmem:s10], [sflag:$0x1] =	stream.linear.gather [hbm4b:s4+s3], $0xC350, $0x38;
	[tilespmem:$0x18F20] =	vst v63  }
0xf: {  	_ =	swait.ge [sflag:s11], $0xC350  }
0x10: {  	[sflag:s11] =	ssyncset.done $0x0  }
0x11: {  	[sflag:s11] =	ssyncadd.s32 $0xFFFF3CB0  }
0x12: {  	[spmem:s5] =	stream.linear.scatter [tilespmem:s10], [sflag:$0x1], $0xC350, $0x38;
	[tilespmem:$0x18F20] =	vst v63  }
0x13: {  	_ =	swait.ge [sflag:s11], $0xC350  }
0x14: {  	s13 =	sadd.s32 $0x0, s1;
	[sflag:s11] =	ssyncset.done $0x0  }
0x15: {  	p0 =	sgt.u32 s13, $0x1869;
	[sflag:s11] =	ssyncadd.s32 $0xFFFF3CB0  }
0x16: {  	s13 =	simm.s32 @!p0 $0x0;
	s15 =	simm.s32 @!p0 $0x2;
	[bflag:$0x0] =	sbarrier.arrive $0xFFFF  }
0x17: {  	[tilespmem:s13], [sflag:$0x2] =	stream.linear.gather @!p0 [hbm4b:s8+s13], $0x80, $0x38;
	[tilespmem:$0x18F20] =	vst v63  }
0x18: {  	_ =	swait.ge @!p0 [sflag:s15], $0x80  }
0x19: {  	s17 =	simm.s32 @!p0 $0x80;
	[sflag:s15] =	ssyncset.done @!p0 $0x0  }
0x1a: {  	s14 =	simm.s32 @!p0 $0x10;
	s16 =	simm.s32 @!p0 $0x20;
	[sflag:s15] =	ssyncadd.s32 @!p0 $0xFFFFFF80  }
0x1b: {  	[tilespmem:s17], [sflag:$0x2] =	stream.strided.gather @!p0 [hbm4b:s9+s14], $0x800, s16, s14, $0x38;
	[tilespmem:$0x18F20] =	vst v63  }
0x1c: {  	p1 =	por p0, p0;
	_ =	swait.ge @!p0 [sflag:s15], $0x800  }
0x1d: {  	[sflag:s15] =	ssyncset.done @!p1 $0x0  }
0x1e: {  	s31 =	sadd.s32 $0x10, s1;
	s16 =	simm.s32 @!p1 $0x1;
	[sflag:s15] =	ssyncadd.s32 @!p1 $0xFFFFF800  }
0x1f: {  	[spmem:s2] =	stream.indirect.scatter.add.f32 @!p1 [tilespmem:s17], [sflag:$0x1], $0x10, s13, s17, $0xb8;
	[tilespmem:$0x18F20] =	vst v63  }
0x20: {  	s14 =	simm.s32 $0x20;
	p0 =	sgt.u32 s31, $0x1869;
	_ =	swait.ge @!p1 [sflag:s16], $0x800  }
0x21: {  	s15 =	sadd.s32 $0x100, s8;
	s13 =	sadd.s32 $0x2000, s9;
	[sflag:s16] =	ssyncset.done @!p1 $0x0  }
.LBB2_2:
0x22: {  	s17 =	simm.s32 @!p0 $0x0;
	s18 =	simm.s32 @!p0 $0x2;
	[sflag:s16] =	ssyncadd.s32 @!p1 $0xFFFFF800  }
0x23: {  	[tilespmem:s17], [sflag:$0x2] =	stream.linear.gather @!p0 [hbm4b:s15+s17], $0x80, $0x38;
	[tilespmem:$0x18F20] =	vst v63  }
0x24: {  	s19 =	smov.u32 s14;
	s14 =	sadd.s32 $0x10, s14;
	_ =	swait.ge @!p0 [sflag:s18], $0x80  }
0x25: {  	s20 =	simm.s32 @!p0 $0x80;
	p2 =	sne.s32 s14, $0x1870;
	[sflag:s18] =	ssyncset.done @!p0 $0x0  }
0x26: {  	s16 =	simm.s32 @!p0 $0x10;
	s21 =	simm.s32 @!p0 $0x20;
	[sflag:s18] =	ssyncadd.s32 @!p0 $0xFFFFFF80  }
0x27: {  	[tilespmem:s20], [sflag:$0x2] =	stream.strided.gather @!p0 [hbm4b:s13+s16], $0x800, s21, s16, $0x38;
	[tilespmem:$0x18F20] =	vst v63  }
0x28: {  	p1 =	por p0, p0;
	_ =	swait.ge @!p0 [sflag:s18], $0x800  }
.Ltmp0:
0x29: {  	[sflag:s18] =	ssyncset.done @!p1 $0x0;
	(pc) =	sbr.rel @p2 .LBB2_2-.Ltmp0, $4  }
0x2a: {  	s16 =	simm.s32 @!p1 $0x1;
	[sflag:s18] =	ssyncadd.s32 @!p1 $0xFFFFF800  }
0x2b: {  	[spmem:s2] =	stream.indirect.scatter.add.f32 @!p1 [tilespmem:s20], [sflag:$0x1], $0x10, s17, s20, $0xb8;
	[tilespmem:$0x18F20] =	vst v63  }
0x2c: {  	s13 =	sadd.s32 $0x2000, s13;
	s17 =	sadd.s32 s19, s1;
	_ =	swait.ge @!p1 [sflag:s16], $0x800  }
0x2d: {  	s15 =	sadd.s32 $0x100, s15;
	p0 =	sgt.u32 s17, $0x1869;
	[sflag:s16] =	ssyncset.done @!p1 $0x0  }
0x2e: {  	s14 =	simm.s32 @!p0 $0x0;
	s17 =	simm.s32 @!p0 $0x2;
	[sflag:s16] =	ssyncadd.s32 @!p1 $0xFFFFF800  }
0x2f: {  	[tilespmem:s14], [sflag:$0x2] =	stream.linear.gather @!p0 [hbm4b:s15+s14], $0x80, $0x38;
	[tilespmem:$0x18F20] =	vst v63  }
0x30: {  	_ =	swait.ge @!p0 [sflag:s17], $0x80  }
0x31: {  	s16 =	simm.s32 @!p0 $0x10;
	[sflag:s17] =	ssyncset.done @!p0 $0x0  }
0x32: {  	s18 =	simm.s32 @!p0 $0x20;
	s15 =	simm.s32 @!p0 $0x80;
	[sflag:s17] =	ssyncadd.s32 @!p0 $0xFFFFFF80  }
0x33: {  	[tilespmem:s15], [sflag:$0x2] =	stream.strided.gather @!p0 [hbm4b:s13+s16], $0x800, s18, s16, $0x38;
	[tilespmem:$0x18F20] =	vst v63  }
0x34: {  	_ =	swait.ge @!p0 [sflag:s17], $0x800;
	p0 =	por p0, p0  }
0x35: {  	[sflag:s17] =	ssyncset.done @!p0 $0x0  }
0x36: {  	s13 =	simm.s32 @!p0 $0x1;
	[sflag:s17] =	ssyncadd.s32 @!p0 $0xFFFFF800  }
0x37: {  	[spmem:s2] =	stream.indirect.scatter.add.f32 @!p0 [tilespmem:s15], [sflag:$0x1], $0x10, s14, s15, $0xb8;
	[tilespmem:$0x18F20] =	vst v63  }
0x38: {  	_ =	swait.ge @!p0 [sflag:s13], $0x800  }
0x39: {  	[sflag:s13] =	ssyncset.done @!p0 $0x0  }
0x3a: {  	[sflag:s13] =	ssyncadd.s32 @!p0 $0xFFFFF800  }
0x3b: {  	[bflag:$0x0] =	sbarrier.arrive $0xFFFF  }
0x3c: {  	[tilespmem:s10], [sflag:$0x1] =	stream.linear.gather [spmem:s5], $0xC350, $0x38;
	[tilespmem:$0x18F20] =	vst v63  }
0x3d: {  	s12 =	sadd.s32 $0x1, s12;
	_ =	swait.ge [sflag:s11], $0xC350  }
0x3e: {  	p0 =	sne.s32 s12, s7;
	[sflag:s11] =	ssyncset.done $0x0  }
.Ltmp1:
0x3f: {  	[sflag:s11] =	ssyncadd.s32 $0xFFFF3CB0;
	(pc) =	sbr.rel @p0 .LBB2_1-.Ltmp1, $4  }
0x40: {  	[hbm4b:s6+s3] =	stream.linear.scatter [tilespmem:s10], [sflag:$0x1], $0xC350, $0x38;
	[tilespmem:$0x18F20] =	vst v63  }
0x41: {  	_ =	swait.ge [sflag:s11], $0xC350  }
0x42: {  	[sflag:s11] =	ssyncset.done $0x0  }
0x43: {  	[sflag:s11] =	ssyncadd.s32 $0xFFFF3CB0  }
0x44: {  	_ =	sfence.sel $0x180000  }
0x45: {  	[bflag:$0x0] =	sbarrier.arrive $0xFFFF  }
0x46: {  	p0 =	sne.s32 s1, $0x0;
	_ =	strace $0x90000062  }
0x47: {  	s0 =	sadd.s32 @!p0 $0x100000, s0;
	[bflag:$0x2] =	sbarrier.arrive $0xFFFF  }
0x48: {  	[sflag:s0] =	ssyncadd.tile.s32 @!p0 $0x1;
	_ =	shalt  }
.Lfunc_end2:
_tile_overlayer_lowered:
.L_overlay_start_2:
0x49: {  	(tag) =	ssettag $0x2  }
0x4a: {  	s0 =	rddreg [dreg:$0x0];
	s2 =	stileid.u32  }
0x4b: {  	s1 =	rddreg [dreg:$0x1];
	p0 =	sne.s32 s2, $0x0  }
0x4c: {  	s3 =	rddreg [dreg:$0x2];
	[bflag:$0x3] =	sbarrier.arrive $0xFFFF;
	s2 =	simm.s32 @!p0 $0x1C01  }
0x4d: {  	[timem:s3], [sflag:s2] =	dma.local @!p0 [hbm:s0], s1  }
0x4e: {  	s0 =	simm.s32 @!p0 $0x1  }
0x4f: {  	_ =	swait.ge @!p0 [sflag:s0], s1  }
0x50: {  	s1 =	ssub.s32 @!p0 $0x0, s1;
	[sflag:s0] =	ssyncset.done @!p0 $0x0  }
0x51: {  	[sflag:s0] =	ssyncadd.s32 @!p0 s1  }
0x52: {  	[bflag:$0x3] =	sbarrier.arrive $0xFFFF  }
0x53: {  	_ =	shalt  }

// kernel: kernel.55.cloned.1.call-start
scs
__scs_entry_jumppad:
0x0: {  	(pc) =	sbr.rel $0x88, $3  }
0x1: {  	(tag) =	ssettag $0x0;
	lr =	simm.s32 $0x1  }
0x2: {  	[smem:$0x3F6B] =	sst lr;
	_ =	strace $0xD0000000  }
0x3: {  	_ = 	snop  }
0x4: {  	_ = 	snop  }
0x5: {  	_ = 	snop  }
0x6: {  	_ = 	snop  }
0x7: {  	_ = 	snop  }
__scs_overlays_trampoline_lowered:
0x8: {  	[smem:$0x3F7A] =	sst s0  }
0x9: {  	[smem:$0x3F7B] =	sst s1  }
0xa: {  	[smem:$0x3F7C] =	sst s2  }
0xb: {  	[smem:$0x3F7D] =	sst s3  }
0xc: {  	[smem:$0x3F7E] =	sst s4  }
0xd: {  	[smem:$0x3F7F] =	sst s5  }
0xe: {  	[smem:$0x3F80] =	sst s6  }
0xf: {  	[smem:$0x3F81] =	sst s7  }
0x10: {  	[smem:$0x3F82] =	sst s8  }
0x11: {  	[smem:$0x3F83] =	sst s9;
	s0 =	simm.s32 @!p0 $0x0  }
0x12: {  	s1 =	sld [smem:$0x3F69];
	s0 =	simm.s32 @p0 $0x1  }
0x13: {  	[smem:$0x3F84] =	sst s0;
	s0 =	simm.s32 @!p1 $0x0  }
0x14: {  	s2 =	sld [smem:$0x3F68];
	s0 =	simm.s32 @p1 $0x1  }
0x15: {  	[smem:$0x3F85] =	sst s0;
	s0 =	simm.s32 @!p2 $0x0  }
0x16: {  	s3 =	sld [smem:$0x3FDB];
	s0 =	simm.s32 @p2 $0x1  }
0x17: {  	s4 =	simm.s32 $0x1BF5;
	[smem:$0x3F87] =	sst s0  }
0x18: {  	s0 =	sld [smem:$0x3F6A];
	_ =	swait.ge [sflag:s4], $0x0  }
0x19: {  	s7 =	sld [smem:$0x3F6B]  }
0x1a: {  	s8 =	sadd.s32 $0xFFFFE003, lr  }
0x1b: {  	s9 =	sadd.s32 $0xFFFFFEF7, lr;
	s5 =	simm.s32 $0xFFFFFFFF;
	p2 =	slt.u32 s8, $0xFFFFF086  }
0x1c: {  	p1 =	slt.u32 s9, $0xF7A;
	s5 =	simm.s32 @!p2 $0x0  }
0x1d: {  	s5 =	simm.s32 @p1 $0x1;
	p0 =	seq.s32 s7, s2  }
0x1e: {  	s7 =	smul.u32 @!p0 $0xF7A, s2;
	p2 =	seq.s32 @!p0 s5, $0x0  }
0x1f: {  	s9 =	smul.u32 $0xF7A, s1;
	s8 =	simm.s32 @!p0 $0x1BF5;
	p2 =	por !p2, p0  }
0x20: {  	[sflag:s8] =	ssyncset.s32 @!p0 $0xFFFFF086;
	s6 =	sadd.s32 @!p0 s3, s7;
	s7 =	simm.s32 @!p0 $0x108  }
0x21: {  	s3 =	sadd.s32 s3, s9;
	s6 =	sadd.s32 @!p0 $0x88, s6;
	s7 =	simm.s32 @p2 $0x1082  }
0x22: {  	[simem:s7], [sflag:s8] =	dma.local @!p0 [hbm:s6], $0xF7A  }
0x23: {  	s9 =	sor.u32 $0xD0000000, s2;
	s6 =	simm.s32 $0x108;
	_ =	swait.ge @!p0 [sflag:s8], $0x0  }
0x24: {  	s3 =	sadd.s32 $0x88, s3;
	s6 =	simm.s32 @!p1 $0x1082;
	[sflag:s4] =	ssyncset.s32 $0xFFFFF086  }
0x25: {  	[simem:s6], [sflag:s4] =	dma.local [hbm:s3], $0xF7A  }
0x26: {  	[smem:$0x3F6B] =	sst s1;
	(tag) =	ssettag s2;
	_ =	strace s9  }
0x27: {  	s1 =	sld [smem:$0x3F7B]  }
0x28: {  	s2 =	sld [smem:$0x3F7C]  }
0x29: {  	s4 =	sld [smem:$0x3F7E]  }
0x2a: {  	p0 =	seq.s32 s5, $0x0;
	s5 =	sld [smem:$0x3F7F]  }
0x2b: {  	s6 =	sld [smem:$0x3F80]  }
0x2c: {  	s7 =	sld [smem:$0x3F81]  }
0x2d: {  	s3 =	simm.s32 $0x108;
	s8 =	sld [smem:$0x3F82]  }
0x2e: {  	s3 =	simm.s32 @!p0 $0x1082;
	s9 =	sld [smem:$0x3F83]  }
0x2f: {  	lr =	sadd.s32 s0, s3;
	s0 =	sld [smem:$0x3F7A]  }
0x30: {  	s3 =	sld [smem:$0x3F7D]  }
0x31: {  	[smem:$0x3F86] =	sst s10  }
0x32: {  	s10 =	sld [smem:$0x3F84];
	_ =	sdelay $0x3  }
0x33: {  	p0 =	seq.s32 s10, $0x1;
	s10 =	sld [smem:$0x3F86];
	_ =	sdelay $0x3  }
0x34: {  	[smem:$0x3F86] =	sst s10  }
0x35: {  	s10 =	sld [smem:$0x3F85];
	_ =	sdelay $0x3  }
0x36: {  	p1 =	seq.s32 s10, $0x1;
	s10 =	sld [smem:$0x3F86];
	_ =	sdelay $0x3  }
0x37: {  	[smem:$0x3F86] =	sst s10  }
0x38: {  	s10 =	sld [smem:$0x3F87]  }
0x39: {  	_ = 	snop;
	(pc) =	sbr.ind lr, $3  }
0x3a: {  	_ = 	snop  }
0x3b: {  	_ = 	snop  }
0x3c: {  	p2 =	seq.s32 s10, $0x1;
	s10 =	sld [smem:$0x3F86]  }
0x3d: {  	_ =	shalt  }
0x3e: {  	_ =	shalt  }
0x3f: {  	_ =	shalt  }
0x40: {  	_ =	shalt  }
0x41: {  	_ =	shalt  }
0x42: {  	_ =	shalt  }
0x43: {  	_ =	shalt  }
0x44: {  	_ =	shalt  }
0x45: {  	_ =	shalt  }
0x46: {  	_ =	shalt  }
0x47: {  	_ =	shalt  }
0x48: {  	_ =	shalt  }
0x49: {  	_ =	shalt  }
0x4a: {  	_ =	shalt  }
0x4b: {  	_ =	shalt  }
0x4c: {  	_ =	shalt  }
0x4d: {  	_ =	shalt  }
0x4e: {  	_ =	shalt  }
0x4f: {  	_ =	shalt  }
0x50: {  	_ =	shalt  }
0x51: {  	_ =	shalt  }
0x52: {  	_ =	shalt  }
0x53: {  	_ =	shalt  }
0x54: {  	_ =	shalt  }
0x55: {  	_ =	shalt  }
0x56: {  	_ =	shalt  }
0x57: {  	_ =	shalt  }
0x58: {  	_ =	shalt  }
0x59: {  	_ =	shalt  }
0x5a: {  	_ =	shalt  }
0x5b: {  	_ =	shalt  }
0x5c: {  	_ =	shalt  }
0x5d: {  	_ =	shalt  }
0x5e: {  	_ =	shalt  }
0x5f: {  	_ =	shalt  }
0x60: {  	_ =	shalt  }
0x61: {  	_ =	shalt  }
0x62: {  	_ =	shalt  }
0x63: {  	_ =	shalt  }
0x64: {  	_ =	shalt  }
0x65: {  	_ =	shalt  }
0x66: {  	_ =	shalt  }
0x67: {  	_ =	shalt  }
0x68: {  	_ =	shalt  }
0x69: {  	_ =	shalt  }
0x6a: {  	_ =	shalt  }
0x6b: {  	_ =	shalt  }
0x6c: {  	_ =	shalt  }
0x6d: {  	_ =	shalt  }
0x6e: {  	_ =	shalt  }
0x6f: {  	_ =	shalt  }
0x70: {  	_ =	shalt  }
0x71: {  	_ =	shalt  }
0x72: {  	_ =	shalt  }
0x73: {  	_ =	shalt  }
0x74: {  	_ =	shalt  }
0x75: {  	_ =	shalt  }
0x76: {  	_ =	shalt  }
0x77: {  	_ =	shalt  }
0x78: {  	_ =	shalt  }
0x79: {  	_ =	shalt  }
0x7a: {  	_ =	shalt  }
0x7b: {  	_ =	shalt  }
0x7c: {  	_ =	shalt  }
0x7d: {  	_ =	shalt  }
0x7e: {  	_ =	shalt  }
0x7f: {  	_ =	shalt  }
0x80: {  	_ =	shalt  }
0x81: {  	_ =	shalt  }
0x82: {  	_ =	shalt  }
0x83: {  	_ =	shalt  }
0x84: {  	_ =	shalt  }
0x85: {  	_ =	shalt  }
0x86: {  	_ =	shalt  }
0x87: {  	_ =	shalt  }
.Lfunc_end0:
.L_simem_size_0:
called_computation.10_lowered:
.L_overlay_start_0:
0x88: {  	s2 =	sld [smem:$0x3FD9]  }
0x89: {  	s3 =	sld [smem:$0x3FFE];
	_ =	sdelay $0x1  }
0x8a: {  	s1 =	srdreg.scid  }
0x8b: {  	s0 =	sand.u32 $0x1, s1  }
0x8c: {  	s17 =	sshll.u32 s0, $0xA;
	s2 =	sadd.s32 s3, s2  }
0x8d: {  	s2 =	sadd.s32 s2, s17  }
0x8e: {  	[smem:$0x3F92] =	sst s2  }
0x8f: {  	_ = 	snop  }
0x90: {  	(tm) =	ssettm $0x1  }
0x91: {  	s18 =	sld [smem:$0x3FFB];
	_ =	sdelay $0x3  }
0x92: {  	_ =	strace s18  }
0x93: {  	s2 =	sld [smem:$0x3FFC];
	_ =	sdelay $0x3  }
0x94: {  	_ =	strace s2  }
0x95: {  	s2 =	sld [smem:$0x3FFD];
	_ =	sdelay $0x3  }
0x96: {  	_ =	strace s2  }
0x97: {  	_ =	strace $0x8FFFFFFF  }
0x98: {  	s19 =	sld [smem:$0x3FDB];
	_ =	sdelay $0x1  }
0x99: {  	s20 =	simm.s32 $_scs_section_size  }
0x9a: {  	s4 =	simm.s32 $_size__tile_overlayer_lowered;
	s5 =	simm.s32 $_tile_overlayer_lowered  }
0x9b: {  	s6 =	simm.s32 $0x1BFF;
	s21 =	sshll.u32 s5, $0x1;
	s3 =	sadd.s32 s20, s19  }
0x9c: {  	s22 =	simm.s32 $0x0;
	s4 =	sshll.u32 s4, $0x1;
	s5 =	sadd.s32 s21, s3  }
0x9d: {  	[timem:s22], [sflag:s6] =	dma.local [hbm:s5], s4  }
0x9e: {  	_ =	swait.ge [sflag:s6], s4  }
0x9f: {  	s4 =	ssub.s32 $0x0, s4;
	[sflag:s6] =	ssyncset.done $0x0  }
0xa0: {  	[sflag:s6] =	ssyncadd.s32 s4;
	_ =	sdelay $0x1  }
0xa1: {  	s23 =	simm.s32 $0x1B8B  }
0xa2: {  	_ =	swait.ge [sflag:s23], $0x1  }
0xa3: {  	[sflag:s23] =	ssyncset.done $0x0  }
0xa4: {  	[sflag:s23] =	ssyncadd.s32 $0xFFFFFFFF  }
0xa5: {  	s4 =	sld [smem:$0x0]  }
0xa6: {  	s5 =	sand.u32 $0xFFFFFFFE, s1  }
0xa7: {  	p0 =	sne.s32 s1, s5  }
0xa8: {  	s5 =	sshll.u32 @p0 s5, $0xE  }
0xa9: {  	s5 =	sadd.s32 @p0 $0x11B8D, s5;
	s6 =	sshll.u32 @p0 s4, $0x11  }
0xaa: {  	s5 =	sor.u32 @p0 s6, s5  }
0xab: {  	[sflag:s5] =	ssyncadd.remote.s32 @p0 $0x1;
	_ =	sdelay $0x1  }
0xac: {  	s5 =	simm.s32 @p0 $0x1B8D  }
0xad: {  	_ =	swait.eq @p0 [sflag:s5], $0x1  }
0xae: {  	[sflag:s5] =	ssyncadd.s32 @p0 $0xFFFFFFFF  }
0xaf: {  	s6 =	sshll.u32 @!p0 s1, $0xE  }
0xb0: {  	s6 =	sor.u32 @!p0 $0x4000, s6;
	s5 =	simm.s32 @!p0 $0x1B8D  }
0xb1: {  	s4 =	sshll.u32 @!p0 s4, $0x11;
	s6 =	sadd.s32 @!p0 $0x11B8D, s6;
	_ =	swait.eq @!p0 [sflag:s5], $0x1  }
0xb2: {  	s4 =	sor.u32 @!p0 s4, s6;
	[sflag:s5] =	ssyncadd.s32 @!p0 $0xFFFFFFFF  }
0xb3: {  	s25 =	simm.s32 $0x1B8E;
	s24 =	sld [smem:$0x3FFE];
	[sflag:s4] =	ssyncadd.remote.s32 @!p0 $0x1  }
0xb4: {  	s26 =	simm.s32 $execute0_lowered;
	[smem:$0x3FD2] =	sst s25  }
0xb5: {  	s5 =	sshll.u32 s26, $0x1;
	_ =	strace $0x80000064;
	[dreg:$0x1] =	wrdreg $0xFFFFFFFF  }
0xb6: {  	s28 =	simm.s32 $_size_execute0_lowered;
	s3 =	sadd.s32 s3, s5;
	[dreg:$0x0] =	wrdreg $0x0  }
0xb7: {  	s5 =	sshll.u32 s28, $0x1;
	[dreg:$0x2] =	wrdreg s3  }
0xb8: {  	[dreg:$0x3] =	wrdreg s5  }
0xb9: {  	[dreg:$0x4] =	wrdreg $0xC0  }
0xba: {  	_ =	task [dreg:s22], $0x5FFFF  }
0xbb: {  	[dreg:$0x1] =	wrdreg $0xFFFFFFFF  }
0xbc: {  	[dreg:$0x0] =	wrdreg $0x60  }
0xbd: {  	[dreg:$0x2] =	wrdreg s24  }
0xbe: {  	[dreg:$0x3] =	wrdreg $0xCBD00  }
0xbf: {  	[dreg:$0x4] =	wrdreg $0xA  }
0xc0: {  	_ =	task.clear_ibuf [dreg:s22], $0x5FFFF;
	_ =	strace $0x90000064  }
0xc1: {  	s29 =	simm.s32 $0xA;
	_ =	strace $0x80000066  }
0xc2: {  	_ =	swait.ge [sflag:s29], $0x1  }
0xc3: {  	[sflag:s29] =	ssyncadd.s32 $0xFFFFFFFF  }
0xc4: {  	_ =	strace $0x90000066  }
0xc5: {  	_ =	sfence  }
0xc6: {  	s30 =	sld [smem:$0x0];
	_ =	sdelay $0x2  }
0xc7: {  	s31 =	sshll.u32 s1, $0xD;
	s1 =	sshrl.u32 s1, $0x2  }
0xc8: {  	s4 =	sand.u32 $0x4000, s31;
	s1 =	sadd.s32 s1, s30  }
0xc9: {  	s0 =	sor.u32 s4, s0;
	s1 =	sshll.u32 s1, $0x11  }
0xca: {  	s0 =	sor.u32 s1, s0  }
0xcb: {  	s0 =	sadd.s32 $0x8F2B, s0  }
0xcc: {  	[sflag:s0] =	ssyncadd.remote.s32 $0x1  }
0xcd: {  	_ =	sfence.sel $0xFFFF  }
0xce: {  	[dreg:$0x0] =	wrdreg $0xFFFFFFFF;
	(pc) =	sbr.abs _section_cstart, $3  }
0xcf: {  	[dreg:$0x1] =	wrdreg $0xFFFFFFFF  }
0xd0: {  	_ =	task.clear_ibuf [dreg:s22], $0x2FFFF;
	_ =	strace $0x9FFFFFFF  }
0xd1: {  	(tm) =	ssettm $0x7FFFFFFF  }
tec
execute0_lowered:
.L_overlay_start_1:
0x0: {  	(tag) =	ssettag $0x1  }
0x1: {  	s4 =	rddreg [dreg:$0x0]  }
0x2: {  	s2 =	rddreg [dreg:$0x1]  }
0x3: {  	s0 =	rddreg [dreg:$0x2];
	s1 =	stileid.u32  }
0x4: {  	s5 =	srdreg.scid;
	s3 =	simm.s32 $0x0;
	s12 =	simm.s32 $0x0  }
0x5: {  	s6 =	smul.u32 $0xC350, s1;
	s5 =	sand.u32 $0x1, s5;
	[smem:$0x7FF] =	sst s3  }
0x6: {  	s8 =	sshll.u32 s1, $0x9;
	s9 =	sshll.u32 s1, $0x4;
	s7 =	smul.u32 $0xC3500, s5  }
0x7: {  	_ =	strace $0x80000065;
	s8 =	sadd.s32 s8, s4;
	s9 =	sadd.s32 s9, s4  }
0x8: {  	s11 =	ssub.s32 $0x2, s5;
	s31 =	sshll.u32 s5, $0x1;
	s10 =	sshrl.u32 s6, $0x3  }
0x9: {  	s30 =	sshrl.u32 s11, $0x1;
	s5 =	sadd.s32 s6, s2;
	s7 =	sadd.s32 s6, s7  }
0xa: {  	s10 =	sadd.s32 s10, s4;
	s11 =	ssub.s32 s11, s30;
	s7 =	sshrl.u32 s7, $0x3  }
0xb: {  	s7 =	sadd.s32 s7, s4;
	s4 =	sadd.s32 $0x35CA00, s10;
	s10 =	sadd.s32 s31, s8  }
0xc: {  	s8 =	sadd.s32 $0x1E600, s9;
	s6 =	sadd.s32 $0x9D9400, s7;
	s7 =	smax.u32 s11, $0x1  }
0xd: {  	s9 =	sadd.s32 $0x6CC000, s10;
	s10 =	simm.s32 $0x880;
	s11 =	simm.s32 $0x1  }
.LBB2_1:
0xe: {  	[tilespmem:s10], [sflag:$0x1] =	stream.linear.gather [hbm4b:s4+s3], $0xC350, $0x38;
	[tilespmem:$0x18F20] =	vst v63  }
0xf: {  	_ =	swait.ge [sflag:s11], $0xC350  }
0x10: {  	[sflag:s11] =	ssyncset.done $0x0  }
0x11: {  	[sflag:s11] =	ssyncadd.s32 $0xFFFF3CB0  }
0x12: {  	[spmem:s5] =	stream.linear.scatter [tilespmem:s10], [sflag:$0x1], $0xC350, $0x38;
	[tilespmem:$0x18F20] =	vst v63  }
0x13: {  	_ =	swait.ge [sflag:s11], $0xC350  }
0x14: {  	s13 =	sadd.s32 $0x0, s1;
	[sflag:s11] =	ssyncset.done $0x0  }
0x15: {  	p0 =	sgt.u32 s13, $0x1869;
	[sflag:s11] =	ssyncadd.s32 $0xFFFF3CB0  }
0x16: {  	s13 =	simm.s32 @!p0 $0x0;
	s15 =	simm.s32 @!p0 $0x2;
	[bflag:$0x0] =	sbarrier.arrive $0xFFFF  }
0x17: {  	[tilespmem:s13], [sflag:$0x2] =	stream.linear.gather @!p0 [hbm4b:s8+s13], $0x80, $0x38;
	[tilespmem:$0x18F20] =	vst v63  }
0x18: {  	_ =	swait.ge @!p0 [sflag:s15], $0x80  }
0x19: {  	s17 =	simm.s32 @!p0 $0x80;
	[sflag:s15] =	ssyncset.done @!p0 $0x0  }
0x1a: {  	s14 =	simm.s32 @!p0 $0x10;
	s16 =	simm.s32 @!p0 $0x20;
	[sflag:s15] =	ssyncadd.s32 @!p0 $0xFFFFFF80  }
0x1b: {  	[tilespmem:s17], [sflag:$0x2] =	stream.strided.gather @!p0 [hbm4b:s9+s14], $0x800, s16, s14, $0x38;
	[tilespmem:$0x18F20] =	vst v63  }
0x1c: {  	p1 =	por p0, p0;
	_ =	swait.ge @!p0 [sflag:s15], $0x800  }
0x1d: {  	[sflag:s15] =	ssyncset.done @!p1 $0x0  }
0x1e: {  	s31 =	sadd.s32 $0x10, s1;
	s16 =	simm.s32 @!p1 $0x1;
	[sflag:s15] =	ssyncadd.s32 @!p1 $0xFFFFF800  }
0x1f: {  	[spmem:s2] =	stream.indirect.scatter.add.f32 @!p1 [tilespmem:s17], [sflag:$0x1], $0x10, s13, s17, $0xb8;
	[tilespmem:$0x18F20] =	vst v63  }
0x20: {  	s14 =	simm.s32 $0x20;
	p0 =	sgt.u32 s31, $0x1869;
	_ =	swait.ge @!p1 [sflag:s16], $0x800  }
0x21: {  	s15 =	sadd.s32 $0x100, s8;
	s13 =	sadd.s32 $0x2000, s9;
	[sflag:s16] =	ssyncset.done @!p1 $0x0  }
.LBB2_2:
0x22: {  	s17 =	simm.s32 @!p0 $0x0;
	s18 =	simm.s32 @!p0 $0x2;
	[sflag:s16] =	ssyncadd.s32 @!p1 $0xFFFFF800  }
0x23: {  	[tilespmem:s17], [sflag:$0x2] =	stream.linear.gather @!p0 [hbm4b:s15+s17], $0x80, $0x38;
	[tilespmem:$0x18F20] =	vst v63  }
0x24: {  	s19 =	smov.u32 s14;
	s14 =	sadd.s32 $0x10, s14;
	_ =	swait.ge @!p0 [sflag:s18], $0x80  }
0x25: {  	s20 =	simm.s32 @!p0 $0x80;
	p2 =	sne.s32 s14, $0x1870;
	[sflag:s18] =	ssyncset.done @!p0 $0x0  }
0x26: {  	s16 =	simm.s32 @!p0 $0x10;
	s21 =	simm.s32 @!p0 $0x20;
	[sflag:s18] =	ssyncadd.s32 @!p0 $0xFFFFFF80  }
0x27: {  	[tilespmem:s20], [sflag:$0x2] =	stream.strided.gather @!p0 [hbm4b:s13+s16], $0x800, s21, s16, $0x38;
	[tilespmem:$0x18F20] =	vst v63  }
0x28: {  	p1 =	por p0, p0;
	_ =	swait.ge @!p0 [sflag:s18], $0x800  }
.Ltmp0:
0x29: {  	[sflag:s18] =	ssyncset.done @!p1 $0x0;
	(pc) =	sbr.rel @p2 .LBB2_2-.Ltmp0, $4  }
0x2a: {  	s16 =	simm.s32 @!p1 $0x1;
	[sflag:s18] =	ssyncadd.s32 @!p1 $0xFFFFF800  }
0x2b: {  	[spmem:s2] =	stream.indirect.scatter.add.f32 @!p1 [tilespmem:s20], [sflag:$0x1], $0x10, s17, s20, $0xb8;
	[tilespmem:$0x18F20] =	vst v63  }
0x2c: {  	s13 =	sadd.s32 $0x2000, s13;
	s17 =	sadd.s32 s19, s1;
	_ =	swait.ge @!p1 [sflag:s16], $0x800  }
0x2d: {  	s15 =	sadd.s32 $0x100, s15;
	p0 =	sgt.u32 s17, $0x1869;
	[sflag:s16] =	ssyncset.done @!p1 $0x0  }
0x2e: {  	s14 =	simm.s32 @!p0 $0x0;
	s17 =	simm.s32 @!p0 $0x2;
	[sflag:s16] =	ssyncadd.s32 @!p1 $0xFFFFF800  }
0x2f: {  	[tilespmem:s14], [sflag:$0x2] =	stream.linear.gather @!p0 [hbm4b:s15+s14], $0x80, $0x38;
	[tilespmem:$0x18F20] =	vst v63  }
0x30: {  	_ =	swait.ge @!p0 [sflag:s17], $0x80  }
0x31: {  	s16 =	simm.s32 @!p0 $0x10;
	[sflag:s17] =	ssyncset.done @!p0 $0x0  }
0x32: {  	s18 =	simm.s32 @!p0 $0x20;
	s15 =	simm.s32 @!p0 $0x80;
	[sflag:s17] =	ssyncadd.s32 @!p0 $0xFFFFFF80  }
0x33: {  	[tilespmem:s15], [sflag:$0x2] =	stream.strided.gather @!p0 [hbm4b:s13+s16], $0x800, s18, s16, $0x38;
	[tilespmem:$0x18F20] =	vst v63  }
0x34: {  	_ =	swait.ge @!p0 [sflag:s17], $0x800;
	p0 =	por p0, p0  }
0x35: {  	[sflag:s17] =	ssyncset.done @!p0 $0x0  }
0x36: {  	s13 =	simm.s32 @!p0 $0x1;
	[sflag:s17] =	ssyncadd.s32 @!p0 $0xFFFFF800  }
0x37: {  	[spmem:s2] =	stream.indirect.scatter.add.f32 @!p0 [tilespmem:s15], [sflag:$0x1], $0x10, s14, s15, $0xb8;
	[tilespmem:$0x18F20] =	vst v63  }
0x38: {  	_ =	swait.ge @!p0 [sflag:s13], $0x800  }
0x39: {  	[sflag:s13] =	ssyncset.done @!p0 $0x0  }
0x3a: {  	[sflag:s13] =	ssyncadd.s32 @!p0 $0xFFFFF800  }
0x3b: {  	[bflag:$0x0] =	sbarrier.arrive $0xFFFF  }
0x3c: {  	[tilespmem:s10], [sflag:$0x1] =	stream.linear.gather [spmem:s5], $0xC350, $0x38;
	[tilespmem:$0x18F20] =	vst v63  }
0x3d: {  	s12 =	sadd.s32 $0x1, s12;
	_ =	swait.ge [sflag:s11], $0xC350  }
0x3e: {  	p0 =	sne.s32 s12, s7;
	[sflag:s11] =	ssyncset.done $0x0  }
.Ltmp1:
0x3f: {  	[sflag:s11] =	ssyncadd.s32 $0xFFFF3CB0;
	(pc) =	sbr.rel @p0 .LBB2_1-.Ltmp1, $4  }
0x40: {  	[hbm4b:s6+s3] =	stream.linear.scatter [tilespmem:s10], [sflag:$0x1], $0xC350, $0x38;
	[tilespmem:$0x18F20] =	vst v63  }
0x41: {  	_ =	swait.ge [sflag:s11], $0xC350  }
0x42: {  	[sflag:s11] =	ssyncset.done $0x0  }
0x43: {  	[sflag:s11] =	ssyncadd.s32 $0xFFFF3CB0  }
0x44: {  	_ =	sfence.sel $0x180000  }
0x45: {  	[bflag:$0x0] =	sbarrier.arrive $0xFFFF  }
0x46: {  	p0 =	sne.s32 s1, $0x0;
	_ =	strace $0x90000065  }
0x47: {  	s0 =	sadd.s32 @!p0 $0x100000, s0;
	[bflag:$0x2] =	sbarrier.arrive $0xFFFF  }
0x48: {  	[sflag:s0] =	ssyncadd.tile.s32 @!p0 $0x1;
	_ =	shalt  }
.Lfunc_end2:
_tile_overlayer_lowered:
.L_overlay_start_2:
0x49: {  	(tag) =	ssettag $0x2  }
0x4a: {  	s0 =	rddreg [dreg:$0x0];
	s2 =	stileid.u32  }
0x4b: {  	s1 =	rddreg [dreg:$0x1];
	p0 =	sne.s32 s2, $0x0  }
0x4c: {  	s3 =	rddreg [dreg:$0x2];
	[bflag:$0x3] =	sbarrier.arrive $0xFFFF;
	s2 =	simm.s32 @!p0 $0x1C01  }
0x4d: {  	[timem:s3], [sflag:s2] =	dma.local @!p0 [hbm:s0], s1  }
0x4e: {  	s0 =	simm.s32 @!p0 $0x1  }
0x4f: {  	_ =	swait.ge @!p0 [sflag:s0], s1  }
0x50: {  	s1 =	ssub.s32 @!p0 $0x0, s1;
	[sflag:s0] =	ssyncset.done @!p0 $0x0  }
0x51: {  	[sflag:s0] =	ssyncadd.s32 @!p0 s1  }
0x52: {  	[bflag:$0x3] =	sbarrier.arrive $0xFFFF  }
0x53: {  	_ =	shalt  }

</sc_bundles>
